<compile_context>
chip_gen: v7x
topology: tpu7x:2x2x1
jax: 0.10.2.dev20260603
libtpu: 0.0.44.dev20260713+nightly
codegen_flags: <defaults>
</compile_context>

<pallas_src>
import functools

import jax
import jax.numpy as jnp
import numpy as np
from jax import lax
from jax.experimental import pallas as pl
from jax.experimental.pallas import tpu as pltpu
from jax.experimental.pallas import tpu_sc as plsc

B, N, E = 10, 1000, 16000
D, H, C = 128, 4, 32
NT = B * N
NPAD = 10240
HW = 64
ROWW = 80
ETOT = B * E + NT
K = 128
CHUNKS = -(-ETOT // (16 * K))
GRP = 28
EPT = CHUNKS * K
EPAD = EPT * 16
DUMMY = NT
RB = 256

_mesh = plsc.VectorSubcoreMesh(core_axis_name="c", subcore_axis_name="s")


@functools.partial(
    pl.kernel,
    out_type=jax.ShapeDtypeStruct((2, NPAD, ROWW), jnp.float32),
    mesh=_mesh,
    scratch_types=[
        pltpu.VMEM((NPAD * 4,), jnp.float32),
        pltpu.VMEM((K, ROWW), jnp.float32),
        pltpu.VMEM((K, ROWW), jnp.float32),
        pltpu.VMEM((K * 16,), jnp.float32),
        pltpu.VMEM((K * 16,), jnp.float32),
        pltpu.VMEM((K,), jnp.int32),
        pltpu.VMEM((K,), jnp.int32),
        pltpu.VMEM((K,), jnp.int32),
        pltpu.VMEM((K,), jnp.int32),
        pltpu.VMEM((K,), jnp.int32),
        pltpu.VMEM((K,), jnp.int32),
        pltpu.VMEM((GRP * K,), jnp.int32),
        pltpu.VMEM((GRP * K,), jnp.int32),
        pltpu.VMEM_SHARED((NPAD, ROWW), jnp.float32),
        pltpu.SemaphoreType.DMA,
        pltpu.SemaphoreType.DMA,
    ],
    compiler_params=pltpu.CompilerParams(needs_layout_passes=False,
                                         use_tc_tiling_on_sc=False),
)
def _sc_edges(hext, tbl, srcp, dstp, out, tbl_v, msga_v, msgb_v, exa_v,
              exb_v, sva_v, svb_v, dva_v, svha_v, dvb_v, svhb_v, sv_grp,
              dv_grp, acc, sema, semb):
    cid = lax.axis_index("c")
    sid = lax.axis_index("s")

    pltpu.sync_copy(tbl.at[pl.ds(cid * (NPAD * 4), NPAD * 4)], tbl_v)

    def _zrow(i, carry):
        for g in range(ROWW // 16):
            msga_v[i, pl.ds(g * 16, 16)] = jnp.zeros((16,), jnp.float32)
        exa_v[pl.ds(i * 16, 16)] = jnp.zeros((16,), jnp.float32)
        exb_v[pl.ds(i * 16, 16)] = jnp.zeros((16,), jnp.float32)
        return carry

    lax.fori_loop(0, K, _zrow, 0)
    rows_per_tile = NPAD // 16
    for j in range(rows_per_tile // K):
        pltpu.sync_copy(msga_v,
                        acc.at[pl.ds(sid * rows_per_tile + j * K, K)])
    plsc.subcore_barrier()

    lane16 = lax.iota(jnp.int32, 16) * 16
    ebase = sid * EPT
    hbase = cid * NPAD

    def _load_idx(lo, sv_v, dv_v, svh_v):
        for j in range(K // 16):
            s = sv_grp[pl.ds(lo + j * 16, 16)]
            sv_v[pl.ds(j * 16, 16)] = s
            dv_v[pl.ds(j * 16, 16)] = dv_grp[pl.ds(lo + j * 16, 16)]
            svh_v[pl.ds(j * 16, 16)] = s + hbase

    def _ex_compute(sv_v, dv_v, ex_v):
        for j in range(K // 16):
            sv4 = sv_v[pl.ds(j * 16, 16)] * 4
            dv4 = dv_v[pl.ds(j * 16, 16)] * 4
            for h in range(2):
                a_s = plsc.load_gather(tbl_v, [sv4 + h])
                a_d = plsc.load_gather(tbl_v, [dv4 + (h + 2)])
                lg = a_s + a_d
                lg = jnp.maximum(lg, lg * 0.2)
                plsc.store_scatter(ex_v, [lane16 + (j * 256 + h)],
                                   jnp.exp(lg))

    def _scale(msg_v, ex_v):
        def _edge(e, carry):
            exrow = ex_v[pl.ds(e * 16, 16)]
            for g in range(4):
                s = exrow[g // 2]
                msg_v[e, pl.ds(g * 16, 16)] = msg_v[e, pl.ds(g * 16, 16)] * s
            msg_v[e, pl.ds(64, 16)] = msg_v[e, pl.ds(64, 16)] * exrow
            return carry

        lax.fori_loop(0, K, _edge, 0)

    def _group(g, carry):
        gb = ebase + g * (GRP * K)
        pltpu.sync_copy(srcp.at[pl.ds(gb, GRP * K)], sv_grp)
        pltpu.sync_copy(dstp.at[pl.ds(gb, GRP * K)], dv_grp)

        def _pair(p, c2):
            lo0 = (2 * p) * K
            lo1 = lo0 + K
            _load_idx(lo0, sva_v, dva_v, svha_v)
            _load_idx(lo1, svb_v, dvb_v, svhb_v)
            d0 = pltpu.async_copy(hext.at[svha_v], msga_v, sema)
            d1 = pltpu.async_copy(hext.at[svhb_v], msgb_v, semb)
            _ex_compute(sva_v, dva_v, exa_v)
            _ex_compute(svb_v, dvb_v, exb_v)
            d0.wait()
            _scale(msga_v, exa_v)
            pltpu.sync_copy(msga_v, acc.at[dva_v], add=True)
            d1.wait()
            _scale(msgb_v, exb_v)
            pltpu.sync_copy(msgb_v, acc.at[dvb_v], add=True)
            return c2

        lax.fori_loop(0, GRP // 2, _pair, 0)
        return carry

    lax.fori_loop(0, CHUNKS // GRP, _group, 0)
    plsc.subcore_barrier()
    pltpu.sync_copy(acc.at[pl.ds(sid * rows_per_tile, rows_per_tile)],
                    out.at[cid, pl.ds(sid * rows_per_tile,
                                      rows_per_tile)])


def _write_hext(h, hext_ref):
    colid = lax.broadcasted_iota(jnp.int32, (RB, 16), 1)
    marker = jnp.where(colid < 2, 1.0, 0.0)
    for c in range(2):
        hext_ref[c, :, :HW] = h[:, c * HW:(c + 1) * HW]
        hext_ref[c, :, HW:ROWW] = marker


def _tc_prologue_body(x_ref, w_ref, aall_ref, hext_ref, tbl_ref):
    h = jnp.dot(x_ref[...], w_ref[...], preferred_element_type=jnp.float32)
    tbl_ref[...] = jnp.dot(h, aall_ref[...],
                           preferred_element_type=jnp.float32)
    _write_hext(h, hext_ref)


_TC_OUT_SPECS = [
    pl.BlockSpec((2, RB, ROWW), lambda i: (0, i, 0)),
    pl.BlockSpec((RB, 8), lambda i: (i, 0)),
]
_TC_OUT_SHAPE = [
    jax.ShapeDtypeStruct((2, NPAD, ROWW), jnp.float32),
    jax.ShapeDtypeStruct((NPAD, 8), jnp.float32),
]


def _tc_prologue(x, w, aall):
    return pl.pallas_call(
        _tc_prologue_body,
        grid=(NPAD // RB,),
        in_specs=[
            pl.BlockSpec((RB, D), lambda i: (i, 0)),
            pl.BlockSpec((D, D), lambda i: (0, 0)),
            pl.BlockSpec((D, 8), lambda i: (0, 0)),
        ],
        out_specs=_TC_OUT_SPECS,
        out_shape=_TC_OUT_SHAPE,
    )(x, w, aall)


def _combine(parts_ref, e16_ref, b_ref):
    halves = []
    for c in range(2):
        t = parts_ref[c]
        denw = jnp.dot(t[:, HW:ROWW], e16_ref[...],
                       preferred_element_type=jnp.float32)
        halves.append(t[:, :HW] / (denw + 1e-16))
    return jnp.concatenate(halves, axis=1) + b_ref[...]


def _tc_mid_body(parts_ref, e16_ref, b_ref, w_ref, aall_ref, hext_ref,
                 tbl_ref):
    x = _combine(parts_ref, e16_ref, b_ref)
    x = jnp.where(x > 0, x, jnp.exp(jnp.minimum(x, 0.0)) - 1.0)
    h = jnp.dot(x, w_ref[...], preferred_element_type=jnp.float32)
    tbl_ref[...] = jnp.dot(h, aall_ref[...],
                           preferred_element_type=jnp.float32)
    _write_hext(h, hext_ref)


def _tc_mid(parts, e16, b, w, aall):
    return pl.pallas_call(
        _tc_mid_body,
        grid=(NPAD // RB,),
        in_specs=[
            pl.BlockSpec((2, RB, ROWW), lambda i: (0, i, 0)),
            pl.BlockSpec((16, HW), lambda i: (0, 0)),
            pl.BlockSpec((1, D), lambda i: (0, 0)),
            pl.BlockSpec((D, D), lambda i: (0, 0)),
            pl.BlockSpec((D, 8), lambda i: (0, 0)),
        ],
        out_specs=_TC_OUT_SPECS,
        out_shape=_TC_OUT_SHAPE,
    )(parts, e16, b, w, aall)


def _tc_final_body(parts_ref, e16_ref, b_ref, out_ref):
    out_ref[...] = _combine(parts_ref, e16_ref, b_ref)


def _tc_final(parts, e16, b):
    return pl.pallas_call(
        _tc_final_body,
        grid=(NPAD // RB,),
        in_specs=[
            pl.BlockSpec((2, RB, ROWW), lambda i: (0, i, 0)),
            pl.BlockSpec((16, HW), lambda i: (0, 0)),
            pl.BlockSpec((1, D), lambda i: (0, 0)),
        ],
        out_specs=pl.BlockSpec((RB, D), lambda i: (i, 0)),
        out_shape=jax.ShapeDtypeStruct((NPAD, D), jnp.float32),
    )(parts, e16, b)


def _block_diag_cols(a_src, a_dst):
    cols = []
    for c in range(2):
        for mat in (a_src, a_dst):
            for h in (2 * c, 2 * c + 1):
                cols.append(jnp.pad(mat[h], (h * C, D - (h + 1) * C)))
    return jnp.stack(cols, axis=1)


_E16 = np.zeros((16, HW), np.float32)
for _h in range(2):
    _E16[_h, _h * C:(_h + 1) * C] = 1.0


def kernel(node_embeddings, src_index, tgt_index, W1, a_src1, a_dst1, b1,
           W2, a_src2, a_dst2, b2):
    x = node_embeddings.reshape(NT, D)
    x = jnp.pad(x, ((0, NPAD - NT), (0, 0)))

    offs = (jnp.arange(B, dtype=src_index.dtype) * N)[:, None]
    src = (src_index + offs).reshape(-1)
    dst = (tgt_index + offs).reshape(-1)
    loops = jnp.arange(NT, dtype=src.dtype)
    fill = jnp.full((EPAD - ETOT,), DUMMY, src.dtype)
    src = jnp.concatenate([src, loops, fill]).astype(jnp.int32)
    dst = jnp.concatenate([dst, loops, fill]).astype(jnp.int32)

    e16 = jnp.asarray(_E16)
    aall1 = _block_diag_cols(a_src1, a_dst1)
    aall2 = _block_diag_cols(a_src2, a_dst2)
    b1r = b1.reshape(1, D)
    b2r = b2.reshape(1, D)

    def _core_major(tbl):
        return tbl.reshape(NPAD, 2, 4).transpose(1, 0, 2).reshape(-1)

    hext1, tbl1 = _tc_prologue(x, W1, aall1)
    parts1 = _sc_edges(hext1.reshape(2 * NPAD, ROWW), _core_major(tbl1),
                       src, dst)
    hext2, tbl2 = _tc_mid(parts1, e16, b1r, W2, aall2)
    parts2 = _sc_edges(hext2.reshape(2 * NPAD, ROWW), _core_major(tbl2),
                       src, dst)
    out = _tc_final(parts2, e16, b2r)
    return out[:NT].reshape(B, N, H * C)

# --- scband reference (transcript-rebuilt; emitter-appended) ---
"""Pipeline reference for scband-dependency-gnn-87574383165646 (READ-ONLY COPY).

The authoritative reference and input builder live on the scoring server;
editing this copy changes nothing except your own understanding.
"""

import jax, jax.numpy as jnp
import numpy as np

B, N, E = 10, 1000, 16000
D, H, C = 128, 4, 32


def setup_inputs(seed: int = 0):
    key = jax.random.key(seed)
    ks = jax.random.split(key, 11)
    inp = {}
    inp["node_embeddings"] = jax.random.normal(ks[0], (B, N, D), dtype=jnp.float32)
    inp["src_index"] = jax.random.randint(ks[1], (B, E), 0, N, dtype=jnp.int32)
    inp["tgt_index"] = jax.random.randint(ks[2], (B, E), 0, N, dtype=jnp.int32)
    inp["W1"] = jax.random.normal(ks[3], (D, H * C), dtype=jnp.float32) * (1.0 / np.sqrt(D))
    inp["a_src1"] = jax.random.normal(ks[4], (H, C), dtype=jnp.float32) * 0.1
    inp["a_dst1"] = jax.random.normal(ks[5], (H, C), dtype=jnp.float32) * 0.1
    inp["b1"] = jnp.zeros((H * C,), dtype=jnp.float32)
    inp["W2"] = jax.random.normal(ks[6], (H * C, H * C), dtype=jnp.float32) * (1.0 / np.sqrt(H * C))
    inp["a_src2"] = jax.random.normal(ks[7], (H, C), dtype=jnp.float32) * 0.1
    inp["a_dst2"] = jax.random.normal(ks[8], (H, C), dtype=jnp.float32) * 0.1
    inp["b2"] = jnp.zeros((H * C,), dtype=jnp.float32)
    return inp


def _gat_conv(x, src, dst, W, a_s, a_d, b, n_nodes):
    # PyG-style GATConv (eval mode, self-loops already appended by caller's edge list)
    h = (x @ W).reshape(n_nodes, H, C)
    alpha_src = (h * a_s[None, :, :]).sum(-1)  # [N, H]
    alpha_dst = (h * a_d[None, :, :]).sum(-1)  # [N, H]
    e = alpha_src[src] + alpha_dst[dst]        # gather [E, H]
    e = jax.nn.leaky_relu(e, 0.2)
    emax = jax.ops.segment_max(e, dst, num_segments=n_nodes)
    emax = jax.lax.stop_gradient(emax)
    ex = jnp.exp(e - emax[dst])
    denom = jax.ops.segment_sum(ex, dst, num_segments=n_nodes)
    alpha = ex / (denom[dst] + 1e-16)          # edge softmax over incoming edges
    msg = h[src] * alpha[:, :, None]           # gather + weight
    out = jax.ops.segment_sum(msg, dst, num_segments=n_nodes)  # scatter-add
    return out.reshape(n_nodes, H * C) + b


def reference(node_embeddings, src_index, tgt_index, W1, a_src1, a_dst1, b1, W2, a_src2, a_dst2, b2):
    Bb, Nn, Dd = node_embeddings.shape
    n_tot = Bb * Nn
    x = node_embeddings.reshape(n_tot, Dd)
    # Batch.from_data_list: offset per-graph node indices
    offs = (jnp.arange(Bb, dtype=src_index.dtype) * Nn)[:, None]
    src = (src_index + offs).reshape(-1)
    dst = (tgt_index + offs).reshape(-1)
    # GATConv default add_self_loops=True
    loops = jnp.arange(n_tot, dtype=src.dtype)
    src = jnp.concatenate([src, loops])
    dst = jnp.concatenate([dst, loops])
    h = _gat_conv(x, src, dst, W1, a_src1, a_dst1, b1, n_tot)
    h = jax.nn.elu(h)
    h = _gat_conv(h, src, dst, W2, a_src2, a_dst2, b2, n_tot)
    return h.reshape(Bb, Nn, H * C)

if __name__ == "__main__":
    import jax
    _d = setup_inputs()
    print(jax.jit(kernel)(*tuple(_d.values())))

</pallas_src>

<mosaic_0001>
#map = affine_map<(d0, d1) -> (0, 0)>
#map1 = affine_map<(d0, d1) -> (0)>
#map2 = affine_map<(d0, d1) -> (0, 0, 0)>
module attributes {stable_mosaic.version = 14 : i64} {
  func.func @_sc_edges(%arg0: i32, %arg1: i32, %arg2: memref<20480x80xf32, #tpu.memory_space<hbm>>, %arg3: memref<81920xf32, #tpu.memory_space<hbm>>, %arg4: memref<172032xi32, #tpu.memory_space<hbm>>, %arg5: memref<172032xi32, #tpu.memory_space<hbm>>, %arg6: memref<2x10240x80xf32, #tpu.memory_space<hbm>>, %arg7: memref<40960xf32, #tpu.memory_space<vmem>>, %arg8: memref<128x80xf32, #tpu.memory_space<vmem>>, %arg9: memref<128x80xf32, #tpu.memory_space<vmem>>, %arg10: memref<2048xf32, #tpu.memory_space<vmem>>, %arg11: memref<2048xf32, #tpu.memory_space<vmem>>, %arg12: memref<128xi32, #tpu.memory_space<vmem>>, %arg13: memref<128xi32, #tpu.memory_space<vmem>>, %arg14: memref<128xi32, #tpu.memory_space<vmem>>, %arg15: memref<128xi32, #tpu.memory_space<vmem>>, %arg16: memref<128xi32, #tpu.memory_space<vmem>>, %arg17: memref<128xi32, #tpu.memory_space<vmem>>, %arg18: memref<3584xi32, #tpu.memory_space<vmem>>, %arg19: memref<3584xi32, #tpu.memory_space<vmem>>, %arg20: memref<10240x80xf32, #tpu.memory_space<vmem_shared>>, %arg21: memref<!tpu.dma_semaphore, #tpu.memory_space<semaphore_mem>>, %arg22: memref<!tpu.dma_semaphore, #tpu.memory_space<semaphore_mem>>) attributes {dimension_semantics = [#tpu.dimension_semantics<core_parallel>, #tpu.dimension_semantics<subcore_parallel>], iteration_bounds = array<i64: 2, 16>, scalar_prefetch = 0 : i64, scratch_operands = 16 : i64, tpu.core_type = #tpu.core_type<sc_vector_subcore>, window_params = [{transform_indices = #map}, {transform_indices = #map1}, {transform_indices = #map1}, {transform_indices = #map1}, {transform_indices = #map2}]} {
    %mul3A = arith.constant 40960 : i32
    %mul3A_0 = arith.muli %arg0, %mul3A : i32
    "tpu.region"() ({
      %run_scoped3A = tpu.sem_alloc : memref<!tpu.dma_semaphore, #tpu.memory_space<semaphore_mem>>
      %dma_start3A = tpu.memref_slice %arg3[%mul3A_0] : memref<81920xf32, #tpu.memory_space<hbm>> -> memref<40960xf32, #tpu.memory_space<hbm>>
      %dma_start3A_43 = tpu.memref_slice %arg3[%mul3A_0] : memref<81920xf32, #tpu.memory_space<hbm>> -> memref<40960xf32, #tpu.memory_space<hbm>>
      tpu.enqueue_dma source(%dma_start3A_43 : memref<40960xf32, #tpu.memory_space<hbm>>) target(%arg7 : memref<40960xf32, #tpu.memory_space<vmem>>) target_semaphore(%run_scoped3A : memref<!tpu.dma_semaphore, #tpu.memory_space<semaphore_mem>>)
      %dma_wait3A = tpu.memref_slice %arg3[%mul3A_0] : memref<81920xf32, #tpu.memory_space<hbm>> -> memref<40960xf32, #tpu.memory_space<hbm>>
      %dma_wait3A_44 = tpu.memref_slice %arg3[%mul3A_0] : memref<81920xf32, #tpu.memory_space<hbm>> -> memref<40960xf32, #tpu.memory_space<hbm>>
      tpu.wait_dma2 semaphore(%run_scoped3A : memref<!tpu.dma_semaphore, #tpu.memory_space<semaphore_mem>>) src(%dma_wait3A_44 : memref<40960xf32, #tpu.memory_space<hbm>>) dst(%arg7 : memref<40960xf32, #tpu.memory_space<vmem>>)
      tpu.yield
    }) : () -> ()
    %scan3A = arith.constant 0 : i32
    %scan3A_1 = arith.constant 0 : i32
    %scan3A_2 = arith.constant 128 : i32
    %scan3A_3 = arith.addi %scan3A_1, %scan3A_2 : i32
    %scan3A_4 = arith.constant 1 : i32
    scf.for %scan3A_43 = %scan3A_1 to %scan3A_3 step %scan3A_4  : i32 {
      %broadcast_in_dim3A = arith.constant 0.000000e+00 : f32
      %broadcast_in_dim3A_44 = vector.broadcast %broadcast_in_dim3A : f32 to vector<16xf32>
      %swap3A = arith.index_cast %scan3A_43 : i32 to index
      %swap3A_45 = arith.constant 0 : index
      %swap3A_46 = tpu.vector_load %arg8[%swap3A, %swap3A_45] {strides = array<i32>} : memref<128x80xf32, #tpu.memory_space<vmem>>, vector<16xf32>,
      tpu.vector_store %arg8[%swap3A, %swap3A_45], %broadcast_in_dim3A_44 {strides = array<i32>} : memref<128x80xf32, #tpu.memory_space<vmem>>, vector<16xf32>,
      %broadcast_in_dim3A_47 = arith.constant 0.000000e+00 : f32
      %broadcast_in_dim3A_48 = vector.broadcast %broadcast_in_dim3A_47 : f32 to vector<16xf32>
      %swap3A_49 = arith.index_cast %scan3A_43 : i32 to index
      %swap3A_50 = arith.constant 16 : index
      %swap3A_51 = tpu.vector_load %arg8[%swap3A_49, %swap3A_50] {strides = array<i32>} : memref<128x80xf32, #tpu.memory_space<vmem>>, vector<16xf32>,
      tpu.vector_store %arg8[%swap3A_49, %swap3A_50], %broadcast_in_dim3A_48 {strides = array<i32>} : memref<128x80xf32, #tpu.memory_space<vmem>>, vector<16xf32>,
      %broadcast_in_dim3A_52 = arith.constant 0.000000e+00 : f32
      %broadcast_in_dim3A_53 = vector.broadcast %broadcast_in_dim3A_52 : f32 to vector<16xf32>
      %swap3A_54 = arith.index_cast %scan3A_43 : i32 to index
      %swap3A_55 = arith.constant 32 : index
      %swap3A_56 = tpu.vector_load %arg8[%swap3A_54, %swap3A_55] {strides = array<i32>} : memref<128x80xf32, #tpu.memory_space<vmem>>, vector<16xf32>,
      tpu.vector_store %arg8[%swap3A_54, %swap3A_55], %broadcast_in_dim3A_53 {strides = array<i32>} : memref<128x80xf32, #tpu.memory_space<vmem>>, vector<16xf32>,
      %broadcast_in_dim3A_57 = arith.constant 0.000000e+00 : f32
      %broadcast_in_dim3A_58 = vector.broadcast %broadcast_in_dim3A_57 : f32 to vector<16xf32>
      %swap3A_59 = arith.index_cast %scan3A_43 : i32 to index
      %swap3A_60 = arith.constant 48 : index
      %swap3A_61 = tpu.vector_load %arg8[%swap3A_59, %swap3A_60] {strides = array<i32>} : memref<128x80xf32, #tpu.memory_space<vmem>>, vector<16xf32>,
      tpu.vector_store %arg8[%swap3A_59, %swap3A_60], %broadcast_in_dim3A_58 {strides = array<i32>} : memref<128x80xf32, #tpu.memory_space<vmem>>, vector<16xf32>,
      %broadcast_in_dim3A_62 = arith.constant 0.000000e+00 : f32
      %broadcast_in_dim3A_63 = vector.broadcast %broadcast_in_dim3A_62 : f32 to vector<16xf32>
      %swap3A_64 = arith.index_cast %scan3A_43 : i32 to index
      %swap3A_65 = arith.constant 64 : index
      %swap3A_66 = tpu.vector_load %arg8[%swap3A_64, %swap3A_65] {strides = array<i32>} : memref<128x80xf32, #tpu.memory_space<vmem>>, vector<16xf32>,
      tpu.vector_store %arg8[%swap3A_64, %swap3A_65], %broadcast_in_dim3A_63 {strides = array<i32>} : memref<128x80xf32, #tpu.memory_space<vmem>>, vector<16xf32>,
      %broadcast_in_dim3A_67 = arith.constant 0.000000e+00 : f32
      %broadcast_in_dim3A_68 = vector.broadcast %broadcast_in_dim3A_67 : f32 to vector<16xf32>
      %mul3A_69 = arith.constant 16 : i32
      %mul3A_70 = arith.muli %scan3A_43, %mul3A_69 : i32
      %swap3A_71 = arith.index_cast %mul3A_70 : i32 to index
      %swap3A_72 = tpu.vector_load %arg10[%swap3A_71] {strides = array<i32>} : memref<2048xf32, #tpu.memory_space<vmem>>, vector<16xf32>,
      tpu.vector_store %arg10[%swap3A_71], %broadcast_in_dim3A_68 {strides = array<i32>} : memref<2048xf32, #tpu.memory_space<vmem>>, vector<16xf32>,
      %broadcast_in_dim3A_73 = arith.constant 0.000000e+00 : f32
      %broadcast_in_dim3A_74 = vector.broadcast %broadcast_in_dim3A_73 : f32 to vector<16xf32>
      %mul3A_75 = arith.constant 16 : i32
      %mul3A_76 = arith.muli %scan3A_43, %mul3A_75 : i32
      %swap3A_77 = arith.index_cast %mul3A_76 : i32 to index
      %swap3A_78 = tpu.vector_load %arg11[%swap3A_77] {strides = array<i32>} : memref<2048xf32, #tpu.memory_space<vmem>>, vector<16xf32>,
      tpu.vector_store %arg11[%swap3A_77], %broadcast_in_dim3A_74 {strides = array<i32>} : memref<2048xf32, #tpu.memory_space<vmem>>, vector<16xf32>,
    }
    %scan3A_5 = arith.constant 128 : i32
    %mul3A_6 = arith.constant 640 : i32
    %mul3A_7 = arith.muli %arg1, %mul3A_6 : i32
    %add3A = arith.constant 0 : i32
    %add3A_8 = arith.addi %mul3A_7, %add3A : i32
    "tpu.region"() ({
      %run_scoped3A = tpu.sem_alloc : memref<!tpu.dma_semaphore, #tpu.memory_space<semaphore_mem>>
      %dma_start3A = arith.constant 0 : i32
      %dma_start3A_43 = tpu.memref_slice %arg20[%add3A_8, %dma_start3A] : memref<10240x80xf32, #tpu.memory_space<vmem_shared>> -> memref<128x80xf32, #tpu.memory_space<vmem_shared>>
      %dma_start3A_44 = arith.constant 0 : i32
      %dma_start3A_45 = tpu.memref_slice %arg20[%add3A_8, %dma_start3A_44] : memref<10240x80xf32, #tpu.memory_space<vmem_shared>> -> memref<128x80xf32, #tpu.memory_space<vmem_shared>>
      tpu.enqueue_dma source(%arg8 : memref<128x80xf32, #tpu.memory_space<vmem>>) target(%dma_start3A_45 : memref<128x80xf32, #tpu.memory_space<vmem_shared>>) target_semaphore(%run_scoped3A : memref<!tpu.dma_semaphore, #tpu.memory_space<semaphore_mem>>)
      %dma_wait3A = arith.constant 0 : i32
      %dma_wait3A_46 = tpu.memref_slice %arg20[%add3A_8, %dma_wait3A] : memref<10240x80xf32, #tpu.memory_space<vmem_shared>> -> memref<128x80xf32, #tpu.memory_space<vmem_shared>>
      %dma_wait3A_47 = arith.constant 0 : i32
      %dma_wait3A_48 = tpu.memref_slice %arg20[%add3A_8, %dma_wait3A_47] : memref<10240x80xf32, #tpu.memory_space<vmem_shared>> -> memref<128x80xf32, #tpu.memory_space<vmem_shared>>
      tpu.wait_dma2 semaphore(%run_scoped3A : memref<!tpu.dma_semaphore, #tpu.memory_space<semaphore_mem>>) src(%arg8 : memref<128x80xf32, #tpu.memory_space<vmem>>) dst(%dma_wait3A_48 : memref<128x80xf32, #tpu.memory_space<vmem_shared>>)
      tpu.yield
    }) : () -> ()
    %mul3A_9 = arith.constant 640 : i32
    %mul3A_10 = arith.muli %arg1, %mul3A_9 : i32
    %add3A_11 = arith.constant 128 : i32
    %add3A_12 = arith.addi %mul3A_10, %add3A_11 : i32
    "tpu.region"() ({
      %run_scoped3A = tpu.sem_alloc : memref<!tpu.dma_semaphore, #tpu.memory_space<semaphore_mem>>
      %dma_start3A = arith.constant 0 : i32
      %dma_start3A_43 = tpu.memref_slice %arg20[%add3A_12, %dma_start3A] : memref<10240x80xf32, #tpu.memory_space<vmem_shared>> -> memref<128x80xf32, #tpu.memory_space<vmem_shared>>
      %dma_start3A_44 = arith.constant 0 : i32
      %dma_start3A_45 = tpu.memref_slice %arg20[%add3A_12, %dma_start3A_44] : memref<10240x80xf32, #tpu.memory_space<vmem_shared>> -> memref<128x80xf32, #tpu.memory_space<vmem_shared>>
      tpu.enqueue_dma source(%arg8 : memref<128x80xf32, #tpu.memory_space<vmem>>) target(%dma_start3A_45 : memref<128x80xf32, #tpu.memory_space<vmem_shared>>) target_semaphore(%run_scoped3A : memref<!tpu.dma_semaphore, #tpu.memory_space<semaphore_mem>>)
      %dma_wait3A = arith.constant 0 : i32
      %dma_wait3A_46 = tpu.memref_slice %arg20[%add3A_12, %dma_wait3A] : memref<10240x80xf32, #tpu.memory_space<vmem_shared>> -> memref<128x80xf32, #tpu.memory_space<vmem_shared>>
      %dma_wait3A_47 = arith.constant 0 : i32
      %dma_wait3A_48 = tpu.memref_slice %arg20[%add3A_12, %dma_wait3A_47] : memref<10240x80xf32, #tpu.memory_space<vmem_shared>> -> memref<128x80xf32, #tpu.memory_space<vmem_shared>>
      tpu.wait_dma2 semaphore(%run_scoped3A : memref<!tpu.dma_semaphore, #tpu.memory_space<semaphore_mem>>) src(%arg8 : memref<128x80xf32, #tpu.memory_space<vmem>>) dst(%dma_wait3A_48 : memref<128x80xf32, #tpu.memory_space<vmem_shared>>)
      tpu.yield
    }) : () -> ()
    %mul3A_13 = arith.constant 640 : i32
    %mul3A_14 = arith.muli %arg1, %mul3A_13 : i32
    %add3A_15 = arith.constant 256 : i32
    %add3A_16 = arith.addi %mul3A_14, %add3A_15 : i32
    "tpu.region"() ({
      %run_scoped3A = tpu.sem_alloc : memref<!tpu.dma_semaphore, #tpu.memory_space<semaphore_mem>>
      %dma_start3A = arith.constant 0 : i32
      %dma_start3A_43 = tpu.memref_slice %arg20[%add3A_16, %dma_start3A] : memref<10240x80xf32, #tpu.memory_space<vmem_shared>> -> memref<128x80xf32, #tpu.memory_space<vmem_shared>>
      %dma_start3A_44 = arith.constant 0 : i32
      %dma_start3A_45 = tpu.memref_slice %arg20[%add3A_16, %dma_start3A_44] : memref<10240x80xf32, #tpu.memory_space<vmem_shared>> -> memref<128x80xf32, #tpu.memory_space<vmem_shared>>
      tpu.enqueue_dma source(%arg8 : memref<128x80xf32, #tpu.memory_space<vmem>>) target(%dma_start3A_45 : memref<128x80xf32, #tpu.memory_space<vmem_shared>>) target_semaphore(%run_scoped3A : memref<!tpu.dma_semaphore, #tpu.memory_space<semaphore_mem>>)
      %dma_wait3A = arith.constant 0 : i32
      %dma_wait3A_46 = tpu.memref_slice %arg20[%add3A_16, %dma_wait3A] : memref<10240x80xf32, #tpu.memory_space<vmem_shared>> -> memref<128x80xf32, #tpu.memory_space<vmem_shared>>
      %dma_wait3A_47 = arith.constant 0 : i32
      %dma_wait3A_48 = tpu.memref_slice %arg20[%add3A_16, %dma_wait3A_47] : memref<10240x80xf32, #tpu.memory_space<vmem_shared>> -> memref<128x80xf32, #tpu.memory_space<vmem_shared>>
      tpu.wait_dma2 semaphore(%run_scoped3A : memref<!tpu.dma_semaphore, #tpu.memory_space<semaphore_mem>>) src(%arg8 : memref<128x80xf32, #tpu.memory_space<vmem>>) dst(%dma_wait3A_48 : memref<128x80xf32, #tpu.memory_space<vmem_shared>>)
      tpu.yield
    }) : () -> ()
    %mul3A_17 = arith.constant 640 : i32
    %mul3A_18 = arith.muli %arg1, %mul3A_17 : i32
    %add3A_19 = arith.constant 384 : i32
    %add3A_20 = arith.addi %mul3A_18, %add3A_19 : i32
    "tpu.region"() ({
      %run_scoped3A = tpu.sem_alloc : memref<!tpu.dma_semaphore, #tpu.memory_space<semaphore_mem>>
      %dma_start3A = arith.constant 0 : i32
      %dma_start3A_43 = tpu.memref_slice %arg20[%add3A_20, %dma_start3A] : memref<10240x80xf32, #tpu.memory_space<vmem_shared>> -> memref<128x80xf32, #tpu.memory_space<vmem_shared>>
      %dma_start3A_44 = arith.constant 0 : i32
      %dma_start3A_45 = tpu.memref_slice %arg20[%add3A_20, %dma_start3A_44] : memref<10240x80xf32, #tpu.memory_space<vmem_shared>> -> memref<128x80xf32, #tpu.memory_space<vmem_shared>>
      tpu.enqueue_dma source(%arg8 : memref<128x80xf32, #tpu.memory_space<vmem>>) target(%dma_start3A_45 : memref<128x80xf32, #tpu.memory_space<vmem_shared>>) target_semaphore(%run_scoped3A : memref<!tpu.dma_semaphore, #tpu.memory_space<semaphore_mem>>)
      %dma_wait3A = arith.constant 0 : i32
      %dma_wait3A_46 = tpu.memref_slice %arg20[%add3A_20, %dma_wait3A] : memref<10240x80xf32, #tpu.memory_space<vmem_shared>> -> memref<128x80xf32, #tpu.memory_space<vmem_shared>>
      %dma_wait3A_47 = arith.constant 0 : i32
      %dma_wait3A_48 = tpu.memref_slice %arg20[%add3A_20, %dma_wait3A_47] : memref<10240x80xf32, #tpu.memory_space<vmem_shared>> -> memref<128x80xf32, #tpu.memory_space<vmem_shared>>
      tpu.wait_dma2 semaphore(%run_scoped3A : memref<!tpu.dma_semaphore, #tpu.memory_space<semaphore_mem>>) src(%arg8 : memref<128x80xf32, #tpu.memory_space<vmem>>) dst(%dma_wait3A_48 : memref<128x80xf32, #tpu.memory_space<vmem_shared>>)
      tpu.yield
    }) : () -> ()
    %mul3A_21 = arith.constant 640 : i32
    %mul3A_22 = arith.muli %arg1, %mul3A_21 : i32
    %add3A_23 = arith.constant 512 : i32
    %add3A_24 = arith.addi %mul3A_22, %add3A_23 : i32
    "tpu.region"() ({
      %run_scoped3A = tpu.sem_alloc : memref<!tpu.dma_semaphore, #tpu.memory_space<semaphore_mem>>
      %dma_start3A = arith.constant 0 : i32
      %dma_start3A_43 = tpu.memref_slice %arg20[%add3A_24, %dma_start3A] : memref<10240x80xf32, #tpu.memory_space<vmem_shared>> -> memref<128x80xf32, #tpu.memory_space<vmem_shared>>
      %dma_start3A_44 = arith.constant 0 : i32
      %dma_start3A_45 = tpu.memref_slice %arg20[%add3A_24, %dma_start3A_44] : memref<10240x80xf32, #tpu.memory_space<vmem_shared>> -> memref<128x80xf32, #tpu.memory_space<vmem_shared>>
      tpu.enqueue_dma source(%arg8 : memref<128x80xf32, #tpu.memory_space<vmem>>) target(%dma_start3A_45 : memref<128x80xf32, #tpu.memory_space<vmem_shared>>) target_semaphore(%run_scoped3A : memref<!tpu.dma_semaphore, #tpu.memory_space<semaphore_mem>>)
      %dma_wait3A = arith.constant 0 : i32
      %dma_wait3A_46 = tpu.memref_slice %arg20[%add3A_24, %dma_wait3A] : memref<10240x80xf32, #tpu.memory_space<vmem_shared>> -> memref<128x80xf32, #tpu.memory_space<vmem_shared>>
      %dma_wait3A_47 = arith.constant 0 : i32
      %dma_wait3A_48 = tpu.memref_slice %arg20[%add3A_24, %dma_wait3A_47] : memref<10240x80xf32, #tpu.memory_space<vmem_shared>> -> memref<128x80xf32, #tpu.memory_space<vmem_shared>>
      tpu.wait_dma2 semaphore(%run_scoped3A : memref<!tpu.dma_semaphore, #tpu.memory_space<semaphore_mem>>) src(%arg8 : memref<128x80xf32, #tpu.memory_space<vmem>>) dst(%dma_wait3A_48 : memref<128x80xf32, #tpu.memory_space<vmem_shared>>)
      tpu.yield
    }) : () -> ()
    %barrier3A = arith.constant 0 : index
    tpu.barrier barrier_id(%barrier3A)
    %iota3A = tpu.iota {dimensions = array<i32: 0>} : vector<16xi32>
    %mul3A_25 = arith.constant 16 : i32
    %mul3A_26 = vector.broadcast %mul3A_25 : i32 to vector<16xi32>
    %mul3A_27 = arith.muli %iota3A, %mul3A_26 : vector<16xi32>
    %mul3A_28 = arith.constant 10752 : i32
    %mul3A_29 = arith.muli %arg1, %mul3A_28 : i32
    %mul3A_30 = arith.constant 10240 : i32
    %mul3A_31 = arith.muli %arg0, %mul3A_30 : i32
    %scan3A_32 = arith.constant 0 : i32
    %scan3A_33 = arith.constant 0 : i32
    %scan3A_34 = arith.constant 3 : i32
    %scan3A_35 = arith.addi %scan3A_33, %scan3A_34 : i32
    %scan3A_36 = arith.constant 1 : i32
    scf.for %scan3A_43 = %scan3A_33 to %scan3A_35 step %scan3A_36  : i32 {
      %mul3A_44 = arith.constant 3584 : i32
      %mul3A_45 = arith.muli %scan3A_43, %mul3A_44 : i32
      %add3A_46 = arith.addi %mul3A_29, %mul3A_45 : i32
      "tpu.region"() ({
        %run_scoped3A = tpu.sem_alloc : memref<!tpu.dma_semaphore, #tpu.memory_space<semaphore_mem>>
        %dma_start3A = tpu.memref_slice %arg4[%add3A_46] : memref<172032xi32, #tpu.memory_space<hbm>> -> memref<3584xi32, #tpu.memory_space<hbm>>
        %dma_start3A_53 = tpu.memref_slice %arg4[%add3A_46] : memref<172032xi32, #tpu.memory_space<hbm>> -> memref<3584xi32, #tpu.memory_space<hbm>>
        tpu.enqueue_dma source(%dma_start3A_53 : memref<3584xi32, #tpu.memory_space<hbm>>) target(%arg18 : memref<3584xi32, #tpu.memory_space<vmem>>) target_semaphore(%run_scoped3A : memref<!tpu.dma_semaphore, #tpu.memory_space<semaphore_mem>>)
        %dma_wait3A = tpu.memref_slice %arg4[%add3A_46] : memref<172032xi32, #tpu.memory_space<hbm>> -> memref<3584xi32, #tpu.memory_space<hbm>>
        %dma_wait3A_54 = tpu.memref_slice %arg4[%add3A_46] : memref<172032xi32, #tpu.memory_space<hbm>> -> memref<3584xi32, #tpu.memory_space<hbm>>
        tpu.wait_dma2 semaphore(%run_scoped3A : memref<!tpu.dma_semaphore, #tpu.memory_space<semaphore_mem>>) src(%dma_wait3A_54 : memref<3584xi32, #tpu.memory_space<hbm>>) dst(%arg18 : memref<3584xi32, #tpu.memory_space<vmem>>)
        tpu.yield
      }) : () -> ()
      "tpu.region"() ({
        %run_scoped3A = tpu.sem_alloc : memref<!tpu.dma_semaphore, #tpu.memory_space<semaphore_mem>>
        %dma_start3A = tpu.memref_slice %arg5[%add3A_46] : memref<172032xi32, #tpu.memory_space<hbm>> -> memref<3584xi32, #tpu.memory_space<hbm>>
        %dma_start3A_53 = tpu.memref_slice %arg5[%add3A_46] : memref<172032xi32, #tpu.memory_space<hbm>> -> memref<3584xi32, #tpu.memory_space<hbm>>
        tpu.enqueue_dma source(%dma_start3A_53 : memref<3584xi32, #tpu.memory_space<hbm>>) target(%arg19 : memref<3584xi32, #tpu.memory_space<vmem>>) target_semaphore(%run_scoped3A : memref<!tpu.dma_semaphore, #tpu.memory_space<semaphore_mem>>)
        %dma_wait3A = tpu.memref_slice %arg5[%add3A_46] : memref<172032xi32, #tpu.memory_space<hbm>> -> memref<3584xi32, #tpu.memory_space<hbm>>
        %dma_wait3A_54 = tpu.memref_slice %arg5[%add3A_46] : memref<172032xi32, #tpu.memory_space<hbm>> -> memref<3584xi32, #tpu.memory_space<hbm>>
        tpu.wait_dma2 semaphore(%run_scoped3A : memref<!tpu.dma_semaphore, #tpu.memory_space<semaphore_mem>>) src(%dma_wait3A_54 : memref<3584xi32, #tpu.memory_space<hbm>>) dst(%arg19 : memref<3584xi32, #tpu.memory_space<vmem>>)
        tpu.yield
      }) : () -> ()
      %scan3A_47 = arith.constant 0 : i32
      %scan3A_48 = arith.constant 0 : i32
      %scan3A_49 = arith.constant 14 : i32
      %scan3A_50 = arith.addi %scan3A_48, %scan3A_49 : i32
      %scan3A_51 = arith.constant 1 : i32
      scf.for %scan3A_53 = %scan3A_48 to %scan3A_50 step %scan3A_51  : i32 {
        %mul3A_54 = arith.constant 2 : i32
        %mul3A_55 = arith.muli %mul3A_54, %scan3A_53 : i32
        %mul3A_56 = arith.constant 128 : i32
        %mul3A_57 = arith.muli %mul3A_55, %mul3A_56 : i32
        %add3A_58 = arith.constant 128 : i32
        %add3A_59 = arith.addi %mul3A_57, %add3A_58 : i32
        %add3A_60 = arith.constant 0 : i32
        %add3A_61 = arith.addi %mul3A_57, %add3A_60 : i32
        %get3A = arith.index_cast %add3A_61 : i32 to index
        %get3A_62 = tpu.vector_load %arg18[%get3A] {strides = array<i32>} : memref<3584xi32, #tpu.memory_space<vmem>>, vector<16xi32>,
        %swap3A = arith.constant 0 : index
        %swap3A_63 = tpu.vector_load %arg12[%swap3A] {strides = array<i32>} : memref<128xi32, #tpu.memory_space<vmem>>, vector<16xi32>,
        tpu.vector_store %arg12[%swap3A], %get3A_62 {strides = array<i32>} : memref<128xi32, #tpu.memory_space<vmem>>, vector<16xi32>,
        %add3A_64 = arith.constant 0 : i32
        %add3A_65 = arith.addi %mul3A_57, %add3A_64 : i32
        %get3A_66 = arith.index_cast %add3A_65 : i32 to index
        %get3A_67 = tpu.vector_load %arg19[%get3A_66] {strides = array<i32>} : memref<3584xi32, #tpu.memory_space<vmem>>, vector<16xi32>,
        %swap3A_68 = arith.constant 0 : index
        %swap3A_69 = tpu.vector_load %arg14[%swap3A_68] {strides = array<i32>} : memref<128xi32, #tpu.memory_space<vmem>>, vector<16xi32>,
        tpu.vector_store %arg14[%swap3A_68], %get3A_67 {strides = array<i32>} : memref<128xi32, #tpu.memory_space<vmem>>, vector<16xi32>,
        %add3A_70 = vector.broadcast %mul3A_31 : i32 to vector<16xi32>
        %add3A_71 = arith.addi %get3A_62, %add3A_70 : vector<16xi32>
        %swap3A_72 = arith.constant 0 : index
        %swap3A_73 = tpu.vector_load %arg15[%swap3A_72] {strides = array<i32>} : memref<128xi32, #tpu.memory_space<vmem>>, vector<16xi32>,
        tpu.vector_store %arg15[%swap3A_72], %add3A_71 {strides = array<i32>} : memref<128xi32, #tpu.memory_space<vmem>>, vector<16xi32>,
        %add3A_74 = arith.constant 16 : i32
        %add3A_75 = arith.addi %mul3A_57, %add3A_74 : i32
        %get3A_76 = arith.index_cast %add3A_75 : i32 to index
        %get3A_77 = tpu.vector_load %arg18[%get3A_76] {strides = array<i32>} : memref<3584xi32, #tpu.memory_space<vmem>>, vector<16xi32>,
        %swap3A_78 = arith.constant 16 : index
        %swap3A_79 = tpu.vector_load %arg12[%swap3A_78] {strides = array<i32>} : memref<128xi32, #tpu.memory_space<vmem>>, vector<16xi32>,
        tpu.vector_store %arg12[%swap3A_78], %get3A_77 {strides = array<i32>} : memref<128xi32, #tpu.memory_space<vmem>>, vector<16xi32>,
        %add3A_80 = arith.constant 16 : i32
        %add3A_81 = arith.addi %mul3A_57, %add3A_80 : i32
        %get3A_82 = arith.index_cast %add3A_81 : i32 to index
        %get3A_83 = tpu.vector_load %arg19[%get3A_82] {strides = array<i32>} : memref<3584xi32, #tpu.memory_space<vmem>>, vector<16xi32>,
        %swap3A_84 = arith.constant 16 : index
        %swap3A_85 = tpu.vector_load %arg14[%swap3A_84] {strides = array<i32>} : memref<128xi32, #tpu.memory_space<vmem>>, vector<16xi32>,
        tpu.vector_store %arg14[%swap3A_84], %get3A_83 {strides = array<i32>} : memref<128xi32, #tpu.memory_space<vmem>>, vector<16xi32>,
        %add3A_86 = vector.broadcast %mul3A_31 : i32 to vector<16xi32>
        %add3A_87 = arith.addi %get3A_77, %add3A_86 : vector<16xi32>
        %swap3A_88 = arith.constant 16 : index
        %swap3A_89 = tpu.vector_load %arg15[%swap3A_88] {strides = array<i32>} : memref<128xi32, #tpu.memory_space<vmem>>, vector<16xi32>,
        tpu.vector_store %arg15[%swap3A_88], %add3A_87 {strides = array<i32>} : memref<128xi32, #tpu.memory_space<vmem>>, vector<16xi32>,
        %add3A_90 = arith.constant 32 : i32
        %add3A_91 = arith.addi %mul3A_57, %add3A_90 : i32
        %get3A_92 = arith.index_cast %add3A_91 : i32 to index
        %get3A_93 = tpu.vector_load %arg18[%get3A_92] {strides = array<i32>} : memref<3584xi32, #tpu.memory_space<vmem>>, vector<16xi32>,
        %swap3A_94 = arith.constant 32 : index
        %swap3A_95 = tpu.vector_load %arg12[%swap3A_94] {strides = array<i32>} : memref<128xi32, #tpu.memory_space<vmem>>, vector<16xi32>,
        tpu.vector_store %arg12[%swap3A_94], %get3A_93 {strides = array<i32>} : memref<128xi32, #tpu.memory_space<vmem>>, vector<16xi32>,
        %add3A_96 = arith.constant 32 : i32
        %add3A_97 = arith.addi %mul3A_57, %add3A_96 : i32
        %get3A_98 = arith.index_cast %add3A_97 : i32 to index
        %get3A_99 = tpu.vector_load %arg19[%get3A_98] {strides = array<i32>} : memref<3584xi32, #tpu.memory_space<vmem>>, vector<16xi32>,
        %swap3A_100 = arith.constant 32 : index
        %swap3A_101 = tpu.vector_load %arg14[%swap3A_100] {strides = array<i32>} : memref<128xi32, #tpu.memory_space<vmem>>, vector<16xi32>,
        tpu.vector_store %arg14[%swap3A_100], %get3A_99 {strides = array<i32>} : memref<128xi32, #tpu.memory_space<vmem>>, vector<16xi32>,
        %add3A_102 = vector.broadcast %mul3A_31 : i32 to vector<16xi32>
        %add3A_103 = arith.addi %get3A_93, %add3A_102 : vector<16xi32>
        %swap3A_104 = arith.constant 32 : index
        %swap3A_105 = tpu.vector_load %arg15[%swap3A_104] {strides = array<i32>} : memref<128xi32, #tpu.memory_space<vmem>>, vector<16xi32>,
        tpu.vector_store %arg15[%swap3A_104], %add3A_103 {strides = array<i32>} : memref<128xi32, #tpu.memory_space<vmem>>, vector<16xi32>,
        %add3A_106 = arith.constant 48 : i32
        %add3A_107 = arith.addi %mul3A_57, %add3A_106 : i32
        %get3A_108 = arith.index_cast %add3A_107 : i32 to index
        %get3A_109 = tpu.vector_load %arg18[%get3A_108] {strides = array<i32>} : memref<3584xi32, #tpu.memory_space<vmem>>, vector<16xi32>,
        %swap3A_110 = arith.constant 48 : index
        %swap3A_111 = tpu.vector_load %arg12[%swap3A_110] {strides = array<i32>} : memref<128xi32, #tpu.memory_space<vmem>>, vector<16xi32>,
        tpu.vector_store %arg12[%swap3A_110], %get3A_109 {strides = array<i32>} : memref<128xi32, #tpu.memory_space<vmem>>, vector<16xi32>,
        %add3A_112 = arith.constant 48 : i32
        %add3A_113 = arith.addi %mul3A_57, %add3A_112 : i32
        %get3A_114 = arith.index_cast %add3A_113 : i32 to index
        %get3A_115 = tpu.vector_load %arg19[%get3A_114] {strides = array<i32>} : memref<3584xi32, #tpu.memory_space<vmem>>, vector<16xi32>,
        %swap3A_116 = arith.constant 48 : index
        %swap3A_117 = tpu.vector_load %arg14[%swap3A_116] {strides = array<i32>} : memref<128xi32, #tpu.memory_space<vmem>>, vector<16xi32>,
        tpu.vector_store %arg14[%swap3A_116], %get3A_115 {strides = array<i32>} : memref<128xi32, #tpu.memory_space<vmem>>, vector<16xi32>,
        %add3A_118 = vector.broadcast %mul3A_31 : i32 to vector<16xi32>
        %add3A_119 = arith.addi %get3A_109, %add3A_118 : vector<16xi32>
        %swap3A_120 = arith.constant 48 : index
        %swap3A_121 = tpu.vector_load %arg15[%swap3A_120] {strides = array<i32>} : memref<128xi32, #tpu.memory_space<vmem>>, vector<16xi32>,
        tpu.vector_store %arg15[%swap3A_120], %add3A_119 {strides = array<i32>} : memref<128xi32, #tpu.memory_space<vmem>>, vector<16xi32>,
        %add3A_122 = arith.constant 64 : i32
        %add3A_123 = arith.addi %mul3A_57, %add3A_122 : i32
        %get3A_124 = arith.index_cast %add3A_123 : i32 to index
        %get3A_125 = tpu.vector_load %arg18[%get3A_124] {strides = array<i32>} : memref<3584xi32, #tpu.memory_space<vmem>>, vector<16xi32>,
        %swap3A_126 = arith.constant 64 : index
        %swap3A_127 = tpu.vector_load %arg12[%swap3A_126] {strides = array<i32>} : memref<128xi32, #tpu.memory_space<vmem>>, vector<16xi32>,
        tpu.vector_store %arg12[%swap3A_126], %get3A_125 {strides = array<i32>} : memref<128xi32, #tpu.memory_space<vmem>>, vector<16xi32>,
        %add3A_128 = arith.constant 64 : i32
        %add3A_129 = arith.addi %mul3A_57, %add3A_128 : i32
        %get3A_130 = arith.index_cast %add3A_129 : i32 to index
        %get3A_131 = tpu.vector_load %arg19[%get3A_130] {strides = array<i32>} : memref<3584xi32, #tpu.memory_space<vmem>>, vector<16xi32>,
        %swap3A_132 = arith.constant 64 : index
        %swap3A_133 = tpu.vector_load %arg14[%swap3A_132] {strides = array<i32>} : memref<128xi32, #tpu.memory_space<vmem>>, vector<16xi32>,
        tpu.vector_store %arg14[%swap3A_132], %get3A_131 {strides = array<i32>} : memref<128xi32, #tpu.memory_space<vmem>>, vector<16xi32>,
        %add3A_134 = vector.broadcast %mul3A_31 : i32 to vector<16xi32>
        %add3A_135 = arith.addi %get3A_125, %add3A_134 : vector<16xi32>
        %swap3A_136 = arith.constant 64 : index
        %swap3A_137 = tpu.vector_load %arg15[%swap3A_136] {strides = array<i32>} : memref<128xi32, #tpu.memory_space<vmem>>, vector<16xi32>,
        tpu.vector_store %arg15[%swap3A_136], %add3A_135 {strides = array<i32>} : memref<128xi32, #tpu.memory_space<vmem>>, vector<16xi32>,
        %add3A_138 = arith.constant 80 : i32
        %add3A_139 = arith.addi %mul3A_57, %add3A_138 : i32
        %get3A_140 = arith.index_cast %add3A_139 : i32 to index
        %get3A_141 = tpu.vector_load %arg18[%get3A_140] {strides = array<i32>} : memref<3584xi32, #tpu.memory_space<vmem>>, vector<16xi32>,
        %swap3A_142 = arith.constant 80 : index
        %swap3A_143 = tpu.vector_load %arg12[%swap3A_142] {strides = array<i32>} : memref<128xi32, #tpu.memory_space<vmem>>, vector<16xi32>,
        tpu.vector_store %arg12[%swap3A_142], %get3A_141 {strides = array<i32>} : memref<128xi32, #tpu.memory_space<vmem>>, vector<16xi32>,
        %add3A_144 = arith.constant 80 : i32
        %add3A_145 = arith.addi %mul3A_57, %add3A_144 : i32
        %get3A_146 = arith.index_cast %add3A_145 : i32 to index
        %get3A_147 = tpu.vector_load %arg19[%get3A_146] {strides = array<i32>} : memref<3584xi32, #tpu.memory_space<vmem>>, vector<16xi32>,
        %swap3A_148 = arith.constant 80 : index
        %swap3A_149 = tpu.vector_load %arg14[%swap3A_148] {strides = array<i32>} : memref<128xi32, #tpu.memory_space<vmem>>, vector<16xi32>,
        tpu.vector_store %arg14[%swap3A_148], %get3A_147 {strides = array<i32>} : memref<128xi32, #tpu.memory_space<vmem>>, vector<16xi32>,
        %add3A_150 = vector.broadcast %mul3A_31 : i32 to vector<16xi32>
        %add3A_151 = arith.addi %get3A_141, %add3A_150 : vector<16xi32>
        %swap3A_152 = arith.constant 80 : index
        %swap3A_153 = tpu.vector_load %arg15[%swap3A_152] {strides = array<i32>} : memref<128xi32, #tpu.memory_space<vmem>>, vector<16xi32>,
        tpu.vector_store %arg15[%swap3A_152], %add3A_151 {strides = array<i32>} : memref<128xi32, #tpu.memory_space<vmem>>, vector<16xi32>,
        %add3A_154 = arith.constant 96 : i32
        %add3A_155 = arith.addi %mul3A_57, %add3A_154 : i32
        %get3A_156 = arith.index_cast %add3A_155 : i32 to index
        %get3A_157 = tpu.vector_load %arg18[%get3A_156] {strides = array<i32>} : memref<3584xi32, #tpu.memory_space<vmem>>, vector<16xi32>,
        %swap3A_158 = arith.constant 96 : index
        %swap3A_159 = tpu.vector_load %arg12[%swap3A_158] {strides = array<i32>} : memref<128xi32, #tpu.memory_space<vmem>>, vector<16xi32>,
        tpu.vector_store %arg12[%swap3A_158], %get3A_157 {strides = array<i32>} : memref<128xi32, #tpu.memory_space<vmem>>, vector<16xi32>,
        %add3A_160 = arith.constant 96 : i32
        %add3A_161 = arith.addi %mul3A_57, %add3A_160 : i32
        %get3A_162 = arith.index_cast %add3A_161 : i32 to index
        %get3A_163 = tpu.vector_load %arg19[%get3A_162] {strides = array<i32>} : memref<3584xi32, #tpu.memory_space<vmem>>, vector<16xi32>,
        %swap3A_164 = arith.constant 96 : index
        %swap3A_165 = tpu.vector_load %arg14[%swap3A_164] {strides = array<i32>} : memref<128xi32, #tpu.memory_space<vmem>>, vector<16xi32>,
        tpu.vector_store %arg14[%swap3A_164], %get3A_163 {strides = array<i32>} : memref<128xi32, #tpu.memory_space<vmem>>, vector<16xi32>,
        %add3A_166 = vector.broadcast %mul3A_31 : i32 to vector<16xi32>
        %add3A_167 = arith.addi %get3A_157, %add3A_166 : vector<16xi32>
        %swap3A_168 = arith.constant 96 : index
        %swap3A_169 = tpu.vector_load %arg15[%swap3A_168] {strides = array<i32>} : memref<128xi32, #tpu.memory_space<vmem>>, vector<16xi32>,
        tpu.vector_store %arg15[%swap3A_168], %add3A_167 {strides = array<i32>} : memref<128xi32, #tpu.memory_space<vmem>>, vector<16xi32>,
        %add3A_170 = arith.constant 112 : i32
        %add3A_171 = arith.addi %mul3A_57, %add3A_170 : i32
        %get3A_172 = arith.index_cast %add3A_171 : i32 to index
        %get3A_173 = tpu.vector_load %arg18[%get3A_172] {strides = array<i32>} : memref<3584xi32, #tpu.memory_space<vmem>>, vector<16xi32>,
        %swap3A_174 = arith.constant 112 : index
        %swap3A_175 = tpu.vector_load %arg12[%swap3A_174] {strides = array<i32>} : memref<128xi32, #tpu.memory_space<vmem>>, vector<16xi32>,
        tpu.vector_store %arg12[%swap3A_174], %get3A_173 {strides = array<i32>} : memref<128xi32, #tpu.memory_space<vmem>>, vector<16xi32>,
        %add3A_176 = arith.constant 112 : i32
        %add3A_177 = arith.addi %mul3A_57, %add3A_176 : i32
        %get3A_178 = arith.index_cast %add3A_177 : i32 to index
        %get3A_179 = tpu.vector_load %arg19[%get3A_178] {strides = array<i32>} : memref<3584xi32, #tpu.memory_space<vmem>>, vector<16xi32>,
        %swap3A_180 = arith.constant 112 : index
        %swap3A_181 = tpu.vector_load %arg14[%swap3A_180] {strides = array<i32>} : memref<128xi32, #tpu.memory_space<vmem>>, vector<16xi32>,
        tpu.vector_store %arg14[%swap3A_180], %get3A_179 {strides = array<i32>} : memref<128xi32, #tpu.memory_space<vmem>>, vector<16xi32>,
        %add3A_182 = vector.broadcast %mul3A_31 : i32 to vector<16xi32>
        %add3A_183 = arith.addi %get3A_173, %add3A_182 : vector<16xi32>
        %swap3A_184 = arith.constant 112 : index
        %swap3A_185 = tpu.vector_load %arg15[%swap3A_184] {strides = array<i32>} : memref<128xi32, #tpu.memory_space<vmem>>, vector<16xi32>,
        tpu.vector_store %arg15[%swap3A_184], %add3A_183 {strides = array<i32>} : memref<128xi32, #tpu.memory_space<vmem>>, vector<16xi32>,
        %add3A_186 = arith.constant 0 : i32
        %add3A_187 = arith.addi %add3A_59, %add3A_186 : i32
        %get3A_188 = arith.index_cast %add3A_187 : i32 to index
        %get3A_189 = tpu.vector_load %arg18[%get3A_188] {strides = array<i32>} : memref<3584xi32, #tpu.memory_space<vmem>>, vector<16xi32>,
        %swap3A_190 = arith.constant 0 : index
        %swap3A_191 = tpu.vector_load %arg13[%swap3A_190] {strides = array<i32>} : memref<128xi32, #tpu.memory_space<vmem>>, vector<16xi32>,
        tpu.vector_store %arg13[%swap3A_190], %get3A_189 {strides = array<i32>} : memref<128xi32, #tpu.memory_space<vmem>>, vector<16xi32>,
        %add3A_192 = arith.constant 0 : i32
        %add3A_193 = arith.addi %add3A_59, %add3A_192 : i32
        %get3A_194 = arith.index_cast %add3A_193 : i32 to index
        %get3A_195 = tpu.vector_load %arg19[%get3A_194] {strides = array<i32>} : memref<3584xi32, #tpu.memory_space<vmem>>, vector<16xi32>,
        %swap3A_196 = arith.constant 0 : index
        %swap3A_197 = tpu.vector_load %arg16[%swap3A_196] {strides = array<i32>} : memref<128xi32, #tpu.memory_space<vmem>>, vector<16xi32>,
        tpu.vector_store %arg16[%swap3A_196], %get3A_195 {strides = array<i32>} : memref<128xi32, #tpu.memory_space<vmem>>, vector<16xi32>,
        %add3A_198 = vector.broadcast %mul3A_31 : i32 to vector<16xi32>
        %add3A_199 = arith.addi %get3A_189, %add3A_198 : vector<16xi32>
        %swap3A_200 = arith.constant 0 : index
        %swap3A_201 = tpu.vector_load %arg17[%swap3A_200] {strides = array<i32>} : memref<128xi32, #tpu.memory_space<vmem>>, vector<16xi32>,
        tpu.vector_store %arg17[%swap3A_200], %add3A_199 {strides = array<i32>} : memref<128xi32, #tpu.memory_space<vmem>>, vector<16xi32>,
        %add3A_202 = arith.constant 16 : i32
        %add3A_203 = arith.addi %add3A_59, %add3A_202 : i32
        %get3A_204 = arith.index_cast %add3A_203 : i32 to index
        %get3A_205 = tpu.vector_load %arg18[%get3A_204] {strides = array<i32>} : memref<3584xi32, #tpu.memory_space<vmem>>, vector<16xi32>,
        %swap3A_206 = arith.constant 16 : index
        %swap3A_207 = tpu.vector_load %arg13[%swap3A_206] {strides = array<i32>} : memref<128xi32, #tpu.memory_space<vmem>>, vector<16xi32>,
        tpu.vector_store %arg13[%swap3A_206], %get3A_205 {strides = array<i32>} : memref<128xi32, #tpu.memory_space<vmem>>, vector<16xi32>,
        %add3A_208 = arith.constant 16 : i32
        %add3A_209 = arith.addi %add3A_59, %add3A_208 : i32
        %get3A_210 = arith.index_cast %add3A_209 : i32 to index
        %get3A_211 = tpu.vector_load %arg19[%get3A_210] {strides = array<i32>} : memref<3584xi32, #tpu.memory_space<vmem>>, vector<16xi32>,
        %swap3A_212 = arith.constant 16 : index
        %swap3A_213 = tpu.vector_load %arg16[%swap3A_212] {strides = array<i32>} : memref<128xi32, #tpu.memory_space<vmem>>, vector<16xi32>,
        tpu.vector_store %arg16[%swap3A_212], %get3A_211 {strides = array<i32>} : memref<128xi32, #tpu.memory_space<vmem>>, vector<16xi32>,
        %add3A_214 = vector.broadcast %mul3A_31 : i32 to vector<16xi32>
        %add3A_215 = arith.addi %get3A_205, %add3A_214 : vector<16xi32>
        %swap3A_216 = arith.constant 16 : index
        %swap3A_217 = tpu.vector_load %arg17[%swap3A_216] {strides = array<i32>} : memref<128xi32, #tpu.memory_space<vmem>>, vector<16xi32>,
        tpu.vector_store %arg17[%swap3A_216], %add3A_215 {strides = array<i32>} : memref<128xi32, #tpu.memory_space<vmem>>, vector<16xi32>,
        %add3A_218 = arith.constant 32 : i32
        %add3A_219 = arith.addi %add3A_59, %add3A_218 : i32
        %get3A_220 = arith.index_cast %add3A_219 : i32 to index
        %get3A_221 = tpu.vector_load %arg18[%get3A_220] {strides = array<i32>} : memref<3584xi32, #tpu.memory_space<vmem>>, vector<16xi32>,
        %swap3A_222 = arith.constant 32 : index
        %swap3A_223 = tpu.vector_load %arg13[%swap3A_222] {strides = array<i32>} : memref<128xi32, #tpu.memory_space<vmem>>, vector<16xi32>,
        tpu.vector_store %arg13[%swap3A_222], %get3A_221 {strides = array<i32>} : memref<128xi32, #tpu.memory_space<vmem>>, vector<16xi32>,
        %add3A_224 = arith.constant 32 : i32
        %add3A_225 = arith.addi %add3A_59, %add3A_224 : i32
        %get3A_226 = arith.index_cast %add3A_225 : i32 to index
        %get3A_227 = tpu.vector_load %arg19[%get3A_226] {strides = array<i32>} : memref<3584xi32, #tpu.memory_space<vmem>>, vector<16xi32>,
        %swap3A_228 = arith.constant 32 : index
        %swap3A_229 = tpu.vector_load %arg16[%swap3A_228] {strides = array<i32>} : memref<128xi32, #tpu.memory_space<vmem>>, vector<16xi32>,
        tpu.vector_store %arg16[%swap3A_228], %get3A_227 {strides = array<i32>} : memref<128xi32, #tpu.memory_space<vmem>>, vector<16xi32>,
        %add3A_230 = vector.broadcast %mul3A_31 : i32 to vector<16xi32>
        %add3A_231 = arith.addi %get3A_221, %add3A_230 : vector<16xi32>
        %swap3A_232 = arith.constant 32 : index
        %swap3A_233 = tpu.vector_load %arg17[%swap3A_232] {strides = array<i32>} : memref<128xi32, #tpu.memory_space<vmem>>, vector<16xi32>,
        tpu.vector_store %arg17[%swap3A_232], %add3A_231 {strides = array<i32>} : memref<128xi32, #tpu.memory_space<vmem>>, vector<16xi32>,
        %add3A_234 = arith.constant 48 : i32
        %add3A_235 = arith.addi %add3A_59, %add3A_234 : i32
        %get3A_236 = arith.index_cast %add3A_235 : i32 to index
        %get3A_237 = tpu.vector_load %arg18[%get3A_236] {strides = array<i32>} : memref<3584xi32, #tpu.memory_space<vmem>>, vector<16xi32>,
        %swap3A_238 = arith.constant 48 : index
        %swap3A_239 = tpu.vector_load %arg13[%swap3A_238] {strides = array<i32>} : memref<128xi32, #tpu.memory_space<vmem>>, vector<16xi32>,
        tpu.vector_store %arg13[%swap3A_238], %get3A_237 {strides = array<i32>} : memref<128xi32, #tpu.memory_space<vmem>>, vector<16xi32>,
        %add3A_240 = arith.constant 48 : i32
        %add3A_241 = arith.addi %add3A_59, %add3A_240 : i32
        %get3A_242 = arith.index_cast %add3A_241 : i32 to index
        %get3A_243 = tpu.vector_load %arg19[%get3A_242] {strides = array<i32>} : memref<3584xi32, #tpu.memory_space<vmem>>, vector<16xi32>,
        %swap3A_244 = arith.constant 48 : index
        %swap3A_245 = tpu.vector_load %arg16[%swap3A_244] {strides = array<i32>} : memref<128xi32, #tpu.memory_space<vmem>>, vector<16xi32>,
        tpu.vector_store %arg16[%swap3A_244], %get3A_243 {strides = array<i32>} : memref<128xi32, #tpu.memory_space<vmem>>, vector<16xi32>,
        %add3A_246 = vector.broadcast %mul3A_31 : i32 to vector<16xi32>
        %add3A_247 = arith.addi %get3A_237, %add3A_246 : vector<16xi32>
        %swap3A_248 = arith.constant 48 : index
        %swap3A_249 = tpu.vector_load %arg17[%swap3A_248] {strides = array<i32>} : memref<128xi32, #tpu.memory_space<vmem>>, vector<16xi32>,
        tpu.vector_store %arg17[%swap3A_248], %add3A_247 {strides = array<i32>} : memref<128xi32, #tpu.memory_space<vmem>>, vector<16xi32>,
        %add3A_250 = arith.constant 64 : i32
        %add3A_251 = arith.addi %add3A_59, %add3A_250 : i32
        %get3A_252 = arith.index_cast %add3A_251 : i32 to index
        %get3A_253 = tpu.vector_load %arg18[%get3A_252] {strides = array<i32>} : memref<3584xi32, #tpu.memory_space<vmem>>, vector<16xi32>,
        %swap3A_254 = arith.constant 64 : index
        %swap3A_255 = tpu.vector_load %arg13[%swap3A_254] {strides = array<i32>} : memref<128xi32, #tpu.memory_space<vmem>>, vector<16xi32>,
        tpu.vector_store %arg13[%swap3A_254], %get3A_253 {strides = array<i32>} : memref<128xi32, #tpu.memory_space<vmem>>, vector<16xi32>,
        %add3A_256 = arith.constant 64 : i32
        %add3A_257 = arith.addi %add3A_59, %add3A_256 : i32
        %get3A_258 = arith.index_cast %add3A_257 : i32 to index
        %get3A_259 = tpu.vector_load %arg19[%get3A_258] {strides = array<i32>} : memref<3584xi32, #tpu.memory_space<vmem>>, vector<16xi32>,
        %swap3A_260 = arith.constant 64 : index
        %swap3A_261 = tpu.vector_load %arg16[%swap3A_260] {strides = array<i32>} : memref<128xi32, #tpu.memory_space<vmem>>, vector<16xi32>,
        tpu.vector_store %arg16[%swap3A_260], %get3A_259 {strides = array<i32>} : memref<128xi32, #tpu.memory_space<vmem>>, vector<16xi32>,
        %add3A_262 = vector.broadcast %mul3A_31 : i32 to vector<16xi32>
        %add3A_263 = arith.addi %get3A_253, %add3A_262 : vector<16xi32>
        %swap3A_264 = arith.constant 64 : index
        %swap3A_265 = tpu.vector_load %arg17[%swap3A_264] {strides = array<i32>} : memref<128xi32, #tpu.memory_space<vmem>>, vector<16xi32>,
        tpu.vector_store %arg17[%swap3A_264], %add3A_263 {strides = array<i32>} : memref<128xi32, #tpu.memory_space<vmem>>, vector<16xi32>,
        %add3A_266 = arith.constant 80 : i32
        %add3A_267 = arith.addi %add3A_59, %add3A_266 : i32
        %get3A_268 = arith.index_cast %add3A_267 : i32 to index
        %get3A_269 = tpu.vector_load %arg18[%get3A_268] {strides = array<i32>} : memref<3584xi32, #tpu.memory_space<vmem>>, vector<16xi32>,
        %swap3A_270 = arith.constant 80 : index
        %swap3A_271 = tpu.vector_load %arg13[%swap3A_270] {strides = array<i32>} : memref<128xi32, #tpu.memory_space<vmem>>, vector<16xi32>,
        tpu.vector_store %arg13[%swap3A_270], %get3A_269 {strides = array<i32>} : memref<128xi32, #tpu.memory_space<vmem>>, vector<16xi32>,
        %add3A_272 = arith.constant 80 : i32
        %add3A_273 = arith.addi %add3A_59, %add3A_272 : i32
        %get3A_274 = arith.index_cast %add3A_273 : i32 to index
        %get3A_275 = tpu.vector_load %arg19[%get3A_274] {strides = array<i32>} : memref<3584xi32, #tpu.memory_space<vmem>>, vector<16xi32>,
        %swap3A_276 = arith.constant 80 : index
        %swap3A_277 = tpu.vector_load %arg16[%swap3A_276] {strides = array<i32>} : memref<128xi32, #tpu.memory_space<vmem>>, vector<16xi32>,
        tpu.vector_store %arg16[%swap3A_276], %get3A_275 {strides = array<i32>} : memref<128xi32, #tpu.memory_space<vmem>>, vector<16xi32>,
        %add3A_278 = vector.broadcast %mul3A_31 : i32 to vector<16xi32>
        %add3A_279 = arith.addi %get3A_269, %add3A_278 : vector<16xi32>
        %swap3A_280 = arith.constant 80 : index
        %swap3A_281 = tpu.vector_load %arg17[%swap3A_280] {strides = array<i32>} : memref<128xi32, #tpu.memory_space<vmem>>, vector<16xi32>,
        tpu.vector_store %arg17[%swap3A_280], %add3A_279 {strides = array<i32>} : memref<128xi32, #tpu.memory_space<vmem>>, vector<16xi32>,
        %add3A_282 = arith.constant 96 : i32
        %add3A_283 = arith.addi %add3A_59, %add3A_282 : i32
        %get3A_284 = arith.index_cast %add3A_283 : i32 to index
        %get3A_285 = tpu.vector_load %arg18[%get3A_284] {strides = array<i32>} : memref<3584xi32, #tpu.memory_space<vmem>>, vector<16xi32>,
        %swap3A_286 = arith.constant 96 : index
        %swap3A_287 = tpu.vector_load %arg13[%swap3A_286] {strides = array<i32>} : memref<128xi32, #tpu.memory_space<vmem>>, vector<16xi32>,
        tpu.vector_store %arg13[%swap3A_286], %get3A_285 {strides = array<i32>} : memref<128xi32, #tpu.memory_space<vmem>>, vector<16xi32>,
        %add3A_288 = arith.constant 96 : i32
        %add3A_289 = arith.addi %add3A_59, %add3A_288 : i32
        %get3A_290 = arith.index_cast %add3A_289 : i32 to index
        %get3A_291 = tpu.vector_load %arg19[%get3A_290] {strides = array<i32>} : memref<3584xi32, #tpu.memory_space<vmem>>, vector<16xi32>,
        %swap3A_292 = arith.constant 96 : index
        %swap3A_293 = tpu.vector_load %arg16[%swap3A_292] {strides = array<i32>} : memref<128xi32, #tpu.memory_space<vmem>>, vector<16xi32>,
        tpu.vector_store %arg16[%swap3A_292], %get3A_291 {strides = array<i32>} : memref<128xi32, #tpu.memory_space<vmem>>, vector<16xi32>,
        %add3A_294 = vector.broadcast %mul3A_31 : i32 to vector<16xi32>
        %add3A_295 = arith.addi %get3A_285, %add3A_294 : vector<16xi32>
        %swap3A_296 = arith.constant 96 : index
        %swap3A_297 = tpu.vector_load %arg17[%swap3A_296] {strides = array<i32>} : memref<128xi32, #tpu.memory_space<vmem>>, vector<16xi32>,
        tpu.vector_store %arg17[%swap3A_296], %add3A_295 {strides = array<i32>} : memref<128xi32, #tpu.memory_space<vmem>>, vector<16xi32>,
        %add3A_298 = arith.constant 112 : i32
        %add3A_299 = arith.addi %add3A_59, %add3A_298 : i32
        %get3A_300 = arith.index_cast %add3A_299 : i32 to index
        %get3A_301 = tpu.vector_load %arg18[%get3A_300] {strides = array<i32>} : memref<3584xi32, #tpu.memory_space<vmem>>, vector<16xi32>,
        %swap3A_302 = arith.constant 112 : index
        %swap3A_303 = tpu.vector_load %arg13[%swap3A_302] {strides = array<i32>} : memref<128xi32, #tpu.memory_space<vmem>>, vector<16xi32>,
        tpu.vector_store %arg13[%swap3A_302], %get3A_301 {strides = array<i32>} : memref<128xi32, #tpu.memory_space<vmem>>, vector<16xi32>,
        %add3A_304 = arith.constant 112 : i32
        %add3A_305 = arith.addi %add3A_59, %add3A_304 : i32
        %get3A_306 = arith.index_cast %add3A_305 : i32 to index
        %get3A_307 = tpu.vector_load %arg19[%get3A_306] {strides = array<i32>} : memref<3584xi32, #tpu.memory_space<vmem>>, vector<16xi32>,
        %swap3A_308 = arith.constant 112 : index
        %swap3A_309 = tpu.vector_load %arg16[%swap3A_308] {strides = array<i32>} : memref<128xi32, #tpu.memory_space<vmem>>, vector<16xi32>,
        tpu.vector_store %arg16[%swap3A_308], %get3A_307 {strides = array<i32>} : memref<128xi32, #tpu.memory_space<vmem>>, vector<16xi32>,
        %add3A_310 = vector.broadcast %mul3A_31 : i32 to vector<16xi32>
        %add3A_311 = arith.addi %get3A_301, %add3A_310 : vector<16xi32>
        %swap3A_312 = arith.constant 112 : index
        %swap3A_313 = tpu.vector_load %arg17[%swap3A_312] {strides = array<i32>} : memref<128xi32, #tpu.memory_space<vmem>>, vector<16xi32>,
        tpu.vector_store %arg17[%swap3A_312], %add3A_311 {strides = array<i32>} : memref<128xi32, #tpu.memory_space<vmem>>, vector<16xi32>,
        %dma_start3A = arith.constant 0 : i32
        %dma_start3A_314 = arith.constant 0 : i32
        %dma_start3A_315 = tpu.memref_slice %arg2[%dma_start3A, %dma_start3A_314] : memref<20480x80xf32, #tpu.memory_space<hbm>> -> memref<20480x80xf32, #tpu.memory_space<hbm>>
        tpu.enqueue_indirect_dma source(%dma_start3A_315 : memref<20480x80xf32, #tpu.memory_space<hbm>>) target(%arg8 : memref<128x80xf32, #tpu.memory_space<vmem>>) offsets(%arg15 : memref<128xi32, #tpu.memory_space<vmem>>) semaphore(%arg21 : memref<!tpu.dma_semaphore, #tpu.memory_space<semaphore_mem>>)
        %dma_start3A_316 = arith.constant 0 : i32
        %dma_start3A_317 = arith.constant 0 : i32
        %dma_start3A_318 = tpu.memref_slice %arg2[%dma_start3A_316, %dma_start3A_317] : memref<20480x80xf32, #tpu.memory_space<hbm>> -> memref<20480x80xf32, #tpu.memory_space<hbm>>
        tpu.enqueue_indirect_dma source(%dma_start3A_318 : memref<20480x80xf32, #tpu.memory_space<hbm>>) target(%arg9 : memref<128x80xf32, #tpu.memory_space<vmem>>) offsets(%arg17 : memref<128xi32, #tpu.memory_space<vmem>>) semaphore(%arg22 : memref<!tpu.dma_semaphore, #tpu.memory_space<semaphore_mem>>)
        %get3A_319 = arith.constant 0 : index
        %get3A_320 = tpu.vector_load %arg12[%get3A_319] {strides = array<i32>} : memref<128xi32, #tpu.memory_space<vmem>>, vector<16xi32>,
        %mul3A_321 = arith.constant 4 : i32
        %mul3A_322 = vector.broadcast %mul3A_321 : i32 to vector<16xi32>
        %mul3A_323 = arith.muli %get3A_320, %mul3A_322 : vector<16xi32>
        %get3A_324 = arith.constant 0 : index
        %get3A_325 = tpu.vector_load %arg14[%get3A_324] {strides = array<i32>} : memref<128xi32, #tpu.memory_space<vmem>>, vector<16xi32>,
        %mul3A_326 = arith.constant 4 : i32
        %mul3A_327 = vector.broadcast %mul3A_326 : i32 to vector<16xi32>
        %mul3A_328 = arith.muli %get3A_325, %mul3A_327 : vector<16xi32>
        %add3A_329 = arith.constant 0 : i32
        %add3A_330 = vector.broadcast %add3A_329 : i32 to vector<16xi32>
        %add3A_331 = arith.addi %mul3A_323, %add3A_330 : vector<16xi32>
        %gather3A = tpu.vector_load_idx %arg7[%add3A_331] : memref<40960xf32, #tpu.memory_space<vmem>>[vector<16xi32>], vector<16xf32>,
        %add3A_332 = arith.constant 2 : i32
        %add3A_333 = vector.broadcast %add3A_332 : i32 to vector<16xi32>
        %add3A_334 = arith.addi %mul3A_328, %add3A_333 : vector<16xi32>
        %gather3A_335 = tpu.vector_load_idx %arg7[%add3A_334] : memref<40960xf32, #tpu.memory_space<vmem>>[vector<16xi32>], vector<16xf32>,
        %add3A_336 = arith.addf %gather3A, %gather3A_335 : vector<16xf32>
        %mul3A_337 = arith.constant 2.000000e-01 : f32
        %mul3A_338 = vector.broadcast %mul3A_337 : f32 to vector<16xf32>
        %mul3A_339 = arith.mulf %add3A_336, %mul3A_338 : vector<16xf32>
        %max3A = arith.maximumf %add3A_336, %mul3A_339 : vector<16xf32>
        %add3A_340 = arith.constant 0 : i32
        %add3A_341 = vector.broadcast %add3A_340 : i32 to vector<16xi32>
        %add3A_342 = arith.addi %mul3A_27, %add3A_341 : vector<16xi32>
        %exp3A = math.exp %max3A : vector<16xf32>
        tpu.vector_store_idx %arg10[%add3A_342], %exp3A : memref<2048xf32, #tpu.memory_space<vmem>>[vector<16xi32>], vector<16xf32>,
        %add3A_343 = arith.constant 1 : i32
        %add3A_344 = vector.broadcast %add3A_343 : i32 to vector<16xi32>
        %add3A_345 = arith.addi %mul3A_323, %add3A_344 : vector<16xi32>
        %gather3A_346 = tpu.vector_load_idx %arg7[%add3A_345] : memref<40960xf32, #tpu.memory_space<vmem>>[vector<16xi32>], vector<16xf32>,
        %add3A_347 = arith.constant 3 : i32
        %add3A_348 = vector.broadcast %add3A_347 : i32 to vector<16xi32>
        %add3A_349 = arith.addi %mul3A_328, %add3A_348 : vector<16xi32>
        %gather3A_350 = tpu.vector_load_idx %arg7[%add3A_349] : memref<40960xf32, #tpu.memory_space<vmem>>[vector<16xi32>], vector<16xf32>,
        %add3A_351 = arith.addf %gather3A_346, %gather3A_350 : vector<16xf32>
        %mul3A_352 = arith.constant 2.000000e-01 : f32
        %mul3A_353 = vector.broadcast %mul3A_352 : f32 to vector<16xf32>
        %mul3A_354 = arith.mulf %add3A_351, %mul3A_353 : vector<16xf32>
        %max3A_355 = arith.maximumf %add3A_351, %mul3A_354 : vector<16xf32>
        %add3A_356 = arith.constant 1 : i32
        %add3A_357 = vector.broadcast %add3A_356 : i32 to vector<16xi32>
        %add3A_358 = arith.addi %mul3A_27, %add3A_357 : vector<16xi32>
        %exp3A_359 = math.exp %max3A_355 : vector<16xf32>
        tpu.vector_store_idx %arg10[%add3A_358], %exp3A_359 : memref<2048xf32, #tpu.memory_space<vmem>>[vector<16xi32>], vector<16xf32>,
        %get3A_360 = arith.constant 16 : index
        %get3A_361 = tpu.vector_load %arg12[%get3A_360] {strides = array<i32>} : memref<128xi32, #tpu.memory_space<vmem>>, vector<16xi32>,
        %mul3A_362 = arith.constant 4 : i32
        %mul3A_363 = vector.broadcast %mul3A_362 : i32 to vector<16xi32>
        %mul3A_364 = arith.muli %get3A_361, %mul3A_363 : vector<16xi32>
        %get3A_365 = arith.constant 16 : index
        %get3A_366 = tpu.vector_load %arg14[%get3A_365] {strides = array<i32>} : memref<128xi32, #tpu.memory_space<vmem>>, vector<16xi32>,
        %mul3A_367 = arith.constant 4 : i32
        %mul3A_368 = vector.broadcast %mul3A_367 : i32 to vector<16xi32>
        %mul3A_369 = arith.muli %get3A_366, %mul3A_368 : vector<16xi32>
        %add3A_370 = arith.constant 0 : i32
        %add3A_371 = vector.broadcast %add3A_370 : i32 to vector<16xi32>
        %add3A_372 = arith.addi %mul3A_364, %add3A_371 : vector<16xi32>
        %gather3A_373 = tpu.vector_load_idx %arg7[%add3A_372] : memref<40960xf32, #tpu.memory_space<vmem>>[vector<16xi32>], vector<16xf32>,
        %add3A_374 = arith.constant 2 : i32
        %add3A_375 = vector.broadcast %add3A_374 : i32 to vector<16xi32>
        %add3A_376 = arith.addi %mul3A_369, %add3A_375 : vector<16xi32>
        %gather3A_377 = tpu.vector_load_idx %arg7[%add3A_376] : memref<40960xf32, #tpu.memory_space<vmem>>[vector<16xi32>], vector<16xf32>,
        %add3A_378 = arith.addf %gather3A_373, %gather3A_377 : vector<16xf32>
        %mul3A_379 = arith.constant 2.000000e-01 : f32
        %mul3A_380 = vector.broadcast %mul3A_379 : f32 to vector<16xf32>
        %mul3A_381 = arith.mulf %add3A_378, %mul3A_380 : vector<16xf32>
        %max3A_382 = arith.maximumf %add3A_378, %mul3A_381 : vector<16xf32>
        %add3A_383 = arith.constant 256 : i32
        %add3A_384 = vector.broadcast %add3A_383 : i32 to vector<16xi32>
        %add3A_385 = arith.addi %mul3A_27, %add3A_384 : vector<16xi32>
        %exp3A_386 = math.exp %max3A_382 : vector<16xf32>
        tpu.vector_store_idx %arg10[%add3A_385], %exp3A_386 : memref<2048xf32, #tpu.memory_space<vmem>>[vector<16xi32>], vector<16xf32>,
        %add3A_387 = arith.constant 1 : i32
        %add3A_388 = vector.broadcast %add3A_387 : i32 to vector<16xi32>
        %add3A_389 = arith.addi %mul3A_364, %add3A_388 : vector<16xi32>
        %gather3A_390 = tpu.vector_load_idx %arg7[%add3A_389] : memref<40960xf32, #tpu.memory_space<vmem>>[vector<16xi32>], vector<16xf32>,
        %add3A_391 = arith.constant 3 : i32
        %add3A_392 = vector.broadcast %add3A_391 : i32 to vector<16xi32>
        %add3A_393 = arith.addi %mul3A_369, %add3A_392 : vector<16xi32>
        %gather3A_394 = tpu.vector_load_idx %arg7[%add3A_393] : memref<40960xf32, #tpu.memory_space<vmem>>[vector<16xi32>], vector<16xf32>,
        %add3A_395 = arith.addf %gather3A_390, %gather3A_394 : vector<16xf32>
        %mul3A_396 = arith.constant 2.000000e-01 : f32
        %mul3A_397 = vector.broadcast %mul3A_396 : f32 to vector<16xf32>
        %mul3A_398 = arith.mulf %add3A_395, %mul3A_397 : vector<16xf32>
        %max3A_399 = arith.maximumf %add3A_395, %mul3A_398 : vector<16xf32>
        %add3A_400 = arith.constant 257 : i32
        %add3A_401 = vector.broadcast %add3A_400 : i32 to vector<16xi32>
        %add3A_402 = arith.addi %mul3A_27, %add3A_401 : vector<16xi32>
        %exp3A_403 = math.exp %max3A_399 : vector<16xf32>
        tpu.vector_store_idx %arg10[%add3A_402], %exp3A_403 : memref<2048xf32, #tpu.memory_space<vmem>>[vector<16xi32>], vector<16xf32>,
        %get3A_404 = arith.constant 32 : index
        %get3A_405 = tpu.vector_load %arg12[%get3A_404] {strides = array<i32>} : memref<128xi32, #tpu.memory_space<vmem>>, vector<16xi32>,
        %mul3A_406 = arith.constant 4 : i32
        %mul3A_407 = vector.broadcast %mul3A_406 : i32 to vector<16xi32>
        %mul3A_408 = arith.muli %get3A_405, %mul3A_407 : vector<16xi32>
        %get3A_409 = arith.constant 32 : index
        %get3A_410 = tpu.vector_load %arg14[%get3A_409] {strides = array<i32>} : memref<128xi32, #tpu.memory_space<vmem>>, vector<16xi32>,
        %mul3A_411 = arith.constant 4 : i32
        %mul3A_412 = vector.broadcast %mul3A_411 : i32 to vector<16xi32>
        %mul3A_413 = arith.muli %get3A_410, %mul3A_412 : vector<16xi32>
        %add3A_414 = arith.constant 0 : i32
        %add3A_415 = vector.broadcast %add3A_414 : i32 to vector<16xi32>
        %add3A_416 = arith.addi %mul3A_408, %add3A_415 : vector<16xi32>
        %gather3A_417 = tpu.vector_load_idx %arg7[%add3A_416] : memref<40960xf32, #tpu.memory_space<vmem>>[vector<16xi32>], vector<16xf32>,
        %add3A_418 = arith.constant 2 : i32
        %add3A_419 = vector.broadcast %add3A_418 : i32 to vector<16xi32>
        %add3A_420 = arith.addi %mul3A_413, %add3A_419 : vector<16xi32>
        %gather3A_421 = tpu.vector_load_idx %arg7[%add3A_420] : memref<40960xf32, #tpu.memory_space<vmem>>[vector<16xi32>], vector<16xf32>,
        %add3A_422 = arith.addf %gather3A_417, %gather3A_421 : vector<16xf32>
        %mul3A_423 = arith.constant 2.000000e-01 : f32
        %mul3A_424 = vector.broadcast %mul3A_423 : f32 to vector<16xf32>
        %mul3A_425 = arith.mulf %add3A_422, %mul3A_424 : vector<16xf32>
        %max3A_426 = arith.maximumf %add3A_422, %mul3A_425 : vector<16xf32>
        %add3A_427 = arith.constant 512 : i32
        %add3A_428 = vector.broadcast %add3A_427 : i32 to vector<16xi32>
        %add3A_429 = arith.addi %mul3A_27, %add3A_428 : vector<16xi32>
        %exp3A_430 = math.exp %max3A_426 : vector<16xf32>
        tpu.vector_store_idx %arg10[%add3A_429], %exp3A_430 : memref<2048xf32, #tpu.memory_space<vmem>>[vector<16xi32>], vector<16xf32>,
        %add3A_431 = arith.constant 1 : i32
        %add3A_432 = vector.broadcast %add3A_431 : i32 to vector<16xi32>
        %add3A_433 = arith.addi %mul3A_408, %add3A_432 : vector<16xi32>
        %gather3A_434 = tpu.vector_load_idx %arg7[%add3A_433] : memref<40960xf32, #tpu.memory_space<vmem>>[vector<16xi32>], vector<16xf32>,
        %add3A_435 = arith.constant 3 : i32
        %add3A_436 = vector.broadcast %add3A_435 : i32 to vector<16xi32>
        %add3A_437 = arith.addi %mul3A_413, %add3A_436 : vector<16xi32>
        %gather3A_438 = tpu.vector_load_idx %arg7[%add3A_437] : memref<40960xf32, #tpu.memory_space<vmem>>[vector<16xi32>], vector<16xf32>,
        %add3A_439 = arith.addf %gather3A_434, %gather3A_438 : vector<16xf32>
        %mul3A_440 = arith.constant 2.000000e-01 : f32
        %mul3A_441 = vector.broadcast %mul3A_440 : f32 to vector<16xf32>
        %mul3A_442 = arith.mulf %add3A_439, %mul3A_441 : vector<16xf32>
        %max3A_443 = arith.maximumf %add3A_439, %mul3A_442 : vector<16xf32>
        %add3A_444 = arith.constant 513 : i32
        %add3A_445 = vector.broadcast %add3A_444 : i32 to vector<16xi32>
        %add3A_446 = arith.addi %mul3A_27, %add3A_445 : vector<16xi32>
        %exp3A_447 = math.exp %max3A_443 : vector<16xf32>
        tpu.vector_store_idx %arg10[%add3A_446], %exp3A_447 : memref<2048xf32, #tpu.memory_space<vmem>>[vector<16xi32>], vector<16xf32>,
        %get3A_448 = arith.constant 48 : index
        %get3A_449 = tpu.vector_load %arg12[%get3A_448] {strides = array<i32>} : memref<128xi32, #tpu.memory_space<vmem>>, vector<16xi32>,
        %mul3A_450 = arith.constant 4 : i32
        %mul3A_451 = vector.broadcast %mul3A_450 : i32 to vector<16xi32>
        %mul3A_452 = arith.muli %get3A_449, %mul3A_451 : vector<16xi32>
        %get3A_453 = arith.constant 48 : index
        %get3A_454 = tpu.vector_load %arg14[%get3A_453] {strides = array<i32>} : memref<128xi32, #tpu.memory_space<vmem>>, vector<16xi32>,
        %mul3A_455 = arith.constant 4 : i32
        %mul3A_456 = vector.broadcast %mul3A_455 : i32 to vector<16xi32>
        %mul3A_457 = arith.muli %get3A_454, %mul3A_456 : vector<16xi32>
        %add3A_458 = arith.constant 0 : i32
        %add3A_459 = vector.broadcast %add3A_458 : i32 to vector<16xi32>
        %add3A_460 = arith.addi %mul3A_452, %add3A_459 : vector<16xi32>
        %gather3A_461 = tpu.vector_load_idx %arg7[%add3A_460] : memref<40960xf32, #tpu.memory_space<vmem>>[vector<16xi32>], vector<16xf32>,
        %add3A_462 = arith.constant 2 : i32
        %add3A_463 = vector.broadcast %add3A_462 : i32 to vector<16xi32>
        %add3A_464 = arith.addi %mul3A_457, %add3A_463 : vector<16xi32>
        %gather3A_465 = tpu.vector_load_idx %arg7[%add3A_464] : memref<40960xf32, #tpu.memory_space<vmem>>[vector<16xi32>], vector<16xf32>,
        %add3A_466 = arith.addf %gather3A_461, %gather3A_465 : vector<16xf32>
        %mul3A_467 = arith.constant 2.000000e-01 : f32
        %mul3A_468 = vector.broadcast %mul3A_467 : f32 to vector<16xf32>
        %mul3A_469 = arith.mulf %add3A_466, %mul3A_468 : vector<16xf32>
        %max3A_470 = arith.maximumf %add3A_466, %mul3A_469 : vector<16xf32>
        %add3A_471 = arith.constant 768 : i32
        %add3A_472 = vector.broadcast %add3A_471 : i32 to vector<16xi32>
        %add3A_473 = arith.addi %mul3A_27, %add3A_472 : vector<16xi32>
        %exp3A_474 = math.exp %max3A_470 : vector<16xf32>
        tpu.vector_store_idx %arg10[%add3A_473], %exp3A_474 : memref<2048xf32, #tpu.memory_space<vmem>>[vector<16xi32>], vector<16xf32>,
        %add3A_475 = arith.constant 1 : i32
        %add3A_476 = vector.broadcast %add3A_475 : i32 to vector<16xi32>
        %add3A_477 = arith.addi %mul3A_452, %add3A_476 : vector<16xi32>
        %gather3A_478 = tpu.vector_load_idx %arg7[%add3A_477] : memref<40960xf32, #tpu.memory_space<vmem>>[vector<16xi32>], vector<16xf32>,
        %add3A_479 = arith.constant 3 : i32
        %add3A_480 = vector.broadcast %add3A_479 : i32 to vector<16xi32>
        %add3A_481 = arith.addi %mul3A_457, %add3A_480 : vector<16xi32>
        %gather3A_482 = tpu.vector_load_idx %arg7[%add3A_481] : memref<40960xf32, #tpu.memory_space<vmem>>[vector<16xi32>], vector<16xf32>,
        %add3A_483 = arith.addf %gather3A_478, %gather3A_482 : vector<16xf32>
        %mul3A_484 = arith.constant 2.000000e-01 : f32
        %mul3A_485 = vector.broadcast %mul3A_484 : f32 to vector<16xf32>
        %mul3A_486 = arith.mulf %add3A_483, %mul3A_485 : vector<16xf32>
        %max3A_487 = arith.maximumf %add3A_483, %mul3A_486 : vector<16xf32>
        %add3A_488 = arith.constant 769 : i32
        %add3A_489 = vector.broadcast %add3A_488 : i32 to vector<16xi32>
        %add3A_490 = arith.addi %mul3A_27, %add3A_489 : vector<16xi32>
        %exp3A_491 = math.exp %max3A_487 : vector<16xf32>
        tpu.vector_store_idx %arg10[%add3A_490], %exp3A_491 : memref<2048xf32, #tpu.memory_space<vmem>>[vector<16xi32>], vector<16xf32>,
        %get3A_492 = arith.constant 64 : index
        %get3A_493 = tpu.vector_load %arg12[%get3A_492] {strides = array<i32>} : memref<128xi32, #tpu.memory_space<vmem>>, vector<16xi32>,
        %mul3A_494 = arith.constant 4 : i32
        %mul3A_495 = vector.broadcast %mul3A_494 : i32 to vector<16xi32>
        %mul3A_496 = arith.muli %get3A_493, %mul3A_495 : vector<16xi32>
        %get3A_497 = arith.constant 64 : index
        %get3A_498 = tpu.vector_load %arg14[%get3A_497] {strides = array<i32>} : memref<128xi32, #tpu.memory_space<vmem>>, vector<16xi32>,
        %mul3A_499 = arith.constant 4 : i32
        %mul3A_500 = vector.broadcast %mul3A_499 : i32 to vector<16xi32>
        %mul3A_501 = arith.muli %get3A_498, %mul3A_500 : vector<16xi32>
        %add3A_502 = arith.constant 0 : i32
        %add3A_503 = vector.broadcast %add3A_502 : i32 to vector<16xi32>
        %add3A_504 = arith.addi %mul3A_496, %add3A_503 : vector<16xi32>
        %gather3A_505 = tpu.vector_load_idx %arg7[%add3A_504] : memref<40960xf32, #tpu.memory_space<vmem>>[vector<16xi32>], vector<16xf32>,
        %add3A_506 = arith.constant 2 : i32
        %add3A_507 = vector.broadcast %add3A_506 : i32 to vector<16xi32>
        %add3A_508 = arith.addi %mul3A_501, %add3A_507 : vector<16xi32>
        %gather3A_509 = tpu.vector_load_idx %arg7[%add3A_508] : memref<40960xf32, #tpu.memory_space<vmem>>[vector<16xi32>], vector<16xf32>,
        %add3A_510 = arith.addf %gather3A_505, %gather3A_509 : vector<16xf32>
        %mul3A_511 = arith.constant 2.000000e-01 : f32
        %mul3A_512 = vector.broadcast %mul3A_511 : f32 to vector<16xf32>
        %mul3A_513 = arith.mulf %add3A_510, %mul3A_512 : vector<16xf32>
        %max3A_514 = arith.maximumf %add3A_510, %mul3A_513 : vector<16xf32>
        %add3A_515 = arith.constant 1024 : i32
        %add3A_516 = vector.broadcast %add3A_515 : i32 to vector<16xi32>
        %add3A_517 = arith.addi %mul3A_27, %add3A_516 : vector<16xi32>
        %exp3A_518 = math.exp %max3A_514 : vector<16xf32>
        tpu.vector_store_idx %arg10[%add3A_517], %exp3A_518 : memref<2048xf32, #tpu.memory_space<vmem>>[vector<16xi32>], vector<16xf32>,
        %add3A_519 = arith.constant 1 : i32
        %add3A_520 = vector.broadcast %add3A_519 : i32 to vector<16xi32>
        %add3A_521 = arith.addi %mul3A_496, %add3A_520 : vector<16xi32>
        %gather3A_522 = tpu.vector_load_idx %arg7[%add3A_521] : memref<40960xf32, #tpu.memory_space<vmem>>[vector<16xi32>], vector<16xf32>,
        %add3A_523 = arith.constant 3 : i32
        %add3A_524 = vector.broadcast %add3A_523 : i32 to vector<16xi32>
        %add3A_525 = arith.addi %mul3A_501, %add3A_524 : vector<16xi32>
        %gather3A_526 = tpu.vector_load_idx %arg7[%add3A_525] : memref<40960xf32, #tpu.memory_space<vmem>>[vector<16xi32>], vector<16xf32>,
        %add3A_527 = arith.addf %gather3A_522, %gather3A_526 : vector<16xf32>
        %mul3A_528 = arith.constant 2.000000e-01 : f32
        %mul3A_529 = vector.broadcast %mul3A_528 : f32 to vector<16xf32>
        %mul3A_530 = arith.mulf %add3A_527, %mul3A_529 : vector<16xf32>
        %max3A_531 = arith.maximumf %add3A_527, %mul3A_530 : vector<16xf32>
        %add3A_532 = arith.constant 1025 : i32
        %add3A_533 = vector.broadcast %add3A_532 : i32 to vector<16xi32>
        %add3A_534 = arith.addi %mul3A_27, %add3A_533 : vector<16xi32>
        %exp3A_535 = math.exp %max3A_531 : vector<16xf32>
        tpu.vector_store_idx %arg10[%add3A_534], %exp3A_535 : memref<2048xf32, #tpu.memory_space<vmem>>[vector<16xi32>], vector<16xf32>,
        %get3A_536 = arith.constant 80 : index
        %get3A_537 = tpu.vector_load %arg12[%get3A_536] {strides = array<i32>} : memref<128xi32, #tpu.memory_space<vmem>>, vector<16xi32>,
        %mul3A_538 = arith.constant 4 : i32
        %mul3A_539 = vector.broadcast %mul3A_538 : i32 to vector<16xi32>
        %mul3A_540 = arith.muli %get3A_537, %mul3A_539 : vector<16xi32>
        %get3A_541 = arith.constant 80 : index
        %get3A_542 = tpu.vector_load %arg14[%get3A_541] {strides = array<i32>} : memref<128xi32, #tpu.memory_space<vmem>>, vector<16xi32>,
        %mul3A_543 = arith.constant 4 : i32
        %mul3A_544 = vector.broadcast %mul3A_543 : i32 to vector<16xi32>
        %mul3A_545 = arith.muli %get3A_542, %mul3A_544 : vector<16xi32>
        %add3A_546 = arith.constant 0 : i32
        %add3A_547 = vector.broadcast %add3A_546 : i32 to vector<16xi32>
        %add3A_548 = arith.addi %mul3A_540, %add3A_547 : vector<16xi32>
        %gather3A_549 = tpu.vector_load_idx %arg7[%add3A_548] : memref<40960xf32, #tpu.memory_space<vmem>>[vector<16xi32>], vector<16xf32>,
        %add3A_550 = arith.constant 2 : i32
        %add3A_551 = vector.broadcast %add3A_550 : i32 to vector<16xi32>
        %add3A_552 = arith.addi %mul3A_545, %add3A_551 : vector<16xi32>
        %gather3A_553 = tpu.vector_load_idx %arg7[%add3A_552] : memref<40960xf32, #tpu.memory_space<vmem>>[vector<16xi32>], vector<16xf32>,
        %add3A_554 = arith.addf %gather3A_549, %gather3A_553 : vector<16xf32>
        %mul3A_555 = arith.constant 2.000000e-01 : f32
        %mul3A_556 = vector.broadcast %mul3A_555 : f32 to vector<16xf32>
        %mul3A_557 = arith.mulf %add3A_554, %mul3A_556 : vector<16xf32>
        %max3A_558 = arith.maximumf %add3A_554, %mul3A_557 : vector<16xf32>
        %add3A_559 = arith.constant 1280 : i32
        %add3A_560 = vector.broadcast %add3A_559 : i32 to vector<16xi32>
        %add3A_561 = arith.addi %mul3A_27, %add3A_560 : vector<16xi32>
        %exp3A_562 = math.exp %max3A_558 : vector<16xf32>
        tpu.vector_store_idx %arg10[%add3A_561], %exp3A_562 : memref<2048xf32, #tpu.memory_space<vmem>>[vector<16xi32>], vector<16xf32>,
        %add3A_563 = arith.constant 1 : i32
        %add3A_564 = vector.broadcast %add3A_563 : i32 to vector<16xi32>
        %add3A_565 = arith.addi %mul3A_540, %add3A_564 : vector<16xi32>
        %gather3A_566 = tpu.vector_load_idx %arg7[%add3A_565] : memref<40960xf32, #tpu.memory_space<vmem>>[vector<16xi32>], vector<16xf32>,
        %add3A_567 = arith.constant 3 : i32
        %add3A_568 = vector.broadcast %add3A_567 : i32 to vector<16xi32>
        %add3A_569 = arith.addi %mul3A_545, %add3A_568 : vector<16xi32>
        %gather3A_570 = tpu.vector_load_idx %arg7[%add3A_569] : memref<40960xf32, #tpu.memory_space<vmem>>[vector<16xi32>], vector<16xf32>,
        %add3A_571 = arith.addf %gather3A_566, %gather3A_570 : vector<16xf32>
        %mul3A_572 = arith.constant 2.000000e-01 : f32
        %mul3A_573 = vector.broadcast %mul3A_572 : f32 to vector<16xf32>
        %mul3A_574 = arith.mulf %add3A_571, %mul3A_573 : vector<16xf32>
        %max3A_575 = arith.maximumf %add3A_571, %mul3A_574 : vector<16xf32>
        %add3A_576 = arith.constant 1281 : i32
        %add3A_577 = vector.broadcast %add3A_576 : i32 to vector<16xi32>
        %add3A_578 = arith.addi %mul3A_27, %add3A_577 : vector<16xi32>
        %exp3A_579 = math.exp %max3A_575 : vector<16xf32>
        tpu.vector_store_idx %arg10[%add3A_578], %exp3A_579 : memref<2048xf32, #tpu.memory_space<vmem>>[vector<16xi32>], vector<16xf32>,
        %get3A_580 = arith.constant 96 : index
        %get3A_581 = tpu.vector_load %arg12[%get3A_580] {strides = array<i32>} : memref<128xi32, #tpu.memory_space<vmem>>, vector<16xi32>,
        %mul3A_582 = arith.constant 4 : i32
        %mul3A_583 = vector.broadcast %mul3A_582 : i32 to vector<16xi32>
        %mul3A_584 = arith.muli %get3A_581, %mul3A_583 : vector<16xi32>
        %get3A_585 = arith.constant 96 : index
        %get3A_586 = tpu.vector_load %arg14[%get3A_585] {strides = array<i32>} : memref<128xi32, #tpu.memory_space<vmem>>, vector<16xi32>,
        %mul3A_587 = arith.constant 4 : i32
        %mul3A_588 = vector.broadcast %mul3A_587 : i32 to vector<16xi32>
        %mul3A_589 = arith.muli %get3A_586, %mul3A_588 : vector<16xi32>
        %add3A_590 = arith.constant 0 : i32
        %add3A_591 = vector.broadcast %add3A_590 : i32 to vector<16xi32>
        %add3A_592 = arith.addi %mul3A_584, %add3A_591 : vector<16xi32>
        %gather3A_593 = tpu.vector_load_idx %arg7[%add3A_592] : memref<40960xf32, #tpu.memory_space<vmem>>[vector<16xi32>], vector<16xf32>,
        %add3A_594 = arith.constant 2 : i32
        %add3A_595 = vector.broadcast %add3A_594 : i32 to vector<16xi32>
        %add3A_596 = arith.addi %mul3A_589, %add3A_595 : vector<16xi32>
        %gather3A_597 = tpu.vector_load_idx %arg7[%add3A_596] : memref<40960xf32, #tpu.memory_space<vmem>>[vector<16xi32>], vector<16xf32>,
        %add3A_598 = arith.addf %gather3A_593, %gather3A_597 : vector<16xf32>
        %mul3A_599 = arith.constant 2.000000e-01 : f32
        %mul3A_600 = vector.broadcast %mul3A_599 : f32 to vector<16xf32>
        %mul3A_601 = arith.mulf %add3A_598, %mul3A_600 : vector<16xf32>
        %max3A_602 = arith.maximumf %add3A_598, %mul3A_601 : vector<16xf32>
        %add3A_603 = arith.constant 1536 : i32
        %add3A_604 = vector.broadcast %add3A_603 : i32 to vector<16xi32>
        %add3A_605 = arith.addi %mul3A_27, %add3A_604 : vector<16xi32>
        %exp3A_606 = math.exp %max3A_602 : vector<16xf32>
        tpu.vector_store_idx %arg10[%add3A_605], %exp3A_606 : memref<2048xf32, #tpu.memory_space<vmem>>[vector<16xi32>], vector<16xf32>,
        %add3A_607 = arith.constant 1 : i32
        %add3A_608 = vector.broadcast %add3A_607 : i32 to vector<16xi32>
        %add3A_609 = arith.addi %mul3A_584, %add3A_608 : vector<16xi32>
        %gather3A_610 = tpu.vector_load_idx %arg7[%add3A_609] : memref<40960xf32, #tpu.memory_space<vmem>>[vector<16xi32>], vector<16xf32>,
        %add3A_611 = arith.constant 3 : i32
        %add3A_612 = vector.broadcast %add3A_611 : i32 to vector<16xi32>
        %add3A_613 = arith.addi %mul3A_589, %add3A_612 : vector<16xi32>
        %gather3A_614 = tpu.vector_load_idx %arg7[%add3A_613] : memref<40960xf32, #tpu.memory_space<vmem>>[vector<16xi32>], vector<16xf32>,
        %add3A_615 = arith.addf %gather3A_610, %gather3A_614 : vector<16xf32>
        %mul3A_616 = arith.constant 2.000000e-01 : f32
        %mul3A_617 = vector.broadcast %mul3A_616 : f32 to vector<16xf32>
        %mul3A_618 = arith.mulf %add3A_615, %mul3A_617 : vector<16xf32>
        %max3A_619 = arith.maximumf %add3A_615, %mul3A_618 : vector<16xf32>
        %add3A_620 = arith.constant 1537 : i32
        %add3A_621 = vector.broadcast %add3A_620 : i32 to vector<16xi32>
        %add3A_622 = arith.addi %mul3A_27, %add3A_621 : vector<16xi32>
        %exp3A_623 = math.exp %max3A_619 : vector<16xf32>
        tpu.vector_store_idx %arg10[%add3A_622], %exp3A_623 : memref<2048xf32, #tpu.memory_space<vmem>>[vector<16xi32>], vector<16xf32>,
        %get3A_624 = arith.constant 112 : index
        %get3A_625 = tpu.vector_load %arg12[%get3A_624] {strides = array<i32>} : memref<128xi32, #tpu.memory_space<vmem>>, vector<16xi32>,
        %mul3A_626 = arith.constant 4 : i32
        %mul3A_627 = vector.broadcast %mul3A_626 : i32 to vector<16xi32>
        %mul3A_628 = arith.muli %get3A_625, %mul3A_627 : vector<16xi32>
        %get3A_629 = arith.constant 112 : index
        %get3A_630 = tpu.vector_load %arg14[%get3A_629] {strides = array<i32>} : memref<128xi32, #tpu.memory_space<vmem>>, vector<16xi32>,
        %mul3A_631 = arith.constant 4 : i32
        %mul3A_632 = vector.broadcast %mul3A_631 : i32 to vector<16xi32>
        %mul3A_633 = arith.muli %get3A_630, %mul3A_632 : vector<16xi32>
        %add3A_634 = arith.constant 0 : i32
        %add3A_635 = vector.broadcast %add3A_634 : i32 to vector<16xi32>
        %add3A_636 = arith.addi %mul3A_628, %add3A_635 : vector<16xi32>
        %gather3A_637 = tpu.vector_load_idx %arg7[%add3A_636] : memref<40960xf32, #tpu.memory_space<vmem>>[vector<16xi32>], vector<16xf32>,
        %add3A_638 = arith.constant 2 : i32
        %add3A_639 = vector.broadcast %add3A_638 : i32 to vector<16xi32>
        %add3A_640 = arith.addi %mul3A_633, %add3A_639 : vector<16xi32>
        %gather3A_641 = tpu.vector_load_idx %arg7[%add3A_640] : memref<40960xf32, #tpu.memory_space<vmem>>[vector<16xi32>], vector<16xf32>,
        %add3A_642 = arith.addf %gather3A_637, %gather3A_641 : vector<16xf32>
        %mul3A_643 = arith.constant 2.000000e-01 : f32
        %mul3A_644 = vector.broadcast %mul3A_643 : f32 to vector<16xf32>
        %mul3A_645 = arith.mulf %add3A_642, %mul3A_644 : vector<16xf32>
        %max3A_646 = arith.maximumf %add3A_642, %mul3A_645 : vector<16xf32>
        %add3A_647 = arith.constant 1792 : i32
        %add3A_648 = vector.broadcast %add3A_647 : i32 to vector<16xi32>
        %add3A_649 = arith.addi %mul3A_27, %add3A_648 : vector<16xi32>
        %exp3A_650 = math.exp %max3A_646 : vector<16xf32>
        tpu.vector_store_idx %arg10[%add3A_649], %exp3A_650 : memref<2048xf32, #tpu.memory_space<vmem>>[vector<16xi32>], vector<16xf32>,
        %add3A_651 = arith.constant 1 : i32
        %add3A_652 = vector.broadcast %add3A_651 : i32 to vector<16xi32>
        %add3A_653 = arith.addi %mul3A_628, %add3A_652 : vector<16xi32>
        %gather3A_654 = tpu.vector_load_idx %arg7[%add3A_653] : memref<40960xf32, #tpu.memory_space<vmem>>[vector<16xi32>], vector<16xf32>,
        %add3A_655 = arith.constant 3 : i32
        %add3A_656 = vector.broadcast %add3A_655 : i32 to vector<16xi32>
        %add3A_657 = arith.addi %mul3A_633, %add3A_656 : vector<16xi32>
        %gather3A_658 = tpu.vector_load_idx %arg7[%add3A_657] : memref<40960xf32, #tpu.memory_space<vmem>>[vector<16xi32>], vector<16xf32>,
        %add3A_659 = arith.addf %gather3A_654, %gather3A_658 : vector<16xf32>
        %mul3A_660 = arith.constant 2.000000e-01 : f32
        %mul3A_661 = vector.broadcast %mul3A_660 : f32 to vector<16xf32>
        %mul3A_662 = arith.mulf %add3A_659, %mul3A_661 : vector<16xf32>
        %max3A_663 = arith.maximumf %add3A_659, %mul3A_662 : vector<16xf32>
        %add3A_664 = arith.constant 1793 : i32
        %add3A_665 = vector.broadcast %add3A_664 : i32 to vector<16xi32>
        %add3A_666 = arith.addi %mul3A_27, %add3A_665 : vector<16xi32>
        %exp3A_667 = math.exp %max3A_663 : vector<16xf32>
        tpu.vector_store_idx %arg10[%add3A_666], %exp3A_667 : memref<2048xf32, #tpu.memory_space<vmem>>[vector<16xi32>], vector<16xf32>,
        %get3A_668 = arith.constant 0 : index
        %get3A_669 = tpu.vector_load %arg13[%get3A_668] {strides = array<i32>} : memref<128xi32, #tpu.memory_space<vmem>>, vector<16xi32>,
        %mul3A_670 = arith.constant 4 : i32
        %mul3A_671 = vector.broadcast %mul3A_670 : i32 to vector<16xi32>
        %mul3A_672 = arith.muli %get3A_669, %mul3A_671 : vector<16xi32>
        %get3A_673 = arith.constant 0 : index
        %get3A_674 = tpu.vector_load %arg16[%get3A_673] {strides = array<i32>} : memref<128xi32, #tpu.memory_space<vmem>>, vector<16xi32>,
        %mul3A_675 = arith.constant 4 : i32
        %mul3A_676 = vector.broadcast %mul3A_675 : i32 to vector<16xi32>
        %mul3A_677 = arith.muli %get3A_674, %mul3A_676 : vector<16xi32>
        %add3A_678 = arith.constant 0 : i32
        %add3A_679 = vector.broadcast %add3A_678 : i32 to vector<16xi32>
        %add3A_680 = arith.addi %mul3A_672, %add3A_679 : vector<16xi32>
        %gather3A_681 = tpu.vector_load_idx %arg7[%add3A_680] : memref<40960xf32, #tpu.memory_space<vmem>>[vector<16xi32>], vector<16xf32>,
        %add3A_682 = arith.constant 2 : i32
        %add3A_683 = vector.broadcast %add3A_682 : i32 to vector<16xi32>
        %add3A_684 = arith.addi %mul3A_677, %add3A_683 : vector<16xi32>
        %gather3A_685 = tpu.vector_load_idx %arg7[%add3A_684] : memref<40960xf32, #tpu.memory_space<vmem>>[vector<16xi32>], vector<16xf32>,
        %add3A_686 = arith.addf %gather3A_681, %gather3A_685 : vector<16xf32>
        %mul3A_687 = arith.constant 2.000000e-01 : f32
        %mul3A_688 = vector.broadcast %mul3A_687 : f32 to vector<16xf32>
        %mul3A_689 = arith.mulf %add3A_686, %mul3A_688 : vector<16xf32>
        %max3A_690 = arith.maximumf %add3A_686, %mul3A_689 : vector<16xf32>
        %add3A_691 = arith.constant 0 : i32
        %add3A_692 = vector.broadcast %add3A_691 : i32 to vector<16xi32>
        %add3A_693 = arith.addi %mul3A_27, %add3A_692 : vector<16xi32>
        %exp3A_694 = math.exp %max3A_690 : vector<16xf32>
        tpu.vector_store_idx %arg11[%add3A_693], %exp3A_694 : memref<2048xf32, #tpu.memory_space<vmem>>[vector<16xi32>], vector<16xf32>,
        %add3A_695 = arith.constant 1 : i32
        %add3A_696 = vector.broadcast %add3A_695 : i32 to vector<16xi32>
        %add3A_697 = arith.addi %mul3A_672, %add3A_696 : vector<16xi32>
        %gather3A_698 = tpu.vector_load_idx %arg7[%add3A_697] : memref<40960xf32, #tpu.memory_space<vmem>>[vector<16xi32>], vector<16xf32>,
        %add3A_699 = arith.constant 3 : i32
        %add3A_700 = vector.broadcast %add3A_699 : i32 to vector<16xi32>
        %add3A_701 = arith.addi %mul3A_677, %add3A_700 : vector<16xi32>
        %gather3A_702 = tpu.vector_load_idx %arg7[%add3A_701] : memref<40960xf32, #tpu.memory_space<vmem>>[vector<16xi32>], vector<16xf32>,
        %add3A_703 = arith.addf %gather3A_698, %gather3A_702 : vector<16xf32>
        %mul3A_704 = arith.constant 2.000000e-01 : f32
        %mul3A_705 = vector.broadcast %mul3A_704 : f32 to vector<16xf32>
        %mul3A_706 = arith.mulf %add3A_703, %mul3A_705 : vector<16xf32>
        %max3A_707 = arith.maximumf %add3A_703, %mul3A_706 : vector<16xf32>
        %add3A_708 = arith.constant 1 : i32
        %add3A_709 = vector.broadcast %add3A_708 : i32 to vector<16xi32>
        %add3A_710 = arith.addi %mul3A_27, %add3A_709 : vector<16xi32>
        %exp3A_711 = math.exp %max3A_707 : vector<16xf32>
        tpu.vector_store_idx %arg11[%add3A_710], %exp3A_711 : memref<2048xf32, #tpu.memory_space<vmem>>[vector<16xi32>], vector<16xf32>,
        %get3A_712 = arith.constant 16 : index
        %get3A_713 = tpu.vector_load %arg13[%get3A_712] {strides = array<i32>} : memref<128xi32, #tpu.memory_space<vmem>>, vector<16xi32>,
        %mul3A_714 = arith.constant 4 : i32
        %mul3A_715 = vector.broadcast %mul3A_714 : i32 to vector<16xi32>
        %mul3A_716 = arith.muli %get3A_713, %mul3A_715 : vector<16xi32>
        %get3A_717 = arith.constant 16 : index
        %get3A_718 = tpu.vector_load %arg16[%get3A_717] {strides = array<i32>} : memref<128xi32, #tpu.memory_space<vmem>>, vector<16xi32>,
        %mul3A_719 = arith.constant 4 : i32
        %mul3A_720 = vector.broadcast %mul3A_719 : i32 to vector<16xi32>
        %mul3A_721 = arith.muli %get3A_718, %mul3A_720 : vector<16xi32>
        %add3A_722 = arith.constant 0 : i32
        %add3A_723 = vector.broadcast %add3A_722 : i32 to vector<16xi32>
        %add3A_724 = arith.addi %mul3A_716, %add3A_723 : vector<16xi32>
        %gather3A_725 = tpu.vector_load_idx %arg7[%add3A_724] : memref<40960xf32, #tpu.memory_space<vmem>>[vector<16xi32>], vector<16xf32>,
        %add3A_726 = arith.constant 2 : i32
        %add3A_727 = vector.broadcast %add3A_726 : i32 to vector<16xi32>
        %add3A_728 = arith.addi %mul3A_721, %add3A_727 : vector<16xi32>
        %gather3A_729 = tpu.vector_load_idx %arg7[%add3A_728] : memref<40960xf32, #tpu.memory_space<vmem>>[vector<16xi32>], vector<16xf32>,
        %add3A_730 = arith.addf %gather3A_725, %gather3A_729 : vector<16xf32>
        %mul3A_731 = arith.constant 2.000000e-01 : f32
        %mul3A_732 = vector.broadcast %mul3A_731 : f32 to vector<16xf32>
        %mul3A_733 = arith.mulf %add3A_730, %mul3A_732 : vector<16xf32>
        %max3A_734 = arith.maximumf %add3A_730, %mul3A_733 : vector<16xf32>
        %add3A_735 = arith.constant 256 : i32
        %add3A_736 = vector.broadcast %add3A_735 : i32 to vector<16xi32>
        %add3A_737 = arith.addi %mul3A_27, %add3A_736 : vector<16xi32>
        %exp3A_738 = math.exp %max3A_734 : vector<16xf32>
        tpu.vector_store_idx %arg11[%add3A_737], %exp3A_738 : memref<2048xf32, #tpu.memory_space<vmem>>[vector<16xi32>], vector<16xf32>,
        %add3A_739 = arith.constant 1 : i32
        %add3A_740 = vector.broadcast %add3A_739 : i32 to vector<16xi32>
        %add3A_741 = arith.addi %mul3A_716, %add3A_740 : vector<16xi32>
        %gather3A_742 = tpu.vector_load_idx %arg7[%add3A_741] : memref<40960xf32, #tpu.memory_space<vmem>>[vector<16xi32>], vector<16xf32>,
        %add3A_743 = arith.constant 3 : i32
        %add3A_744 = vector.broadcast %add3A_743 : i32 to vector<16xi32>
        %add3A_745 = arith.addi %mul3A_721, %add3A_744 : vector<16xi32>
        %gather3A_746 = tpu.vector_load_idx %arg7[%add3A_745] : memref<40960xf32, #tpu.memory_space<vmem>>[vector<16xi32>], vector<16xf32>,
        %add3A_747 = arith.addf %gather3A_742, %gather3A_746 : vector<16xf32>
        %mul3A_748 = arith.constant 2.000000e-01 : f32
        %mul3A_749 = vector.broadcast %mul3A_748 : f32 to vector<16xf32>
        %mul3A_750 = arith.mulf %add3A_747, %mul3A_749 : vector<16xf32>
        %max3A_751 = arith.maximumf %add3A_747, %mul3A_750 : vector<16xf32>
        %add3A_752 = arith.constant 257 : i32
        %add3A_753 = vector.broadcast %add3A_752 : i32 to vector<16xi32>
        %add3A_754 = arith.addi %mul3A_27, %add3A_753 : vector<16xi32>
        %exp3A_755 = math.exp %max3A_751 : vector<16xf32>
        tpu.vector_store_idx %arg11[%add3A_754], %exp3A_755 : memref<2048xf32, #tpu.memory_space<vmem>>[vector<16xi32>], vector<16xf32>,
        %get3A_756 = arith.constant 32 : index
        %get3A_757 = tpu.vector_load %arg13[%get3A_756] {strides = array<i32>} : memref<128xi32, #tpu.memory_space<vmem>>, vector<16xi32>,
        %mul3A_758 = arith.constant 4 : i32
        %mul3A_759 = vector.broadcast %mul3A_758 : i32 to vector<16xi32>
        %mul3A_760 = arith.muli %get3A_757, %mul3A_759 : vector<16xi32>
        %get3A_761 = arith.constant 32 : index
        %get3A_762 = tpu.vector_load %arg16[%get3A_761] {strides = array<i32>} : memref<128xi32, #tpu.memory_space<vmem>>, vector<16xi32>,
        %mul3A_763 = arith.constant 4 : i32
        %mul3A_764 = vector.broadcast %mul3A_763 : i32 to vector<16xi32>
        %mul3A_765 = arith.muli %get3A_762, %mul3A_764 : vector<16xi32>
        %add3A_766 = arith.constant 0 : i32
        %add3A_767 = vector.broadcast %add3A_766 : i32 to vector<16xi32>
        %add3A_768 = arith.addi %mul3A_760, %add3A_767 : vector<16xi32>
        %gather3A_769 = tpu.vector_load_idx %arg7[%add3A_768] : memref<40960xf32, #tpu.memory_space<vmem>>[vector<16xi32>], vector<16xf32>,
        %add3A_770 = arith.constant 2 : i32
        %add3A_771 = vector.broadcast %add3A_770 : i32 to vector<16xi32>
        %add3A_772 = arith.addi %mul3A_765, %add3A_771 : vector<16xi32>
        %gather3A_773 = tpu.vector_load_idx %arg7[%add3A_772] : memref<40960xf32, #tpu.memory_space<vmem>>[vector<16xi32>], vector<16xf32>,
        %add3A_774 = arith.addf %gather3A_769, %gather3A_773 : vector<16xf32>
        %mul3A_775 = arith.constant 2.000000e-01 : f32
        %mul3A_776 = vector.broadcast %mul3A_775 : f32 to vector<16xf32>
        %mul3A_777 = arith.mulf %add3A_774, %mul3A_776 : vector<16xf32>
        %max3A_778 = arith.maximumf %add3A_774, %mul3A_777 : vector<16xf32>
        %add3A_779 = arith.constant 512 : i32
        %add3A_780 = vector.broadcast %add3A_779 : i32 to vector<16xi32>
        %add3A_781 = arith.addi %mul3A_27, %add3A_780 : vector<16xi32>
        %exp3A_782 = math.exp %max3A_778 : vector<16xf32>
        tpu.vector_store_idx %arg11[%add3A_781], %exp3A_782 : memref<2048xf32, #tpu.memory_space<vmem>>[vector<16xi32>], vector<16xf32>,
        %add3A_783 = arith.constant 1 : i32
        %add3A_784 = vector.broadcast %add3A_783 : i32 to vector<16xi32>
        %add3A_785 = arith.addi %mul3A_760, %add3A_784 : vector<16xi32>
        %gather3A_786 = tpu.vector_load_idx %arg7[%add3A_785] : memref<40960xf32, #tpu.memory_space<vmem>>[vector<16xi32>], vector<16xf32>,
        %add3A_787 = arith.constant 3 : i32
        %add3A_788 = vector.broadcast %add3A_787 : i32 to vector<16xi32>
        %add3A_789 = arith.addi %mul3A_765, %add3A_788 : vector<16xi32>
        %gather3A_790 = tpu.vector_load_idx %arg7[%add3A_789] : memref<40960xf32, #tpu.memory_space<vmem>>[vector<16xi32>], vector<16xf32>,
        %add3A_791 = arith.addf %gather3A_786, %gather3A_790 : vector<16xf32>
        %mul3A_792 = arith.constant 2.000000e-01 : f32
        %mul3A_793 = vector.broadcast %mul3A_792 : f32 to vector<16xf32>
        %mul3A_794 = arith.mulf %add3A_791, %mul3A_793 : vector<16xf32>
        %max3A_795 = arith.maximumf %add3A_791, %mul3A_794 : vector<16xf32>
        %add3A_796 = arith.constant 513 : i32
        %add3A_797 = vector.broadcast %add3A_796 : i32 to vector<16xi32>
        %add3A_798 = arith.addi %mul3A_27, %add3A_797 : vector<16xi32>
        %exp3A_799 = math.exp %max3A_795 : vector<16xf32>
        tpu.vector_store_idx %arg11[%add3A_798], %exp3A_799 : memref<2048xf32, #tpu.memory_space<vmem>>[vector<16xi32>], vector<16xf32>,
        %get3A_800 = arith.constant 48 : index
        %get3A_801 = tpu.vector_load %arg13[%get3A_800] {strides = array<i32>} : memref<128xi32, #tpu.memory_space<vmem>>, vector<16xi32>,
        %mul3A_802 = arith.constant 4 : i32
        %mul3A_803 = vector.broadcast %mul3A_802 : i32 to vector<16xi32>
        %mul3A_804 = arith.muli %get3A_801, %mul3A_803 : vector<16xi32>
        %get3A_805 = arith.constant 48 : index
        %get3A_806 = tpu.vector_load %arg16[%get3A_805] {strides = array<i32>} : memref<128xi32, #tpu.memory_space<vmem>>, vector<16xi32>,
        %mul3A_807 = arith.constant 4 : i32
        %mul3A_808 = vector.broadcast %mul3A_807 : i32 to vector<16xi32>
        %mul3A_809 = arith.muli %get3A_806, %mul3A_808 : vector<16xi32>
        %add3A_810 = arith.constant 0 : i32
        %add3A_811 = vector.broadcast %add3A_810 : i32 to vector<16xi32>
        %add3A_812 = arith.addi %mul3A_804, %add3A_811 : vector<16xi32>
        %gather3A_813 = tpu.vector_load_idx %arg7[%add3A_812] : memref<40960xf32, #tpu.memory_space<vmem>>[vector<16xi32>], vector<16xf32>,
        %add3A_814 = arith.constant 2 : i32
        %add3A_815 = vector.broadcast %add3A_814 : i32 to vector<16xi32>
        %add3A_816 = arith.addi %mul3A_809, %add3A_815 : vector<16xi32>
        %gather3A_817 = tpu.vector_load_idx %arg7[%add3A_816] : memref<40960xf32, #tpu.memory_space<vmem>>[vector<16xi32>], vector<16xf32>,
        %add3A_818 = arith.addf %gather3A_813, %gather3A_817 : vector<16xf32>
        %mul3A_819 = arith.constant 2.000000e-01 : f32
        %mul3A_820 = vector.broadcast %mul3A_819 : f32 to vector<16xf32>
        %mul3A_821 = arith.mulf %add3A_818, %mul3A_820 : vector<16xf32>
        %max3A_822 = arith.maximumf %add3A_818, %mul3A_821 : vector<16xf32>
        %add3A_823 = arith.constant 768 : i32
        %add3A_824 = vector.broadcast %add3A_823 : i32 to vector<16xi32>
        %add3A_825 = arith.addi %mul3A_27, %add3A_824 : vector<16xi32>
        %exp3A_826 = math.exp %max3A_822 : vector<16xf32>
        tpu.vector_store_idx %arg11[%add3A_825], %exp3A_826 : memref<2048xf32, #tpu.memory_space<vmem>>[vector<16xi32>], vector<16xf32>,
        %add3A_827 = arith.constant 1 : i32
        %add3A_828 = vector.broadcast %add3A_827 : i32 to vector<16xi32>
        %add3A_829 = arith.addi %mul3A_804, %add3A_828 : vector<16xi32>
        %gather3A_830 = tpu.vector_load_idx %arg7[%add3A_829] : memref<40960xf32, #tpu.memory_space<vmem>>[vector<16xi32>], vector<16xf32>,
        %add3A_831 = arith.constant 3 : i32
        %add3A_832 = vector.broadcast %add3A_831 : i32 to vector<16xi32>
        %add3A_833 = arith.addi %mul3A_809, %add3A_832 : vector<16xi32>
        %gather3A_834 = tpu.vector_load_idx %arg7[%add3A_833] : memref<40960xf32, #tpu.memory_space<vmem>>[vector<16xi32>], vector<16xf32>,
        %add3A_835 = arith.addf %gather3A_830, %gather3A_834 : vector<16xf32>
        %mul3A_836 = arith.constant 2.000000e-01 : f32
        %mul3A_837 = vector.broadcast %mul3A_836 : f32 to vector<16xf32>
        %mul3A_838 = arith.mulf %add3A_835, %mul3A_837 : vector<16xf32>
        %max3A_839 = arith.maximumf %add3A_835, %mul3A_838 : vector<16xf32>
        %add3A_840 = arith.constant 769 : i32
        %add3A_841 = vector.broadcast %add3A_840 : i32 to vector<16xi32>
        %add3A_842 = arith.addi %mul3A_27, %add3A_841 : vector<16xi32>
        %exp3A_843 = math.exp %max3A_839 : vector<16xf32>
        tpu.vector_store_idx %arg11[%add3A_842], %exp3A_843 : memref<2048xf32, #tpu.memory_space<vmem>>[vector<16xi32>], vector<16xf32>,
        %get3A_844 = arith.constant 64 : index
        %get3A_845 = tpu.vector_load %arg13[%get3A_844] {strides = array<i32>} : memref<128xi32, #tpu.memory_space<vmem>>, vector<16xi32>,
        %mul3A_846 = arith.constant 4 : i32
        %mul3A_847 = vector.broadcast %mul3A_846 : i32 to vector<16xi32>
        %mul3A_848 = arith.muli %get3A_845, %mul3A_847 : vector<16xi32>
        %get3A_849 = arith.constant 64 : index
        %get3A_850 = tpu.vector_load %arg16[%get3A_849] {strides = array<i32>} : memref<128xi32, #tpu.memory_space<vmem>>, vector<16xi32>,
        %mul3A_851 = arith.constant 4 : i32
        %mul3A_852 = vector.broadcast %mul3A_851 : i32 to vector<16xi32>
        %mul3A_853 = arith.muli %get3A_850, %mul3A_852 : vector<16xi32>
        %add3A_854 = arith.constant 0 : i32
        %add3A_855 = vector.broadcast %add3A_854 : i32 to vector<16xi32>
        %add3A_856 = arith.addi %mul3A_848, %add3A_855 : vector<16xi32>
        %gather3A_857 = tpu.vector_load_idx %arg7[%add3A_856] : memref<40960xf32, #tpu.memory_space<vmem>>[vector<16xi32>], vector<16xf32>,
        %add3A_858 = arith.constant 2 : i32
        %add3A_859 = vector.broadcast %add3A_858 : i32 to vector<16xi32>
        %add3A_860 = arith.addi %mul3A_853, %add3A_859 : vector<16xi32>
        %gather3A_861 = tpu.vector_load_idx %arg7[%add3A_860] : memref<40960xf32, #tpu.memory_space<vmem>>[vector<16xi32>], vector<16xf32>,
        %add3A_862 = arith.addf %gather3A_857, %gather3A_861 : vector<16xf32>
        %mul3A_863 = arith.constant 2.000000e-01 : f32
        %mul3A_864 = vector.broadcast %mul3A_863 : f32 to vector<16xf32>
        %mul3A_865 = arith.mulf %add3A_862, %mul3A_864 : vector<16xf32>
        %max3A_866 = arith.maximumf %add3A_862, %mul3A_865 : vector<16xf32>
        %add3A_867 = arith.constant 1024 : i32
        %add3A_868 = vector.broadcast %add3A_867 : i32 to vector<16xi32>
        %add3A_869 = arith.addi %mul3A_27, %add3A_868 : vector<16xi32>
        %exp3A_870 = math.exp %max3A_866 : vector<16xf32>
        tpu.vector_store_idx %arg11[%add3A_869], %exp3A_870 : memref<2048xf32, #tpu.memory_space<vmem>>[vector<16xi32>], vector<16xf32>,
        %add3A_871 = arith.constant 1 : i32
        %add3A_872 = vector.broadcast %add3A_871 : i32 to vector<16xi32>
        %add3A_873 = arith.addi %mul3A_848, %add3A_872 : vector<16xi32>
        %gather3A_874 = tpu.vector_load_idx %arg7[%add3A_873] : memref<40960xf32, #tpu.memory_space<vmem>>[vector<16xi32>], vector<16xf32>,
        %add3A_875 = arith.constant 3 : i32
        %add3A_876 = vector.broadcast %add3A_875 : i32 to vector<16xi32>
        %add3A_877 = arith.addi %mul3A_853, %add3A_876 : vector<16xi32>
        %gather3A_878 = tpu.vector_load_idx %arg7[%add3A_877] : memref<40960xf32, #tpu.memory_space<vmem>>[vector<16xi32>], vector<16xf32>,
        %add3A_879 = arith.addf %gather3A_874, %gather3A_878 : vector<16xf32>
        %mul3A_880 = arith.constant 2.000000e-01 : f32
        %mul3A_881 = vector.broadcast %mul3A_880 : f32 to vector<16xf32>
        %mul3A_882 = arith.mulf %add3A_879, %mul3A_881 : vector<16xf32>
        %max3A_883 = arith.maximumf %add3A_879, %mul3A_882 : vector<16xf32>
        %add3A_884 = arith.constant 1025 : i32
        %add3A_885 = vector.broadcast %add3A_884 : i32 to vector<16xi32>
        %add3A_886 = arith.addi %mul3A_27, %add3A_885 : vector<16xi32>
        %exp3A_887 = math.exp %max3A_883 : vector<16xf32>
        tpu.vector_store_idx %arg11[%add3A_886], %exp3A_887 : memref<2048xf32, #tpu.memory_space<vmem>>[vector<16xi32>], vector<16xf32>,
        %get3A_888 = arith.constant 80 : index
        %get3A_889 = tpu.vector_load %arg13[%get3A_888] {strides = array<i32>} : memref<128xi32, #tpu.memory_space<vmem>>, vector<16xi32>,
        %mul3A_890 = arith.constant 4 : i32
        %mul3A_891 = vector.broadcast %mul3A_890 : i32 to vector<16xi32>
        %mul3A_892 = arith.muli %get3A_889, %mul3A_891 : vector<16xi32>
        %get3A_893 = arith.constant 80 : index
        %get3A_894 = tpu.vector_load %arg16[%get3A_893] {strides = array<i32>} : memref<128xi32, #tpu.memory_space<vmem>>, vector<16xi32>,
        %mul3A_895 = arith.constant 4 : i32
        %mul3A_896 = vector.broadcast %mul3A_895 : i32 to vector<16xi32>
        %mul3A_897 = arith.muli %get3A_894, %mul3A_896 : vector<16xi32>
        %add3A_898 = arith.constant 0 : i32
        %add3A_899 = vector.broadcast %add3A_898 : i32 to vector<16xi32>
        %add3A_900 = arith.addi %mul3A_892, %add3A_899 : vector<16xi32>
        %gather3A_901 = tpu.vector_load_idx %arg7[%add3A_900] : memref<40960xf32, #tpu.memory_space<vmem>>[vector<16xi32>], vector<16xf32>,
        %add3A_902 = arith.constant 2 : i32
        %add3A_903 = vector.broadcast %add3A_902 : i32 to vector<16xi32>
        %add3A_904 = arith.addi %mul3A_897, %add3A_903 : vector<16xi32>
        %gather3A_905 = tpu.vector_load_idx %arg7[%add3A_904] : memref<40960xf32, #tpu.memory_space<vmem>>[vector<16xi32>], vector<16xf32>,
        %add3A_906 = arith.addf %gather3A_901, %gather3A_905 : vector<16xf32>
        %mul3A_907 = arith.constant 2.000000e-01 : f32
        %mul3A_908 = vector.broadcast %mul3A_907 : f32 to vector<16xf32>
        %mul3A_909 = arith.mulf %add3A_906, %mul3A_908 : vector<16xf32>
        %max3A_910 = arith.maximumf %add3A_906, %mul3A_909 : vector<16xf32>
        %add3A_911 = arith.constant 1280 : i32
        %add3A_912 = vector.broadcast %add3A_911 : i32 to vector<16xi32>
        %add3A_913 = arith.addi %mul3A_27, %add3A_912 : vector<16xi32>
        %exp3A_914 = math.exp %max3A_910 : vector<16xf32>
        tpu.vector_store_idx %arg11[%add3A_913], %exp3A_914 : memref<2048xf32, #tpu.memory_space<vmem>>[vector<16xi32>], vector<16xf32>,
        %add3A_915 = arith.constant 1 : i32
        %add3A_916 = vector.broadcast %add3A_915 : i32 to vector<16xi32>
        %add3A_917 = arith.addi %mul3A_892, %add3A_916 : vector<16xi32>
        %gather3A_918 = tpu.vector_load_idx %arg7[%add3A_917] : memref<40960xf32, #tpu.memory_space<vmem>>[vector<16xi32>], vector<16xf32>,
        %add3A_919 = arith.constant 3 : i32
        %add3A_920 = vector.broadcast %add3A_919 : i32 to vector<16xi32>
        %add3A_921 = arith.addi %mul3A_897, %add3A_920 : vector<16xi32>
        %gather3A_922 = tpu.vector_load_idx %arg7[%add3A_921] : memref<40960xf32, #tpu.memory_space<vmem>>[vector<16xi32>], vector<16xf32>,
        %add3A_923 = arith.addf %gather3A_918, %gather3A_922 : vector<16xf32>
        %mul3A_924 = arith.constant 2.000000e-01 : f32
        %mul3A_925 = vector.broadcast %mul3A_924 : f32 to vector<16xf32>
        %mul3A_926 = arith.mulf %add3A_923, %mul3A_925 : vector<16xf32>
        %max3A_927 = arith.maximumf %add3A_923, %mul3A_926 : vector<16xf32>
        %add3A_928 = arith.constant 1281 : i32
        %add3A_929 = vector.broadcast %add3A_928 : i32 to vector<16xi32>
        %add3A_930 = arith.addi %mul3A_27, %add3A_929 : vector<16xi32>
        %exp3A_931 = math.exp %max3A_927 : vector<16xf32>
        tpu.vector_store_idx %arg11[%add3A_930], %exp3A_931 : memref<2048xf32, #tpu.memory_space<vmem>>[vector<16xi32>], vector<16xf32>,
        %get3A_932 = arith.constant 96 : index
        %get3A_933 = tpu.vector_load %arg13[%get3A_932] {strides = array<i32>} : memref<128xi32, #tpu.memory_space<vmem>>, vector<16xi32>,
        %mul3A_934 = arith.constant 4 : i32
        %mul3A_935 = vector.broadcast %mul3A_934 : i32 to vector<16xi32>
        %mul3A_936 = arith.muli %get3A_933, %mul3A_935 : vector<16xi32>
        %get3A_937 = arith.constant 96 : index
        %get3A_938 = tpu.vector_load %arg16[%get3A_937] {strides = array<i32>} : memref<128xi32, #tpu.memory_space<vmem>>, vector<16xi32>,
        %mul3A_939 = arith.constant 4 : i32
        %mul3A_940 = vector.broadcast %mul3A_939 : i32 to vector<16xi32>
        %mul3A_941 = arith.muli %get3A_938, %mul3A_940 : vector<16xi32>
        %add3A_942 = arith.constant 0 : i32
        %add3A_943 = vector.broadcast %add3A_942 : i32 to vector<16xi32>
        %add3A_944 = arith.addi %mul3A_936, %add3A_943 : vector<16xi32>
        %gather3A_945 = tpu.vector_load_idx %arg7[%add3A_944] : memref<40960xf32, #tpu.memory_space<vmem>>[vector<16xi32>], vector<16xf32>,
        %add3A_946 = arith.constant 2 : i32
        %add3A_947 = vector.broadcast %add3A_946 : i32 to vector<16xi32>
        %add3A_948 = arith.addi %mul3A_941, %add3A_947 : vector<16xi32>
        %gather3A_949 = tpu.vector_load_idx %arg7[%add3A_948] : memref<40960xf32, #tpu.memory_space<vmem>>[vector<16xi32>], vector<16xf32>,
        %add3A_950 = arith.addf %gather3A_945, %gather3A_949 : vector<16xf32>
        %mul3A_951 = arith.constant 2.000000e-01 : f32
        %mul3A_952 = vector.broadcast %mul3A_951 : f32 to vector<16xf32>
        %mul3A_953 = arith.mulf %add3A_950, %mul3A_952 : vector<16xf32>
        %max3A_954 = arith.maximumf %add3A_950, %mul3A_953 : vector<16xf32>
        %add3A_955 = arith.constant 1536 : i32
        %add3A_956 = vector.broadcast %add3A_955 : i32 to vector<16xi32>
        %add3A_957 = arith.addi %mul3A_27, %add3A_956 : vector<16xi32>
        %exp3A_958 = math.exp %max3A_954 : vector<16xf32>
        tpu.vector_store_idx %arg11[%add3A_957], %exp3A_958 : memref<2048xf32, #tpu.memory_space<vmem>>[vector<16xi32>], vector<16xf32>,
        %add3A_959 = arith.constant 1 : i32
        %add3A_960 = vector.broadcast %add3A_959 : i32 to vector<16xi32>
        %add3A_961 = arith.addi %mul3A_936, %add3A_960 : vector<16xi32>
        %gather3A_962 = tpu.vector_load_idx %arg7[%add3A_961] : memref<40960xf32, #tpu.memory_space<vmem>>[vector<16xi32>], vector<16xf32>,
        %add3A_963 = arith.constant 3 : i32
        %add3A_964 = vector.broadcast %add3A_963 : i32 to vector<16xi32>
        %add3A_965 = arith.addi %mul3A_941, %add3A_964 : vector<16xi32>
        %gather3A_966 = tpu.vector_load_idx %arg7[%add3A_965] : memref<40960xf32, #tpu.memory_space<vmem>>[vector<16xi32>], vector<16xf32>,
        %add3A_967 = arith.addf %gather3A_962, %gather3A_966 : vector<16xf32>
        %mul3A_968 = arith.constant 2.000000e-01 : f32
        %mul3A_969 = vector.broadcast %mul3A_968 : f32 to vector<16xf32>
        %mul3A_970 = arith.mulf %add3A_967, %mul3A_969 : vector<16xf32>
        %max3A_971 = arith.maximumf %add3A_967, %mul3A_970 : vector<16xf32>
        %add3A_972 = arith.constant 1537 : i32
        %add3A_973 = vector.broadcast %add3A_972 : i32 to vector<16xi32>
        %add3A_974 = arith.addi %mul3A_27, %add3A_973 : vector<16xi32>
        %exp3A_975 = math.exp %max3A_971 : vector<16xf32>
        tpu.vector_store_idx %arg11[%add3A_974], %exp3A_975 : memref<2048xf32, #tpu.memory_space<vmem>>[vector<16xi32>], vector<16xf32>,
        %get3A_976 = arith.constant 112 : index
        %get3A_977 = tpu.vector_load %arg13[%get3A_976] {strides = array<i32>} : memref<128xi32, #tpu.memory_space<vmem>>, vector<16xi32>,
        %mul3A_978 = arith.constant 4 : i32
        %mul3A_979 = vector.broadcast %mul3A_978 : i32 to vector<16xi32>
        %mul3A_980 = arith.muli %get3A_977, %mul3A_979 : vector<16xi32>
        %get3A_981 = arith.constant 112 : index
        %get3A_982 = tpu.vector_load %arg16[%get3A_981] {strides = array<i32>} : memref<128xi32, #tpu.memory_space<vmem>>, vector<16xi32>,
        %mul3A_983 = arith.constant 4 : i32
        %mul3A_984 = vector.broadcast %mul3A_983 : i32 to vector<16xi32>
        %mul3A_985 = arith.muli %get3A_982, %mul3A_984 : vector<16xi32>
        %add3A_986 = arith.constant 0 : i32
        %add3A_987 = vector.broadcast %add3A_986 : i32 to vector<16xi32>
        %add3A_988 = arith.addi %mul3A_980, %add3A_987 : vector<16xi32>
        %gather3A_989 = tpu.vector_load_idx %arg7[%add3A_988] : memref<40960xf32, #tpu.memory_space<vmem>>[vector<16xi32>], vector<16xf32>,
        %add3A_990 = arith.constant 2 : i32
        %add3A_991 = vector.broadcast %add3A_990 : i32 to vector<16xi32>
        %add3A_992 = arith.addi %mul3A_985, %add3A_991 : vector<16xi32>
        %gather3A_993 = tpu.vector_load_idx %arg7[%add3A_992] : memref<40960xf32, #tpu.memory_space<vmem>>[vector<16xi32>], vector<16xf32>,
        %add3A_994 = arith.addf %gather3A_989, %gather3A_993 : vector<16xf32>
        %mul3A_995 = arith.constant 2.000000e-01 : f32
        %mul3A_996 = vector.broadcast %mul3A_995 : f32 to vector<16xf32>
        %mul3A_997 = arith.mulf %add3A_994, %mul3A_996 : vector<16xf32>
        %max3A_998 = arith.maximumf %add3A_994, %mul3A_997 : vector<16xf32>
        %add3A_999 = arith.constant 1792 : i32
        %add3A_1000 = vector.broadcast %add3A_999 : i32 to vector<16xi32>
        %add3A_1001 = arith.addi %mul3A_27, %add3A_1000 : vector<16xi32>
        %exp3A_1002 = math.exp %max3A_998 : vector<16xf32>
        tpu.vector_store_idx %arg11[%add3A_1001], %exp3A_1002 : memref<2048xf32, #tpu.memory_space<vmem>>[vector<16xi32>], vector<16xf32>,
        %add3A_1003 = arith.constant 1 : i32
        %add3A_1004 = vector.broadcast %add3A_1003 : i32 to vector<16xi32>
        %add3A_1005 = arith.addi %mul3A_980, %add3A_1004 : vector<16xi32>
        %gather3A_1006 = tpu.vector_load_idx %arg7[%add3A_1005] : memref<40960xf32, #tpu.memory_space<vmem>>[vector<16xi32>], vector<16xf32>,
        %add3A_1007 = arith.constant 3 : i32
        %add3A_1008 = vector.broadcast %add3A_1007 : i32 to vector<16xi32>
        %add3A_1009 = arith.addi %mul3A_985, %add3A_1008 : vector<16xi32>
        %gather3A_1010 = tpu.vector_load_idx %arg7[%add3A_1009] : memref<40960xf32, #tpu.memory_space<vmem>>[vector<16xi32>], vector<16xf32>,
        %add3A_1011 = arith.addf %gather3A_1006, %gather3A_1010 : vector<16xf32>
        %mul3A_1012 = arith.constant 2.000000e-01 : f32
        %mul3A_1013 = vector.broadcast %mul3A_1012 : f32 to vector<16xf32>
        %mul3A_1014 = arith.mulf %add3A_1011, %mul3A_1013 : vector<16xf32>
        %max3A_1015 = arith.maximumf %add3A_1011, %mul3A_1014 : vector<16xf32>
        %add3A_1016 = arith.constant 1793 : i32
        %add3A_1017 = vector.broadcast %add3A_1016 : i32 to vector<16xi32>
        %add3A_1018 = arith.addi %mul3A_27, %add3A_1017 : vector<16xi32>
        %exp3A_1019 = math.exp %max3A_1015 : vector<16xf32>
        tpu.vector_store_idx %arg11[%add3A_1018], %exp3A_1019 : memref<2048xf32, #tpu.memory_space<vmem>>[vector<16xi32>], vector<16xf32>,
        %dma_wait3A = arith.constant 0 : i32
        %dma_wait3A_1020 = arith.constant 0 : i32
        %dma_wait3A_1021 = tpu.memref_slice %arg2[%dma_wait3A, %dma_wait3A_1020] : memref<20480x80xf32, #tpu.memory_space<hbm>> -> memref<20480x80xf32, #tpu.memory_space<hbm>>
        tpu.wait_indirect_dma semaphore(%arg21 : memref<!tpu.dma_semaphore, #tpu.memory_space<semaphore_mem>>) src(%dma_wait3A_1021 : memref<20480x80xf32, #tpu.memory_space<hbm>>) dst(%arg8 : memref<128x80xf32, #tpu.memory_space<vmem>>)
        %scan3A_1022 = arith.constant 0 : i32
        %scan3A_1023 = arith.constant 0 : i32
        %scan3A_1024 = arith.constant 128 : i32
        %scan3A_1025 = arith.addi %scan3A_1023, %scan3A_1024 : i32
        %scan3A_1026 = arith.constant 1 : i32
        scf.for %scan3A_1037 = %scan3A_1023 to %scan3A_1025 step %scan3A_1026  : i32 {
          %mul3A_1038 = arith.constant 16 : i32
          %mul3A_1039 = arith.muli %scan3A_1037, %mul3A_1038 : i32
          %get3A_1040 = arith.index_cast %mul3A_1039 : i32 to index
          %get3A_1041 = tpu.vector_load %arg10[%get3A_1040] {strides = array<i32>} : memref<2048xf32, #tpu.memory_space<vmem>>, vector<16xf32>,
          %slice3A = vector.extract_strided_slice %get3A_1041 {offsets = [0], sizes = [1], strides = [1]} : vector<16xf32> to vector<1xf32>
          %squeeze3A = vector.extract %slice3A[0] : f32 from vector<1xf32>
          %get3A_1042 = arith.index_cast %scan3A_1037 : i32 to index
          %get3A_1043 = arith.constant 0 : index
          %get3A_1044 = tpu.vector_load %arg8[%get3A_1042, %get3A_1043] {strides = array<i32>} : memref<128x80xf32, #tpu.memory_space<vmem>>, vector<16xf32>,
          %mul3A_1045 = vector.broadcast %squeeze3A : f32 to vector<16xf32>
          %mul3A_1046 = arith.mulf %get3A_1044, %mul3A_1045 : vector<16xf32>
          %swap3A_1047 = arith.index_cast %scan3A_1037 : i32 to index
          %swap3A_1048 = arith.constant 0 : index
          %swap3A_1049 = tpu.vector_load %arg8[%swap3A_1047, %swap3A_1048] {strides = array<i32>} : memref<128x80xf32, #tpu.memory_space<vmem>>, vector<16xf32>,
          tpu.vector_store %arg8[%swap3A_1047, %swap3A_1048], %mul3A_1046 {strides = array<i32>} : memref<128x80xf32, #tpu.memory_space<vmem>>, vector<16xf32>,
          %slice3A_1050 = vector.extract_strided_slice %get3A_1041 {offsets = [0], sizes = [1], strides = [1]} : vector<16xf32> to vector<1xf32>
          %squeeze3A_1051 = vector.extract %slice3A_1050[0] : f32 from vector<1xf32>
          %get3A_1052 = arith.index_cast %scan3A_1037 : i32 to index
          %get3A_1053 = arith.constant 16 : index
          %get3A_1054 = tpu.vector_load %arg8[%get3A_1052, %get3A_1053] {strides = array<i32>} : memref<128x80xf32, #tpu.memory_space<vmem>>, vector<16xf32>,
          %mul3A_1055 = vector.broadcast %squeeze3A_1051 : f32 to vector<16xf32>
          %mul3A_1056 = arith.mulf %get3A_1054, %mul3A_1055 : vector<16xf32>
          %swap3A_1057 = arith.index_cast %scan3A_1037 : i32 to index
          %swap3A_1058 = arith.constant 16 : index
          %swap3A_1059 = tpu.vector_load %arg8[%swap3A_1057, %swap3A_1058] {strides = array<i32>} : memref<128x80xf32, #tpu.memory_space<vmem>>, vector<16xf32>,
          tpu.vector_store %arg8[%swap3A_1057, %swap3A_1058], %mul3A_1056 {strides = array<i32>} : memref<128x80xf32, #tpu.memory_space<vmem>>, vector<16xf32>,
          %slice3A_1060 = vector.extract_strided_slice %get3A_1041 {offsets = [1], sizes = [1], strides = [1]} : vector<16xf32> to vector<1xf32>
          %squeeze3A_1061 = vector.extract %slice3A_1060[0] : f32 from vector<1xf32>
          %get3A_1062 = arith.index_cast %scan3A_1037 : i32 to index
          %get3A_1063 = arith.constant 32 : index
          %get3A_1064 = tpu.vector_load %arg8[%get3A_1062, %get3A_1063] {strides = array<i32>} : memref<128x80xf32, #tpu.memory_space<vmem>>, vector<16xf32>,
          %mul3A_1065 = vector.broadcast %squeeze3A_1061 : f32 to vector<16xf32>
          %mul3A_1066 = arith.mulf %get3A_1064, %mul3A_1065 : vector<16xf32>
          %swap3A_1067 = arith.index_cast %scan3A_1037 : i32 to index
          %swap3A_1068 = arith.constant 32 : index
          %swap3A_1069 = tpu.vector_load %arg8[%swap3A_1067, %swap3A_1068] {strides = array<i32>} : memref<128x80xf32, #tpu.memory_space<vmem>>, vector<16xf32>,
          tpu.vector_store %arg8[%swap3A_1067, %swap3A_1068], %mul3A_1066 {strides = array<i32>} : memref<128x80xf32, #tpu.memory_space<vmem>>, vector<16xf32>,
          %slice3A_1070 = vector.extract_strided_slice %get3A_1041 {offsets = [1], sizes = [1], strides = [1]} : vector<16xf32> to vector<1xf32>
          %squeeze3A_1071 = vector.extract %slice3A_1070[0] : f32 from vector<1xf32>
          %get3A_1072 = arith.index_cast %scan3A_1037 : i32 to index
          %get3A_1073 = arith.constant 48 : index
          %get3A_1074 = tpu.vector_load %arg8[%get3A_1072, %get3A_1073] {strides = array<i32>} : memref<128x80xf32, #tpu.memory_space<vmem>>, vector<16xf32>,
          %mul3A_1075 = vector.broadcast %squeeze3A_1071 : f32 to vector<16xf32>
          %mul3A_1076 = arith.mulf %get3A_1074, %mul3A_1075 : vector<16xf32>
          %swap3A_1077 = arith.index_cast %scan3A_1037 : i32 to index
          %swap3A_1078 = arith.constant 48 : index
          %swap3A_1079 = tpu.vector_load %arg8[%swap3A_1077, %swap3A_1078] {strides = array<i32>} : memref<128x80xf32, #tpu.memory_space<vmem>>, vector<16xf32>,
          tpu.vector_store %arg8[%swap3A_1077, %swap3A_1078], %mul3A_1076 {strides = array<i32>} : memref<128x80xf32, #tpu.memory_space<vmem>>, vector<16xf32>,
          %get3A_1080 = arith.index_cast %scan3A_1037 : i32 to index
          %get3A_1081 = arith.constant 64 : index
          %get3A_1082 = tpu.vector_load %arg8[%get3A_1080, %get3A_1081] {strides = array<i32>} : memref<128x80xf32, #tpu.memory_space<vmem>>, vector<16xf32>,
          %mul3A_1083 = arith.mulf %get3A_1082, %get3A_1041 : vector<16xf32>
          %swap3A_1084 = arith.index_cast %scan3A_1037 : i32 to index
          %swap3A_1085 = arith.constant 64 : index
          %swap3A_1086 = tpu.vector_load %arg8[%swap3A_1084, %swap3A_1085] {strides = array<i32>} : memref<128x80xf32, #tpu.memory_space<vmem>>, vector<16xf32>,
          tpu.vector_store %arg8[%swap3A_1084, %swap3A_1085], %mul3A_1083 {strides = array<i32>} : memref<128x80xf32, #tpu.memory_space<vmem>>, vector<16xf32>,
        }
        %scan3A_1027 = arith.constant 128 : i32
        "tpu.region"() ({
          %run_scoped3A = tpu.sem_alloc : memref<!tpu.dma_semaphore, #tpu.memory_space<semaphore_mem>>
          %dma_start3A_1037 = arith.constant 0 : i32
          %dma_start3A_1038 = arith.constant 0 : i32
          %dma_start3A_1039 = tpu.memref_slice %arg20[%dma_start3A_1037, %dma_start3A_1038] : memref<10240x80xf32, #tpu.memory_space<vmem_shared>> -> memref<10240x80xf32, #tpu.memory_space<vmem_shared>>
          tpu.enqueue_indirect_dma source(%arg8 : memref<128x80xf32, #tpu.memory_space<vmem>>) target(%dma_start3A_1039 : memref<10240x80xf32, #tpu.memory_space<vmem_shared>>) offsets(%arg14 : memref<128xi32, #tpu.memory_space<vmem>>) semaphore(%run_scoped3A : memref<!tpu.dma_semaphore, #tpu.memory_space<semaphore_mem>>) {add = true}
          %dma_wait3A_1040 = arith.constant 0 : i32
          %dma_wait3A_1041 = arith.constant 0 : i32
          %dma_wait3A_1042 = tpu.memref_slice %arg20[%dma_wait3A_1040, %dma_wait3A_1041] : memref<10240x80xf32, #tpu.memory_space<vmem_shared>> -> memref<10240x80xf32, #tpu.memory_space<vmem_shared>>
          tpu.wait_indirect_dma semaphore(%run_scoped3A : memref<!tpu.dma_semaphore, #tpu.memory_space<semaphore_mem>>) src(%arg8 : memref<128x80xf32, #tpu.memory_space<vmem>>) dst(%dma_wait3A_1042 : memref<10240x80xf32, #tpu.memory_space<vmem_shared>>)
          tpu.yield
        }) : () -> ()
        %dma_wait3A_1028 = arith.constant 0 : i32
        %dma_wait3A_1029 = arith.constant 0 : i32
        %dma_wait3A_1030 = tpu.memref_slice %arg2[%dma_wait3A_1028, %dma_wait3A_1029] : memref<20480x80xf32, #tpu.memory_space<hbm>> -> memref<20480x80xf32, #tpu.memory_space<hbm>>
        tpu.wait_indirect_dma semaphore(%arg22 : memref<!tpu.dma_semaphore, #tpu.memory_space<semaphore_mem>>) src(%dma_wait3A_1030 : memref<20480x80xf32, #tpu.memory_space<hbm>>) dst(%arg9 : memref<128x80xf32, #tpu.memory_space<vmem>>)
        %scan3A_1031 = arith.constant 0 : i32
        %scan3A_1032 = arith.constant 0 : i32
        %scan3A_1033 = arith.constant 128 : i32
        %scan3A_1034 = arith.addi %scan3A_1032, %scan3A_1033 : i32
        %scan3A_1035 = arith.constant 1 : i32
        scf.for %scan3A_1037 = %scan3A_1032 to %scan3A_1034 step %scan3A_1035  : i32 {
          %mul3A_1038 = arith.constant 16 : i32
          %mul3A_1039 = arith.muli %scan3A_1037, %mul3A_1038 : i32
          %get3A_1040 = arith.index_cast %mul3A_1039 : i32 to index
          %get3A_1041 = tpu.vector_load %arg11[%get3A_1040] {strides = array<i32>} : memref<2048xf32, #tpu.memory_space<vmem>>, vector<16xf32>,
          %slice3A = vector.extract_strided_slice %get3A_1041 {offsets = [0], sizes = [1], strides = [1]} : vector<16xf32> to vector<1xf32>
          %squeeze3A = vector.extract %slice3A[0] : f32 from vector<1xf32>
          %get3A_1042 = arith.index_cast %scan3A_1037 : i32 to index
          %get3A_1043 = arith.constant 0 : index
          %get3A_1044 = tpu.vector_load %arg9[%get3A_1042, %get3A_1043] {strides = array<i32>} : memref<128x80xf32, #tpu.memory_space<vmem>>, vector<16xf32>,
          %mul3A_1045 = vector.broadcast %squeeze3A : f32 to vector<16xf32>
          %mul3A_1046 = arith.mulf %get3A_1044, %mul3A_1045 : vector<16xf32>
          %swap3A_1047 = arith.index_cast %scan3A_1037 : i32 to index
          %swap3A_1048 = arith.constant 0 : index
          %swap3A_1049 = tpu.vector_load %arg9[%swap3A_1047, %swap3A_1048] {strides = array<i32>} : memref<128x80xf32, #tpu.memory_space<vmem>>, vector<16xf32>,
          tpu.vector_store %arg9[%swap3A_1047, %swap3A_1048], %mul3A_1046 {strides = array<i32>} : memref<128x80xf32, #tpu.memory_space<vmem>>, vector<16xf32>,
          %slice3A_1050 = vector.extract_strided_slice %get3A_1041 {offsets = [0], sizes = [1], strides = [1]} : vector<16xf32> to vector<1xf32>
          %squeeze3A_1051 = vector.extract %slice3A_1050[0] : f32 from vector<1xf32>
          %get3A_1052 = arith.index_cast %scan3A_1037 : i32 to index
          %get3A_1053 = arith.constant 16 : index
          %get3A_1054 = tpu.vector_load %arg9[%get3A_1052, %get3A_1053] {strides = array<i32>} : memref<128x80xf32, #tpu.memory_space<vmem>>, vector<16xf32>,
          %mul3A_1055 = vector.broadcast %squeeze3A_1051 : f32 to vector<16xf32>
          %mul3A_1056 = arith.mulf %get3A_1054, %mul3A_1055 : vector<16xf32>
          %swap3A_1057 = arith.index_cast %scan3A_1037 : i32 to index
          %swap3A_1058 = arith.constant 16 : index
          %swap3A_1059 = tpu.vector_load %arg9[%swap3A_1057, %swap3A_1058] {strides = array<i32>} : memref<128x80xf32, #tpu.memory_space<vmem>>, vector<16xf32>,
          tpu.vector_store %arg9[%swap3A_1057, %swap3A_1058], %mul3A_1056 {strides = array<i32>} : memref<128x80xf32, #tpu.memory_space<vmem>>, vector<16xf32>,
          %slice3A_1060 = vector.extract_strided_slice %get3A_1041 {offsets = [1], sizes = [1], strides = [1]} : vector<16xf32> to vector<1xf32>
          %squeeze3A_1061 = vector.extract %slice3A_1060[0] : f32 from vector<1xf32>
          %get3A_1062 = arith.index_cast %scan3A_1037 : i32 to index
          %get3A_1063 = arith.constant 32 : index
          %get3A_1064 = tpu.vector_load %arg9[%get3A_1062, %get3A_1063] {strides = array<i32>} : memref<128x80xf32, #tpu.memory_space<vmem>>, vector<16xf32>,
          %mul3A_1065 = vector.broadcast %squeeze3A_1061 : f32 to vector<16xf32>
          %mul3A_1066 = arith.mulf %get3A_1064, %mul3A_1065 : vector<16xf32>
          %swap3A_1067 = arith.index_cast %scan3A_1037 : i32 to index
          %swap3A_1068 = arith.constant 32 : index
          %swap3A_1069 = tpu.vector_load %arg9[%swap3A_1067, %swap3A_1068] {strides = array<i32>} : memref<128x80xf32, #tpu.memory_space<vmem>>, vector<16xf32>,
          tpu.vector_store %arg9[%swap3A_1067, %swap3A_1068], %mul3A_1066 {strides = array<i32>} : memref<128x80xf32, #tpu.memory_space<vmem>>, vector<16xf32>,
          %slice3A_1070 = vector.extract_strided_slice %get3A_1041 {offsets = [1], sizes = [1], strides = [1]} : vector<16xf32> to vector<1xf32>
          %squeeze3A_1071 = vector.extract %slice3A_1070[0] : f32 from vector<1xf32>
          %get3A_1072 = arith.index_cast %scan3A_1037 : i32 to index
          %get3A_1073 = arith.constant 48 : index
          %get3A_1074 = tpu.vector_load %arg9[%get3A_1072, %get3A_1073] {strides = array<i32>} : memref<128x80xf32, #tpu.memory_space<vmem>>, vector<16xf32>,
          %mul3A_1075 = vector.broadcast %squeeze3A_1071 : f32 to vector<16xf32>
          %mul3A_1076 = arith.mulf %get3A_1074, %mul3A_1075 : vector<16xf32>
          %swap3A_1077 = arith.index_cast %scan3A_1037 : i32 to index
          %swap3A_1078 = arith.constant 48 : index
          %swap3A_1079 = tpu.vector_load %arg9[%swap3A_1077, %swap3A_1078] {strides = array<i32>} : memref<128x80xf32, #tpu.memory_space<vmem>>, vector<16xf32>,
          tpu.vector_store %arg9[%swap3A_1077, %swap3A_1078], %mul3A_1076 {strides = array<i32>} : memref<128x80xf32, #tpu.memory_space<vmem>>, vector<16xf32>,
          %get3A_1080 = arith.index_cast %scan3A_1037 : i32 to index
          %get3A_1081 = arith.constant 64 : index
          %get3A_1082 = tpu.vector_load %arg9[%get3A_1080, %get3A_1081] {strides = array<i32>} : memref<128x80xf32, #tpu.memory_space<vmem>>, vector<16xf32>,
          %mul3A_1083 = arith.mulf %get3A_1082, %get3A_1041 : vector<16xf32>
          %swap3A_1084 = arith.index_cast %scan3A_1037 : i32 to index
          %swap3A_1085 = arith.constant 64 : index
          %swap3A_1086 = tpu.vector_load %arg9[%swap3A_1084, %swap3A_1085] {strides = array<i32>} : memref<128x80xf32, #tpu.memory_space<vmem>>, vector<16xf32>,
          tpu.vector_store %arg9[%swap3A_1084, %swap3A_1085], %mul3A_1083 {strides = array<i32>} : memref<128x80xf32, #tpu.memory_space<vmem>>, vector<16xf32>,
        }
        %scan3A_1036 = arith.constant 128 : i32
        "tpu.region"() ({
          %run_scoped3A = tpu.sem_alloc : memref<!tpu.dma_semaphore, #tpu.memory_space<semaphore_mem>>
          %dma_start3A_1037 = arith.constant 0 : i32
          %dma_start3A_1038 = arith.constant 0 : i32
          %dma_start3A_1039 = tpu.memref_slice %arg20[%dma_start3A_1037, %dma_start3A_1038] : memref<10240x80xf32, #tpu.memory_space<vmem_shared>> -> memref<10240x80xf32, #tpu.memory_space<vmem_shared>>
          tpu.enqueue_indirect_dma source(%arg9 : memref<128x80xf32, #tpu.memory_space<vmem>>) target(%dma_start3A_1039 : memref<10240x80xf32, #tpu.memory_space<vmem_shared>>) offsets(%arg16 : memref<128xi32, #tpu.memory_space<vmem>>) semaphore(%run_scoped3A : memref<!tpu.dma_semaphore, #tpu.memory_space<semaphore_mem>>) {add = true}
          %dma_wait3A_1040 = arith.constant 0 : i32
          %dma_wait3A_1041 = arith.constant 0 : i32
          %dma_wait3A_1042 = tpu.memref_slice %arg20[%dma_wait3A_1040, %dma_wait3A_1041] : memref<10240x80xf32, #tpu.memory_space<vmem_shared>> -> memref<10240x80xf32, #tpu.memory_space<vmem_shared>>
          tpu.wait_indirect_dma semaphore(%run_scoped3A : memref<!tpu.dma_semaphore, #tpu.memory_space<semaphore_mem>>) src(%arg9 : memref<128x80xf32, #tpu.memory_space<vmem>>) dst(%dma_wait3A_1042 : memref<10240x80xf32, #tpu.memory_space<vmem_shared>>)
          tpu.yield
        }) : () -> ()
      }
      %scan3A_52 = arith.constant 14 : i32
    }
    %scan3A_37 = arith.constant 3 : i32
    %barrier3A_38 = arith.constant 0 : index
    tpu.barrier barrier_id(%barrier3A_38)
    %mul3A_39 = arith.constant 640 : i32
    %mul3A_40 = arith.muli %arg1, %mul3A_39 : i32
    %mul3A_41 = arith.constant 640 : i32
    %mul3A_42 = arith.muli %arg1, %mul3A_41 : i32
    "tpu.region"() ({
      %run_scoped3A = tpu.sem_alloc : memref<!tpu.dma_semaphore, #tpu.memory_space<semaphore_mem>>
      %dma_start3A = arith.constant 0 : i32
      %dma_start3A_43 = tpu.memref_slice %arg6[%arg0, %mul3A_42, %dma_start3A] : memref<2x10240x80xf32, #tpu.memory_space<hbm>> -> memref<1x640x80xf32, #tpu.memory_space<hbm>>
      %dma_start3A_44 = tpu.memref_squeeze %dma_start3A_43 : memref<1x640x80xf32, #tpu.memory_space<hbm>> -> memref<640x80xf32, #tpu.memory_space<hbm>>
      %dma_start3A_45 = arith.constant 0 : i32
      %dma_start3A_46 = tpu.memref_slice %arg20[%mul3A_40, %dma_start3A_45] : memref<10240x80xf32, #tpu.memory_space<vmem_shared>> -> memref<640x80xf32, #tpu.memory_space<vmem_shared>>
      tpu.enqueue_dma source(%dma_start3A_46 : memref<640x80xf32, #tpu.memory_space<vmem_shared>>) target(%dma_start3A_44 : memref<640x80xf32, #tpu.memory_space<hbm>>) target_semaphore(%run_scoped3A : memref<!tpu.dma_semaphore, #tpu.memory_space<semaphore_mem>>)
      %dma_wait3A = arith.constant 0 : i32
      %dma_wait3A_47 = tpu.memref_slice %arg6[%arg0, %mul3A_42, %dma_wait3A] : memref<2x10240x80xf32, #tpu.memory_space<hbm>> -> memref<1x640x80xf32, #tpu.memory_space<hbm>>
      %dma_wait3A_48 = tpu.memref_squeeze %dma_wait3A_47 : memref<1x640x80xf32, #tpu.memory_space<hbm>> -> memref<640x80xf32, #tpu.memory_space<hbm>>
      %dma_wait3A_49 = arith.constant 0 : i32
      %dma_wait3A_50 = tpu.memref_slice %arg20[%mul3A_40, %dma_wait3A_49] : memref<10240x80xf32, #tpu.memory_space<vmem_shared>> -> memref<640x80xf32, #tpu.memory_space<vmem_shared>>
      tpu.wait_dma2 semaphore(%run_scoped3A : memref<!tpu.dma_semaphore, #tpu.memory_space<semaphore_mem>>) src(%dma_wait3A_50 : memref<640x80xf32, #tpu.memory_space<vmem_shared>>) dst(%dma_wait3A_48 : memref<640x80xf32, #tpu.memory_space<hbm>>)
      tpu.yield
    }) : () -> ()
    return
  }
}

#map = affine_map<(d0, d1) -> (0, 0)>
#map1 = affine_map<(d0, d1) -> (0)>
#map2 = affine_map<(d0, d1) -> (0, 0, 0)>
module attributes {stable_mosaic.version = 14 : i64} {
  func.func @_sc_edges(%arg0: i32, %arg1: i32, %arg2: memref<20480x80xf32, #tpu.memory_space<hbm>>, %arg3: memref<81920xf32, #tpu.memory_space<hbm>>, %arg4: memref<172032xi32, #tpu.memory_space<hbm>>, %arg5: memref<172032xi32, #tpu.memory_space<hbm>>, %arg6: memref<2x10240x80xf32, #tpu.memory_space<hbm>>, %arg7: memref<40960xf32, #tpu.memory_space<vmem>>, %arg8: memref<128x80xf32, #tpu.memory_space<vmem>>, %arg9: memref<128x80xf32, #tpu.memory_space<vmem>>, %arg10: memref<2048xf32, #tpu.memory_space<vmem>>, %arg11: memref<2048xf32, #tpu.memory_space<vmem>>, %arg12: memref<128xi32, #tpu.memory_space<vmem>>, %arg13: memref<128xi32, #tpu.memory_space<vmem>>, %arg14: memref<128xi32, #tpu.memory_space<vmem>>, %arg15: memref<128xi32, #tpu.memory_space<vmem>>, %arg16: memref<128xi32, #tpu.memory_space<vmem>>, %arg17: memref<128xi32, #tpu.memory_space<vmem>>, %arg18: memref<3584xi32, #tpu.memory_space<vmem>>, %arg19: memref<3584xi32, #tpu.memory_space<vmem>>, %arg20: memref<10240x80xf32, #tpu.memory_space<vmem_shared>>, %arg21: memref<!tpu.dma_semaphore, #tpu.memory_space<semaphore_mem>>, %arg22: memref<!tpu.dma_semaphore, #tpu.memory_space<semaphore_mem>>) attributes {dimension_semantics = [#tpu.dimension_semantics<core_parallel>, #tpu.dimension_semantics<subcore_parallel>], iteration_bounds = array<i64: 2, 16>, scalar_prefetch = 0 : i64, scratch_operands = 16 : i64, tpu.core_type = #tpu.core_type<sc_vector_subcore>, window_params = [{transform_indices = #map}, {transform_indices = #map1}, {transform_indices = #map1}, {transform_indices = #map1}, {transform_indices = #map2}]} {
    %mul3A = arith.constant 40960 : i32
    %mul3A_0 = arith.muli %arg0, %mul3A : i32
    "tpu.region"() ({
      %run_scoped3A = tpu.sem_alloc : memref<!tpu.dma_semaphore, #tpu.memory_space<semaphore_mem>>
      %dma_start3A = tpu.memref_slice %arg3[%mul3A_0] : memref<81920xf32, #tpu.memory_space<hbm>> -> memref<40960xf32, #tpu.memory_space<hbm>>
      %dma_start3A_43 = tpu.memref_slice %arg3[%mul3A_0] : memref<81920xf32, #tpu.memory_space<hbm>> -> memref<40960xf32, #tpu.memory_space<hbm>>
      tpu.enqueue_dma source(%dma_start3A_43 : memref<40960xf32, #tpu.memory_space<hbm>>) target(%arg7 : memref<40960xf32, #tpu.memory_space<vmem>>) target_semaphore(%run_scoped3A : memref<!tpu.dma_semaphore, #tpu.memory_space<semaphore_mem>>)
      %dma_wait3A = tpu.memref_slice %arg3[%mul3A_0] : memref<81920xf32, #tpu.memory_space<hbm>> -> memref<40960xf32, #tpu.memory_space<hbm>>
      %dma_wait3A_44 = tpu.memref_slice %arg3[%mul3A_0] : memref<81920xf32, #tpu.memory_space<hbm>> -> memref<40960xf32, #tpu.memory_space<hbm>>
      tpu.wait_dma2 semaphore(%run_scoped3A : memref<!tpu.dma_semaphore, #tpu.memory_space<semaphore_mem>>) src(%dma_wait3A_44 : memref<40960xf32, #tpu.memory_space<hbm>>) dst(%arg7 : memref<40960xf32, #tpu.memory_space<vmem>>)
      tpu.yield
    }) : () -> ()
    %scan3A = arith.constant 0 : i32
    %scan3A_1 = arith.constant 0 : i32
    %scan3A_2 = arith.constant 128 : i32
    %scan3A_3 = arith.addi %scan3A_1, %scan3A_2 : i32
    %scan3A_4 = arith.constant 1 : i32
    scf.for %scan3A_43 = %scan3A_1 to %scan3A_3 step %scan3A_4  : i32 {
      %broadcast_in_dim3A = arith.constant 0.000000e+00 : f32
      %broadcast_in_dim3A_44 = vector.broadcast %broadcast_in_dim3A : f32 to vector<16xf32>
      %swap3A = arith.index_cast %scan3A_43 : i32 to index
      %swap3A_45 = arith.constant 0 : index
      %swap3A_46 = tpu.vector_load %arg8[%swap3A, %swap3A_45] {strides = array<i32>} : memref<128x80xf32, #tpu.memory_space<vmem>>, vector<16xf32>,
      tpu.vector_store %arg8[%swap3A, %swap3A_45], %broadcast_in_dim3A_44 {strides = array<i32>} : memref<128x80xf32, #tpu.memory_space<vmem>>, vector<16xf32>,
      %broadcast_in_dim3A_47 = arith.constant 0.000000e+00 : f32
      %broadcast_in_dim3A_48 = vector.broadcast %broadcast_in_dim3A_47 : f32 to vector<16xf32>
      %swap3A_49 = arith.index_cast %scan3A_43 : i32 to index
      %swap3A_50 = arith.constant 16 : index
      %swap3A_51 = tpu.vector_load %arg8[%swap3A_49, %swap3A_50] {strides = array<i32>} : memref<128x80xf32, #tpu.memory_space<vmem>>, vector<16xf32>,
      tpu.vector_store %arg8[%swap3A_49, %swap3A_50], %broadcast_in_dim3A_48 {strides = array<i32>} : memref<128x80xf32, #tpu.memory_space<vmem>>, vector<16xf32>,
      %broadcast_in_dim3A_52 = arith.constant 0.000000e+00 : f32
      %broadcast_in_dim3A_53 = vector.broadcast %broadcast_in_dim3A_52 : f32 to vector<16xf32>
      %swap3A_54 = arith.index_cast %scan3A_43 : i32 to index
      %swap3A_55 = arith.constant 32 : index
      %swap3A_56 = tpu.vector_load %arg8[%swap3A_54, %swap3A_55] {strides = array<i32>} : memref<128x80xf32, #tpu.memory_space<vmem>>, vector<16xf32>,
      tpu.vector_store %arg8[%swap3A_54, %swap3A_55], %broadcast_in_dim3A_53 {strides = array<i32>} : memref<128x80xf32, #tpu.memory_space<vmem>>, vector<16xf32>,
      %broadcast_in_dim3A_57 = arith.constant 0.000000e+00 : f32
      %broadcast_in_dim3A_58 = vector.broadcast %broadcast_in_dim3A_57 : f32 to vector<16xf32>
      %swap3A_59 = arith.index_cast %scan3A_43 : i32 to index
      %swap3A_60 = arith.constant 48 : index
      %swap3A_61 = tpu.vector_load %arg8[%swap3A_59, %swap3A_60] {strides = array<i32>} : memref<128x80xf32, #tpu.memory_space<vmem>>, vector<16xf32>,
      tpu.vector_store %arg8[%swap3A_59, %swap3A_60], %broadcast_in_dim3A_58 {strides = array<i32>} : memref<128x80xf32, #tpu.memory_space<vmem>>, vector<16xf32>,
      %broadcast_in_dim3A_62 = arith.constant 0.000000e+00 : f32
      %broadcast_in_dim3A_63 = vector.broadcast %broadcast_in_dim3A_62 : f32 to vector<16xf32>
      %swap3A_64 = arith.index_cast %scan3A_43 : i32 to index
      %swap3A_65 = arith.constant 64 : index
      %swap3A_66 = tpu.vector_load %arg8[%swap3A_64, %swap3A_65] {strides = array<i32>} : memref<128x80xf32, #tpu.memory_space<vmem>>, vector<16xf32>,
      tpu.vector_store %arg8[%swap3A_64, %swap3A_65], %broadcast_in_dim3A_63 {strides = array<i32>} : memref<128x80xf32, #tpu.memory_space<vmem>>, vector<16xf32>,
      %broadcast_in_dim3A_67 = arith.constant 0.000000e+00 : f32
      %broadcast_in_dim3A_68 = vector.broadcast %broadcast_in_dim3A_67 : f32 to vector<16xf32>
      %mul3A_69 = arith.constant 16 : i32
      %mul3A_70 = arith.muli %scan3A_43, %mul3A_69 : i32
      %swap3A_71 = arith.index_cast %mul3A_70 : i32 to index
      %swap3A_72 = tpu.vector_load %arg10[%swap3A_71] {strides = array<i32>} : memref<2048xf32, #tpu.memory_space<vmem>>, vector<16xf32>,
      tpu.vector_store %arg10[%swap3A_71], %broadcast_in_dim3A_68 {strides = array<i32>} : memref<2048xf32, #tpu.memory_space<vmem>>, vector<16xf32>,
      %broadcast_in_dim3A_73 = arith.constant 0.000000e+00 : f32
      %broadcast_in_dim3A_74 = vector.broadcast %broadcast_in_dim3A_73 : f32 to vector<16xf32>
      %mul3A_75 = arith.constant 16 : i32
      %mul3A_76 = arith.muli %scan3A_43, %mul3A_75 : i32
      %swap3A_77 = arith.index_cast %mul3A_76 : i32 to index
      %swap3A_78 = tpu.vector_load %arg11[%swap3A_77] {strides = array<i32>} : memref<2048xf32, #tpu.memory_space<vmem>>, vector<16xf32>,
      tpu.vector_store %arg11[%swap3A_77], %broadcast_in_dim3A_74 {strides = array<i32>} : memref<2048xf32, #tpu.memory_space<vmem>>, vector<16xf32>,
    }
    %scan3A_5 = arith.constant 128 : i32
    %mul3A_6 = arith.constant 640 : i32
    %mul3A_7 = arith.muli %arg1, %mul3A_6 : i32
    %add3A = arith.constant 0 : i32
    %add3A_8 = arith.addi %mul3A_7, %add3A : i32
    "tpu.region"() ({
      %run_scoped3A = tpu.sem_alloc : memref<!tpu.dma_semaphore, #tpu.memory_space<semaphore_mem>>
      %dma_start3A = arith.constant 0 : i32
      %dma_start3A_43 = tpu.memref_slice %arg20[%add3A_8, %dma_start3A] : memref<10240x80xf32, #tpu.memory_space<vmem_shared>> -> memref<128x80xf32, #tpu.memory_space<vmem_shared>>
      %dma_start3A_44 = arith.constant 0 : i32
      %dma_start3A_45 = tpu.memref_slice %arg20[%add3A_8, %dma_start3A_44] : memref<10240x80xf32, #tpu.memory_space<vmem_shared>> -> memref<128x80xf32, #tpu.memory_space<vmem_shared>>
      tpu.enqueue_dma source(%arg8 : memref<128x80xf32, #tpu.memory_space<vmem>>) target(%dma_start3A_45 : memref<128x80xf32, #tpu.memory_space<vmem_shared>>) target_semaphore(%run_scoped3A : memref<!tpu.dma_semaphore, #tpu.memory_space<semaphore_mem>>)
      %dma_wait3A = arith.constant 0 : i32
      %dma_wait3A_46 = tpu.memref_slice %arg20[%add3A_8, %dma_wait3A] : memref<10240x80xf32, #tpu.memory_space<vmem_shared>> -> memref<128x80xf32, #tpu.memory_space<vmem_shared>>
      %dma_wait3A_47 = arith.constant 0 : i32
      %dma_wait3A_48 = tpu.memref_slice %arg20[%add3A_8, %dma_wait3A_47] : memref<10240x80xf32, #tpu.memory_space<vmem_shared>> -> memref<128x80xf32, #tpu.memory_space<vmem_shared>>
      tpu.wait_dma2 semaphore(%run_scoped3A : memref<!tpu.dma_semaphore, #tpu.memory_space<semaphore_mem>>) src(%arg8 : memref<128x80xf32, #tpu.memory_space<vmem>>) dst(%dma_wait3A_48 : memref<128x80xf32, #tpu.memory_space<vmem_shared>>)
      tpu.yield
    }) : () -> ()
    %mul3A_9 = arith.constant 640 : i32
    %mul3A_10 = arith.muli %arg1, %mul3A_9 : i32
    %add3A_11 = arith.constant 128 : i32
    %add3A_12 = arith.addi %mul3A_10, %add3A_11 : i32
    "tpu.region"() ({
      %run_scoped3A = tpu.sem_alloc : memref<!tpu.dma_semaphore, #tpu.memory_space<semaphore_mem>>
      %dma_start3A = arith.constant 0 : i32
      %dma_start3A_43 = tpu.memref_slice %arg20[%add3A_12, %dma_start3A] : memref<10240x80xf32, #tpu.memory_space<vmem_shared>> -> memref<128x80xf32, #tpu.memory_space<vmem_shared>>
      %dma_start3A_44 = arith.constant 0 : i32
      %dma_start3A_45 = tpu.memref_slice %arg20[%add3A_12, %dma_start3A_44] : memref<10240x80xf32, #tpu.memory_space<vmem_shared>> -> memref<128x80xf32, #tpu.memory_space<vmem_shared>>
      tpu.enqueue_dma source(%arg8 : memref<128x80xf32, #tpu.memory_space<vmem>>) target(%dma_start3A_45 : memref<128x80xf32, #tpu.memory_space<vmem_shared>>) target_semaphore(%run_scoped3A : memref<!tpu.dma_semaphore, #tpu.memory_space<semaphore_mem>>)
      %dma_wait3A = arith.constant 0 : i32
      %dma_wait3A_46 = tpu.memref_slice %arg20[%add3A_12, %dma_wait3A] : memref<10240x80xf32, #tpu.memory_space<vmem_shared>> -> memref<128x80xf32, #tpu.memory_space<vmem_shared>>
      %dma_wait3A_47 = arith.constant 0 : i32
      %dma_wait3A_48 = tpu.memref_slice %arg20[%add3A_12, %dma_wait3A_47] : memref<10240x80xf32, #tpu.memory_space<vmem_shared>> -> memref<128x80xf32, #tpu.memory_space<vmem_shared>>
      tpu.wait_dma2 semaphore(%run_scoped3A : memref<!tpu.dma_semaphore, #tpu.memory_space<semaphore_mem>>) src(%arg8 : memref<128x80xf32, #tpu.memory_space<vmem>>) dst(%dma_wait3A_48 : memref<128x80xf32, #tpu.memory_space<vmem_shared>>)
      tpu.yield
    }) : () -> ()
    %mul3A_13 = arith.constant 640 : i32
    %mul3A_14 = arith.muli %arg1, %mul3A_13 : i32
    %add3A_15 = arith.constant 256 : i32
    %add3A_16 = arith.addi %mul3A_14, %add3A_15 : i32
    "tpu.region"() ({
      %run_scoped3A = tpu.sem_alloc : memref<!tpu.dma_semaphore, #tpu.memory_space<semaphore_mem>>
      %dma_start3A = arith.constant 0 : i32
      %dma_start3A_43 = tpu.memref_slice %arg20[%add3A_16, %dma_start3A] : memref<10240x80xf32, #tpu.memory_space<vmem_shared>> -> memref<128x80xf32, #tpu.memory_space<vmem_shared>>
      %dma_start3A_44 = arith.constant 0 : i32
      %dma_start3A_45 = tpu.memref_slice %arg20[%add3A_16, %dma_start3A_44] : memref<10240x80xf32, #tpu.memory_space<vmem_shared>> -> memref<128x80xf32, #tpu.memory_space<vmem_shared>>
      tpu.enqueue_dma source(%arg8 : memref<128x80xf32, #tpu.memory_space<vmem>>) target(%dma_start3A_45 : memref<128x80xf32, #tpu.memory_space<vmem_shared>>) target_semaphore(%run_scoped3A : memref<!tpu.dma_semaphore, #tpu.memory_space<semaphore_mem>>)
      %dma_wait3A = arith.constant 0 : i32
      %dma_wait3A_46 = tpu.memref_slice %arg20[%add3A_16, %dma_wait3A] : memref<10240x80xf32, #tpu.memory_space<vmem_shared>> -> memref<128x80xf32, #tpu.memory_space<vmem_shared>>
      %dma_wait3A_47 = arith.constant 0 : i32
      %dma_wait3A_48 = tpu.memref_slice %arg20[%add3A_16, %dma_wait3A_47] : memref<10240x80xf32, #tpu.memory_space<vmem_shared>> -> memref<128x80xf32, #tpu.memory_space<vmem_shared>>
      tpu.wait_dma2 semaphore(%run_scoped3A : memref<!tpu.dma_semaphore, #tpu.memory_space<semaphore_mem>>) src(%arg8 : memref<128x80xf32, #tpu.memory_space<vmem>>) dst(%dma_wait3A_48 : memref<128x80xf32, #tpu.memory_space<vmem_shared>>)
      tpu.yield
    }) : () -> ()
    %mul3A_17 = arith.constant 640 : i32
    %mul3A_18 = arith.muli %arg1, %mul3A_17 : i32
    %add3A_19 = arith.constant 384 : i32
    %add3A_20 = arith.addi %mul3A_18, %add3A_19 : i32
    "tpu.region"() ({
      %run_scoped3A = tpu.sem_alloc : memref<!tpu.dma_semaphore, #tpu.memory_space<semaphore_mem>>
      %dma_start3A = arith.constant 0 : i32
      %dma_start3A_43 = tpu.memref_slice %arg20[%add3A_20, %dma_start3A] : memref<10240x80xf32, #tpu.memory_space<vmem_shared>> -> memref<128x80xf32, #tpu.memory_space<vmem_shared>>
      %dma_start3A_44 = arith.constant 0 : i32
      %dma_start3A_45 = tpu.memref_slice %arg20[%add3A_20, %dma_start3A_44] : memref<10240x80xf32, #tpu.memory_space<vmem_shared>> -> memref<128x80xf32, #tpu.memory_space<vmem_shared>>
      tpu.enqueue_dma source(%arg8 : memref<128x80xf32, #tpu.memory_space<vmem>>) target(%dma_start3A_45 : memref<128x80xf32, #tpu.memory_space<vmem_shared>>) target_semaphore(%run_scoped3A : memref<!tpu.dma_semaphore, #tpu.memory_space<semaphore_mem>>)
      %dma_wait3A = arith.constant 0 : i32
      %dma_wait3A_46 = tpu.memref_slice %arg20[%add3A_20, %dma_wait3A] : memref<10240x80xf32, #tpu.memory_space<vmem_shared>> -> memref<128x80xf32, #tpu.memory_space<vmem_shared>>
      %dma_wait3A_47 = arith.constant 0 : i32
      %dma_wait3A_48 = tpu.memref_slice %arg20[%add3A_20, %dma_wait3A_47] : memref<10240x80xf32, #tpu.memory_space<vmem_shared>> -> memref<128x80xf32, #tpu.memory_space<vmem_shared>>
      tpu.wait_dma2 semaphore(%run_scoped3A : memref<!tpu.dma_semaphore, #tpu.memory_space<semaphore_mem>>) src(%arg8 : memref<128x80xf32, #tpu.memory_space<vmem>>) dst(%dma_wait3A_48 : memref<128x80xf32, #tpu.memory_space<vmem_shared>>)
      tpu.yield
    }) : () -> ()
    %mul3A_21 = arith.constant 640 : i32
    %mul3A_22 = arith.muli %arg1, %mul3A_21 : i32
    %add3A_23 = arith.constant 512 : i32
    %add3A_24 = arith.addi %mul3A_22, %add3A_23 : i32
    "tpu.region"() ({
      %run_scoped3A = tpu.sem_alloc : memref<!tpu.dma_semaphore, #tpu.memory_space<semaphore_mem>>
      %dma_start3A = arith.constant 0 : i32
      %dma_start3A_43 = tpu.memref_slice %arg20[%add3A_24, %dma_start3A] : memref<10240x80xf32, #tpu.memory_space<vmem_shared>> -> memref<128x80xf32, #tpu.memory_space<vmem_shared>>
      %dma_start3A_44 = arith.constant 0 : i32
      %dma_start3A_45 = tpu.memref_slice %arg20[%add3A_24, %dma_start3A_44] : memref<10240x80xf32, #tpu.memory_space<vmem_shared>> -> memref<128x80xf32, #tpu.memory_space<vmem_shared>>
      tpu.enqueue_dma source(%arg8 : memref<128x80xf32, #tpu.memory_space<vmem>>) target(%dma_start3A_45 : memref<128x80xf32, #tpu.memory_space<vmem_shared>>) target_semaphore(%run_scoped3A : memref<!tpu.dma_semaphore, #tpu.memory_space<semaphore_mem>>)
      %dma_wait3A = arith.constant 0 : i32
      %dma_wait3A_46 = tpu.memref_slice %arg20[%add3A_24, %dma_wait3A] : memref<10240x80xf32, #tpu.memory_space<vmem_shared>> -> memref<128x80xf32, #tpu.memory_space<vmem_shared>>
      %dma_wait3A_47 = arith.constant 0 : i32
      %dma_wait3A_48 = tpu.memref_slice %arg20[%add3A_24, %dma_wait3A_47] : memref<10240x80xf32, #tpu.memory_space<vmem_shared>> -> memref<128x80xf32, #tpu.memory_space<vmem_shared>>
      tpu.wait_dma2 semaphore(%run_scoped3A : memref<!tpu.dma_semaphore, #tpu.memory_space<semaphore_mem>>) src(%arg8 : memref<128x80xf32, #tpu.memory_space<vmem>>) dst(%dma_wait3A_48 : memref<128x80xf32, #tpu.memory_space<vmem_shared>>)
      tpu.yield
    }) : () -> ()
    %barrier3A = arith.constant 0 : index
    tpu.barrier barrier_id(%barrier3A)
    %iota3A = tpu.iota {dimensions = array<i32: 0>} : vector<16xi32>
    %mul3A_25 = arith.constant 16 : i32
    %mul3A_26 = vector.broadcast %mul3A_25 : i32 to vector<16xi32>
    %mul3A_27 = arith.muli %iota3A, %mul3A_26 : vector<16xi32>
    %mul3A_28 = arith.constant 10752 : i32
    %mul3A_29 = arith.muli %arg1, %mul3A_28 : i32
    %mul3A_30 = arith.constant 10240 : i32
    %mul3A_31 = arith.muli %arg0, %mul3A_30 : i32
    %scan3A_32 = arith.constant 0 : i32
    %scan3A_33 = arith.constant 0 : i32
    %scan3A_34 = arith.constant 3 : i32
    %scan3A_35 = arith.addi %scan3A_33, %scan3A_34 : i32
    %scan3A_36 = arith.constant 1 : i32
    scf.for %scan3A_43 = %scan3A_33 to %scan3A_35 step %scan3A_36  : i32 {
      %mul3A_44 = arith.constant 3584 : i32
      %mul3A_45 = arith.muli %scan3A_43, %mul3A_44 : i32
      %add3A_46 = arith.addi %mul3A_29, %mul3A_45 : i32
      "tpu.region"() ({
        %run_scoped3A = tpu.sem_alloc : memref<!tpu.dma_semaphore, #tpu.memory_space<semaphore_mem>>
        %dma_start3A = tpu.memref_slice %arg4[%add3A_46] : memref<172032xi32, #tpu.memory_space<hbm>> -> memref<3584xi32, #tpu.memory_space<hbm>>
        %dma_start3A_53 = tpu.memref_slice %arg4[%add3A_46] : memref<172032xi32, #tpu.memory_space<hbm>> -> memref<3584xi32, #tpu.memory_space<hbm>>
        tpu.enqueue_dma source(%dma_start3A_53 : memref<3584xi32, #tpu.memory_space<hbm>>) target(%arg18 : memref<3584xi32, #tpu.memory_space<vmem>>) target_semaphore(%run_scoped3A : memref<!tpu.dma_semaphore, #tpu.memory_space<semaphore_mem>>)
        %dma_wait3A = tpu.memref_slice %arg4[%add3A_46] : memref<172032xi32, #tpu.memory_space<hbm>> -> memref<3584xi32, #tpu.memory_space<hbm>>
        %dma_wait3A_54 = tpu.memref_slice %arg4[%add3A_46] : memref<172032xi32, #tpu.memory_space<hbm>> -> memref<3584xi32, #tpu.memory_space<hbm>>
        tpu.wait_dma2 semaphore(%run_scoped3A : memref<!tpu.dma_semaphore, #tpu.memory_space<semaphore_mem>>) src(%dma_wait3A_54 : memref<3584xi32, #tpu.memory_space<hbm>>) dst(%arg18 : memref<3584xi32, #tpu.memory_space<vmem>>)
        tpu.yield
      }) : () -> ()
      "tpu.region"() ({
        %run_scoped3A = tpu.sem_alloc : memref<!tpu.dma_semaphore, #tpu.memory_space<semaphore_mem>>
        %dma_start3A = tpu.memref_slice %arg5[%add3A_46] : memref<172032xi32, #tpu.memory_space<hbm>> -> memref<3584xi32, #tpu.memory_space<hbm>>
        %dma_start3A_53 = tpu.memref_slice %arg5[%add3A_46] : memref<172032xi32, #tpu.memory_space<hbm>> -> memref<3584xi32, #tpu.memory_space<hbm>>
        tpu.enqueue_dma source(%dma_start3A_53 : memref<3584xi32, #tpu.memory_space<hbm>>) target(%arg19 : memref<3584xi32, #tpu.memory_space<vmem>>) target_semaphore(%run_scoped3A : memref<!tpu.dma_semaphore, #tpu.memory_space<semaphore_mem>>)
        %dma_wait3A = tpu.memref_slice %arg5[%add3A_46] : memref<172032xi32, #tpu.memory_space<hbm>> -> memref<3584xi32, #tpu.memory_space<hbm>>
        %dma_wait3A_54 = tpu.memref_slice %arg5[%add3A_46] : memref<172032xi32, #tpu.memory_space<hbm>> -> memref<3584xi32, #tpu.memory_space<hbm>>
        tpu.wait_dma2 semaphore(%run_scoped3A : memref<!tpu.dma_semaphore, #tpu.memory_space<semaphore_mem>>) src(%dma_wait3A_54 : memref<3584xi32, #tpu.memory_space<hbm>>) dst(%arg19 : memref<3584xi32, #tpu.memory_space<vmem>>)
        tpu.yield
      }) : () -> ()
      %scan3A_47 = arith.constant 0 : i32
      %scan3A_48 = arith.constant 0 : i32
      %scan3A_49 = arith.constant 14 : i32
      %scan3A_50 = arith.addi %scan3A_48, %scan3A_49 : i32
      %scan3A_51 = arith.constant 1 : i32
      scf.for %scan3A_53 = %scan3A_48 to %scan3A_50 step %scan3A_51  : i32 {
        %mul3A_54 = arith.constant 2 : i32
        %mul3A_55 = arith.muli %mul3A_54, %scan3A_53 : i32
        %mul3A_56 = arith.constant 128 : i32
        %mul3A_57 = arith.muli %mul3A_55, %mul3A_56 : i32
        %add3A_58 = arith.constant 128 : i32
        %add3A_59 = arith.addi %mul3A_57, %add3A_58 : i32
        %add3A_60 = arith.constant 0 : i32
        %add3A_61 = arith.addi %mul3A_57, %add3A_60 : i32
        %get3A = arith.index_cast %add3A_61 : i32 to index
        %get3A_62 = tpu.vector_load %arg18[%get3A] {strides = array<i32>} : memref<3584xi32, #tpu.memory_space<vmem>>, vector<16xi32>,
        %swap3A = arith.constant 0 : index
        %swap3A_63 = tpu.vector_load %arg12[%swap3A] {strides = array<i32>} : memref<128xi32, #tpu.memory_space<vmem>>, vector<16xi32>,
        tpu.vector_store %arg12[%swap3A], %get3A_62 {strides = array<i32>} : memref<128xi32, #tpu.memory_space<vmem>>, vector<16xi32>,
        %add3A_64 = arith.constant 0 : i32
        %add3A_65 = arith.addi %mul3A_57, %add3A_64 : i32
        %get3A_66 = arith.index_cast %add3A_65 : i32 to index
        %get3A_67 = tpu.vector_load %arg19[%get3A_66] {strides = array<i32>} : memref<3584xi32, #tpu.memory_space<vmem>>, vector<16xi32>,
        %swap3A_68 = arith.constant 0 : index
        %swap3A_69 = tpu.vector_load %arg14[%swap3A_68] {strides = array<i32>} : memref<128xi32, #tpu.memory_space<vmem>>, vector<16xi32>,
        tpu.vector_store %arg14[%swap3A_68], %get3A_67 {strides = array<i32>} : memref<128xi32, #tpu.memory_space<vmem>>, vector<16xi32>,
        %add3A_70 = vector.broadcast %mul3A_31 : i32 to vector<16xi32>
        %add3A_71 = arith.addi %get3A_62, %add3A_70 : vector<16xi32>
        %swap3A_72 = arith.constant 0 : index
        %swap3A_73 = tpu.vector_load %arg15[%swap3A_72] {strides = array<i32>} : memref<128xi32, #tpu.memory_space<vmem>>, vector<16xi32>,
        tpu.vector_store %arg15[%swap3A_72], %add3A_71 {strides = array<i32>} : memref<128xi32, #tpu.memory_space<vmem>>, vector<16xi32>,
        %add3A_74 = arith.constant 16 : i32
        %add3A_75 = arith.addi %mul3A_57, %add3A_74 : i32
        %get3A_76 = arith.index_cast %add3A_75 : i32 to index
        %get3A_77 = tpu.vector_load %arg18[%get3A_76] {strides = array<i32>} : memref<3584xi32, #tpu.memory_space<vmem>>, vector<16xi32>,
        %swap3A_78 = arith.constant 16 : index
        %swap3A_79 = tpu.vector_load %arg12[%swap3A_78] {strides = array<i32>} : memref<128xi32, #tpu.memory_space<vmem>>, vector<16xi32>,
        tpu.vector_store %arg12[%swap3A_78], %get3A_77 {strides = array<i32>} : memref<128xi32, #tpu.memory_space<vmem>>, vector<16xi32>,
        %add3A_80 = arith.constant 16 : i32
        %add3A_81 = arith.addi %mul3A_57, %add3A_80 : i32
        %get3A_82 = arith.index_cast %add3A_81 : i32 to index
        %get3A_83 = tpu.vector_load %arg19[%get3A_82] {strides = array<i32>} : memref<3584xi32, #tpu.memory_space<vmem>>, vector<16xi32>,
        %swap3A_84 = arith.constant 16 : index
        %swap3A_85 = tpu.vector_load %arg14[%swap3A_84] {strides = array<i32>} : memref<128xi32, #tpu.memory_space<vmem>>, vector<16xi32>,
        tpu.vector_store %arg14[%swap3A_84], %get3A_83 {strides = array<i32>} : memref<128xi32, #tpu.memory_space<vmem>>, vector<16xi32>,
        %add3A_86 = vector.broadcast %mul3A_31 : i32 to vector<16xi32>
        %add3A_87 = arith.addi %get3A_77, %add3A_86 : vector<16xi32>
        %swap3A_88 = arith.constant 16 : index
        %swap3A_89 = tpu.vector_load %arg15[%swap3A_88] {strides = array<i32>} : memref<128xi32, #tpu.memory_space<vmem>>, vector<16xi32>,
        tpu.vector_store %arg15[%swap3A_88], %add3A_87 {strides = array<i32>} : memref<128xi32, #tpu.memory_space<vmem>>, vector<16xi32>,
        %add3A_90 = arith.constant 32 : i32
        %add3A_91 = arith.addi %mul3A_57, %add3A_90 : i32
        %get3A_92 = arith.index_cast %add3A_91 : i32 to index
        %get3A_93 = tpu.vector_load %arg18[%get3A_92] {strides = array<i32>} : memref<3584xi32, #tpu.memory_space<vmem>>, vector<16xi32>,
        %swap3A_94 = arith.constant 32 : index
        %swap3A_95 = tpu.vector_load %arg12[%swap3A_94] {strides = array<i32>} : memref<128xi32, #tpu.memory_space<vmem>>, vector<16xi32>,
        tpu.vector_store %arg12[%swap3A_94], %get3A_93 {strides = array<i32>} : memref<128xi32, #tpu.memory_space<vmem>>, vector<16xi32>,
        %add3A_96 = arith.constant 32 : i32
        %add3A_97 = arith.addi %mul3A_57, %add3A_96 : i32
        %get3A_98 = arith.index_cast %add3A_97 : i32 to index
        %get3A_99 = tpu.vector_load %arg19[%get3A_98] {strides = array<i32>} : memref<3584xi32, #tpu.memory_space<vmem>>, vector<16xi32>,
        %swap3A_100 = arith.constant 32 : index
        %swap3A_101 = tpu.vector_load %arg14[%swap3A_100] {strides = array<i32>} : memref<128xi32, #tpu.memory_space<vmem>>, vector<16xi32>,
        tpu.vector_store %arg14[%swap3A_100], %get3A_99 {strides = array<i32>} : memref<128xi32, #tpu.memory_space<vmem>>, vector<16xi32>,
        %add3A_102 = vector.broadcast %mul3A_31 : i32 to vector<16xi32>
        %add3A_103 = arith.addi %get3A_93, %add3A_102 : vector<16xi32>
        %swap3A_104 = arith.constant 32 : index
        %swap3A_105 = tpu.vector_load %arg15[%swap3A_104] {strides = array<i32>} : memref<128xi32, #tpu.memory_space<vmem>>, vector<16xi32>,
        tpu.vector_store %arg15[%swap3A_104], %add3A_103 {strides = array<i32>} : memref<128xi32, #tpu.memory_space<vmem>>, vector<16xi32>,
        %add3A_106 = arith.constant 48 : i32
        %add3A_107 = arith.addi %mul3A_57, %add3A_106 : i32
        %get3A_108 = arith.index_cast %add3A_107 : i32 to index
        %get3A_109 = tpu.vector_load %arg18[%get3A_108] {strides = array<i32>} : memref<3584xi32, #tpu.memory_space<vmem>>, vector<16xi32>,
        %swap3A_110 = arith.constant 48 : index
        %swap3A_111 = tpu.vector_load %arg12[%swap3A_110] {strides = array<i32>} : memref<128xi32, #tpu.memory_space<vmem>>, vector<16xi32>,
        tpu.vector_store %arg12[%swap3A_110], %get3A_109 {strides = array<i32>} : memref<128xi32, #tpu.memory_space<vmem>>, vector<16xi32>,
        %add3A_112 = arith.constant 48 : i32
        %add3A_113 = arith.addi %mul3A_57, %add3A_112 : i32
        %get3A_114 = arith.index_cast %add3A_113 : i32 to index
        %get3A_115 = tpu.vector_load %arg19[%get3A_114] {strides = array<i32>} : memref<3584xi32, #tpu.memory_space<vmem>>, vector<16xi32>,
        %swap3A_116 = arith.constant 48 : index
        %swap3A_117 = tpu.vector_load %arg14[%swap3A_116] {strides = array<i32>} : memref<128xi32, #tpu.memory_space<vmem>>, vector<16xi32>,
        tpu.vector_store %arg14[%swap3A_116], %get3A_115 {strides = array<i32>} : memref<128xi32, #tpu.memory_space<vmem>>, vector<16xi32>,
        %add3A_118 = vector.broadcast %mul3A_31 : i32 to vector<16xi32>
        %add3A_119 = arith.addi %get3A_109, %add3A_118 : vector<16xi32>
        %swap3A_120 = arith.constant 48 : index
        %swap3A_121 = tpu.vector_load %arg15[%swap3A_120] {strides = array<i32>} : memref<128xi32, #tpu.memory_space<vmem>>, vector<16xi32>,
        tpu.vector_store %arg15[%swap3A_120], %add3A_119 {strides = array<i32>} : memref<128xi32, #tpu.memory_space<vmem>>, vector<16xi32>,
        %add3A_122 = arith.constant 64 : i32
        %add3A_123 = arith.addi %mul3A_57, %add3A_122 : i32
        %get3A_124 = arith.index_cast %add3A_123 : i32 to index
        %get3A_125 = tpu.vector_load %arg18[%get3A_124] {strides = array<i32>} : memref<3584xi32, #tpu.memory_space<vmem>>, vector<16xi32>,
        %swap3A_126 = arith.constant 64 : index
        %swap3A_127 = tpu.vector_load %arg12[%swap3A_126] {strides = array<i32>} : memref<128xi32, #tpu.memory_space<vmem>>, vector<16xi32>,
        tpu.vector_store %arg12[%swap3A_126], %get3A_125 {strides = array<i32>} : memref<128xi32, #tpu.memory_space<vmem>>, vector<16xi32>,
        %add3A_128 = arith.constant 64 : i32
        %add3A_129 = arith.addi %mul3A_57, %add3A_128 : i32
        %get3A_130 = arith.index_cast %add3A_129 : i32 to index
        %get3A_131 = tpu.vector_load %arg19[%get3A_130] {strides = array<i32>} : memref<3584xi32, #tpu.memory_space<vmem>>, vector<16xi32>,
        %swap3A_132 = arith.constant 64 : index
        %swap3A_133 = tpu.vector_load %arg14[%swap3A_132] {strides = array<i32>} : memref<128xi32, #tpu.memory_space<vmem>>, vector<16xi32>,
        tpu.vector_store %arg14[%swap3A_132], %get3A_131 {strides = array<i32>} : memref<128xi32, #tpu.memory_space<vmem>>, vector<16xi32>,
        %add3A_134 = vector.broadcast %mul3A_31 : i32 to vector<16xi32>
        %add3A_135 = arith.addi %get3A_125, %add3A_134 : vector<16xi32>
        %swap3A_136 = arith.constant 64 : index
        %swap3A_137 = tpu.vector_load %arg15[%swap3A_136] {strides = array<i32>} : memref<128xi32, #tpu.memory_space<vmem>>, vector<16xi32>,
        tpu.vector_store %arg15[%swap3A_136], %add3A_135 {strides = array<i32>} : memref<128xi32, #tpu.memory_space<vmem>>, vector<16xi32>,
        %add3A_138 = arith.constant 80 : i32
        %add3A_139 = arith.addi %mul3A_57, %add3A_138 : i32
        %get3A_140 = arith.index_cast %add3A_139 : i32 to index
        %get3A_141 = tpu.vector_load %arg18[%get3A_140] {strides = array<i32>} : memref<3584xi32, #tpu.memory_space<vmem>>, vector<16xi32>,
        %swap3A_142 = arith.constant 80 : index
        %swap3A_143 = tpu.vector_load %arg12[%swap3A_142] {strides = array<i32>} : memref<128xi32, #tpu.memory_space<vmem>>, vector<16xi32>,
        tpu.vector_store %arg12[%swap3A_142], %get3A_141 {strides = array<i32>} : memref<128xi32, #tpu.memory_space<vmem>>, vector<16xi32>,
        %add3A_144 = arith.constant 80 : i32
        %add3A_145 = arith.addi %mul3A_57, %add3A_144 : i32
        %get3A_146 = arith.index_cast %add3A_145 : i32 to index
        %get3A_147 = tpu.vector_load %arg19[%get3A_146] {strides = array<i32>} : memref<3584xi32, #tpu.memory_space<vmem>>, vector<16xi32>,
        %swap3A_148 = arith.constant 80 : index
        %swap3A_149 = tpu.vector_load %arg14[%swap3A_148] {strides = array<i32>} : memref<128xi32, #tpu.memory_space<vmem>>, vector<16xi32>,
        tpu.vector_store %arg14[%swap3A_148], %get3A_147 {strides = array<i32>} : memref<128xi32, #tpu.memory_space<vmem>>, vector<16xi32>,
        %add3A_150 = vector.broadcast %mul3A_31 : i32 to vector<16xi32>
        %add3A_151 = arith.addi %get3A_141, %add3A_150 : vector<16xi32>
        %swap3A_152 = arith.constant 80 : index
        %swap3A_153 = tpu.vector_load %arg15[%swap3A_152] {strides = array<i32>} : memref<128xi32, #tpu.memory_space<vmem>>, vector<16xi32>,
        tpu.vector_store %arg15[%swap3A_152], %add3A_151 {strides = array<i32>} : memref<128xi32, #tpu.memory_space<vmem>>, vector<16xi32>,
        %add3A_154 = arith.constant 96 : i32
        %add3A_155 = arith.addi %mul3A_57, %add3A_154 : i32
        %get3A_156 = arith.index_cast %add3A_155 : i32 to index
        %get3A_157 = tpu.vector_load %arg18[%get3A_156] {strides = array<i32>} : memref<3584xi32, #tpu.memory_space<vmem>>, vector<16xi32>,
        %swap3A_158 = arith.constant 96 : index
        %swap3A_159 = tpu.vector_load %arg12[%swap3A_158] {strides = array<i32>} : memref<128xi32, #tpu.memory_space<vmem>>, vector<16xi32>,
        tpu.vector_store %arg12[%swap3A_158], %get3A_157 {strides = array<i32>} : memref<128xi32, #tpu.memory_space<vmem>>, vector<16xi32>,
        %add3A_160 = arith.constant 96 : i32
        %add3A_161 = arith.addi %mul3A_57, %add3A_160 : i32
        %get3A_162 = arith.index_cast %add3A_161 : i32 to index
        %get3A_163 = tpu.vector_load %arg19[%get3A_162] {strides = array<i32>} : memref<3584xi32, #tpu.memory_space<vmem>>, vector<16xi32>,
        %swap3A_164 = arith.constant 96 : index
        %swap3A_165 = tpu.vector_load %arg14[%swap3A_164] {strides = array<i32>} : memref<128xi32, #tpu.memory_space<vmem>>, vector<16xi32>,
        tpu.vector_store %arg14[%swap3A_164], %get3A_163 {strides = array<i32>} : memref<128xi32, #tpu.memory_space<vmem>>, vector<16xi32>,
        %add3A_166 = vector.broadcast %mul3A_31 : i32 to vector<16xi32>
        %add3A_167 = arith.addi %get3A_157, %add3A_166 : vector<16xi32>
        %swap3A_168 = arith.constant 96 : index
        %swap3A_169 = tpu.vector_load %arg15[%swap3A_168] {strides = array<i32>} : memref<128xi32, #tpu.memory_space<vmem>>, vector<16xi32>,
        tpu.vector_store %arg15[%swap3A_168], %add3A_167 {strides = array<i32>} : memref<128xi32, #tpu.memory_space<vmem>>, vector<16xi32>,
        %add3A_170 = arith.constant 112 : i32
        %add3A_171 = arith.addi %mul3A_57, %add3A_170 : i32
        %get3A_172 = arith.index_cast %add3A_171 : i32 to index
        %get3A_173 = tpu.vector_load %arg18[%get3A_172] {strides = array<i32>} : memref<3584xi32, #tpu.memory_space<vmem>>, vector<16xi32>,
        %swap3A_174 = arith.constant 112 : index
        %swap3A_175 = tpu.vector_load %arg12[%swap3A_174] {strides = array<i32>} : memref<128xi32, #tpu.memory_space<vmem>>, vector<16xi32>,
        tpu.vector_store %arg12[%swap3A_174], %get3A_173 {strides = array<i32>} : memref<128xi32, #tpu.memory_space<vmem>>, vector<16xi32>,
        %add3A_176 = arith.constant 112 : i32
        %add3A_177 = arith.addi %mul3A_57, %add3A_176 : i32
        %get3A_178 = arith.index_cast %add3A_177 : i32 to index
        %get3A_179 = tpu.vector_load %arg19[%get3A_178] {strides = array<i32>} : memref<3584xi32, #tpu.memory_space<vmem>>, vector<16xi32>,
        %swap3A_180 = arith.constant 112 : index
        %swap3A_181 = tpu.vector_load %arg14[%swap3A_180] {strides = array<i32>} : memref<128xi32, #tpu.memory_space<vmem>>, vector<16xi32>,
        tpu.vector_store %arg14[%swap3A_180], %get3A_179 {strides = array<i32>} : memref<128xi32, #tpu.memory_space<vmem>>, vector<16xi32>,
        %add3A_182 = vector.broadcast %mul3A_31 : i32 to vector<16xi32>
        %add3A_183 = arith.addi %get3A_173, %add3A_182 : vector<16xi32>
        %swap3A_184 = arith.constant 112 : index
        %swap3A_185 = tpu.vector_load %arg15[%swap3A_184] {strides = array<i32>} : memref<128xi32, #tpu.memory_space<vmem>>, vector<16xi32>,
        tpu.vector_store %arg15[%swap3A_184], %add3A_183 {strides = array<i32>} : memref<128xi32, #tpu.memory_space<vmem>>, vector<16xi32>,
        %add3A_186 = arith.constant 0 : i32
        %add3A_187 = arith.addi %add3A_59, %add3A_186 : i32
        %get3A_188 = arith.index_cast %add3A_187 : i32 to index
        %get3A_189 = tpu.vector_load %arg18[%get3A_188] {strides = array<i32>} : memref<3584xi32, #tpu.memory_space<vmem>>, vector<16xi32>,
        %swap3A_190 = arith.constant 0 : index
        %swap3A_191 = tpu.vector_load %arg13[%swap3A_190] {strides = array<i32>} : memref<128xi32, #tpu.memory_space<vmem>>, vector<16xi32>,
        tpu.vector_store %arg13[%swap3A_190], %get3A_189 {strides = array<i32>} : memref<128xi32, #tpu.memory_space<vmem>>, vector<16xi32>,
        %add3A_192 = arith.constant 0 : i32
        %add3A_193 = arith.addi %add3A_59, %add3A_192 : i32
        %get3A_194 = arith.index_cast %add3A_193 : i32 to index
        %get3A_195 = tpu.vector_load %arg19[%get3A_194] {strides = array<i32>} : memref<3584xi32, #tpu.memory_space<vmem>>, vector<16xi32>,
        %swap3A_196 = arith.constant 0 : index
        %swap3A_197 = tpu.vector_load %arg16[%swap3A_196] {strides = array<i32>} : memref<128xi32, #tpu.memory_space<vmem>>, vector<16xi32>,
        tpu.vector_store %arg16[%swap3A_196], %get3A_195 {strides = array<i32>} : memref<128xi32, #tpu.memory_space<vmem>>, vector<16xi32>,
        %add3A_198 = vector.broadcast %mul3A_31 : i32 to vector<16xi32>
        %add3A_199 = arith.addi %get3A_189, %add3A_198 : vector<16xi32>
        %swap3A_200 = arith.constant 0 : index
        %swap3A_201 = tpu.vector_load %arg17[%swap3A_200] {strides = array<i32>} : memref<128xi32, #tpu.memory_space<vmem>>, vector<16xi32>,
        tpu.vector_store %arg17[%swap3A_200], %add3A_199 {strides = array<i32>} : memref<128xi32, #tpu.memory_space<vmem>>, vector<16xi32>,
        %add3A_202 = arith.constant 16 : i32
        %add3A_203 = arith.addi %add3A_59, %add3A_202 : i32
        %get3A_204 = arith.index_cast %add3A_203 : i32 to index
        %get3A_205 = tpu.vector_load %arg18[%get3A_204] {strides = array<i32>} : memref<3584xi32, #tpu.memory_space<vmem>>, vector<16xi32>,
        %swap3A_206 = arith.constant 16 : index
        %swap3A_207 = tpu.vector_load %arg13[%swap3A_206] {strides = array<i32>} : memref<128xi32, #tpu.memory_space<vmem>>, vector<16xi32>,
        tpu.vector_store %arg13[%swap3A_206], %get3A_205 {strides = array<i32>} : memref<128xi32, #tpu.memory_space<vmem>>, vector<16xi32>,
        %add3A_208 = arith.constant 16 : i32
        %add3A_209 = arith.addi %add3A_59, %add3A_208 : i32
        %get3A_210 = arith.index_cast %add3A_209 : i32 to index
        %get3A_211 = tpu.vector_load %arg19[%get3A_210] {strides = array<i32>} : memref<3584xi32, #tpu.memory_space<vmem>>, vector<16xi32>,
        %swap3A_212 = arith.constant 16 : index
        %swap3A_213 = tpu.vector_load %arg16[%swap3A_212] {strides = array<i32>} : memref<128xi32, #tpu.memory_space<vmem>>, vector<16xi32>,
        tpu.vector_store %arg16[%swap3A_212], %get3A_211 {strides = array<i32>} : memref<128xi32, #tpu.memory_space<vmem>>, vector<16xi32>,
        %add3A_214 = vector.broadcast %mul3A_31 : i32 to vector<16xi32>
        %add3A_215 = arith.addi %get3A_205, %add3A_214 : vector<16xi32>
        %swap3A_216 = arith.constant 16 : index
        %swap3A_217 = tpu.vector_load %arg17[%swap3A_216] {strides = array<i32>} : memref<128xi32, #tpu.memory_space<vmem>>, vector<16xi32>,
        tpu.vector_store %arg17[%swap3A_216], %add3A_215 {strides = array<i32>} : memref<128xi32, #tpu.memory_space<vmem>>, vector<16xi32>,
        %add3A_218 = arith.constant 32 : i32
        %add3A_219 = arith.addi %add3A_59, %add3A_218 : i32
        %get3A_220 = arith.index_cast %add3A_219 : i32 to index
        %get3A_221 = tpu.vector_load %arg18[%get3A_220] {strides = array<i32>} : memref<3584xi32, #tpu.memory_space<vmem>>, vector<16xi32>,
        %swap3A_222 = arith.constant 32 : index
        %swap3A_223 = tpu.vector_load %arg13[%swap3A_222] {strides = array<i32>} : memref<128xi32, #tpu.memory_space<vmem>>, vector<16xi32>,
        tpu.vector_store %arg13[%swap3A_222], %get3A_221 {strides = array<i32>} : memref<128xi32, #tpu.memory_space<vmem>>, vector<16xi32>,
        %add3A_224 = arith.constant 32 : i32
        %add3A_225 = arith.addi %add3A_59, %add3A_224 : i32
        %get3A_226 = arith.index_cast %add3A_225 : i32 to index
        %get3A_227 = tpu.vector_load %arg19[%get3A_226] {strides = array<i32>} : memref<3584xi32, #tpu.memory_space<vmem>>, vector<16xi32>,
        %swap3A_228 = arith.constant 32 : index
        %swap3A_229 = tpu.vector_load %arg16[%swap3A_228] {strides = array<i32>} : memref<128xi32, #tpu.memory_space<vmem>>, vector<16xi32>,
        tpu.vector_store %arg16[%swap3A_228], %get3A_227 {strides = array<i32>} : memref<128xi32, #tpu.memory_space<vmem>>, vector<16xi32>,
        %add3A_230 = vector.broadcast %mul3A_31 : i32 to vector<16xi32>
        %add3A_231 = arith.addi %get3A_221, %add3A_230 : vector<16xi32>
        %swap3A_232 = arith.constant 32 : index
        %swap3A_233 = tpu.vector_load %arg17[%swap3A_232] {strides = array<i32>} : memref<128xi32, #tpu.memory_space<vmem>>, vector<16xi32>,
        tpu.vector_store %arg17[%swap3A_232], %add3A_231 {strides = array<i32>} : memref<128xi32, #tpu.memory_space<vmem>>, vector<16xi32>,
        %add3A_234 = arith.constant 48 : i32
        %add3A_235 = arith.addi %add3A_59, %add3A_234 : i32
        %get3A_236 = arith.index_cast %add3A_235 : i32 to index
        %get3A_237 = tpu.vector_load %arg18[%get3A_236] {strides = array<i32>} : memref<3584xi32, #tpu.memory_space<vmem>>, vector<16xi32>,
        %swap3A_238 = arith.constant 48 : index
        %swap3A_239 = tpu.vector_load %arg13[%swap3A_238] {strides = array<i32>} : memref<128xi32, #tpu.memory_space<vmem>>, vector<16xi32>,
        tpu.vector_store %arg13[%swap3A_238], %get3A_237 {strides = array<i32>} : memref<128xi32, #tpu.memory_space<vmem>>, vector<16xi32>,
        %add3A_240 = arith.constant 48 : i32
        %add3A_241 = arith.addi %add3A_59, %add3A_240 : i32
        %get3A_242 = arith.index_cast %add3A_241 : i32 to index
        %get3A_243 = tpu.vector_load %arg19[%get3A_242] {strides = array<i32>} : memref<3584xi32, #tpu.memory_space<vmem>>, vector<16xi32>,
        %swap3A_244 = arith.constant 48 : index
        %swap3A_245 = tpu.vector_load %arg16[%swap3A_244] {strides = array<i32>} : memref<128xi32, #tpu.memory_space<vmem>>, vector<16xi32>,
        tpu.vector_store %arg16[%swap3A_244], %get3A_243 {strides = array<i32>} : memref<128xi32, #tpu.memory_space<vmem>>, vector<16xi32>,
        %add3A_246 = vector.broadcast %mul3A_31 : i32 to vector<16xi32>
        %add3A_247 = arith.addi %get3A_237, %add3A_246 : vector<16xi32>
        %swap3A_248 = arith.constant 48 : index
        %swap3A_249 = tpu.vector_load %arg17[%swap3A_248] {strides = array<i32>} : memref<128xi32, #tpu.memory_space<vmem>>, vector<16xi32>,
        tpu.vector_store %arg17[%swap3A_248], %add3A_247 {strides = array<i32>} : memref<128xi32, #tpu.memory_space<vmem>>, vector<16xi32>,
        %add3A_250 = arith.constant 64 : i32
        %add3A_251 = arith.addi %add3A_59, %add3A_250 : i32
        %get3A_252 = arith.index_cast %add3A_251 : i32 to index
        %get3A_253 = tpu.vector_load %arg18[%get3A_252] {strides = array<i32>} : memref<3584xi32, #tpu.memory_space<vmem>>, vector<16xi32>,
        %swap3A_254 = arith.constant 64 : index
        %swap3A_255 = tpu.vector_load %arg13[%swap3A_254] {strides = array<i32>} : memref<128xi32, #tpu.memory_space<vmem>>, vector<16xi32>,
        tpu.vector_store %arg13[%swap3A_254], %get3A_253 {strides = array<i32>} : memref<128xi32, #tpu.memory_space<vmem>>, vector<16xi32>,
        %add3A_256 = arith.constant 64 : i32
        %add3A_257 = arith.addi %add3A_59, %add3A_256 : i32
        %get3A_258 = arith.index_cast %add3A_257 : i32 to index
        %get3A_259 = tpu.vector_load %arg19[%get3A_258] {strides = array<i32>} : memref<3584xi32, #tpu.memory_space<vmem>>, vector<16xi32>,
        %swap3A_260 = arith.constant 64 : index
        %swap3A_261 = tpu.vector_load %arg16[%swap3A_260] {strides = array<i32>} : memref<128xi32, #tpu.memory_space<vmem>>, vector<16xi32>,
        tpu.vector_store %arg16[%swap3A_260], %get3A_259 {strides = array<i32>} : memref<128xi32, #tpu.memory_space<vmem>>, vector<16xi32>,
        %add3A_262 = vector.broadcast %mul3A_31 : i32 to vector<16xi32>
        %add3A_263 = arith.addi %get3A_253, %add3A_262 : vector<16xi32>
        %swap3A_264 = arith.constant 64 : index
        %swap3A_265 = tpu.vector_load %arg17[%swap3A_264] {strides = array<i32>} : memref<128xi32, #tpu.memory_space<vmem>>, vector<16xi32>,
        tpu.vector_store %arg17[%swap3A_264], %add3A_263 {strides = array<i32>} : memref<128xi32, #tpu.memory_space<vmem>>, vector<16xi32>,
        %add3A_266 = arith.constant 80 : i32
        %add3A_267 = arith.addi %add3A_59, %add3A_266 : i32
        %get3A_268 = arith.index_cast %add3A_267 : i32 to index
        %get3A_269 = tpu.vector_load %arg18[%get3A_268] {strides = array<i32>} : memref<3584xi32, #tpu.memory_space<vmem>>, vector<16xi32>,
        %swap3A_270 = arith.constant 80 : index
        %swap3A_271 = tpu.vector_load %arg13[%swap3A_270] {strides = array<i32>} : memref<128xi32, #tpu.memory_space<vmem>>, vector<16xi32>,
        tpu.vector_store %arg13[%swap3A_270], %get3A_269 {strides = array<i32>} : memref<128xi32, #tpu.memory_space<vmem>>, vector<16xi32>,
        %add3A_272 = arith.constant 80 : i32
        %add3A_273 = arith.addi %add3A_59, %add3A_272 : i32
        %get3A_274 = arith.index_cast %add3A_273 : i32 to index
        %get3A_275 = tpu.vector_load %arg19[%get3A_274] {strides = array<i32>} : memref<3584xi32, #tpu.memory_space<vmem>>, vector<16xi32>,
        %swap3A_276 = arith.constant 80 : index
        %swap3A_277 = tpu.vector_load %arg16[%swap3A_276] {strides = array<i32>} : memref<128xi32, #tpu.memory_space<vmem>>, vector<16xi32>,
        tpu.vector_store %arg16[%swap3A_276], %get3A_275 {strides = array<i32>} : memref<128xi32, #tpu.memory_space<vmem>>, vector<16xi32>,
        %add3A_278 = vector.broadcast %mul3A_31 : i32 to vector<16xi32>
        %add3A_279 = arith.addi %get3A_269, %add3A_278 : vector<16xi32>
        %swap3A_280 = arith.constant 80 : index
        %swap3A_281 = tpu.vector_load %arg17[%swap3A_280] {strides = array<i32>} : memref<128xi32, #tpu.memory_space<vmem>>, vector<16xi32>,
        tpu.vector_store %arg17[%swap3A_280], %add3A_279 {strides = array<i32>} : memref<128xi32, #tpu.memory_space<vmem>>, vector<16xi32>,
        %add3A_282 = arith.constant 96 : i32
        %add3A_283 = arith.addi %add3A_59, %add3A_282 : i32
        %get3A_284 = arith.index_cast %add3A_283 : i32 to index
        %get3A_285 = tpu.vector_load %arg18[%get3A_284] {strides = array<i32>} : memref<3584xi32, #tpu.memory_space<vmem>>, vector<16xi32>,
        %swap3A_286 = arith.constant 96 : index
        %swap3A_287 = tpu.vector_load %arg13[%swap3A_286] {strides = array<i32>} : memref<128xi32, #tpu.memory_space<vmem>>, vector<16xi32>,
        tpu.vector_store %arg13[%swap3A_286], %get3A_285 {strides = array<i32>} : memref<128xi32, #tpu.memory_space<vmem>>, vector<16xi32>,
        %add3A_288 = arith.constant 96 : i32
        %add3A_289 = arith.addi %add3A_59, %add3A_288 : i32
        %get3A_290 = arith.index_cast %add3A_289 : i32 to index
        %get3A_291 = tpu.vector_load %arg19[%get3A_290] {strides = array<i32>} : memref<3584xi32, #tpu.memory_space<vmem>>, vector<16xi32>,
        %swap3A_292 = arith.constant 96 : index
        %swap3A_293 = tpu.vector_load %arg16[%swap3A_292] {strides = array<i32>} : memref<128xi32, #tpu.memory_space<vmem>>, vector<16xi32>,
        tpu.vector_store %arg16[%swap3A_292], %get3A_291 {strides = array<i32>} : memref<128xi32, #tpu.memory_space<vmem>>, vector<16xi32>,
        %add3A_294 = vector.broadcast %mul3A_31 : i32 to vector<16xi32>
        %add3A_295 = arith.addi %get3A_285, %add3A_294 : vector<16xi32>
        %swap3A_296 = arith.constant 96 : index
        %swap3A_297 = tpu.vector_load %arg17[%swap3A_296] {strides = array<i32>} : memref<128xi32, #tpu.memory_space<vmem>>, vector<16xi32>,
        tpu.vector_store %arg17[%swap3A_296], %add3A_295 {strides = array<i32>} : memref<128xi32, #tpu.memory_space<vmem>>, vector<16xi32>,
        %add3A_298 = arith.constant 112 : i32
        %add3A_299 = arith.addi %add3A_59, %add3A_298 : i32
        %get3A_300 = arith.index_cast %add3A_299 : i32 to index
        %get3A_301 = tpu.vector_load %arg18[%get3A_300] {strides = array<i32>} : memref<3584xi32, #tpu.memory_space<vmem>>, vector<16xi32>,
        %swap3A_302 = arith.constant 112 : index
        %swap3A_303 = tpu.vector_load %arg13[%swap3A_302] {strides = array<i32>} : memref<128xi32, #tpu.memory_space<vmem>>, vector<16xi32>,
        tpu.vector_store %arg13[%swap3A_302], %get3A_301 {strides = array<i32>} : memref<128xi32, #tpu.memory_space<vmem>>, vector<16xi32>,
        %add3A_304 = arith.constant 112 : i32
        %add3A_305 = arith.addi %add3A_59, %add3A_304 : i32
        %get3A_306 = arith.index_cast %add3A_305 : i32 to index
        %get3A_307 = tpu.vector_load %arg19[%get3A_306] {strides = array<i32>} : memref<3584xi32, #tpu.memory_space<vmem>>, vector<16xi32>,
        %swap3A_308 = arith.constant 112 : index
        %swap3A_309 = tpu.vector_load %arg16[%swap3A_308] {strides = array<i32>} : memref<128xi32, #tpu.memory_space<vmem>>, vector<16xi32>,
        tpu.vector_store %arg16[%swap3A_308], %get3A_307 {strides = array<i32>} : memref<128xi32, #tpu.memory_space<vmem>>, vector<16xi32>,
        %add3A_310 = vector.broadcast %mul3A_31 : i32 to vector<16xi32>
        %add3A_311 = arith.addi %get3A_301, %add3A_310 : vector<16xi32>
        %swap3A_312 = arith.constant 112 : index
        %swap3A_313 = tpu.vector_load %arg17[%swap3A_312] {strides = array<i32>} : memref<128xi32, #tpu.memory_space<vmem>>, vector<16xi32>,
        tpu.vector_store %arg17[%swap3A_312], %add3A_311 {strides = array<i32>} : memref<128xi32, #tpu.memory_space<vmem>>, vector<16xi32>,
        %dma_start3A = arith.constant 0 : i32
        %dma_start3A_314 = arith.constant 0 : i32
        %dma_start3A_315 = tpu.memref_slice %arg2[%dma_start3A, %dma_start3A_314] : memref<20480x80xf32, #tpu.memory_space<hbm>> -> memref<20480x80xf32, #tpu.memory_space<hbm>>
        tpu.enqueue_indirect_dma source(%dma_start3A_315 : memref<20480x80xf32, #tpu.memory_space<hbm>>) target(%arg8 : memref<128x80xf32, #tpu.memory_space<vmem>>) offsets(%arg15 : memref<128xi32, #tpu.memory_space<vmem>>) semaphore(%arg21 : memref<!tpu.dma_semaphore, #tpu.memory_space<semaphore_mem>>)
        %dma_start3A_316 = arith.constant 0 : i32
        %dma_start3A_317 = arith.constant 0 : i32
        %dma_start3A_318 = tpu.memref_slice %arg2[%dma_start3A_316, %dma_start3A_317] : memref<20480x80xf32, #tpu.memory_space<hbm>> -> memref<20480x80xf32, #tpu.memory_space<hbm>>
        tpu.enqueue_indirect_dma source(%dma_start3A_318 : memref<20480x80xf32, #tpu.memory_space<hbm>>) target(%arg9 : memref<128x80xf32, #tpu.memory_space<vmem>>) offsets(%arg17 : memref<128xi32, #tpu.memory_space<vmem>>) semaphore(%arg22 : memref<!tpu.dma_semaphore, #tpu.memory_space<semaphore_mem>>)
        %get3A_319 = arith.constant 0 : index
        %get3A_320 = tpu.vector_load %arg12[%get3A_319] {strides = array<i32>} : memref<128xi32, #tpu.memory_space<vmem>>, vector<16xi32>,
        %mul3A_321 = arith.constant 4 : i32
        %mul3A_322 = vector.broadcast %mul3A_321 : i32 to vector<16xi32>
        %mul3A_323 = arith.muli %get3A_320, %mul3A_322 : vector<16xi32>
        %get3A_324 = arith.constant 0 : index
        %get3A_325 = tpu.vector_load %arg14[%get3A_324] {strides = array<i32>} : memref<128xi32, #tpu.memory_space<vmem>>, vector<16xi32>,
        %mul3A_326 = arith.constant 4 : i32
        %mul3A_327 = vector.broadcast %mul3A_326 : i32 to vector<16xi32>
        %mul3A_328 = arith.muli %get3A_325, %mul3A_327 : vector<16xi32>
        %add3A_329 = arith.constant 0 : i32
        %add3A_330 = vector.broadcast %add3A_329 : i32 to vector<16xi32>
        %add3A_331 = arith.addi %mul3A_323, %add3A_330 : vector<16xi32>
        %gather3A = tpu.vector_load_idx %arg7[%add3A_331] : memref<40960xf32, #tpu.memory_space<vmem>>[vector<16xi32>], vector<16xf32>,
        %add3A_332 = arith.constant 2 : i32
        %add3A_333 = vector.broadcast %add3A_332 : i32 to vector<16xi32>
        %add3A_334 = arith.addi %mul3A_328, %add3A_333 : vector<16xi32>
        %gather3A_335 = tpu.vector_load_idx %arg7[%add3A_334] : memref<40960xf32, #tpu.memory_space<vmem>>[vector<16xi32>], vector<16xf32>,
        %add3A_336 = arith.addf %gather3A, %gather3A_335 : vector<16xf32>
        %mul3A_337 = arith.constant 2.000000e-01 : f32
        %mul3A_338 = vector.broadcast %mul3A_337 : f32 to vector<16xf32>
        %mul3A_339 = arith.mulf %add3A_336, %mul3A_338 : vector<16xf32>
        %max3A = arith.maximumf %add3A_336, %mul3A_339 : vector<16xf32>
        %add3A_340 = arith.constant 0 : i32
        %add3A_341 = vector.broadcast %add3A_340 : i32 to vector<16xi32>
        %add3A_342 = arith.addi %mul3A_27, %add3A_341 : vector<16xi32>
        %exp3A = math.exp %max3A : vector<16xf32>
        tpu.vector_store_idx %arg10[%add3A_342], %exp3A : memref<2048xf32, #tpu.memory_space<vmem>>[vector<16xi32>], vector<16xf32>,
        %add3A_343 = arith.constant 1 : i32
        %add3A_344 = vector.broadcast %add3A_343 : i32 to vector<16xi32>
        %add3A_345 = arith.addi %mul3A_323, %add3A_344 : vector<16xi32>
        %gather3A_346 = tpu.vector_load_idx %arg7[%add3A_345] : memref<40960xf32, #tpu.memory_space<vmem>>[vector<16xi32>], vector<16xf32>,
        %add3A_347 = arith.constant 3 : i32
        %add3A_348 = vector.broadcast %add3A_347 : i32 to vector<16xi32>
        %add3A_349 = arith.addi %mul3A_328, %add3A_348 : vector<16xi32>
        %gather3A_350 = tpu.vector_load_idx %arg7[%add3A_349] : memref<40960xf32, #tpu.memory_space<vmem>>[vector<16xi32>], vector<16xf32>,
        %add3A_351 = arith.addf %gather3A_346, %gather3A_350 : vector<16xf32>
        %mul3A_352 = arith.constant 2.000000e-01 : f32
        %mul3A_353 = vector.broadcast %mul3A_352 : f32 to vector<16xf32>
        %mul3A_354 = arith.mulf %add3A_351, %mul3A_353 : vector<16xf32>
        %max3A_355 = arith.maximumf %add3A_351, %mul3A_354 : vector<16xf32>
        %add3A_356 = arith.constant 1 : i32
        %add3A_357 = vector.broadcast %add3A_356 : i32 to vector<16xi32>
        %add3A_358 = arith.addi %mul3A_27, %add3A_357 : vector<16xi32>
        %exp3A_359 = math.exp %max3A_355 : vector<16xf32>
        tpu.vector_store_idx %arg10[%add3A_358], %exp3A_359 : memref<2048xf32, #tpu.memory_space<vmem>>[vector<16xi32>], vector<16xf32>,
        %get3A_360 = arith.constant 16 : index
        %get3A_361 = tpu.vector_load %arg12[%get3A_360] {strides = array<i32>} : memref<128xi32, #tpu.memory_space<vmem>>, vector<16xi32>,
        %mul3A_362 = arith.constant 4 : i32
        %mul3A_363 = vector.broadcast %mul3A_362 : i32 to vector<16xi32>
        %mul3A_364 = arith.muli %get3A_361, %mul3A_363 : vector<16xi32>
        %get3A_365 = arith.constant 16 : index
        %get3A_366 = tpu.vector_load %arg14[%get3A_365] {strides = array<i32>} : memref<128xi32, #tpu.memory_space<vmem>>, vector<16xi32>,
        %mul3A_367 = arith.constant 4 : i32
        %mul3A_368 = vector.broadcast %mul3A_367 : i32 to vector<16xi32>
        %mul3A_369 = arith.muli %get3A_366, %mul3A_368 : vector<16xi32>
        %add3A_370 = arith.constant 0 : i32
        %add3A_371 = vector.broadcast %add3A_370 : i32 to vector<16xi32>
        %add3A_372 = arith.addi %mul3A_364, %add3A_371 : vector<16xi32>
        %gather3A_373 = tpu.vector_load_idx %arg7[%add3A_372] : memref<40960xf32, #tpu.memory_space<vmem>>[vector<16xi32>], vector<16xf32>,
        %add3A_374 = arith.constant 2 : i32
        %add3A_375 = vector.broadcast %add3A_374 : i32 to vector<16xi32>
        %add3A_376 = arith.addi %mul3A_369, %add3A_375 : vector<16xi32>
        %gather3A_377 = tpu.vector_load_idx %arg7[%add3A_376] : memref<40960xf32, #tpu.memory_space<vmem>>[vector<16xi32>], vector<16xf32>,
        %add3A_378 = arith.addf %gather3A_373, %gather3A_377 : vector<16xf32>
        %mul3A_379 = arith.constant 2.000000e-01 : f32
        %mul3A_380 = vector.broadcast %mul3A_379 : f32 to vector<16xf32>
        %mul3A_381 = arith.mulf %add3A_378, %mul3A_380 : vector<16xf32>
        %max3A_382 = arith.maximumf %add3A_378, %mul3A_381 : vector<16xf32>
        %add3A_383 = arith.constant 256 : i32
        %add3A_384 = vector.broadcast %add3A_383 : i32 to vector<16xi32>
        %add3A_385 = arith.addi %mul3A_27, %add3A_384 : vector<16xi32>
        %exp3A_386 = math.exp %max3A_382 : vector<16xf32>
        tpu.vector_store_idx %arg10[%add3A_385], %exp3A_386 : memref<2048xf32, #tpu.memory_space<vmem>>[vector<16xi32>], vector<16xf32>,
        %add3A_387 = arith.constant 1 : i32
        %add3A_388 = vector.broadcast %add3A_387 : i32 to vector<16xi32>
        %add3A_389 = arith.addi %mul3A_364, %add3A_388 : vector<16xi32>
        %gather3A_390 = tpu.vector_load_idx %arg7[%add3A_389] : memref<40960xf32, #tpu.memory_space<vmem>>[vector<16xi32>], vector<16xf32>,
        %add3A_391 = arith.constant 3 : i32
        %add3A_392 = vector.broadcast %add3A_391 : i32 to vector<16xi32>
        %add3A_393 = arith.addi %mul3A_369, %add3A_392 : vector<16xi32>
        %gather3A_394 = tpu.vector_load_idx %arg7[%add3A_393] : memref<40960xf32, #tpu.memory_space<vmem>>[vector<16xi32>], vector<16xf32>,
        %add3A_395 = arith.addf %gather3A_390, %gather3A_394 : vector<16xf32>
        %mul3A_396 = arith.constant 2.000000e-01 : f32
        %mul3A_397 = vector.broadcast %mul3A_396 : f32 to vector<16xf32>
        %mul3A_398 = arith.mulf %add3A_395, %mul3A_397 : vector<16xf32>
        %max3A_399 = arith.maximumf %add3A_395, %mul3A_398 : vector<16xf32>
        %add3A_400 = arith.constant 257 : i32
        %add3A_401 = vector.broadcast %add3A_400 : i32 to vector<16xi32>
        %add3A_402 = arith.addi %mul3A_27, %add3A_401 : vector<16xi32>
        %exp3A_403 = math.exp %max3A_399 : vector<16xf32>
        tpu.vector_store_idx %arg10[%add3A_402], %exp3A_403 : memref<2048xf32, #tpu.memory_space<vmem>>[vector<16xi32>], vector<16xf32>,
        %get3A_404 = arith.constant 32 : index
        %get3A_405 = tpu.vector_load %arg12[%get3A_404] {strides = array<i32>} : memref<128xi32, #tpu.memory_space<vmem>>, vector<16xi32>,
        %mul3A_406 = arith.constant 4 : i32
        %mul3A_407 = vector.broadcast %mul3A_406 : i32 to vector<16xi32>
        %mul3A_408 = arith.muli %get3A_405, %mul3A_407 : vector<16xi32>
        %get3A_409 = arith.constant 32 : index
        %get3A_410 = tpu.vector_load %arg14[%get3A_409] {strides = array<i32>} : memref<128xi32, #tpu.memory_space<vmem>>, vector<16xi32>,
        %mul3A_411 = arith.constant 4 : i32
        %mul3A_412 = vector.broadcast %mul3A_411 : i32 to vector<16xi32>
        %mul3A_413 = arith.muli %get3A_410, %mul3A_412 : vector<16xi32>
        %add3A_414 = arith.constant 0 : i32
        %add3A_415 = vector.broadcast %add3A_414 : i32 to vector<16xi32>
        %add3A_416 = arith.addi %mul3A_408, %add3A_415 : vector<16xi32>
        %gather3A_417 = tpu.vector_load_idx %arg7[%add3A_416] : memref<40960xf32, #tpu.memory_space<vmem>>[vector<16xi32>], vector<16xf32>,
        %add3A_418 = arith.constant 2 : i32
        %add3A_419 = vector.broadcast %add3A_418 : i32 to vector<16xi32>
        %add3A_420 = arith.addi %mul3A_413, %add3A_419 : vector<16xi32>
        %gather3A_421 = tpu.vector_load_idx %arg7[%add3A_420] : memref<40960xf32, #tpu.memory_space<vmem>>[vector<16xi32>], vector<16xf32>,
        %add3A_422 = arith.addf %gather3A_417, %gather3A_421 : vector<16xf32>
        %mul3A_423 = arith.constant 2.000000e-01 : f32
        %mul3A_424 = vector.broadcast %mul3A_423 : f32 to vector<16xf32>
        %mul3A_425 = arith.mulf %add3A_422, %mul3A_424 : vector<16xf32>
        %max3A_426 = arith.maximumf %add3A_422, %mul3A_425 : vector<16xf32>
        %add3A_427 = arith.constant 512 : i32
        %add3A_428 = vector.broadcast %add3A_427 : i32 to vector<16xi32>
        %add3A_429 = arith.addi %mul3A_27, %add3A_428 : vector<16xi32>
        %exp3A_430 = math.exp %max3A_426 : vector<16xf32>
        tpu.vector_store_idx %arg10[%add3A_429], %exp3A_430 : memref<2048xf32, #tpu.memory_space<vmem>>[vector<16xi32>], vector<16xf32>,
        %add3A_431 = arith.constant 1 : i32
        %add3A_432 = vector.broadcast %add3A_431 : i32 to vector<16xi32>
        %add3A_433 = arith.addi %mul3A_408, %add3A_432 : vector<16xi32>
        %gather3A_434 = tpu.vector_load_idx %arg7[%add3A_433] : memref<40960xf32, #tpu.memory_space<vmem>>[vector<16xi32>], vector<16xf32>,
        %add3A_435 = arith.constant 3 : i32
        %add3A_436 = vector.broadcast %add3A_435 : i32 to vector<16xi32>
        %add3A_437 = arith.addi %mul3A_413, %add3A_436 : vector<16xi32>
        %gather3A_438 = tpu.vector_load_idx %arg7[%add3A_437] : memref<40960xf32, #tpu.memory_space<vmem>>[vector<16xi32>], vector<16xf32>,
        %add3A_439 = arith.addf %gather3A_434, %gather3A_438 : vector<16xf32>
        %mul3A_440 = arith.constant 2.000000e-01 : f32
        %mul3A_441 = vector.broadcast %mul3A_440 : f32 to vector<16xf32>
        %mul3A_442 = arith.mulf %add3A_439, %mul3A_441 : vector<16xf32>
        %max3A_443 = arith.maximumf %add3A_439, %mul3A_442 : vector<16xf32>
        %add3A_444 = arith.constant 513 : i32
        %add3A_445 = vector.broadcast %add3A_444 : i32 to vector<16xi32>
        %add3A_446 = arith.addi %mul3A_27, %add3A_445 : vector<16xi32>
        %exp3A_447 = math.exp %max3A_443 : vector<16xf32>
        tpu.vector_store_idx %arg10[%add3A_446], %exp3A_447 : memref<2048xf32, #tpu.memory_space<vmem>>[vector<16xi32>], vector<16xf32>,
        %get3A_448 = arith.constant 48 : index
        %get3A_449 = tpu.vector_load %arg12[%get3A_448] {strides = array<i32>} : memref<128xi32, #tpu.memory_space<vmem>>, vector<16xi32>,
        %mul3A_450 = arith.constant 4 : i32
        %mul3A_451 = vector.broadcast %mul3A_450 : i32 to vector<16xi32>
        %mul3A_452 = arith.muli %get3A_449, %mul3A_451 : vector<16xi32>
        %get3A_453 = arith.constant 48 : index
        %get3A_454 = tpu.vector_load %arg14[%get3A_453] {strides = array<i32>} : memref<128xi32, #tpu.memory_space<vmem>>, vector<16xi32>,
        %mul3A_455 = arith.constant 4 : i32
        %mul3A_456 = vector.broadcast %mul3A_455 : i32 to vector<16xi32>
        %mul3A_457 = arith.muli %get3A_454, %mul3A_456 : vector<16xi32>
        %add3A_458 = arith.constant 0 : i32
        %add3A_459 = vector.broadcast %add3A_458 : i32 to vector<16xi32>
        %add3A_460 = arith.addi %mul3A_452, %add3A_459 : vector<16xi32>
        %gather3A_461 = tpu.vector_load_idx %arg7[%add3A_460] : memref<40960xf32, #tpu.memory_space<vmem>>[vector<16xi32>], vector<16xf32>,
        %add3A_462 = arith.constant 2 : i32
        %add3A_463 = vector.broadcast %add3A_462 : i32 to vector<16xi32>
        %add3A_464 = arith.addi %mul3A_457, %add3A_463 : vector<16xi32>
        %gather3A_465 = tpu.vector_load_idx %arg7[%add3A_464] : memref<40960xf32, #tpu.memory_space<vmem>>[vector<16xi32>], vector<16xf32>,
        %add3A_466 = arith.addf %gather3A_461, %gather3A_465 : vector<16xf32>
        %mul3A_467 = arith.constant 2.000000e-01 : f32
        %mul3A_468 = vector.broadcast %mul3A_467 : f32 to vector<16xf32>
        %mul3A_469 = arith.mulf %add3A_466, %mul3A_468 : vector<16xf32>
        %max3A_470 = arith.maximumf %add3A_466, %mul3A_469 : vector<16xf32>
        %add3A_471 = arith.constant 768 : i32
        %add3A_472 = vector.broadcast %add3A_471 : i32 to vector<16xi32>
        %add3A_473 = arith.addi %mul3A_27, %add3A_472 : vector<16xi32>
        %exp3A_474 = math.exp %max3A_470 : vector<16xf32>
        tpu.vector_store_idx %arg10[%add3A_473], %exp3A_474 : memref<2048xf32, #tpu.memory_space<vmem>>[vector<16xi32>], vector<16xf32>,
        %add3A_475 = arith.constant 1 : i32
        %add3A_476 = vector.broadcast %add3A_475 : i32 to vector<16xi32>
        %add3A_477 = arith.addi %mul3A_452, %add3A_476 : vector<16xi32>
        %gather3A_478 = tpu.vector_load_idx %arg7[%add3A_477] : memref<40960xf32, #tpu.memory_space<vmem>>[vector<16xi32>], vector<16xf32>,
        %add3A_479 = arith.constant 3 : i32
        %add3A_480 = vector.broadcast %add3A_479 : i32 to vector<16xi32>
        %add3A_481 = arith.addi %mul3A_457, %add3A_480 : vector<16xi32>
        %gather3A_482 = tpu.vector_load_idx %arg7[%add3A_481] : memref<40960xf32, #tpu.memory_space<vmem>>[vector<16xi32>], vector<16xf32>,
        %add3A_483 = arith.addf %gather3A_478, %gather3A_482 : vector<16xf32>
        %mul3A_484 = arith.constant 2.000000e-01 : f32
        %mul3A_485 = vector.broadcast %mul3A_484 : f32 to vector<16xf32>
        %mul3A_486 = arith.mulf %add3A_483, %mul3A_485 : vector<16xf32>
        %max3A_487 = arith.maximumf %add3A_483, %mul3A_486 : vector<16xf32>
        %add3A_488 = arith.constant 769 : i32
        %add3A_489 = vector.broadcast %add3A_488 : i32 to vector<16xi32>
        %add3A_490 = arith.addi %mul3A_27, %add3A_489 : vector<16xi32>
        %exp3A_491 = math.exp %max3A_487 : vector<16xf32>
        tpu.vector_store_idx %arg10[%add3A_490], %exp3A_491 : memref<2048xf32, #tpu.memory_space<vmem>>[vector<16xi32>], vector<16xf32>,
        %get3A_492 = arith.constant 64 : index
        %get3A_493 = tpu.vector_load %arg12[%get3A_492] {strides = array<i32>} : memref<128xi32, #tpu.memory_space<vmem>>, vector<16xi32>,
        %mul3A_494 = arith.constant 4 : i32
        %mul3A_495 = vector.broadcast %mul3A_494 : i32 to vector<16xi32>
        %mul3A_496 = arith.muli %get3A_493, %mul3A_495 : vector<16xi32>
        %get3A_497 = arith.constant 64 : index
        %get3A_498 = tpu.vector_load %arg14[%get3A_497] {strides = array<i32>} : memref<128xi32, #tpu.memory_space<vmem>>, vector<16xi32>,
        %mul3A_499 = arith.constant 4 : i32
        %mul3A_500 = vector.broadcast %mul3A_499 : i32 to vector<16xi32>
        %mul3A_501 = arith.muli %get3A_498, %mul3A_500 : vector<16xi32>
        %add3A_502 = arith.constant 0 : i32
        %add3A_503 = vector.broadcast %add3A_502 : i32 to vector<16xi32>
        %add3A_504 = arith.addi %mul3A_496, %add3A_503 : vector<16xi32>
        %gather3A_505 = tpu.vector_load_idx %arg7[%add3A_504] : memref<40960xf32, #tpu.memory_space<vmem>>[vector<16xi32>], vector<16xf32>,
        %add3A_506 = arith.constant 2 : i32
        %add3A_507 = vector.broadcast %add3A_506 : i32 to vector<16xi32>
        %add3A_508 = arith.addi %mul3A_501, %add3A_507 : vector<16xi32>
        %gather3A_509 = tpu.vector_load_idx %arg7[%add3A_508] : memref<40960xf32, #tpu.memory_space<vmem>>[vector<16xi32>], vector<16xf32>,
        %add3A_510 = arith.addf %gather3A_505, %gather3A_509 : vector<16xf32>
        %mul3A_511 = arith.constant 2.000000e-01 : f32
        %mul3A_512 = vector.broadcast %mul3A_511 : f32 to vector<16xf32>
        %mul3A_513 = arith.mulf %add3A_510, %mul3A_512 : vector<16xf32>
        %max3A_514 = arith.maximumf %add3A_510, %mul3A_513 : vector<16xf32>
        %add3A_515 = arith.constant 1024 : i32
        %add3A_516 = vector.broadcast %add3A_515 : i32 to vector<16xi32>
        %add3A_517 = arith.addi %mul3A_27, %add3A_516 : vector<16xi32>
        %exp3A_518 = math.exp %max3A_514 : vector<16xf32>
        tpu.vector_store_idx %arg10[%add3A_517], %exp3A_518 : memref<2048xf32, #tpu.memory_space<vmem>>[vector<16xi32>], vector<16xf32>,
        %add3A_519 = arith.constant 1 : i32
        %add3A_520 = vector.broadcast %add3A_519 : i32 to vector<16xi32>
        %add3A_521 = arith.addi %mul3A_496, %add3A_520 : vector<16xi32>
        %gather3A_522 = tpu.vector_load_idx %arg7[%add3A_521] : memref<40960xf32, #tpu.memory_space<vmem>>[vector<16xi32>], vector<16xf32>,
        %add3A_523 = arith.constant 3 : i32
        %add3A_524 = vector.broadcast %add3A_523 : i32 to vector<16xi32>
        %add3A_525 = arith.addi %mul3A_501, %add3A_524 : vector<16xi32>
        %gather3A_526 = tpu.vector_load_idx %arg7[%add3A_525] : memref<40960xf32, #tpu.memory_space<vmem>>[vector<16xi32>], vector<16xf32>,
        %add3A_527 = arith.addf %gather3A_522, %gather3A_526 : vector<16xf32>
        %mul3A_528 = arith.constant 2.000000e-01 : f32
        %mul3A_529 = vector.broadcast %mul3A_528 : f32 to vector<16xf32>
        %mul3A_530 = arith.mulf %add3A_527, %mul3A_529 : vector<16xf32>
        %max3A_531 = arith.maximumf %add3A_527, %mul3A_530 : vector<16xf32>
        %add3A_532 = arith.constant 1025 : i32
        %add3A_533 = vector.broadcast %add3A_532 : i32 to vector<16xi32>
        %add3A_534 = arith.addi %mul3A_27, %add3A_533 : vector<16xi32>
        %exp3A_535 = math.exp %max3A_531 : vector<16xf32>
        tpu.vector_store_idx %arg10[%add3A_534], %exp3A_535 : memref<2048xf32, #tpu.memory_space<vmem>>[vector<16xi32>], vector<16xf32>,
        %get3A_536 = arith.constant 80 : index
        %get3A_537 = tpu.vector_load %arg12[%get3A_536] {strides = array<i32>} : memref<128xi32, #tpu.memory_space<vmem>>, vector<16xi32>,
        %mul3A_538 = arith.constant 4 : i32
        %mul3A_539 = vector.broadcast %mul3A_538 : i32 to vector<16xi32>
        %mul3A_540 = arith.muli %get3A_537, %mul3A_539 : vector<16xi32>
        %get3A_541 = arith.constant 80 : index
        %get3A_542 = tpu.vector_load %arg14[%get3A_541] {strides = array<i32>} : memref<128xi32, #tpu.memory_space<vmem>>, vector<16xi32>,
        %mul3A_543 = arith.constant 4 : i32
        %mul3A_544 = vector.broadcast %mul3A_543 : i32 to vector<16xi32>
        %mul3A_545 = arith.muli %get3A_542, %mul3A_544 : vector<16xi32>
        %add3A_546 = arith.constant 0 : i32
        %add3A_547 = vector.broadcast %add3A_546 : i32 to vector<16xi32>
        %add3A_548 = arith.addi %mul3A_540, %add3A_547 : vector<16xi32>
        %gather3A_549 = tpu.vector_load_idx %arg7[%add3A_548] : memref<40960xf32, #tpu.memory_space<vmem>>[vector<16xi32>], vector<16xf32>,
        %add3A_550 = arith.constant 2 : i32
        %add3A_551 = vector.broadcast %add3A_550 : i32 to vector<16xi32>
        %add3A_552 = arith.addi %mul3A_545, %add3A_551 : vector<16xi32>
        %gather3A_553 = tpu.vector_load_idx %arg7[%add3A_552] : memref<40960xf32, #tpu.memory_space<vmem>>[vector<16xi32>], vector<16xf32>,
        %add3A_554 = arith.addf %gather3A_549, %gather3A_553 : vector<16xf32>
        %mul3A_555 = arith.constant 2.000000e-01 : f32
        %mul3A_556 = vector.broadcast %mul3A_555 : f32 to vector<16xf32>
        %mul3A_557 = arith.mulf %add3A_554, %mul3A_556 : vector<16xf32>
        %max3A_558 = arith.maximumf %add3A_554, %mul3A_557 : vector<16xf32>
        %add3A_559 = arith.constant 1280 : i32
        %add3A_560 = vector.broadcast %add3A_559 : i32 to vector<16xi32>
        %add3A_561 = arith.addi %mul3A_27, %add3A_560 : vector<16xi32>
        %exp3A_562 = math.exp %max3A_558 : vector<16xf32>
        tpu.vector_store_idx %arg10[%add3A_561], %exp3A_562 : memref<2048xf32, #tpu.memory_space<vmem>>[vector<16xi32>], vector<16xf32>,
        %add3A_563 = arith.constant 1 : i32
        %add3A_564 = vector.broadcast %add3A_563 : i32 to vector<16xi32>
        %add3A_565 = arith.addi %mul3A_540, %add3A_564 : vector<16xi32>
        %gather3A_566 = tpu.vector_load_idx %arg7[%add3A_565] : memref<40960xf32, #tpu.memory_space<vmem>>[vector<16xi32>], vector<16xf32>,
        %add3A_567 = arith.constant 3 : i32
        %add3A_568 = vector.broadcast %add3A_567 : i32 to vector<16xi32>
        %add3A_569 = arith.addi %mul3A_545, %add3A_568 : vector<16xi32>
        %gather3A_570 = tpu.vector_load_idx %arg7[%add3A_569] : memref<40960xf32, #tpu.memory_space<vmem>>[vector<16xi32>], vector<16xf32>,
        %add3A_571 = arith.addf %gather3A_566, %gather3A_570 : vector<16xf32>
        %mul3A_572 = arith.constant 2.000000e-01 : f32
        %mul3A_573 = vector.broadcast %mul3A_572 : f32 to vector<16xf32>
        %mul3A_574 = arith.mulf %add3A_571, %mul3A_573 : vector<16xf32>
        %max3A_575 = arith.maximumf %add3A_571, %mul3A_574 : vector<16xf32>
        %add3A_576 = arith.constant 1281 : i32
        %add3A_577 = vector.broadcast %add3A_576 : i32 to vector<16xi32>
        %add3A_578 = arith.addi %mul3A_27, %add3A_577 : vector<16xi32>
        %exp3A_579 = math.exp %max3A_575 : vector<16xf32>
        tpu.vector_store_idx %arg10[%add3A_578], %exp3A_579 : memref<2048xf32, #tpu.memory_space<vmem>>[vector<16xi32>], vector<16xf32>,
        %get3A_580 = arith.constant 96 : index
        %get3A_581 = tpu.vector_load %arg12[%get3A_580] {strides = array<i32>} : memref<128xi32, #tpu.memory_space<vmem>>, vector<16xi32>,
        %mul3A_582 = arith.constant 4 : i32
        %mul3A_583 = vector.broadcast %mul3A_582 : i32 to vector<16xi32>
        %mul3A_584 = arith.muli %get3A_581, %mul3A_583 : vector<16xi32>
        %get3A_585 = arith.constant 96 : index
        %get3A_586 = tpu.vector_load %arg14[%get3A_585] {strides = array<i32>} : memref<128xi32, #tpu.memory_space<vmem>>, vector<16xi32>,
        %mul3A_587 = arith.constant 4 : i32
        %mul3A_588 = vector.broadcast %mul3A_587 : i32 to vector<16xi32>
        %mul3A_589 = arith.muli %get3A_586, %mul3A_588 : vector<16xi32>
        %add3A_590 = arith.constant 0 : i32
        %add3A_591 = vector.broadcast %add3A_590 : i32 to vector<16xi32>
        %add3A_592 = arith.addi %mul3A_584, %add3A_591 : vector<16xi32>
        %gather3A_593 = tpu.vector_load_idx %arg7[%add3A_592] : memref<40960xf32, #tpu.memory_space<vmem>>[vector<16xi32>], vector<16xf32>,
        %add3A_594 = arith.constant 2 : i32
        %add3A_595 = vector.broadcast %add3A_594 : i32 to vector<16xi32>
        %add3A_596 = arith.addi %mul3A_589, %add3A_595 : vector<16xi32>
        %gather3A_597 = tpu.vector_load_idx %arg7[%add3A_596] : memref<40960xf32, #tpu.memory_space<vmem>>[vector<16xi32>], vector<16xf32>,
        %add3A_598 = arith.addf %gather3A_593, %gather3A_597 : vector<16xf32>
        %mul3A_599 = arith.constant 2.000000e-01 : f32
        %mul3A_600 = vector.broadcast %mul3A_599 : f32 to vector<16xf32>
        %mul3A_601 = arith.mulf %add3A_598, %mul3A_600 : vector<16xf32>
        %max3A_602 = arith.maximumf %add3A_598, %mul3A_601 : vector<16xf32>
        %add3A_603 = arith.constant 1536 : i32
        %add3A_604 = vector.broadcast %add3A_603 : i32 to vector<16xi32>
        %add3A_605 = arith.addi %mul3A_27, %add3A_604 : vector<16xi32>
        %exp3A_606 = math.exp %max3A_602 : vector<16xf32>
        tpu.vector_store_idx %arg10[%add3A_605], %exp3A_606 : memref<2048xf32, #tpu.memory_space<vmem>>[vector<16xi32>], vector<16xf32>,
        %add3A_607 = arith.constant 1 : i32
        %add3A_608 = vector.broadcast %add3A_607 : i32 to vector<16xi32>
        %add3A_609 = arith.addi %mul3A_584, %add3A_608 : vector<16xi32>
        %gather3A_610 = tpu.vector_load_idx %arg7[%add3A_609] : memref<40960xf32, #tpu.memory_space<vmem>>[vector<16xi32>], vector<16xf32>,
        %add3A_611 = arith.constant 3 : i32
        %add3A_612 = vector.broadcast %add3A_611 : i32 to vector<16xi32>
        %add3A_613 = arith.addi %mul3A_589, %add3A_612 : vector<16xi32>
        %gather3A_614 = tpu.vector_load_idx %arg7[%add3A_613] : memref<40960xf32, #tpu.memory_space<vmem>>[vector<16xi32>], vector<16xf32>,
        %add3A_615 = arith.addf %gather3A_610, %gather3A_614 : vector<16xf32>
        %mul3A_616 = arith.constant 2.000000e-01 : f32
        %mul3A_617 = vector.broadcast %mul3A_616 : f32 to vector<16xf32>
        %mul3A_618 = arith.mulf %add3A_615, %mul3A_617 : vector<16xf32>
        %max3A_619 = arith.maximumf %add3A_615, %mul3A_618 : vector<16xf32>
        %add3A_620 = arith.constant 1537 : i32
        %add3A_621 = vector.broadcast %add3A_620 : i32 to vector<16xi32>
        %add3A_622 = arith.addi %mul3A_27, %add3A_621 : vector<16xi32>
        %exp3A_623 = math.exp %max3A_619 : vector<16xf32>
        tpu.vector_store_idx %arg10[%add3A_622], %exp3A_623 : memref<2048xf32, #tpu.memory_space<vmem>>[vector<16xi32>], vector<16xf32>,
        %get3A_624 = arith.constant 112 : index
        %get3A_625 = tpu.vector_load %arg12[%get3A_624] {strides = array<i32>} : memref<128xi32, #tpu.memory_space<vmem>>, vector<16xi32>,
        %mul3A_626 = arith.constant 4 : i32
        %mul3A_627 = vector.broadcast %mul3A_626 : i32 to vector<16xi32>
        %mul3A_628 = arith.muli %get3A_625, %mul3A_627 : vector<16xi32>
        %get3A_629 = arith.constant 112 : index
        %get3A_630 = tpu.vector_load %arg14[%get3A_629] {strides = array<i32>} : memref<128xi32, #tpu.memory_space<vmem>>, vector<16xi32>,
        %mul3A_631 = arith.constant 4 : i32
        %mul3A_632 = vector.broadcast %mul3A_631 : i32 to vector<16xi32>
        %mul3A_633 = arith.muli %get3A_630, %mul3A_632 : vector<16xi32>
        %add3A_634 = arith.constant 0 : i32
        %add3A_635 = vector.broadcast %add3A_634 : i32 to vector<16xi32>
        %add3A_636 = arith.addi %mul3A_628, %add3A_635 : vector<16xi32>
        %gather3A_637 = tpu.vector_load_idx %arg7[%add3A_636] : memref<40960xf32, #tpu.memory_space<vmem>>[vector<16xi32>], vector<16xf32>,
        %add3A_638 = arith.constant 2 : i32
        %add3A_639 = vector.broadcast %add3A_638 : i32 to vector<16xi32>
        %add3A_640 = arith.addi %mul3A_633, %add3A_639 : vector<16xi32>
        %gather3A_641 = tpu.vector_load_idx %arg7[%add3A_640] : memref<40960xf32, #tpu.memory_space<vmem>>[vector<16xi32>], vector<16xf32>,
        %add3A_642 = arith.addf %gather3A_637, %gather3A_641 : vector<16xf32>
        %mul3A_643 = arith.constant 2.000000e-01 : f32
        %mul3A_644 = vector.broadcast %mul3A_643 : f32 to vector<16xf32>
        %mul3A_645 = arith.mulf %add3A_642, %mul3A_644 : vector<16xf32>
        %max3A_646 = arith.maximumf %add3A_642, %mul3A_645 : vector<16xf32>
        %add3A_647 = arith.constant 1792 : i32
        %add3A_648 = vector.broadcast %add3A_647 : i32 to vector<16xi32>
        %add3A_649 = arith.addi %mul3A_27, %add3A_648 : vector<16xi32>
        %exp3A_650 = math.exp %max3A_646 : vector<16xf32>
        tpu.vector_store_idx %arg10[%add3A_649], %exp3A_650 : memref<2048xf32, #tpu.memory_space<vmem>>[vector<16xi32>], vector<16xf32>,
        %add3A_651 = arith.constant 1 : i32
        %add3A_652 = vector.broadcast %add3A_651 : i32 to vector<16xi32>
        %add3A_653 = arith.addi %mul3A_628, %add3A_652 : vector<16xi32>
        %gather3A_654 = tpu.vector_load_idx %arg7[%add3A_653] : memref<40960xf32, #tpu.memory_space<vmem>>[vector<16xi32>], vector<16xf32>,
        %add3A_655 = arith.constant 3 : i32
        %add3A_656 = vector.broadcast %add3A_655 : i32 to vector<16xi32>
        %add3A_657 = arith.addi %mul3A_633, %add3A_656 : vector<16xi32>
        %gather3A_658 = tpu.vector_load_idx %arg7[%add3A_657] : memref<40960xf32, #tpu.memory_space<vmem>>[vector<16xi32>], vector<16xf32>,
        %add3A_659 = arith.addf %gather3A_654, %gather3A_658 : vector<16xf32>
        %mul3A_660 = arith.constant 2.000000e-01 : f32
        %mul3A_661 = vector.broadcast %mul3A_660 : f32 to vector<16xf32>
        %mul3A_662 = arith.mulf %add3A_659, %mul3A_661 : vector<16xf32>
        %max3A_663 = arith.maximumf %add3A_659, %mul3A_662 : vector<16xf32>
        %add3A_664 = arith.constant 1793 : i32
        %add3A_665 = vector.broadcast %add3A_664 : i32 to vector<16xi32>
        %add3A_666 = arith.addi %mul3A_27, %add3A_665 : vector<16xi32>
        %exp3A_667 = math.exp %max3A_663 : vector<16xf32>
        tpu.vector_store_idx %arg10[%add3A_666], %exp3A_667 : memref<2048xf32, #tpu.memory_space<vmem>>[vector<16xi32>], vector<16xf32>,
        %get3A_668 = arith.constant 0 : index
        %get3A_669 = tpu.vector_load %arg13[%get3A_668] {strides = array<i32>} : memref<128xi32, #tpu.memory_space<vmem>>, vector<16xi32>,
        %mul3A_670 = arith.constant 4 : i32
        %mul3A_671 = vector.broadcast %mul3A_670 : i32 to vector<16xi32>
        %mul3A_672 = arith.muli %get3A_669, %mul3A_671 : vector<16xi32>
        %get3A_673 = arith.constant 0 : index
        %get3A_674 = tpu.vector_load %arg16[%get3A_673] {strides = array<i32>} : memref<128xi32, #tpu.memory_space<vmem>>, vector<16xi32>,
        %mul3A_675 = arith.constant 4 : i32
        %mul3A_676 = vector.broadcast %mul3A_675 : i32 to vector<16xi32>
        %mul3A_677 = arith.muli %get3A_674, %mul3A_676 : vector<16xi32>
        %add3A_678 = arith.constant 0 : i32
        %add3A_679 = vector.broadcast %add3A_678 : i32 to vector<16xi32>
        %add3A_680 = arith.addi %mul3A_672, %add3A_679 : vector<16xi32>
        %gather3A_681 = tpu.vector_load_idx %arg7[%add3A_680] : memref<40960xf32, #tpu.memory_space<vmem>>[vector<16xi32>], vector<16xf32>,
        %add3A_682 = arith.constant 2 : i32
        %add3A_683 = vector.broadcast %add3A_682 : i32 to vector<16xi32>
        %add3A_684 = arith.addi %mul3A_677, %add3A_683 : vector<16xi32>
        %gather3A_685 = tpu.vector_load_idx %arg7[%add3A_684] : memref<40960xf32, #tpu.memory_space<vmem>>[vector<16xi32>], vector<16xf32>,
        %add3A_686 = arith.addf %gather3A_681, %gather3A_685 : vector<16xf32>
        %mul3A_687 = arith.constant 2.000000e-01 : f32
        %mul3A_688 = vector.broadcast %mul3A_687 : f32 to vector<16xf32>
        %mul3A_689 = arith.mulf %add3A_686, %mul3A_688 : vector<16xf32>
        %max3A_690 = arith.maximumf %add3A_686, %mul3A_689 : vector<16xf32>
        %add3A_691 = arith.constant 0 : i32
        %add3A_692 = vector.broadcast %add3A_691 : i32 to vector<16xi32>
        %add3A_693 = arith.addi %mul3A_27, %add3A_692 : vector<16xi32>
        %exp3A_694 = math.exp %max3A_690 : vector<16xf32>
        tpu.vector_store_idx %arg11[%add3A_693], %exp3A_694 : memref<2048xf32, #tpu.memory_space<vmem>>[vector<16xi32>], vector<16xf32>,
        %add3A_695 = arith.constant 1 : i32
        %add3A_696 = vector.broadcast %add3A_695 : i32 to vector<16xi32>
        %add3A_697 = arith.addi %mul3A_672, %add3A_696 : vector<16xi32>
        %gather3A_698 = tpu.vector_load_idx %arg7[%add3A_697] : memref<40960xf32, #tpu.memory_space<vmem>>[vector<16xi32>], vector<16xf32>,
        %add3A_699 = arith.constant 3 : i32
        %add3A_700 = vector.broadcast %add3A_699 : i32 to vector<16xi32>
        %add3A_701 = arith.addi %mul3A_677, %add3A_700 : vector<16xi32>
        %gather3A_702 = tpu.vector_load_idx %arg7[%add3A_701] : memref<40960xf32, #tpu.memory_space<vmem>>[vector<16xi32>], vector<16xf32>,
        %add3A_703 = arith.addf %gather3A_698, %gather3A_702 : vector<16xf32>
        %mul3A_704 = arith.constant 2.000000e-01 : f32
        %mul3A_705 = vector.broadcast %mul3A_704 : f32 to vector<16xf32>
        %mul3A_706 = arith.mulf %add3A_703, %mul3A_705 : vector<16xf32>
        %max3A_707 = arith.maximumf %add3A_703, %mul3A_706 : vector<16xf32>
        %add3A_708 = arith.constant 1 : i32
        %add3A_709 = vector.broadcast %add3A_708 : i32 to vector<16xi32>
        %add3A_710 = arith.addi %mul3A_27, %add3A_709 : vector<16xi32>
        %exp3A_711 = math.exp %max3A_707 : vector<16xf32>
        tpu.vector_store_idx %arg11[%add3A_710], %exp3A_711 : memref<2048xf32, #tpu.memory_space<vmem>>[vector<16xi32>], vector<16xf32>,
        %get3A_712 = arith.constant 16 : index
        %get3A_713 = tpu.vector_load %arg13[%get3A_712] {strides = array<i32>} : memref<128xi32, #tpu.memory_space<vmem>>, vector<16xi32>,
        %mul3A_714 = arith.constant 4 : i32
        %mul3A_715 = vector.broadcast %mul3A_714 : i32 to vector<16xi32>
        %mul3A_716 = arith.muli %get3A_713, %mul3A_715 : vector<16xi32>
        %get3A_717 = arith.constant 16 : index
        %get3A_718 = tpu.vector_load %arg16[%get3A_717] {strides = array<i32>} : memref<128xi32, #tpu.memory_space<vmem>>, vector<16xi32>,
        %mul3A_719 = arith.constant 4 : i32
        %mul3A_720 = vector.broadcast %mul3A_719 : i32 to vector<16xi32>
        %mul3A_721 = arith.muli %get3A_718, %mul3A_720 : vector<16xi32>
        %add3A_722 = arith.constant 0 : i32
        %add3A_723 = vector.broadcast %add3A_722 : i32 to vector<16xi32>
        %add3A_724 = arith.addi %mul3A_716, %add3A_723 : vector<16xi32>
        %gather3A_725 = tpu.vector_load_idx %arg7[%add3A_724] : memref<40960xf32, #tpu.memory_space<vmem>>[vector<16xi32>], vector<16xf32>,
        %add3A_726 = arith.constant 2 : i32
        %add3A_727 = vector.broadcast %add3A_726 : i32 to vector<16xi32>
        %add3A_728 = arith.addi %mul3A_721, %add3A_727 : vector<16xi32>
        %gather3A_729 = tpu.vector_load_idx %arg7[%add3A_728] : memref<40960xf32, #tpu.memory_space<vmem>>[vector<16xi32>], vector<16xf32>,
        %add3A_730 = arith.addf %gather3A_725, %gather3A_729 : vector<16xf32>
        %mul3A_731 = arith.constant 2.000000e-01 : f32
        %mul3A_732 = vector.broadcast %mul3A_731 : f32 to vector<16xf32>
        %mul3A_733 = arith.mulf %add3A_730, %mul3A_732 : vector<16xf32>
        %max3A_734 = arith.maximumf %add3A_730, %mul3A_733 : vector<16xf32>
        %add3A_735 = arith.constant 256 : i32
        %add3A_736 = vector.broadcast %add3A_735 : i32 to vector<16xi32>
        %add3A_737 = arith.addi %mul3A_27, %add3A_736 : vector<16xi32>
        %exp3A_738 = math.exp %max3A_734 : vector<16xf32>
        tpu.vector_store_idx %arg11[%add3A_737], %exp3A_738 : memref<2048xf32, #tpu.memory_space<vmem>>[vector<16xi32>], vector<16xf32>,
        %add3A_739 = arith.constant 1 : i32
        %add3A_740 = vector.broadcast %add3A_739 : i32 to vector<16xi32>
        %add3A_741 = arith.addi %mul3A_716, %add3A_740 : vector<16xi32>
        %gather3A_742 = tpu.vector_load_idx %arg7[%add3A_741] : memref<40960xf32, #tpu.memory_space<vmem>>[vector<16xi32>], vector<16xf32>,
        %add3A_743 = arith.constant 3 : i32
        %add3A_744 = vector.broadcast %add3A_743 : i32 to vector<16xi32>
        %add3A_745 = arith.addi %mul3A_721, %add3A_744 : vector<16xi32>
        %gather3A_746 = tpu.vector_load_idx %arg7[%add3A_745] : memref<40960xf32, #tpu.memory_space<vmem>>[vector<16xi32>], vector<16xf32>,
        %add3A_747 = arith.addf %gather3A_742, %gather3A_746 : vector<16xf32>
        %mul3A_748 = arith.constant 2.000000e-01 : f32
        %mul3A_749 = vector.broadcast %mul3A_748 : f32 to vector<16xf32>
        %mul3A_750 = arith.mulf %add3A_747, %mul3A_749 : vector<16xf32>
        %max3A_751 = arith.maximumf %add3A_747, %mul3A_750 : vector<16xf32>
        %add3A_752 = arith.constant 257 : i32
        %add3A_753 = vector.broadcast %add3A_752 : i32 to vector<16xi32>
        %add3A_754 = arith.addi %mul3A_27, %add3A_753 : vector<16xi32>
        %exp3A_755 = math.exp %max3A_751 : vector<16xf32>
        tpu.vector_store_idx %arg11[%add3A_754], %exp3A_755 : memref<2048xf32, #tpu.memory_space<vmem>>[vector<16xi32>], vector<16xf32>,
        %get3A_756 = arith.constant 32 : index
        %get3A_757 = tpu.vector_load %arg13[%get3A_756] {strides = array<i32>} : memref<128xi32, #tpu.memory_space<vmem>>, vector<16xi32>,
        %mul3A_758 = arith.constant 4 : i32
        %mul3A_759 = vector.broadcast %mul3A_758 : i32 to vector<16xi32>
        %mul3A_760 = arith.muli %get3A_757, %mul3A_759 : vector<16xi32>
        %get3A_761 = arith.constant 32 : index
        %get3A_762 = tpu.vector_load %arg16[%get3A_761] {strides = array<i32>} : memref<128xi32, #tpu.memory_space<vmem>>, vector<16xi32>,
        %mul3A_763 = arith.constant 4 : i32
        %mul3A_764 = vector.broadcast %mul3A_763 : i32 to vector<16xi32>
        %mul3A_765 = arith.muli %get3A_762, %mul3A_764 : vector<16xi32>
        %add3A_766 = arith.constant 0 : i32
        %add3A_767 = vector.broadcast %add3A_766 : i32 to vector<16xi32>
        %add3A_768 = arith.addi %mul3A_760, %add3A_767 : vector<16xi32>
        %gather3A_769 = tpu.vector_load_idx %arg7[%add3A_768] : memref<40960xf32, #tpu.memory_space<vmem>>[vector<16xi32>], vector<16xf32>,
        %add3A_770 = arith.constant 2 : i32
        %add3A_771 = vector.broadcast %add3A_770 : i32 to vector<16xi32>
        %add3A_772 = arith.addi %mul3A_765, %add3A_771 : vector<16xi32>
        %gather3A_773 = tpu.vector_load_idx %arg7[%add3A_772] : memref<40960xf32, #tpu.memory_space<vmem>>[vector<16xi32>], vector<16xf32>,
        %add3A_774 = arith.addf %gather3A_769, %gather3A_773 : vector<16xf32>
        %mul3A_775 = arith.constant 2.000000e-01 : f32
        %mul3A_776 = vector.broadcast %mul3A_775 : f32 to vector<16xf32>
        %mul3A_777 = arith.mulf %add3A_774, %mul3A_776 : vector<16xf32>
        %max3A_778 = arith.maximumf %add3A_774, %mul3A_777 : vector<16xf32>
        %add3A_779 = arith.constant 512 : i32
        %add3A_780 = vector.broadcast %add3A_779 : i32 to vector<16xi32>
        %add3A_781 = arith.addi %mul3A_27, %add3A_780 : vector<16xi32>
        %exp3A_782 = math.exp %max3A_778 : vector<16xf32>
        tpu.vector_store_idx %arg11[%add3A_781], %exp3A_782 : memref<2048xf32, #tpu.memory_space<vmem>>[vector<16xi32>], vector<16xf32>,
        %add3A_783 = arith.constant 1 : i32
        %add3A_784 = vector.broadcast %add3A_783 : i32 to vector<16xi32>
        %add3A_785 = arith.addi %mul3A_760, %add3A_784 : vector<16xi32>
        %gather3A_786 = tpu.vector_load_idx %arg7[%add3A_785] : memref<40960xf32, #tpu.memory_space<vmem>>[vector<16xi32>], vector<16xf32>,
        %add3A_787 = arith.constant 3 : i32
        %add3A_788 = vector.broadcast %add3A_787 : i32 to vector<16xi32>
        %add3A_789 = arith.addi %mul3A_765, %add3A_788 : vector<16xi32>
        %gather3A_790 = tpu.vector_load_idx %arg7[%add3A_789] : memref<40960xf32, #tpu.memory_space<vmem>>[vector<16xi32>], vector<16xf32>,
        %add3A_791 = arith.addf %gather3A_786, %gather3A_790 : vector<16xf32>
        %mul3A_792 = arith.constant 2.000000e-01 : f32
        %mul3A_793 = vector.broadcast %mul3A_792 : f32 to vector<16xf32>
        %mul3A_794 = arith.mulf %add3A_791, %mul3A_793 : vector<16xf32>
        %max3A_795 = arith.maximumf %add3A_791, %mul3A_794 : vector<16xf32>
        %add3A_796 = arith.constant 513 : i32
        %add3A_797 = vector.broadcast %add3A_796 : i32 to vector<16xi32>
        %add3A_798 = arith.addi %mul3A_27, %add3A_797 : vector<16xi32>
        %exp3A_799 = math.exp %max3A_795 : vector<16xf32>
        tpu.vector_store_idx %arg11[%add3A_798], %exp3A_799 : memref<2048xf32, #tpu.memory_space<vmem>>[vector<16xi32>], vector<16xf32>,
        %get3A_800 = arith.constant 48 : index
        %get3A_801 = tpu.vector_load %arg13[%get3A_800] {strides = array<i32>} : memref<128xi32, #tpu.memory_space<vmem>>, vector<16xi32>,
        %mul3A_802 = arith.constant 4 : i32
        %mul3A_803 = vector.broadcast %mul3A_802 : i32 to vector<16xi32>
        %mul3A_804 = arith.muli %get3A_801, %mul3A_803 : vector<16xi32>
        %get3A_805 = arith.constant 48 : index
        %get3A_806 = tpu.vector_load %arg16[%get3A_805] {strides = array<i32>} : memref<128xi32, #tpu.memory_space<vmem>>, vector<16xi32>,
        %mul3A_807 = arith.constant 4 : i32
        %mul3A_808 = vector.broadcast %mul3A_807 : i32 to vector<16xi32>
        %mul3A_809 = arith.muli %get3A_806, %mul3A_808 : vector<16xi32>
        %add3A_810 = arith.constant 0 : i32
        %add3A_811 = vector.broadcast %add3A_810 : i32 to vector<16xi32>
        %add3A_812 = arith.addi %mul3A_804, %add3A_811 : vector<16xi32>
        %gather3A_813 = tpu.vector_load_idx %arg7[%add3A_812] : memref<40960xf32, #tpu.memory_space<vmem>>[vector<16xi32>], vector<16xf32>,
        %add3A_814 = arith.constant 2 : i32
        %add3A_815 = vector.broadcast %add3A_814 : i32 to vector<16xi32>
        %add3A_816 = arith.addi %mul3A_809, %add3A_815 : vector<16xi32>
        %gather3A_817 = tpu.vector_load_idx %arg7[%add3A_816] : memref<40960xf32, #tpu.memory_space<vmem>>[vector<16xi32>], vector<16xf32>,
        %add3A_818 = arith.addf %gather3A_813, %gather3A_817 : vector<16xf32>
        %mul3A_819 = arith.constant 2.000000e-01 : f32
        %mul3A_820 = vector.broadcast %mul3A_819 : f32 to vector<16xf32>
        %mul3A_821 = arith.mulf %add3A_818, %mul3A_820 : vector<16xf32>
        %max3A_822 = arith.maximumf %add3A_818, %mul3A_821 : vector<16xf32>
        %add3A_823 = arith.constant 768 : i32
        %add3A_824 = vector.broadcast %add3A_823 : i32 to vector<16xi32>
        %add3A_825 = arith.addi %mul3A_27, %add3A_824 : vector<16xi32>
        %exp3A_826 = math.exp %max3A_822 : vector<16xf32>
        tpu.vector_store_idx %arg11[%add3A_825], %exp3A_826 : memref<2048xf32, #tpu.memory_space<vmem>>[vector<16xi32>], vector<16xf32>,
        %add3A_827 = arith.constant 1 : i32
        %add3A_828 = vector.broadcast %add3A_827 : i32 to vector<16xi32>
        %add3A_829 = arith.addi %mul3A_804, %add3A_828 : vector<16xi32>
        %gather3A_830 = tpu.vector_load_idx %arg7[%add3A_829] : memref<40960xf32, #tpu.memory_space<vmem>>[vector<16xi32>], vector<16xf32>,
        %add3A_831 = arith.constant 3 : i32
        %add3A_832 = vector.broadcast %add3A_831 : i32 to vector<16xi32>
        %add3A_833 = arith.addi %mul3A_809, %add3A_832 : vector<16xi32>
        %gather3A_834 = tpu.vector_load_idx %arg7[%add3A_833] : memref<40960xf32, #tpu.memory_space<vmem>>[vector<16xi32>], vector<16xf32>,
        %add3A_835 = arith.addf %gather3A_830, %gather3A_834 : vector<16xf32>
        %mul3A_836 = arith.constant 2.000000e-01 : f32
        %mul3A_837 = vector.broadcast %mul3A_836 : f32 to vector<16xf32>
        %mul3A_838 = arith.mulf %add3A_835, %mul3A_837 : vector<16xf32>
        %max3A_839 = arith.maximumf %add3A_835, %mul3A_838 : vector<16xf32>
        %add3A_840 = arith.constant 769 : i32
        %add3A_841 = vector.broadcast %add3A_840 : i32 to vector<16xi32>
        %add3A_842 = arith.addi %mul3A_27, %add3A_841 : vector<16xi32>
        %exp3A_843 = math.exp %max3A_839 : vector<16xf32>
        tpu.vector_store_idx %arg11[%add3A_842], %exp3A_843 : memref<2048xf32, #tpu.memory_space<vmem>>[vector<16xi32>], vector<16xf32>,
        %get3A_844 = arith.constant 64 : index
        %get3A_845 = tpu.vector_load %arg13[%get3A_844] {strides = array<i32>} : memref<128xi32, #tpu.memory_space<vmem>>, vector<16xi32>,
        %mul3A_846 = arith.constant 4 : i32
        %mul3A_847 = vector.broadcast %mul3A_846 : i32 to vector<16xi32>
        %mul3A_848 = arith.muli %get3A_845, %mul3A_847 : vector<16xi32>
        %get3A_849 = arith.constant 64 : index
        %get3A_850 = tpu.vector_load %arg16[%get3A_849] {strides = array<i32>} : memref<128xi32, #tpu.memory_space<vmem>>, vector<16xi32>,
        %mul3A_851 = arith.constant 4 : i32
        %mul3A_852 = vector.broadcast %mul3A_851 : i32 to vector<16xi32>
        %mul3A_853 = arith.muli %get3A_850, %mul3A_852 : vector<16xi32>
        %add3A_854 = arith.constant 0 : i32
        %add3A_855 = vector.broadcast %add3A_854 : i32 to vector<16xi32>
        %add3A_856 = arith.addi %mul3A_848, %add3A_855 : vector<16xi32>
        %gather3A_857 = tpu.vector_load_idx %arg7[%add3A_856] : memref<40960xf32, #tpu.memory_space<vmem>>[vector<16xi32>], vector<16xf32>,
        %add3A_858 = arith.constant 2 : i32
        %add3A_859 = vector.broadcast %add3A_858 : i32 to vector<16xi32>
        %add3A_860 = arith.addi %mul3A_853, %add3A_859 : vector<16xi32>
        %gather3A_861 = tpu.vector_load_idx %arg7[%add3A_860] : memref<40960xf32, #tpu.memory_space<vmem>>[vector<16xi32>], vector<16xf32>,
        %add3A_862 = arith.addf %gather3A_857, %gather3A_861 : vector<16xf32>
        %mul3A_863 = arith.constant 2.000000e-01 : f32
        %mul3A_864 = vector.broadcast %mul3A_863 : f32 to vector<16xf32>
        %mul3A_865 = arith.mulf %add3A_862, %mul3A_864 : vector<16xf32>
        %max3A_866 = arith.maximumf %add3A_862, %mul3A_865 : vector<16xf32>
        %add3A_867 = arith.constant 1024 : i32
        %add3A_868 = vector.broadcast %add3A_867 : i32 to vector<16xi32>
        %add3A_869 = arith.addi %mul3A_27, %add3A_868 : vector<16xi32>
        %exp3A_870 = math.exp %max3A_866 : vector<16xf32>
        tpu.vector_store_idx %arg11[%add3A_869], %exp3A_870 : memref<2048xf32, #tpu.memory_space<vmem>>[vector<16xi32>], vector<16xf32>,
        %add3A_871 = arith.constant 1 : i32
        %add3A_872 = vector.broadcast %add3A_871 : i32 to vector<16xi32>
        %add3A_873 = arith.addi %mul3A_848, %add3A_872 : vector<16xi32>
        %gather3A_874 = tpu.vector_load_idx %arg7[%add3A_873] : memref<40960xf32, #tpu.memory_space<vmem>>[vector<16xi32>], vector<16xf32>,
        %add3A_875 = arith.constant 3 : i32
        %add3A_876 = vector.broadcast %add3A_875 : i32 to vector<16xi32>
        %add3A_877 = arith.addi %mul3A_853, %add3A_876 : vector<16xi32>
        %gather3A_878 = tpu.vector_load_idx %arg7[%add3A_877] : memref<40960xf32, #tpu.memory_space<vmem>>[vector<16xi32>], vector<16xf32>,
        %add3A_879 = arith.addf %gather3A_874, %gather3A_878 : vector<16xf32>
        %mul3A_880 = arith.constant 2.000000e-01 : f32
        %mul3A_881 = vector.broadcast %mul3A_880 : f32 to vector<16xf32>
        %mul3A_882 = arith.mulf %add3A_879, %mul3A_881 : vector<16xf32>
        %max3A_883 = arith.maximumf %add3A_879, %mul3A_882 : vector<16xf32>
        %add3A_884 = arith.constant 1025 : i32
        %add3A_885 = vector.broadcast %add3A_884 : i32 to vector<16xi32>
        %add3A_886 = arith.addi %mul3A_27, %add3A_885 : vector<16xi32>
        %exp3A_887 = math.exp %max3A_883 : vector<16xf32>
        tpu.vector_store_idx %arg11[%add3A_886], %exp3A_887 : memref<2048xf32, #tpu.memory_space<vmem>>[vector<16xi32>], vector<16xf32>,
        %get3A_888 = arith.constant 80 : index
        %get3A_889 = tpu.vector_load %arg13[%get3A_888] {strides = array<i32>} : memref<128xi32, #tpu.memory_space<vmem>>, vector<16xi32>,
        %mul3A_890 = arith.constant 4 : i32
        %mul3A_891 = vector.broadcast %mul3A_890 : i32 to vector<16xi32>
        %mul3A_892 = arith.muli %get3A_889, %mul3A_891 : vector<16xi32>
        %get3A_893 = arith.constant 80 : index
        %get3A_894 = tpu.vector_load %arg16[%get3A_893] {strides = array<i32>} : memref<128xi32, #tpu.memory_space<vmem>>, vector<16xi32>,
        %mul3A_895 = arith.constant 4 : i32
        %mul3A_896 = vector.broadcast %mul3A_895 : i32 to vector<16xi32>
        %mul3A_897 = arith.muli %get3A_894, %mul3A_896 : vector<16xi32>
        %add3A_898 = arith.constant 0 : i32
        %add3A_899 = vector.broadcast %add3A_898 : i32 to vector<16xi32>
        %add3A_900 = arith.addi %mul3A_892, %add3A_899 : vector<16xi32>
        %gather3A_901 = tpu.vector_load_idx %arg7[%add3A_900] : memref<40960xf32, #tpu.memory_space<vmem>>[vector<16xi32>], vector<16xf32>,
        %add3A_902 = arith.constant 2 : i32
        %add3A_903 = vector.broadcast %add3A_902 : i32 to vector<16xi32>
        %add3A_904 = arith.addi %mul3A_897, %add3A_903 : vector<16xi32>
        %gather3A_905 = tpu.vector_load_idx %arg7[%add3A_904] : memref<40960xf32, #tpu.memory_space<vmem>>[vector<16xi32>], vector<16xf32>,
        %add3A_906 = arith.addf %gather3A_901, %gather3A_905 : vector<16xf32>
        %mul3A_907 = arith.constant 2.000000e-01 : f32
        %mul3A_908 = vector.broadcast %mul3A_907 : f32 to vector<16xf32>
        %mul3A_909 = arith.mulf %add3A_906, %mul3A_908 : vector<16xf32>
        %max3A_910 = arith.maximumf %add3A_906, %mul3A_909 : vector<16xf32>
        %add3A_911 = arith.constant 1280 : i32
        %add3A_912 = vector.broadcast %add3A_911 : i32 to vector<16xi32>
        %add3A_913 = arith.addi %mul3A_27, %add3A_912 : vector<16xi32>
        %exp3A_914 = math.exp %max3A_910 : vector<16xf32>
        tpu.vector_store_idx %arg11[%add3A_913], %exp3A_914 : memref<2048xf32, #tpu.memory_space<vmem>>[vector<16xi32>], vector<16xf32>,
        %add3A_915 = arith.constant 1 : i32
        %add3A_916 = vector.broadcast %add3A_915 : i32 to vector<16xi32>
        %add3A_917 = arith.addi %mul3A_892, %add3A_916 : vector<16xi32>
        %gather3A_918 = tpu.vector_load_idx %arg7[%add3A_917] : memref<40960xf32, #tpu.memory_space<vmem>>[vector<16xi32>], vector<16xf32>,
        %add3A_919 = arith.constant 3 : i32
        %add3A_920 = vector.broadcast %add3A_919 : i32 to vector<16xi32>
        %add3A_921 = arith.addi %mul3A_897, %add3A_920 : vector<16xi32>
        %gather3A_922 = tpu.vector_load_idx %arg7[%add3A_921] : memref<40960xf32, #tpu.memory_space<vmem>>[vector<16xi32>], vector<16xf32>,
        %add3A_923 = arith.addf %gather3A_918, %gather3A_922 : vector<16xf32>
        %mul3A_924 = arith.constant 2.000000e-01 : f32
        %mul3A_925 = vector.broadcast %mul3A_924 : f32 to vector<16xf32>
        %mul3A_926 = arith.mulf %add3A_923, %mul3A_925 : vector<16xf32>
        %max3A_927 = arith.maximumf %add3A_923, %mul3A_926 : vector<16xf32>
        %add3A_928 = arith.constant 1281 : i32
        %add3A_929 = vector.broadcast %add3A_928 : i32 to vector<16xi32>
        %add3A_930 = arith.addi %mul3A_27, %add3A_929 : vector<16xi32>
        %exp3A_931 = math.exp %max3A_927 : vector<16xf32>
        tpu.vector_store_idx %arg11[%add3A_930], %exp3A_931 : memref<2048xf32, #tpu.memory_space<vmem>>[vector<16xi32>], vector<16xf32>,
        %get3A_932 = arith.constant 96 : index
        %get3A_933 = tpu.vector_load %arg13[%get3A_932] {strides = array<i32>} : memref<128xi32, #tpu.memory_space<vmem>>, vector<16xi32>,
        %mul3A_934 = arith.constant 4 : i32
        %mul3A_935 = vector.broadcast %mul3A_934 : i32 to vector<16xi32>
        %mul3A_936 = arith.muli %get3A_933, %mul3A_935 : vector<16xi32>
        %get3A_937 = arith.constant 96 : index
        %get3A_938 = tpu.vector_load %arg16[%get3A_937] {strides = array<i32>} : memref<128xi32, #tpu.memory_space<vmem>>, vector<16xi32>,
        %mul3A_939 = arith.constant 4 : i32
        %mul3A_940 = vector.broadcast %mul3A_939 : i32 to vector<16xi32>
        %mul3A_941 = arith.muli %get3A_938, %mul3A_940 : vector<16xi32>
        %add3A_942 = arith.constant 0 : i32
        %add3A_943 = vector.broadcast %add3A_942 : i32 to vector<16xi32>
        %add3A_944 = arith.addi %mul3A_936, %add3A_943 : vector<16xi32>
        %gather3A_945 = tpu.vector_load_idx %arg7[%add3A_944] : memref<40960xf32, #tpu.memory_space<vmem>>[vector<16xi32>], vector<16xf32>,
        %add3A_946 = arith.constant 2 : i32
        %add3A_947 = vector.broadcast %add3A_946 : i32 to vector<16xi32>
        %add3A_948 = arith.addi %mul3A_941, %add3A_947 : vector<16xi32>
        %gather3A_949 = tpu.vector_load_idx %arg7[%add3A_948] : memref<40960xf32, #tpu.memory_space<vmem>>[vector<16xi32>], vector<16xf32>,
        %add3A_950 = arith.addf %gather3A_945, %gather3A_949 : vector<16xf32>
        %mul3A_951 = arith.constant 2.000000e-01 : f32
        %mul3A_952 = vector.broadcast %mul3A_951 : f32 to vector<16xf32>
        %mul3A_953 = arith.mulf %add3A_950, %mul3A_952 : vector<16xf32>
        %max3A_954 = arith.maximumf %add3A_950, %mul3A_953 : vector<16xf32>
        %add3A_955 = arith.constant 1536 : i32
        %add3A_956 = vector.broadcast %add3A_955 : i32 to vector<16xi32>
        %add3A_957 = arith.addi %mul3A_27, %add3A_956 : vector<16xi32>
        %exp3A_958 = math.exp %max3A_954 : vector<16xf32>
        tpu.vector_store_idx %arg11[%add3A_957], %exp3A_958 : memref<2048xf32, #tpu.memory_space<vmem>>[vector<16xi32>], vector<16xf32>,
        %add3A_959 = arith.constant 1 : i32
        %add3A_960 = vector.broadcast %add3A_959 : i32 to vector<16xi32>
        %add3A_961 = arith.addi %mul3A_936, %add3A_960 : vector<16xi32>
        %gather3A_962 = tpu.vector_load_idx %arg7[%add3A_961] : memref<40960xf32, #tpu.memory_space<vmem>>[vector<16xi32>], vector<16xf32>,
        %add3A_963 = arith.constant 3 : i32
        %add3A_964 = vector.broadcast %add3A_963 : i32 to vector<16xi32>
        %add3A_965 = arith.addi %mul3A_941, %add3A_964 : vector<16xi32>
        %gather3A_966 = tpu.vector_load_idx %arg7[%add3A_965] : memref<40960xf32, #tpu.memory_space<vmem>>[vector<16xi32>], vector<16xf32>,
        %add3A_967 = arith.addf %gather3A_962, %gather3A_966 : vector<16xf32>
        %mul3A_968 = arith.constant 2.000000e-01 : f32
        %mul3A_969 = vector.broadcast %mul3A_968 : f32 to vector<16xf32>
        %mul3A_970 = arith.mulf %add3A_967, %mul3A_969 : vector<16xf32>
        %max3A_971 = arith.maximumf %add3A_967, %mul3A_970 : vector<16xf32>
        %add3A_972 = arith.constant 1537 : i32
        %add3A_973 = vector.broadcast %add3A_972 : i32 to vector<16xi32>
        %add3A_974 = arith.addi %mul3A_27, %add3A_973 : vector<16xi32>
        %exp3A_975 = math.exp %max3A_971 : vector<16xf32>
        tpu.vector_store_idx %arg11[%add3A_974], %exp3A_975 : memref<2048xf32, #tpu.memory_space<vmem>>[vector<16xi32>], vector<16xf32>,
        %get3A_976 = arith.constant 112 : index
        %get3A_977 = tpu.vector_load %arg13[%get3A_976] {strides = array<i32>} : memref<128xi32, #tpu.memory_space<vmem>>, vector<16xi32>,
        %mul3A_978 = arith.constant 4 : i32
        %mul3A_979 = vector.broadcast %mul3A_978 : i32 to vector<16xi32>
        %mul3A_980 = arith.muli %get3A_977, %mul3A_979 : vector<16xi32>
        %get3A_981 = arith.constant 112 : index
        %get3A_982 = tpu.vector_load %arg16[%get3A_981] {strides = array<i32>} : memref<128xi32, #tpu.memory_space<vmem>>, vector<16xi32>,
        %mul3A_983 = arith.constant 4 : i32
        %mul3A_984 = vector.broadcast %mul3A_983 : i32 to vector<16xi32>
        %mul3A_985 = arith.muli %get3A_982, %mul3A_984 : vector<16xi32>
        %add3A_986 = arith.constant 0 : i32
        %add3A_987 = vector.broadcast %add3A_986 : i32 to vector<16xi32>
        %add3A_988 = arith.addi %mul3A_980, %add3A_987 : vector<16xi32>
        %gather3A_989 = tpu.vector_load_idx %arg7[%add3A_988] : memref<40960xf32, #tpu.memory_space<vmem>>[vector<16xi32>], vector<16xf32>,
        %add3A_990 = arith.constant 2 : i32
        %add3A_991 = vector.broadcast %add3A_990 : i32 to vector<16xi32>
        %add3A_992 = arith.addi %mul3A_985, %add3A_991 : vector<16xi32>
        %gather3A_993 = tpu.vector_load_idx %arg7[%add3A_992] : memref<40960xf32, #tpu.memory_space<vmem>>[vector<16xi32>], vector<16xf32>,
        %add3A_994 = arith.addf %gather3A_989, %gather3A_993 : vector<16xf32>
        %mul3A_995 = arith.constant 2.000000e-01 : f32
        %mul3A_996 = vector.broadcast %mul3A_995 : f32 to vector<16xf32>
        %mul3A_997 = arith.mulf %add3A_994, %mul3A_996 : vector<16xf32>
        %max3A_998 = arith.maximumf %add3A_994, %mul3A_997 : vector<16xf32>
        %add3A_999 = arith.constant 1792 : i32
        %add3A_1000 = vector.broadcast %add3A_999 : i32 to vector<16xi32>
        %add3A_1001 = arith.addi %mul3A_27, %add3A_1000 : vector<16xi32>
        %exp3A_1002 = math.exp %max3A_998 : vector<16xf32>
        tpu.vector_store_idx %arg11[%add3A_1001], %exp3A_1002 : memref<2048xf32, #tpu.memory_space<vmem>>[vector<16xi32>], vector<16xf32>,
        %add3A_1003 = arith.constant 1 : i32
        %add3A_1004 = vector.broadcast %add3A_1003 : i32 to vector<16xi32>
        %add3A_1005 = arith.addi %mul3A_980, %add3A_1004 : vector<16xi32>
        %gather3A_1006 = tpu.vector_load_idx %arg7[%add3A_1005] : memref<40960xf32, #tpu.memory_space<vmem>>[vector<16xi32>], vector<16xf32>,
        %add3A_1007 = arith.constant 3 : i32
        %add3A_1008 = vector.broadcast %add3A_1007 : i32 to vector<16xi32>
        %add3A_1009 = arith.addi %mul3A_985, %add3A_1008 : vector<16xi32>
        %gather3A_1010 = tpu.vector_load_idx %arg7[%add3A_1009] : memref<40960xf32, #tpu.memory_space<vmem>>[vector<16xi32>], vector<16xf32>,
        %add3A_1011 = arith.addf %gather3A_1006, %gather3A_1010 : vector<16xf32>
        %mul3A_1012 = arith.constant 2.000000e-01 : f32
        %mul3A_1013 = vector.broadcast %mul3A_1012 : f32 to vector<16xf32>
        %mul3A_1014 = arith.mulf %add3A_1011, %mul3A_1013 : vector<16xf32>
        %max3A_1015 = arith.maximumf %add3A_1011, %mul3A_1014 : vector<16xf32>
        %add3A_1016 = arith.constant 1793 : i32
        %add3A_1017 = vector.broadcast %add3A_1016 : i32 to vector<16xi32>
        %add3A_1018 = arith.addi %mul3A_27, %add3A_1017 : vector<16xi32>
        %exp3A_1019 = math.exp %max3A_1015 : vector<16xf32>
        tpu.vector_store_idx %arg11[%add3A_1018], %exp3A_1019 : memref<2048xf32, #tpu.memory_space<vmem>>[vector<16xi32>], vector<16xf32>,
        %dma_wait3A = arith.constant 0 : i32
        %dma_wait3A_1020 = arith.constant 0 : i32
        %dma_wait3A_1021 = tpu.memref_slice %arg2[%dma_wait3A, %dma_wait3A_1020] : memref<20480x80xf32, #tpu.memory_space<hbm>> -> memref<20480x80xf32, #tpu.memory_space<hbm>>
        tpu.wait_indirect_dma semaphore(%arg21 : memref<!tpu.dma_semaphore, #tpu.memory_space<semaphore_mem>>) src(%dma_wait3A_1021 : memref<20480x80xf32, #tpu.memory_space<hbm>>) dst(%arg8 : memref<128x80xf32, #tpu.memory_space<vmem>>)
        %scan3A_1022 = arith.constant 0 : i32
        %scan3A_1023 = arith.constant 0 : i32
        %scan3A_1024 = arith.constant 128 : i32
        %scan3A_1025 = arith.addi %scan3A_1023, %scan3A_1024 : i32
        %scan3A_1026 = arith.constant 1 : i32
        scf.for %scan3A_1037 = %scan3A_1023 to %scan3A_1025 step %scan3A_1026  : i32 {
          %mul3A_1038 = arith.constant 16 : i32
          %mul3A_1039 = arith.muli %scan3A_1037, %mul3A_1038 : i32
          %get3A_1040 = arith.index_cast %mul3A_1039 : i32 to index
          %get3A_1041 = tpu.vector_load %arg10[%get3A_1040] {strides = array<i32>} : memref<2048xf32, #tpu.memory_space<vmem>>, vector<16xf32>,
          %slice3A = vector.extract_strided_slice %get3A_1041 {offsets = [0], sizes = [1], strides = [1]} : vector<16xf32> to vector<1xf32>
          %squeeze3A = vector.extract %slice3A[0] : f32 from vector<1xf32>
          %get3A_1042 = arith.index_cast %scan3A_1037 : i32 to index
          %get3A_1043 = arith.constant 0 : index
          %get3A_1044 = tpu.vector_load %arg8[%get3A_1042, %get3A_1043] {strides = array<i32>} : memref<128x80xf32, #tpu.memory_space<vmem>>, vector<16xf32>,
          %mul3A_1045 = vector.broadcast %squeeze3A : f32 to vector<16xf32>
          %mul3A_1046 = arith.mulf %get3A_1044, %mul3A_1045 : vector<16xf32>
          %swap3A_1047 = arith.index_cast %scan3A_1037 : i32 to index
          %swap3A_1048 = arith.constant 0 : index
          %swap3A_1049 = tpu.vector_load %arg8[%swap3A_1047, %swap3A_1048] {strides = array<i32>} : memref<128x80xf32, #tpu.memory_space<vmem>>, vector<16xf32>,
          tpu.vector_store %arg8[%swap3A_1047, %swap3A_1048], %mul3A_1046 {strides = array<i32>} : memref<128x80xf32, #tpu.memory_space<vmem>>, vector<16xf32>,
          %slice3A_1050 = vector.extract_strided_slice %get3A_1041 {offsets = [0], sizes = [1], strides = [1]} : vector<16xf32> to vector<1xf32>
          %squeeze3A_1051 = vector.extract %slice3A_1050[0] : f32 from vector<1xf32>
          %get3A_1052 = arith.index_cast %scan3A_1037 : i32 to index
          %get3A_1053 = arith.constant 16 : index
          %get3A_1054 = tpu.vector_load %arg8[%get3A_1052, %get3A_1053] {strides = array<i32>} : memref<128x80xf32, #tpu.memory_space<vmem>>, vector<16xf32>,
          %mul3A_1055 = vector.broadcast %squeeze3A_1051 : f32 to vector<16xf32>
          %mul3A_1056 = arith.mulf %get3A_1054, %mul3A_1055 : vector<16xf32>
          %swap3A_1057 = arith.index_cast %scan3A_1037 : i32 to index
          %swap3A_1058 = arith.constant 16 : index
          %swap3A_1059 = tpu.vector_load %arg8[%swap3A_1057, %swap3A_1058] {strides = array<i32>} : memref<128x80xf32, #tpu.memory_space<vmem>>, vector<16xf32>,
          tpu.vector_store %arg8[%swap3A_1057, %swap3A_1058], %mul3A_1056 {strides = array<i32>} : memref<128x80xf32, #tpu.memory_space<vmem>>, vector<16xf32>,
          %slice3A_1060 = vector.extract_strided_slice %get3A_1041 {offsets = [1], sizes = [1], strides = [1]} : vector<16xf32> to vector<1xf32>
          %squeeze3A_1061 = vector.extract %slice3A_1060[0] : f32 from vector<1xf32>
          %get3A_1062 = arith.index_cast %scan3A_1037 : i32 to index
          %get3A_1063 = arith.constant 32 : index
          %get3A_1064 = tpu.vector_load %arg8[%get3A_1062, %get3A_1063] {strides = array<i32>} : memref<128x80xf32, #tpu.memory_space<vmem>>, vector<16xf32>,
          %mul3A_1065 = vector.broadcast %squeeze3A_1061 : f32 to vector<16xf32>
          %mul3A_1066 = arith.mulf %get3A_1064, %mul3A_1065 : vector<16xf32>
          %swap3A_1067 = arith.index_cast %scan3A_1037 : i32 to index
          %swap3A_1068 = arith.constant 32 : index
          %swap3A_1069 = tpu.vector_load %arg8[%swap3A_1067, %swap3A_1068] {strides = array<i32>} : memref<128x80xf32, #tpu.memory_space<vmem>>, vector<16xf32>,
          tpu.vector_store %arg8[%swap3A_1067, %swap3A_1068], %mul3A_1066 {strides = array<i32>} : memref<128x80xf32, #tpu.memory_space<vmem>>, vector<16xf32>,
          %slice3A_1070 = vector.extract_strided_slice %get3A_1041 {offsets = [1], sizes = [1], strides = [1]} : vector<16xf32> to vector<1xf32>
          %squeeze3A_1071 = vector.extract %slice3A_1070[0] : f32 from vector<1xf32>
          %get3A_1072 = arith.index_cast %scan3A_1037 : i32 to index
          %get3A_1073 = arith.constant 48 : index
          %get3A_1074 = tpu.vector_load %arg8[%get3A_1072, %get3A_1073] {strides = array<i32>} : memref<128x80xf32, #tpu.memory_space<vmem>>, vector<16xf32>,
          %mul3A_1075 = vector.broadcast %squeeze3A_1071 : f32 to vector<16xf32>
          %mul3A_1076 = arith.mulf %get3A_1074, %mul3A_1075 : vector<16xf32>
          %swap3A_1077 = arith.index_cast %scan3A_1037 : i32 to index
          %swap3A_1078 = arith.constant 48 : index
          %swap3A_1079 = tpu.vector_load %arg8[%swap3A_1077, %swap3A_1078] {strides = array<i32>} : memref<128x80xf32, #tpu.memory_space<vmem>>, vector<16xf32>,
          tpu.vector_store %arg8[%swap3A_1077, %swap3A_1078], %mul3A_1076 {strides = array<i32>} : memref<128x80xf32, #tpu.memory_space<vmem>>, vector<16xf32>,
          %get3A_1080 = arith.index_cast %scan3A_1037 : i32 to index
          %get3A_1081 = arith.constant 64 : index
          %get3A_1082 = tpu.vector_load %arg8[%get3A_1080, %get3A_1081] {strides = array<i32>} : memref<128x80xf32, #tpu.memory_space<vmem>>, vector<16xf32>,
          %mul3A_1083 = arith.mulf %get3A_1082, %get3A_1041 : vector<16xf32>
          %swap3A_1084 = arith.index_cast %scan3A_1037 : i32 to index
          %swap3A_1085 = arith.constant 64 : index
          %swap3A_1086 = tpu.vector_load %arg8[%swap3A_1084, %swap3A_1085] {strides = array<i32>} : memref<128x80xf32, #tpu.memory_space<vmem>>, vector<16xf32>,
          tpu.vector_store %arg8[%swap3A_1084, %swap3A_1085], %mul3A_1083 {strides = array<i32>} : memref<128x80xf32, #tpu.memory_space<vmem>>, vector<16xf32>,
        }
        %scan3A_1027 = arith.constant 128 : i32
        "tpu.region"() ({
          %run_scoped3A = tpu.sem_alloc : memref<!tpu.dma_semaphore, #tpu.memory_space<semaphore_mem>>
          %dma_start3A_1037 = arith.constant 0 : i32
          %dma_start3A_1038 = arith.constant 0 : i32
          %dma_start3A_1039 = tpu.memref_slice %arg20[%dma_start3A_1037, %dma_start3A_1038] : memref<10240x80xf32, #tpu.memory_space<vmem_shared>> -> memref<10240x80xf32, #tpu.memory_space<vmem_shared>>
          tpu.enqueue_indirect_dma source(%arg8 : memref<128x80xf32, #tpu.memory_space<vmem>>) target(%dma_start3A_1039 : memref<10240x80xf32, #tpu.memory_space<vmem_shared>>) offsets(%arg14 : memref<128xi32, #tpu.memory_space<vmem>>) semaphore(%run_scoped3A : memref<!tpu.dma_semaphore, #tpu.memory_space<semaphore_mem>>) {add = true}
          %dma_wait3A_1040 = arith.constant 0 : i32
          %dma_wait3A_1041 = arith.constant 0 : i32
          %dma_wait3A_1042 = tpu.memref_slice %arg20[%dma_wait3A_1040, %dma_wait3A_1041] : memref<10240x80xf32, #tpu.memory_space<vmem_shared>> -> memref<10240x80xf32, #tpu.memory_space<vmem_shared>>
          tpu.wait_indirect_dma semaphore(%run_scoped3A : memref<!tpu.dma_semaphore, #tpu.memory_space<semaphore_mem>>) src(%arg8 : memref<128x80xf32, #tpu.memory_space<vmem>>) dst(%dma_wait3A_1042 : memref<10240x80xf32, #tpu.memory_space<vmem_shared>>)
          tpu.yield
        }) : () -> ()
        %dma_wait3A_1028 = arith.constant 0 : i32
        %dma_wait3A_1029 = arith.constant 0 : i32
        %dma_wait3A_1030 = tpu.memref_slice %arg2[%dma_wait3A_1028, %dma_wait3A_1029] : memref<20480x80xf32, #tpu.memory_space<hbm>> -> memref<20480x80xf32, #tpu.memory_space<hbm>>
        tpu.wait_indirect_dma semaphore(%arg22 : memref<!tpu.dma_semaphore, #tpu.memory_space<semaphore_mem>>) src(%dma_wait3A_1030 : memref<20480x80xf32, #tpu.memory_space<hbm>>) dst(%arg9 : memref<128x80xf32, #tpu.memory_space<vmem>>)
        %scan3A_1031 = arith.constant 0 : i32
        %scan3A_1032 = arith.constant 0 : i32
        %scan3A_1033 = arith.constant 128 : i32
        %scan3A_1034 = arith.addi %scan3A_1032, %scan3A_1033 : i32
        %scan3A_1035 = arith.constant 1 : i32
        scf.for %scan3A_1037 = %scan3A_1032 to %scan3A_1034 step %scan3A_1035  : i32 {
          %mul3A_1038 = arith.constant 16 : i32
          %mul3A_1039 = arith.muli %scan3A_1037, %mul3A_1038 : i32
          %get3A_1040 = arith.index_cast %mul3A_1039 : i32 to index
          %get3A_1041 = tpu.vector_load %arg11[%get3A_1040] {strides = array<i32>} : memref<2048xf32, #tpu.memory_space<vmem>>, vector<16xf32>,
          %slice3A = vector.extract_strided_slice %get3A_1041 {offsets = [0], sizes = [1], strides = [1]} : vector<16xf32> to vector<1xf32>
          %squeeze3A = vector.extract %slice3A[0] : f32 from vector<1xf32>
          %get3A_1042 = arith.index_cast %scan3A_1037 : i32 to index
          %get3A_1043 = arith.constant 0 : index
          %get3A_1044 = tpu.vector_load %arg9[%get3A_1042, %get3A_1043] {strides = array<i32>} : memref<128x80xf32, #tpu.memory_space<vmem>>, vector<16xf32>,
          %mul3A_1045 = vector.broadcast %squeeze3A : f32 to vector<16xf32>
          %mul3A_1046 = arith.mulf %get3A_1044, %mul3A_1045 : vector<16xf32>
          %swap3A_1047 = arith.index_cast %scan3A_1037 : i32 to index
          %swap3A_1048 = arith.constant 0 : index
          %swap3A_1049 = tpu.vector_load %arg9[%swap3A_1047, %swap3A_1048] {strides = array<i32>} : memref<128x80xf32, #tpu.memory_space<vmem>>, vector<16xf32>,
          tpu.vector_store %arg9[%swap3A_1047, %swap3A_1048], %mul3A_1046 {strides = array<i32>} : memref<128x80xf32, #tpu.memory_space<vmem>>, vector<16xf32>,
          %slice3A_1050 = vector.extract_strided_slice %get3A_1041 {offsets = [0], sizes = [1], strides = [1]} : vector<16xf32> to vector<1xf32>
          %squeeze3A_1051 = vector.extract %slice3A_1050[0] : f32 from vector<1xf32>
          %get3A_1052 = arith.index_cast %scan3A_1037 : i32 to index
          %get3A_1053 = arith.constant 16 : index
          %get3A_1054 = tpu.vector_load %arg9[%get3A_1052, %get3A_1053] {strides = array<i32>} : memref<128x80xf32, #tpu.memory_space<vmem>>, vector<16xf32>,
          %mul3A_1055 = vector.broadcast %squeeze3A_1051 : f32 to vector<16xf32>
          %mul3A_1056 = arith.mulf %get3A_1054, %mul3A_1055 : vector<16xf32>
          %swap3A_1057 = arith.index_cast %scan3A_1037 : i32 to index
          %swap3A_1058 = arith.constant 16 : index
          %swap3A_1059 = tpu.vector_load %arg9[%swap3A_1057, %swap3A_1058] {strides = array<i32>} : memref<128x80xf32, #tpu.memory_space<vmem>>, vector<16xf32>,
          tpu.vector_store %arg9[%swap3A_1057, %swap3A_1058], %mul3A_1056 {strides = array<i32>} : memref<128x80xf32, #tpu.memory_space<vmem>>, vector<16xf32>,
          %slice3A_1060 = vector.extract_strided_slice %get3A_1041 {offsets = [1], sizes = [1], strides = [1]} : vector<16xf32> to vector<1xf32>
          %squeeze3A_1061 = vector.extract %slice3A_1060[0] : f32 from vector<1xf32>
          %get3A_1062 = arith.index_cast %scan3A_1037 : i32 to index
          %get3A_1063 = arith.constant 32 : index
          %get3A_1064 = tpu.vector_load %arg9[%get3A_1062, %get3A_1063] {strides = array<i32>} : memref<128x80xf32, #tpu.memory_space<vmem>>, vector<16xf32>,
          %mul3A_1065 = vector.broadcast %squeeze3A_1061 : f32 to vector<16xf32>
          %mul3A_1066 = arith.mulf %get3A_1064, %mul3A_1065 : vector<16xf32>
          %swap3A_1067 = arith.index_cast %scan3A_1037 : i32 to index
          %swap3A_1068 = arith.constant 32 : index
          %swap3A_1069 = tpu.vector_load %arg9[%swap3A_1067, %swap3A_1068] {strides = array<i32>} : memref<128x80xf32, #tpu.memory_space<vmem>>, vector<16xf32>,
          tpu.vector_store %arg9[%swap3A_1067, %swap3A_1068], %mul3A_1066 {strides = array<i32>} : memref<128x80xf32, #tpu.memory_space<vmem>>, vector<16xf32>,
          %slice3A_1070 = vector.extract_strided_slice %get3A_1041 {offsets = [1], sizes = [1], strides = [1]} : vector<16xf32> to vector<1xf32>
          %squeeze3A_1071 = vector.extract %slice3A_1070[0] : f32 from vector<1xf32>
          %get3A_1072 = arith.index_cast %scan3A_1037 : i32 to index
          %get3A_1073 = arith.constant 48 : index
          %get3A_1074 = tpu.vector_load %arg9[%get3A_1072, %get3A_1073] {strides = array<i32>} : memref<128x80xf32, #tpu.memory_space<vmem>>, vector<16xf32>,
          %mul3A_1075 = vector.broadcast %squeeze3A_1071 : f32 to vector<16xf32>
          %mul3A_1076 = arith.mulf %get3A_1074, %mul3A_1075 : vector<16xf32>
          %swap3A_1077 = arith.index_cast %scan3A_1037 : i32 to index
          %swap3A_1078 = arith.constant 48 : index
          %swap3A_1079 = tpu.vector_load %arg9[%swap3A_1077, %swap3A_1078] {strides = array<i32>} : memref<128x80xf32, #tpu.memory_space<vmem>>, vector<16xf32>,
          tpu.vector_store %arg9[%swap3A_1077, %swap3A_1078], %mul3A_1076 {strides = array<i32>} : memref<128x80xf32, #tpu.memory_space<vmem>>, vector<16xf32>,
          %get3A_1080 = arith.index_cast %scan3A_1037 : i32 to index
          %get3A_1081 = arith.constant 64 : index
          %get3A_1082 = tpu.vector_load %arg9[%get3A_1080, %get3A_1081] {strides = array<i32>} : memref<128x80xf32, #tpu.memory_space<vmem>>, vector<16xf32>,
          %mul3A_1083 = arith.mulf %get3A_1082, %get3A_1041 : vector<16xf32>
          %swap3A_1084 = arith.index_cast %scan3A_1037 : i32 to index
          %swap3A_1085 = arith.constant 64 : index
          %swap3A_1086 = tpu.vector_load %arg9[%swap3A_1084, %swap3A_1085] {strides = array<i32>} : memref<128x80xf32, #tpu.memory_space<vmem>>, vector<16xf32>,
          tpu.vector_store %arg9[%swap3A_1084, %swap3A_1085], %mul3A_1083 {strides = array<i32>} : memref<128x80xf32, #tpu.memory_space<vmem>>, vector<16xf32>,
        }
        %scan3A_1036 = arith.constant 128 : i32
        "tpu.region"() ({
          %run_scoped3A = tpu.sem_alloc : memref<!tpu.dma_semaphore, #tpu.memory_space<semaphore_mem>>
          %dma_start3A_1037 = arith.constant 0 : i32
          %dma_start3A_1038 = arith.constant 0 : i32
          %dma_start3A_1039 = tpu.memref_slice %arg20[%dma_start3A_1037, %dma_start3A_1038] : memref<10240x80xf32, #tpu.memory_space<vmem_shared>> -> memref<10240x80xf32, #tpu.memory_space<vmem_shared>>
          tpu.enqueue_indirect_dma source(%arg9 : memref<128x80xf32, #tpu.memory_space<vmem>>) target(%dma_start3A_1039 : memref<10240x80xf32, #tpu.memory_space<vmem_shared>>) offsets(%arg16 : memref<128xi32, #tpu.memory_space<vmem>>) semaphore(%run_scoped3A : memref<!tpu.dma_semaphore, #tpu.memory_space<semaphore_mem>>) {add = true}
          %dma_wait3A_1040 = arith.constant 0 : i32
          %dma_wait3A_1041 = arith.constant 0 : i32
          %dma_wait3A_1042 = tpu.memref_slice %arg20[%dma_wait3A_1040, %dma_wait3A_1041] : memref<10240x80xf32, #tpu.memory_space<vmem_shared>> -> memref<10240x80xf32, #tpu.memory_space<vmem_shared>>
          tpu.wait_indirect_dma semaphore(%run_scoped3A : memref<!tpu.dma_semaphore, #tpu.memory_space<semaphore_mem>>) src(%arg9 : memref<128x80xf32, #tpu.memory_space<vmem>>) dst(%dma_wait3A_1042 : memref<10240x80xf32, #tpu.memory_space<vmem_shared>>)
          tpu.yield
        }) : () -> ()
      }
      %scan3A_52 = arith.constant 14 : i32
    }
    %scan3A_37 = arith.constant 3 : i32
    %barrier3A_38 = arith.constant 0 : index
    tpu.barrier barrier_id(%barrier3A_38)
    %mul3A_39 = arith.constant 640 : i32
    %mul3A_40 = arith.muli %arg1, %mul3A_39 : i32
    %mul3A_41 = arith.constant 640 : i32
    %mul3A_42 = arith.muli %arg1, %mul3A_41 : i32
    "tpu.region"() ({
      %run_scoped3A = tpu.sem_alloc : memref<!tpu.dma_semaphore, #tpu.memory_space<semaphore_mem>>
      %dma_start3A = arith.constant 0 : i32
      %dma_start3A_43 = tpu.memref_slice %arg6[%arg0, %mul3A_42, %dma_start3A] : memref<2x10240x80xf32, #tpu.memory_space<hbm>> -> memref<1x640x80xf32, #tpu.memory_space<hbm>>
      %dma_start3A_44 = tpu.memref_squeeze %dma_start3A_43 : memref<1x640x80xf32, #tpu.memory_space<hbm>> -> memref<640x80xf32, #tpu.memory_space<hbm>>
      %dma_start3A_45 = arith.constant 0 : i32
      %dma_start3A_46 = tpu.memref_slice %arg20[%mul3A_40, %dma_start3A_45] : memref<10240x80xf32, #tpu.memory_space<vmem_shared>> -> memref<640x80xf32, #tpu.memory_space<vmem_shared>>
      tpu.enqueue_dma source(%dma_start3A_46 : memref<640x80xf32, #tpu.memory_space<vmem_shared>>) target(%dma_start3A_44 : memref<640x80xf32, #tpu.memory_space<hbm>>) target_semaphore(%run_scoped3A : memref<!tpu.dma_semaphore, #tpu.memory_space<semaphore_mem>>)
      %dma_wait3A = arith.constant 0 : i32
      %dma_wait3A_47 = tpu.memref_slice %arg6[%arg0, %mul3A_42, %dma_wait3A] : memref<2x10240x80xf32, #tpu.memory_space<hbm>> -> memref<1x640x80xf32, #tpu.memory_space<hbm>>
      %dma_wait3A_48 = tpu.memref_squeeze %dma_wait3A_47 : memref<1x640x80xf32, #tpu.memory_space<hbm>> -> memref<640x80xf32, #tpu.memory_space<hbm>>
      %dma_wait3A_49 = arith.constant 0 : i32
      %dma_wait3A_50 = tpu.memref_slice %arg20[%mul3A_40, %dma_wait3A_49] : memref<10240x80xf32, #tpu.memory_space<vmem_shared>> -> memref<640x80xf32, #tpu.memory_space<vmem_shared>>
      tpu.wait_dma2 semaphore(%run_scoped3A : memref<!tpu.dma_semaphore, #tpu.memory_space<semaphore_mem>>) src(%dma_wait3A_50 : memref<640x80xf32, #tpu.memory_space<vmem_shared>>) dst(%dma_wait3A_48 : memref<640x80xf32, #tpu.memory_space<hbm>>)
      tpu.yield
    }) : () -> ()
    return
  }
}

module attributes {stable_mosaic.version = 14 : i64} {
  func.func @_tc_prologue_body(%arg0: i32, %arg1: memref<256x128xf32, #tpu.memory_space<vmem>>, %arg2: memref<128x128xf32, #tpu.memory_space<vmem>>, %arg3: memref<128x8xf32, #tpu.memory_space<vmem>>, %arg4: memref<2x256x80xf32, #tpu.memory_space<vmem>>, %arg5: memref<256x8xf32, #tpu.memory_space<vmem>>) attributes {dimension_semantics = [#tpu.dimension_semantics<arbitrary>], iteration_bounds = array<i64: 40>, scalar_prefetch = 0 : i64, scratch_operands = 0 : i64, tpu.core_type = #tpu.core_type<tc>, window_params = [{transform_indices = @transform_0, window_bounds = array<i64: 256, 128>}, {pipeline_mode = #tpu.pipeline_mode<synchronous>, transform_indices = @transform_1, window_bounds = array<i64: 128, 128>}, {pipeline_mode = #tpu.pipeline_mode<synchronous>, transform_indices = @transform_2, window_bounds = array<i64: 128, 8>}, {transform_indices = @transform_3, window_bounds = array<i64: 2, 256, 80>}, {transform_indices = @transform_4, window_bounds = array<i64: 256, 8>}]} {
    %get3A = arith.constant 0 : index
    %get3A_0 = arith.constant 0 : index
    %get3A_1 = vector.load %arg1[%get3A, %get3A_0] : memref<256x128xf32, #tpu.memory_space<vmem>>, vector<256x128xf32>
    %get3A_2 = arith.constant 0 : index
    %get3A_3 = arith.constant 0 : index
    %get3A_4 = vector.load %arg2[%get3A_2, %get3A_3] : memref<128x128xf32, #tpu.memory_space<vmem>>, vector<128x128xf32>
    %dot_general3A = arith.constant dense<0.000000e+00> : vector<256x128xf32>
    %dot_general3A_5 = tpu.matmul %get3A_1, %get3A_4, %dot_general3A {dimension_numbers = #tpu.dot_dimension_numbers<[1], [0], [0], [1], [0, 0, 1, 1], [], []>, transpose_lhs_hint = false} : vector<256x128xf32>, vector<128x128xf32>, vector<256x128xf32> -> vector<256x128xf32>
    %get3A_6 = arith.constant 0 : index
    %get3A_7 = arith.constant 0 : index
    %get3A_8 = vector.load %arg3[%get3A_6, %get3A_7] : memref<128x8xf32, #tpu.memory_space<vmem>>, vector<128x8xf32>
    %dot_general3A_9 = arith.constant dense<0.000000e+00> : vector<256x8xf32>
    %dot_general3A_10 = tpu.matmul %dot_general3A_5, %get3A_8, %dot_general3A_9 {dimension_numbers = #tpu.dot_dimension_numbers<[1], [0], [0], [1], [0, 0, 1, 1], [], []>, transpose_lhs_hint = false} : vector<256x128xf32>, vector<128x8xf32>, vector<256x8xf32> -> vector<256x8xf32>
    %swap3A = arith.constant 0 : index
    %swap3A_11 = arith.constant 0 : index
    %swap3A_12 = vector.load %arg5[%swap3A, %swap3A_11] : memref<256x8xf32, #tpu.memory_space<vmem>>, vector<256x8xf32>
    tpu.vector_store %arg5[%swap3A, %swap3A_11], %dot_general3A_10 {strides = array<i32>} : memref<256x8xf32, #tpu.memory_space<vmem>>, vector<256x8xf32>,
    %iota3A = tpu.iota {dimensions = array<i32: 1>} : vector<256x16xi32>
    %lt3A = arith.constant 2 : i32
    %lt3A_13 = vector.broadcast %lt3A : i32 to vector<256x16xi32>
    %lt3A_14 = arith.cmpi slt, %iota3A, %lt3A_13 : vector<256x16xi32>
    %jit3A = arith.constant 1.000000e+00 : f32
    %jit3A_15 = arith.constant 0.000000e+00 : f32
    %broadcast_in_dim3A = vector.broadcast %jit3A : f32 to vector<256x16xf32>
    %broadcast_in_dim3A_16 = vector.broadcast %jit3A_15 : f32 to vector<256x16xf32>
    %select_n3A = arith.select %lt3A_14, %broadcast_in_dim3A, %broadcast_in_dim3A_16 : vector<256x16xi1>, vector<256x16xf32>
    %slice3A = vector.extract_strided_slice %dot_general3A_5 {offsets = [0, 0], sizes = [256, 64], strides = [1, 1]} : vector<256x128xf32> to vector<256x64xf32>
    %swap3A_17 = arith.constant 0 : index
    %swap3A_18 = arith.constant 0 : index
    %swap3A_19 = arith.constant 0 : index
    %swap3A_20 = vector.load %arg4[%swap3A_17, %swap3A_18, %swap3A_19] : memref<2x256x80xf32, #tpu.memory_space<vmem>>, vector<1x256x64xf32>
    %swap3A_21 = vector.shape_cast %swap3A_20 : vector<1x256x64xf32> to vector<256x64xf32>
    %swap3A_22 = vector.shape_cast %slice3A : vector<256x64xf32> to vector<1x256x64xf32>
    tpu.vector_store %arg4[%swap3A_17, %swap3A_18, %swap3A_19], %swap3A_22 {strides = array<i32>} : memref<2x256x80xf32, #tpu.memory_space<vmem>>, vector<1x256x64xf32>,
    %swap3A_23 = arith.constant 0 : index
    %swap3A_24 = arith.constant 0 : index
    %swap3A_25 = arith.constant 64 : index
    %swap3A_26 = vector.load %arg4[%swap3A_23, %swap3A_24, %swap3A_25] : memref<2x256x80xf32, #tpu.memory_space<vmem>>, vector<1x256x16xf32>
    %swap3A_27 = vector.shape_cast %swap3A_26 : vector<1x256x16xf32> to vector<256x16xf32>
    %swap3A_28 = vector.shape_cast %select_n3A : vector<256x16xf32> to vector<1x256x16xf32>
    tpu.vector_store %arg4[%swap3A_23, %swap3A_24, %swap3A_25], %swap3A_28 {strides = array<i32>} : memref<2x256x80xf32, #tpu.memory_space<vmem>>, vector<1x256x16xf32>,
    %slice3A_29 = vector.extract_strided_slice %dot_general3A_5 {offsets = [0, 64], sizes = [256, 64], strides = [1, 1]} : vector<256x128xf32> to vector<256x64xf32>
    %swap3A_30 = arith.constant 1 : index
    %swap3A_31 = arith.constant 0 : index
    %swap3A_32 = arith.constant 0 : index
    %swap3A_33 = vector.load %arg4[%swap3A_30, %swap3A_31, %swap3A_32] : memref<2x256x80xf32, #tpu.memory_space<vmem>>, vector<1x256x64xf32>
    %swap3A_34 = vector.shape_cast %swap3A_33 : vector<1x256x64xf32> to vector<256x64xf32>
    %swap3A_35 = vector.shape_cast %slice3A_29 : vector<256x64xf32> to vector<1x256x64xf32>
    tpu.vector_store %arg4[%swap3A_30, %swap3A_31, %swap3A_32], %swap3A_35 {strides = array<i32>} : memref<2x256x80xf32, #tpu.memory_space<vmem>>, vector<1x256x64xf32>,
    %swap3A_36 = arith.constant 1 : index
    %swap3A_37 = arith.constant 0 : index
    %swap3A_38 = arith.constant 64 : index
    %swap3A_39 = vector.load %arg4[%swap3A_36, %swap3A_37, %swap3A_38] : memref<2x256x80xf32, #tpu.memory_space<vmem>>, vector<1x256x16xf32>
    %swap3A_40 = vector.shape_cast %swap3A_39 : vector<1x256x16xf32> to vector<256x16xf32>
    %swap3A_41 = vector.shape_cast %select_n3A : vector<256x16xf32> to vector<1x256x16xf32>
    tpu.vector_store %arg4[%swap3A_36, %swap3A_37, %swap3A_38], %swap3A_41 {strides = array<i32>} : memref<2x256x80xf32, #tpu.memory_space<vmem>>, vector<1x256x16xf32>,
    return
  }
  func.func @transform_0(%arg0: i32) -> (i32, i32) {
    %c0_i32 = arith.constant 0 : i32
    %c0_i32_0 = arith.constant 0 : i32
    return %arg0, %c0_i32 : i32, i32
  }
  func.func @transform_1(%arg0: i32) -> (i32, i32) {
    %c0_i32 = arith.constant 0 : i32
    %c0_i32_0 = arith.constant 0 : i32
    %c0_i32_1 = arith.constant 0 : i32
    return %c0_i32, %c0_i32_0 : i32, i32
  }
  func.func @transform_2(%arg0: i32) -> (i32, i32) {
    %c0_i32 = arith.constant 0 : i32
    %c0_i32_0 = arith.constant 0 : i32
    %c0_i32_1 = arith.constant 0 : i32
    return %c0_i32, %c0_i32_0 : i32, i32
  }
  func.func @transform_3(%arg0: i32) -> (i32, i32, i32) {
    %c0_i32 = arith.constant 0 : i32
    %c0_i32_0 = arith.constant 0 : i32
    %c0_i32_1 = arith.constant 0 : i32
    return %c0_i32, %arg0, %c0_i32_0 : i32, i32, i32
  }
  func.func @transform_4(%arg0: i32) -> (i32, i32) {
    %c0_i32 = arith.constant 0 : i32
    %c0_i32_0 = arith.constant 0 : i32
    return %arg0, %c0_i32 : i32, i32
  }
}

module attributes {stable_mosaic.version = 14 : i64} {
  func.func @_tc_mid_body(%arg0: i32, %arg1: memref<2x256x80xf32, #tpu.memory_space<vmem>>, %arg2: memref<16x64xf32, #tpu.memory_space<vmem>>, %arg3: memref<1x128xf32, #tpu.memory_space<vmem>>, %arg4: memref<128x128xf32, #tpu.memory_space<vmem>>, %arg5: memref<128x8xf32, #tpu.memory_space<vmem>>, %arg6: memref<2x256x80xf32, #tpu.memory_space<vmem>>, %arg7: memref<256x8xf32, #tpu.memory_space<vmem>>) attributes {dimension_semantics = [#tpu.dimension_semantics<arbitrary>], iteration_bounds = array<i64: 40>, scalar_prefetch = 0 : i64, scratch_operands = 0 : i64, tpu.core_type = #tpu.core_type<tc>, window_params = [{transform_indices = @transform_0, window_bounds = array<i64: 2, 256, 80>}, {pipeline_mode = #tpu.pipeline_mode<synchronous>, transform_indices = @transform_1, window_bounds = array<i64: 16, 64>}, {pipeline_mode = #tpu.pipeline_mode<synchronous>, transform_indices = @transform_2, window_bounds = array<i64: 1, 128>}, {pipeline_mode = #tpu.pipeline_mode<synchronous>, transform_indices = @transform_3, window_bounds = array<i64: 128, 128>}, {pipeline_mode = #tpu.pipeline_mode<synchronous>, transform_indices = @transform_4, window_bounds = array<i64: 128, 8>}, {transform_indices = @transform_5, window_bounds = array<i64: 2, 256, 80>}, {transform_indices = @transform_6, window_bounds = array<i64: 256, 8>}]} {
    %get3A = arith.constant 0 : index
    %get3A_0 = arith.constant 0 : index
    %get3A_1 = arith.constant 0 : index
    %get3A_2 = vector.load %arg1[%get3A, %get3A_0, %get3A_1] : memref<2x256x80xf32, #tpu.memory_space<vmem>>, vector<1x256x80xf32>
    %get3A_3 = vector.shape_cast %get3A_2 : vector<1x256x80xf32> to vector<256x80xf32>
    %slice3A = vector.extract_strided_slice %get3A_3 {offsets = [0, 64], sizes = [256, 16], strides = [1, 1]} : vector<256x80xf32> to vector<256x16xf32>
    %get3A_4 = arith.constant 0 : index
    %get3A_5 = arith.constant 0 : index
    %get3A_6 = vector.load %arg2[%get3A_4, %get3A_5] : memref<16x64xf32, #tpu.memory_space<vmem>>, vector<16x64xf32>
    %dot_general3A = arith.constant dense<0.000000e+00> : vector<256x64xf32>
    %dot_general3A_7 = tpu.matmul %slice3A, %get3A_6, %dot_general3A {dimension_numbers = #tpu.dot_dimension_numbers<[1], [0], [0], [1], [0, 0, 1, 1], [], []>, transpose_lhs_hint = false} : vector<256x16xf32>, vector<16x64xf32>, vector<256x64xf32> -> vector<256x64xf32>
    %slice3A_8 = vector.extract_strided_slice %get3A_3 {offsets = [0, 0], sizes = [256, 64], strides = [1, 1]} : vector<256x80xf32> to vector<256x64xf32>
    %add3A = arith.constant 1.000000e-16 : f32
    %add3A_9 = vector.broadcast %add3A : f32 to vector<256x64xf32>
    %add3A_10 = arith.addf %dot_general3A_7, %add3A_9 : vector<256x64xf32>
    %div3A = arith.divf %slice3A_8, %add3A_10 : vector<256x64xf32>
    %get3A_11 = arith.constant 1 : index
    %get3A_12 = arith.constant 0 : index
    %get3A_13 = arith.constant 0 : index
    %get3A_14 = vector.load %arg1[%get3A_11, %get3A_12, %get3A_13] : memref<2x256x80xf32, #tpu.memory_space<vmem>>, vector<1x256x80xf32>
    %get3A_15 = vector.shape_cast %get3A_14 : vector<1x256x80xf32> to vector<256x80xf32>
    %slice3A_16 = vector.extract_strided_slice %get3A_15 {offsets = [0, 64], sizes = [256, 16], strides = [1, 1]} : vector<256x80xf32> to vector<256x16xf32>
    %get3A_17 = arith.constant 0 : index
    %get3A_18 = arith.constant 0 : index
    %get3A_19 = vector.load %arg2[%get3A_17, %get3A_18] : memref<16x64xf32, #tpu.memory_space<vmem>>, vector<16x64xf32>
    %dot_general3A_20 = arith.constant dense<0.000000e+00> : vector<256x64xf32>
    %dot_general3A_21 = tpu.matmul %slice3A_16, %get3A_19, %dot_general3A_20 {dimension_numbers = #tpu.dot_dimension_numbers<[1], [0], [0], [1], [0, 0, 1, 1], [], []>, transpose_lhs_hint = false} : vector<256x16xf32>, vector<16x64xf32>, vector<256x64xf32> -> vector<256x64xf32>
    %slice3A_22 = vector.extract_strided_slice %get3A_15 {offsets = [0, 0], sizes = [256, 64], strides = [1, 1]} : vector<256x80xf32> to vector<256x64xf32>
    %add3A_23 = arith.constant 1.000000e-16 : f32
    %add3A_24 = vector.broadcast %add3A_23 : f32 to vector<256x64xf32>
    %add3A_25 = arith.addf %dot_general3A_21, %add3A_24 : vector<256x64xf32>
    %div3A_26 = arith.divf %slice3A_22, %add3A_25 : vector<256x64xf32>
    %concatenate3A = tpu.concatenate %div3A, %div3A_26 in 1 : vector<256x64xf32>, vector<256x64xf32> -> vector<256x128xf32>
    %get3A_27 = arith.constant 0 : index
    %get3A_28 = arith.constant 0 : index
    %get3A_29 = vector.load %arg3[%get3A_27, %get3A_28] : memref<1x128xf32, #tpu.memory_space<vmem>>, vector<1x128xf32>
    %add3A_30 = vector.broadcast %get3A_29 : vector<1x128xf32> to vector<256x128xf32>
    %add3A_31 = arith.addf %concatenate3A, %add3A_30 : vector<256x128xf32>
    %gt3A = arith.constant 0.000000e+00 : f32
    %gt3A_32 = vector.broadcast %gt3A : f32 to vector<256x128xf32>
    %gt3A_33 = arith.cmpf ogt, %add3A_31, %gt3A_32 : vector<256x128xf32>
    %min3A = arith.constant 0.000000e+00 : f32
    %min3A_34 = vector.broadcast %min3A : f32 to vector<256x128xf32>
    %min3A_35 = arith.minimumf %add3A_31, %min3A_34 : vector<256x128xf32>
    %exp3A = math.exp %min3A_35 : vector<256x128xf32>
    %sub3A = arith.constant 1.000000e+00 : f32
    %sub3A_36 = vector.broadcast %sub3A : f32 to vector<256x128xf32>
    %sub3A_37 = arith.subf %exp3A, %sub3A_36 : vector<256x128xf32>
    %select_n3A = arith.select %gt3A_33, %add3A_31, %sub3A_37 : vector<256x128xi1>, vector<256x128xf32>
    %get3A_38 = arith.constant 0 : index
    %get3A_39 = arith.constant 0 : index
    %get3A_40 = vector.load %arg4[%get3A_38, %get3A_39] : memref<128x128xf32, #tpu.memory_space<vmem>>, vector<128x128xf32>
    %dot_general3A_41 = arith.constant dense<0.000000e+00> : vector<256x128xf32>
    %dot_general3A_42 = tpu.matmul %select_n3A, %get3A_40, %dot_general3A_41 {dimension_numbers = #tpu.dot_dimension_numbers<[1], [0], [0], [1], [0, 0, 1, 1], [], []>, transpose_lhs_hint = false} : vector<256x128xf32>, vector<128x128xf32>, vector<256x128xf32> -> vector<256x128xf32>
    %get3A_43 = arith.constant 0 : index
    %get3A_44 = arith.constant 0 : index
    %get3A_45 = vector.load %arg5[%get3A_43, %get3A_44] : memref<128x8xf32, #tpu.memory_space<vmem>>, vector<128x8xf32>
    %dot_general3A_46 = arith.constant dense<0.000000e+00> : vector<256x8xf32>
    %dot_general3A_47 = tpu.matmul %dot_general3A_42, %get3A_45, %dot_general3A_46 {dimension_numbers = #tpu.dot_dimension_numbers<[1], [0], [0], [1], [0, 0, 1, 1], [], []>, transpose_lhs_hint = false} : vector<256x128xf32>, vector<128x8xf32>, vector<256x8xf32> -> vector<256x8xf32>
    %swap3A = arith.constant 0 : index
    %swap3A_48 = arith.constant 0 : index
    %swap3A_49 = vector.load %arg7[%swap3A, %swap3A_48] : memref<256x8xf32, #tpu.memory_space<vmem>>, vector<256x8xf32>
    tpu.vector_store %arg7[%swap3A, %swap3A_48], %dot_general3A_47 {strides = array<i32>} : memref<256x8xf32, #tpu.memory_space<vmem>>, vector<256x8xf32>,
    %iota3A = tpu.iota {dimensions = array<i32: 1>} : vector<256x16xi32>
    %lt3A = arith.constant 2 : i32
    %lt3A_50 = vector.broadcast %lt3A : i32 to vector<256x16xi32>
    %lt3A_51 = arith.cmpi slt, %iota3A, %lt3A_50 : vector<256x16xi32>
    %jit3A = arith.constant 1.000000e+00 : f32
    %jit3A_52 = arith.constant 0.000000e+00 : f32
    %broadcast_in_dim3A = vector.broadcast %jit3A : f32 to vector<256x16xf32>
    %broadcast_in_dim3A_53 = vector.broadcast %jit3A_52 : f32 to vector<256x16xf32>
    %select_n3A_54 = arith.select %lt3A_51, %broadcast_in_dim3A, %broadcast_in_dim3A_53 : vector<256x16xi1>, vector<256x16xf32>
    %slice3A_55 = vector.extract_strided_slice %dot_general3A_42 {offsets = [0, 0], sizes = [256, 64], strides = [1, 1]} : vector<256x128xf32> to vector<256x64xf32>
    %swap3A_56 = arith.constant 0 : index
    %swap3A_57 = arith.constant 0 : index
    %swap3A_58 = arith.constant 0 : index
    %swap3A_59 = vector.load %arg6[%swap3A_56, %swap3A_57, %swap3A_58] : memref<2x256x80xf32, #tpu.memory_space<vmem>>, vector<1x256x64xf32>
    %swap3A_60 = vector.shape_cast %swap3A_59 : vector<1x256x64xf32> to vector<256x64xf32>
    %swap3A_61 = vector.shape_cast %slice3A_55 : vector<256x64xf32> to vector<1x256x64xf32>
    tpu.vector_store %arg6[%swap3A_56, %swap3A_57, %swap3A_58], %swap3A_61 {strides = array<i32>} : memref<2x256x80xf32, #tpu.memory_space<vmem>>, vector<1x256x64xf32>,
    %swap3A_62 = arith.constant 0 : index
    %swap3A_63 = arith.constant 0 : index
    %swap3A_64 = arith.constant 64 : index
    %swap3A_65 = vector.load %arg6[%swap3A_62, %swap3A_63, %swap3A_64] : memref<2x256x80xf32, #tpu.memory_space<vmem>>, vector<1x256x16xf32>
    %swap3A_66 = vector.shape_cast %swap3A_65 : vector<1x256x16xf32> to vector<256x16xf32>
    %swap3A_67 = vector.shape_cast %select_n3A_54 : vector<256x16xf32> to vector<1x256x16xf32>
    tpu.vector_store %arg6[%swap3A_62, %swap3A_63, %swap3A_64], %swap3A_67 {strides = array<i32>} : memref<2x256x80xf32, #tpu.memory_space<vmem>>, vector<1x256x16xf32>,
    %slice3A_68 = vector.extract_strided_slice %dot_general3A_42 {offsets = [0, 64], sizes = [256, 64], strides = [1, 1]} : vector<256x128xf32> to vector<256x64xf32>
    %swap3A_69 = arith.constant 1 : index
    %swap3A_70 = arith.constant 0 : index
    %swap3A_71 = arith.constant 0 : index
    %swap3A_72 = vector.load %arg6[%swap3A_69, %swap3A_70, %swap3A_71] : memref<2x256x80xf32, #tpu.memory_space<vmem>>, vector<1x256x64xf32>
    %swap3A_73 = vector.shape_cast %swap3A_72 : vector<1x256x64xf32> to vector<256x64xf32>
    %swap3A_74 = vector.shape_cast %slice3A_68 : vector<256x64xf32> to vector<1x256x64xf32>
    tpu.vector_store %arg6[%swap3A_69, %swap3A_70, %swap3A_71], %swap3A_74 {strides = array<i32>} : memref<2x256x80xf32, #tpu.memory_space<vmem>>, vector<1x256x64xf32>,
    %swap3A_75 = arith.constant 1 : index
    %swap3A_76 = arith.constant 0 : index
    %swap3A_77 = arith.constant 64 : index
    %swap3A_78 = vector.load %arg6[%swap3A_75, %swap3A_76, %swap3A_77] : memref<2x256x80xf32, #tpu.memory_space<vmem>>, vector<1x256x16xf32>
    %swap3A_79 = vector.shape_cast %swap3A_78 : vector<1x256x16xf32> to vector<256x16xf32>
    %swap3A_80 = vector.shape_cast %select_n3A_54 : vector<256x16xf32> to vector<1x256x16xf32>
    tpu.vector_store %arg6[%swap3A_75, %swap3A_76, %swap3A_77], %swap3A_80 {strides = array<i32>} : memref<2x256x80xf32, #tpu.memory_space<vmem>>, vector<1x256x16xf32>,
    return
  }
  func.func @transform_0(%arg0: i32) -> (i32, i32, i32) {
    %c0_i32 = arith.constant 0 : i32
    %c0_i32_0 = arith.constant 0 : i32
    %c0_i32_1 = arith.constant 0 : i32
    return %c0_i32, %arg0, %c0_i32_0 : i32, i32, i32
  }
  func.func @transform_1(%arg0: i32) -> (i32, i32) {
    %c0_i32 = arith.constant 0 : i32
    %c0_i32_0 = arith.constant 0 : i32
    %c0_i32_1 = arith.constant 0 : i32
    return %c0_i32, %c0_i32_0 : i32, i32
  }
  func.func @transform_2(%arg0: i32) -> (i32, i32) {
    %c0_i32 = arith.constant 0 : i32
    %c0_i32_0 = arith.constant 0 : i32
    %c0_i32_1 = arith.constant 0 : i32
    return %c0_i32, %c0_i32_0 : i32, i32
  }
  func.func @transform_3(%arg0: i32) -> (i32, i32) {
    %c0_i32 = arith.constant 0 : i32
    %c0_i32_0 = arith.constant 0 : i32
    %c0_i32_1 = arith.constant 0 : i32
    return %c0_i32, %c0_i32_0 : i32, i32
  }
  func.func @transform_4(%arg0: i32) -> (i32, i32) {
    %c0_i32 = arith.constant 0 : i32
    %c0_i32_0 = arith.constant 0 : i32
    %c0_i32_1 = arith.constant 0 : i32
    return %c0_i32, %c0_i32_0 : i32, i32
  }
  func.func @transform_5(%arg0: i32) -> (i32, i32, i32) {
    %c0_i32 = arith.constant 0 : i32
    %c0_i32_0 = arith.constant 0 : i32
    %c0_i32_1 = arith.constant 0 : i32
    return %c0_i32, %arg0, %c0_i32_0 : i32, i32, i32
  }
  func.func @transform_6(%arg0: i32) -> (i32, i32) {
    %c0_i32 = arith.constant 0 : i32
    %c0_i32_0 = arith.constant 0 : i32
    return %arg0, %c0_i32 : i32, i32
  }
}

module attributes {stable_mosaic.version = 14 : i64} {
  func.func @_tc_final_body(%arg0: i32, %arg1: memref<2x256x80xf32, #tpu.memory_space<vmem>>, %arg2: memref<16x64xf32, #tpu.memory_space<vmem>>, %arg3: memref<1x128xf32, #tpu.memory_space<vmem>>, %arg4: memref<256x128xf32, #tpu.memory_space<vmem>>) attributes {dimension_semantics = [#tpu.dimension_semantics<arbitrary>], iteration_bounds = array<i64: 40>, scalar_prefetch = 0 : i64, scratch_operands = 0 : i64, tpu.core_type = #tpu.core_type<tc>, window_params = [{transform_indices = @transform_0, window_bounds = array<i64: 2, 256, 80>}, {pipeline_mode = #tpu.pipeline_mode<synchronous>, transform_indices = @transform_1, window_bounds = array<i64: 16, 64>}, {pipeline_mode = #tpu.pipeline_mode<synchronous>, transform_indices = @transform_2, window_bounds = array<i64: 1, 128>}, {transform_indices = @transform_3, window_bounds = array<i64: 256, 128>}]} {
    %get3A = arith.constant 0 : index
    %get3A_0 = arith.constant 0 : index
    %get3A_1 = arith.constant 0 : index
    %get3A_2 = vector.load %arg1[%get3A, %get3A_0, %get3A_1] : memref<2x256x80xf32, #tpu.memory_space<vmem>>, vector<1x256x80xf32>
    %get3A_3 = vector.shape_cast %get3A_2 : vector<1x256x80xf32> to vector<256x80xf32>
    %slice3A = vector.extract_strided_slice %get3A_3 {offsets = [0, 64], sizes = [256, 16], strides = [1, 1]} : vector<256x80xf32> to vector<256x16xf32>
    %get3A_4 = arith.constant 0 : index
    %get3A_5 = arith.constant 0 : index
    %get3A_6 = vector.load %arg2[%get3A_4, %get3A_5] : memref<16x64xf32, #tpu.memory_space<vmem>>, vector<16x64xf32>
    %dot_general3A = arith.constant dense<0.000000e+00> : vector<256x64xf32>
    %dot_general3A_7 = tpu.matmul %slice3A, %get3A_6, %dot_general3A {dimension_numbers = #tpu.dot_dimension_numbers<[1], [0], [0], [1], [0, 0, 1, 1], [], []>, transpose_lhs_hint = false} : vector<256x16xf32>, vector<16x64xf32>, vector<256x64xf32> -> vector<256x64xf32>
    %slice3A_8 = vector.extract_strided_slice %get3A_3 {offsets = [0, 0], sizes = [256, 64], strides = [1, 1]} : vector<256x80xf32> to vector<256x64xf32>
    %add3A = arith.constant 1.000000e-16 : f32
    %add3A_9 = vector.broadcast %add3A : f32 to vector<256x64xf32>
    %add3A_10 = arith.addf %dot_general3A_7, %add3A_9 : vector<256x64xf32>
    %div3A = arith.divf %slice3A_8, %add3A_10 : vector<256x64xf32>
    %get3A_11 = arith.constant 1 : index
    %get3A_12 = arith.constant 0 : index
    %get3A_13 = arith.constant 0 : index
    %get3A_14 = vector.load %arg1[%get3A_11, %get3A_12, %get3A_13] : memref<2x256x80xf32, #tpu.memory_space<vmem>>, vector<1x256x80xf32>
    %get3A_15 = vector.shape_cast %get3A_14 : vector<1x256x80xf32> to vector<256x80xf32>
    %slice3A_16 = vector.extract_strided_slice %get3A_15 {offsets = [0, 64], sizes = [256, 16], strides = [1, 1]} : vector<256x80xf32> to vector<256x16xf32>
    %get3A_17 = arith.constant 0 : index
    %get3A_18 = arith.constant 0 : index
    %get3A_19 = vector.load %arg2[%get3A_17, %get3A_18] : memref<16x64xf32, #tpu.memory_space<vmem>>, vector<16x64xf32>
    %dot_general3A_20 = arith.constant dense<0.000000e+00> : vector<256x64xf32>
    %dot_general3A_21 = tpu.matmul %slice3A_16, %get3A_19, %dot_general3A_20 {dimension_numbers = #tpu.dot_dimension_numbers<[1], [0], [0], [1], [0, 0, 1, 1], [], []>, transpose_lhs_hint = false} : vector<256x16xf32>, vector<16x64xf32>, vector<256x64xf32> -> vector<256x64xf32>
    %slice3A_22 = vector.extract_strided_slice %get3A_15 {offsets = [0, 0], sizes = [256, 64], strides = [1, 1]} : vector<256x80xf32> to vector<256x64xf32>
    %add3A_23 = arith.constant 1.000000e-16 : f32
    %add3A_24 = vector.broadcast %add3A_23 : f32 to vector<256x64xf32>
    %add3A_25 = arith.addf %dot_general3A_21, %add3A_24 : vector<256x64xf32>
    %div3A_26 = arith.divf %slice3A_22, %add3A_25 : vector<256x64xf32>
    %concatenate3A = tpu.concatenate %div3A, %div3A_26 in 1 : vector<256x64xf32>, vector<256x64xf32> -> vector<256x128xf32>
    %get3A_27 = arith.constant 0 : index
    %get3A_28 = arith.constant 0 : index
    %get3A_29 = vector.load %arg3[%get3A_27, %get3A_28] : memref<1x128xf32, #tpu.memory_space<vmem>>, vector<1x128xf32>
    %add3A_30 = vector.broadcast %get3A_29 : vector<1x128xf32> to vector<256x128xf32>
    %add3A_31 = arith.addf %concatenate3A, %add3A_30 : vector<256x128xf32>
    %swap3A = arith.constant 0 : index
    %swap3A_32 = arith.constant 0 : index
    %swap3A_33 = vector.load %arg4[%swap3A, %swap3A_32] : memref<256x128xf32, #tpu.memory_space<vmem>>, vector<256x128xf32>
    tpu.vector_store %arg4[%swap3A, %swap3A_32], %add3A_31 {strides = array<i32>} : memref<256x128xf32, #tpu.memory_space<vmem>>, vector<256x128xf32>,
    return
  }
  func.func @transform_0(%arg0: i32) -> (i32, i32, i32) {
    %c0_i32 = arith.constant 0 : i32
    %c0_i32_0 = arith.constant 0 : i32
    %c0_i32_1 = arith.constant 0 : i32
    return %c0_i32, %arg0, %c0_i32_0 : i32, i32, i32
  }
  func.func @transform_1(%arg0: i32) -> (i32, i32) {
    %c0_i32 = arith.constant 0 : i32
    %c0_i32_0 = arith.constant 0 : i32
    %c0_i32_1 = arith.constant 0 : i32
    return %c0_i32, %c0_i32_0 : i32, i32
  }
  func.func @transform_2(%arg0: i32) -> (i32, i32) {
    %c0_i32 = arith.constant 0 : i32
    %c0_i32_0 = arith.constant 0 : i32
    %c0_i32_1 = arith.constant 0 : i32
    return %c0_i32, %c0_i32_0 : i32, i32
  }
  func.func @transform_3(%arg0: i32) -> (i32, i32) {
    %c0_i32 = arith.constant 0 : i32
    %c0_i32_0 = arith.constant 0 : i32
    return %arg0, %c0_i32 : i32, i32
  }
}

</mosaic_0001>

<sc_bundles>
// kernel: kernel.10.cloned.1.call-start
scs
__scs_entry_jumppad:
0x0: {  	(pc) =	sbr.rel $0x88, $3  }
0x1: {  	(tag) =	ssettag $0x0;
	lr =	simm.s32 $0x1  }
0x2: {  	[smem:$0x3F96] =	sst lr;
	_ =	strace $0xD0000000  }
0x3: {  	_ = 	snop  }
0x4: {  	_ = 	snop  }
0x5: {  	_ = 	snop  }
0x6: {  	_ = 	snop  }
0x7: {  	_ = 	snop  }
__scs_overlays_trampoline_lowered:
0x8: {  	[smem:$0x3FA5] =	sst s0  }
0x9: {  	[smem:$0x3FA6] =	sst s1  }
0xa: {  	[smem:$0x3FA7] =	sst s2  }
0xb: {  	[smem:$0x3FA8] =	sst s3  }
0xc: {  	[smem:$0x3FA9] =	sst s4  }
0xd: {  	[smem:$0x3FAA] =	sst s5  }
0xe: {  	[smem:$0x3FAB] =	sst s6  }
0xf: {  	[smem:$0x3FAC] =	sst s7  }
0x10: {  	[smem:$0x3FAD] =	sst s8  }
0x11: {  	[smem:$0x3FAE] =	sst s9;
	s0 =	simm.s32 @!p0 $0x0  }
0x12: {  	s1 =	sld [smem:$0x3F94];
	s0 =	simm.s32 @p0 $0x1  }
0x13: {  	[smem:$0x3FAF] =	sst s0;
	s0 =	simm.s32 @!p1 $0x0  }
0x14: {  	s2 =	sld [smem:$0x3F93];
	s0 =	simm.s32 @p1 $0x1  }
0x15: {  	[smem:$0x3FB0] =	sst s0;
	s0 =	simm.s32 @!p2 $0x0  }
0x16: {  	s3 =	sld [smem:$0x3FDB];
	s0 =	simm.s32 @p2 $0x1  }
0x17: {  	s4 =	simm.s32 $0x1BF5;
	[smem:$0x3FB2] =	sst s0  }
0x18: {  	s0 =	sld [smem:$0x3F95];
	_ =	swait.ge [sflag:s4], $0x0  }
0x19: {  	s7 =	sld [smem:$0x3F96]  }
0x1a: {  	s8 =	sadd.s32 $0xFFFFE003, lr  }
0x1b: {  	s9 =	sadd.s32 $0xFFFFFEF7, lr;
	s5 =	simm.s32 $0xFFFFFFFF;
	p2 =	slt.u32 s8, $0xFFFFF086  }
0x1c: {  	p1 =	slt.u32 s9, $0xF7A;
	s5 =	simm.s32 @!p2 $0x0  }
0x1d: {  	s5 =	simm.s32 @p1 $0x1;
	p0 =	seq.s32 s7, s2  }
0x1e: {  	s7 =	smul.u32 @!p0 $0xF7A, s2;
	p2 =	seq.s32 @!p0 s5, $0x0  }
0x1f: {  	s9 =	smul.u32 $0xF7A, s1;
	s8 =	simm.s32 @!p0 $0x1BF5;
	p2 =	por !p2, p0  }
0x20: {  	[sflag:s8] =	ssyncset.s32 @!p0 $0xFFFFF086;
	s6 =	sadd.s32 @!p0 s3, s7;
	s7 =	simm.s32 @!p0 $0x108  }
0x21: {  	s3 =	sadd.s32 s3, s9;
	s6 =	sadd.s32 @!p0 $0x88, s6;
	s7 =	simm.s32 @p2 $0x1082  }
0x22: {  	[simem:s7], [sflag:s8] =	dma.local @!p0 [hbm:s6], $0xF7A  }
0x23: {  	s9 =	sor.u32 $0xD0000000, s2;
	s6 =	simm.s32 $0x108;
	_ =	swait.ge @!p0 [sflag:s8], $0x0  }
0x24: {  	s3 =	sadd.s32 $0x88, s3;
	s6 =	simm.s32 @!p1 $0x1082;
	[sflag:s4] =	ssyncset.s32 $0xFFFFF086  }
0x25: {  	[simem:s6], [sflag:s4] =	dma.local [hbm:s3], $0xF7A  }
0x26: {  	[smem:$0x3F96] =	sst s1;
	(tag) =	ssettag s2;
	_ =	strace s9  }
0x27: {  	s1 =	sld [smem:$0x3FA6]  }
0x28: {  	s2 =	sld [smem:$0x3FA7]  }
0x29: {  	s4 =	sld [smem:$0x3FA9]  }
0x2a: {  	p0 =	seq.s32 s5, $0x0;
	s5 =	sld [smem:$0x3FAA]  }
0x2b: {  	s6 =	sld [smem:$0x3FAB]  }
0x2c: {  	s7 =	sld [smem:$0x3FAC]  }
0x2d: {  	s3 =	simm.s32 $0x108;
	s8 =	sld [smem:$0x3FAD]  }
0x2e: {  	s3 =	simm.s32 @!p0 $0x1082;
	s9 =	sld [smem:$0x3FAE]  }
0x2f: {  	lr =	sadd.s32 s0, s3;
	s0 =	sld [smem:$0x3FA5]  }
0x30: {  	s3 =	sld [smem:$0x3FA8]  }
0x31: {  	[smem:$0x3FB1] =	sst s10  }
0x32: {  	s10 =	sld [smem:$0x3FAF];
	_ =	sdelay $0x3  }
0x33: {  	p0 =	seq.s32 s10, $0x1;
	s10 =	sld [smem:$0x3FB1];
	_ =	sdelay $0x3  }
0x34: {  	[smem:$0x3FB1] =	sst s10  }
0x35: {  	s10 =	sld [smem:$0x3FB0];
	_ =	sdelay $0x3  }
0x36: {  	p1 =	seq.s32 s10, $0x1;
	s10 =	sld [smem:$0x3FB1];
	_ =	sdelay $0x3  }
0x37: {  	[smem:$0x3FB1] =	sst s10  }
0x38: {  	s10 =	sld [smem:$0x3FB2]  }
0x39: {  	_ = 	snop;
	(pc) =	sbr.ind lr, $3  }
0x3a: {  	_ = 	snop  }
0x3b: {  	_ = 	snop  }
0x3c: {  	p2 =	seq.s32 s10, $0x1;
	s10 =	sld [smem:$0x3FB1]  }
0x3d: {  	_ =	shalt  }
0x3e: {  	_ =	shalt  }
0x3f: {  	_ =	shalt  }
0x40: {  	_ =	shalt  }
0x41: {  	_ =	shalt  }
0x42: {  	_ =	shalt  }
0x43: {  	_ =	shalt  }
0x44: {  	_ =	shalt  }
0x45: {  	_ =	shalt  }
0x46: {  	_ =	shalt  }
0x47: {  	_ =	shalt  }
0x48: {  	_ =	shalt  }
0x49: {  	_ =	shalt  }
0x4a: {  	_ =	shalt  }
0x4b: {  	_ =	shalt  }
0x4c: {  	_ =	shalt  }
0x4d: {  	_ =	shalt  }
0x4e: {  	_ =	shalt  }
0x4f: {  	_ =	shalt  }
0x50: {  	_ =	shalt  }
0x51: {  	_ =	shalt  }
0x52: {  	_ =	shalt  }
0x53: {  	_ =	shalt  }
0x54: {  	_ =	shalt  }
0x55: {  	_ =	shalt  }
0x56: {  	_ =	shalt  }
0x57: {  	_ =	shalt  }
0x58: {  	_ =	shalt  }
0x59: {  	_ =	shalt  }
0x5a: {  	_ =	shalt  }
0x5b: {  	_ =	shalt  }
0x5c: {  	_ =	shalt  }
0x5d: {  	_ =	shalt  }
0x5e: {  	_ =	shalt  }
0x5f: {  	_ =	shalt  }
0x60: {  	_ =	shalt  }
0x61: {  	_ =	shalt  }
0x62: {  	_ =	shalt  }
0x63: {  	_ =	shalt  }
0x64: {  	_ =	shalt  }
0x65: {  	_ =	shalt  }
0x66: {  	_ =	shalt  }
0x67: {  	_ =	shalt  }
0x68: {  	_ =	shalt  }
0x69: {  	_ =	shalt  }
0x6a: {  	_ =	shalt  }
0x6b: {  	_ =	shalt  }
0x6c: {  	_ =	shalt  }
0x6d: {  	_ =	shalt  }
0x6e: {  	_ =	shalt  }
0x6f: {  	_ =	shalt  }
0x70: {  	_ =	shalt  }
0x71: {  	_ =	shalt  }
0x72: {  	_ =	shalt  }
0x73: {  	_ =	shalt  }
0x74: {  	_ =	shalt  }
0x75: {  	_ =	shalt  }
0x76: {  	_ =	shalt  }
0x77: {  	_ =	shalt  }
0x78: {  	_ =	shalt  }
0x79: {  	_ =	shalt  }
0x7a: {  	_ =	shalt  }
0x7b: {  	_ =	shalt  }
0x7c: {  	_ =	shalt  }
0x7d: {  	_ =	shalt  }
0x7e: {  	_ =	shalt  }
0x7f: {  	_ =	shalt  }
0x80: {  	_ =	shalt  }
0x81: {  	_ =	shalt  }
0x82: {  	_ =	shalt  }
0x83: {  	_ =	shalt  }
0x84: {  	_ =	shalt  }
0x85: {  	_ =	shalt  }
0x86: {  	_ =	shalt  }
0x87: {  	_ =	shalt  }
.Lfunc_end0:
.L_simem_size_0:
called_computation.1_lowered:
.L_overlay_start_0:
0x88: {  	s2 =	sld [smem:$0x3FD9]  }
0x89: {  	s3 =	sld [smem:$0x3FFE];
	_ =	sdelay $0x1  }
0x8a: {  	s1 =	srdreg.scid  }
0x8b: {  	s0 =	sand.u32 $0x1, s1  }
0x8c: {  	s17 =	sshll.u32 s0, $0xA;
	s2 =	sadd.s32 s3, s2  }
0x8d: {  	s2 =	sadd.s32 s2, s17  }
0x8e: {  	[smem:$0x3FBD] =	sst s2  }
0x8f: {  	_ = 	snop  }
0x90: {  	s2 =	sld [smem:$0x3FD0];
	(tm) =	ssettm $0x1  }
0x91: {  	s18 =	sld [smem:$0x3FFB];
	_ =	sdelay $0x3  }
0x92: {  	_ =	strace s18  }
0x93: {  	s3 =	sld [smem:$0x3FFC];
	_ =	sdelay $0x3  }
0x94: {  	_ =	strace s3  }
0x95: {  	s3 =	sld [smem:$0x3FFD];
	_ =	sdelay $0x3  }
0x96: {  	_ =	strace s3  }
0x97: {  	_ =	strace $0x8FFFFFFF  }
0x98: {  	s19 =	sld [smem:$0x3FDB];
	_ =	sdelay $0x1  }
0x99: {  	s4 =	simm.s32 $_scs_section_size  }
0x9a: {  	s5 =	simm.s32 $_size__tile_overlayer_lowered;
	s6 =	simm.s32 $_tile_overlayer_lowered  }
0x9b: {  	s22 =	simm.s32 $0x1BFF;
	s21 =	sshll.u32 s6, $0x1;
	s3 =	sadd.s32 s4, s19  }
0x9c: {  	s7 =	simm.s32 $0x0;
	s20 =	sshll.u32 s5, $0x1;
	s5 =	sadd.s32 s21, s3  }
0x9d: {  	[timem:s7], [sflag:s22] =	dma.local [hbm:s5], s20  }
0x9e: {  	_ =	swait.ge [sflag:s22], s20  }
0x9f: {  	s4 =	ssub.s32 $0x0, s20;
	[sflag:s22] =	ssyncset.done $0x0  }
0xa0: {  	[sflag:s22] =	ssyncadd.s32 s4;
	_ =	sdelay $0x1  }
0xa1: {  	s23 =	simm.s32 $0x1B8B  }
0xa2: {  	_ =	swait.ge [sflag:s23], $0x1  }
0xa3: {  	[sflag:s23] =	ssyncset.done $0x0  }
0xa4: {  	s25 =	simm.s32 $0x1B8E;
	s24 =	sld [smem:$0x3FFE];
	[sflag:s23] =	ssyncadd.s32 $0xFFFFFFFF  }
0xa5: {  	s26 =	simm.s32 $execute0_lowered;
	[smem:$0x3FD2] =	sst s25  }
0xa6: {  	s5 =	sshll.u32 s26, $0x1;
	_ =	strace $0x80000049;
	[dreg:$0x1] =	wrdreg $0xFFFFFFFF  }
0xa7: {  	s28 =	simm.s32 $_size_execute0_lowered;
	s3 =	sadd.s32 s3, s5;
	[dreg:$0x0] =	wrdreg $0x0  }
0xa8: {  	s5 =	sshll.u32 s28, $0x1;
	[dreg:$0x2] =	wrdreg s3  }
0xa9: {  	[dreg:$0x3] =	wrdreg s5  }
0xaa: {  	[dreg:$0x4] =	wrdreg $0xC0  }
0xab: {  	_ =	task [dreg:s7], $0x5FFFF  }
0xac: {  	[dreg:$0x1] =	wrdreg $0xFFFFFFFF  }
0xad: {  	[dreg:$0x0] =	wrdreg $0x60  }
0xae: {  	[dreg:$0x2] =	wrdreg s24  }
0xaf: {  	[dreg:$0x3] =	wrdreg s2  }
0xb0: {  	[dreg:$0x4] =	wrdreg $0x11F000  }
0xb1: {  	[dreg:$0x5] =	wrdreg $0x9  }
0xb2: {  	_ =	task.clear_ibuf [dreg:s7], $0x6FFFF;
	_ =	strace $0x90000049  }
0xb3: {  	s29 =	simm.s32 $0x9;
	_ =	strace $0x8000004B  }
0xb4: {  	_ =	swait.ge [sflag:s29], $0x1  }
0xb5: {  	[sflag:s29] =	ssyncadd.s32 $0xFFFFFFFF  }
0xb6: {  	_ =	strace $0x9000004B  }
0xb7: {  	_ =	sfence  }
0xb8: {  	s30 =	sld [smem:$0x0];
	_ =	sdelay $0x2  }
0xb9: {  	s31 =	sshll.u32 s1, $0xD;
	s1 =	sshrl.u32 s1, $0x2  }
0xba: {  	s3 =	sand.u32 $0x4000, s31;
	s1 =	sadd.s32 s1, s30  }
0xbb: {  	s0 =	sor.u32 s3, s0;
	s1 =	sshll.u32 s1, $0x11  }
0xbc: {  	s0 =	sor.u32 s1, s0  }
0xbd: {  	s0 =	sadd.s32 $0x8F2B, s0  }
0xbe: {  	[sflag:s0] =	ssyncadd.remote.s32 $0x1  }
0xbf: {  	_ =	sfence.sel $0xFFFF  }
0xc0: {  	[dreg:$0x0] =	wrdreg $0xFFFFFFFF;
	(pc) =	sbr.abs _section_cstart, $3  }
0xc1: {  	[dreg:$0x1] =	wrdreg $0xFFFFFFFF  }
0xc2: {  	_ =	task.clear_ibuf [dreg:s7], $0x2FFFF;
	_ =	strace $0x9FFFFFFF  }
0xc3: {  	(tm) =	ssettm $0x7FFFFFFF  }
tec
execute0_lowered:
.L_overlay_start_1:
0x0: {  	(tag) =	ssettag $0x1  }
0x1: {  	s0 =	rddreg [dreg:$0x0]  }
0x2: {  	s1 =	rddreg [dreg:$0x1];
	s2 =	srdreg.scid  }
0x3: {  	s3 =	rddreg [dreg:$0x2];
	s11 =	stileid.u32  }
0x4: {  	s5 =	simm.s32 $0x0;
	s16 =	simm.s32 $0x3;
	s17 =	simm.s32 $0xA000  }
0x5: {  	s18 =	simm.s32 $0x10300;
	s19 =	simm.s32 $0x11100;
	s20 =	simm.s32 $0x80  }
0x6: {  	s21 =	simm.s32 $0x10180;
	s28 =	simm.s32 $0x10100;
	s7 =	smul.u32 $0xC800, s11  }
0x7: {  	s29 =	simm.s32 $0x2;
	s30 =	simm.s32 $0x10200;
	s9 =	smul.u32 $0x32000, s11  }
0x8: {  	s31 =	simm.s32 $0x0;
	s2 =	sand.u32 $0x1, s2;
	s13 =	smul.u32 $0x2A00, s11  }
0x9: {  	[smem:$0x7FF] =	sst s5;
	s5 =	sadd.s32 $0x8A00, s0;
	s4 =	smul.u32 $0x1400, s2  }
0xa: {  	s6 =	smul.u32 $0xC8000, s2;
	_ =	strace $0x8000004A;
	s10 =	ssub.s32 $0x2, s2  }
0xb: {  	v0 =	vlaneseq.u32;
	s2 =	smul.u32 $0x2800, s2;
	s22 =	sshrl.u32 s10, $0x1;
	s9 =	sshrl.u32 s9, $0x2  }
0xc: {  	v0 =	vmul.u32 $0x10, v0;
	s4 =	sadd.s32 s4, s0;
	s8 =	sadd.s32 s7, s6;
	s6 =	sadd.s32 $0x3600, s0  }
0xd: {  	s10 =	ssub.s32 s10, s22;
	s23 =	sadd.s32 s9, s3;
	s22 =	simm.s32 $0x10280  }
0xe: {  	v2 =	vimm.f32 $0.0e+00;
	v3 =	vor.u32 $0x1, v0;
	s8 =	sshrl.u32 s8, $0x3;
	s4 =	sadd.s32 $0x3AA00, s4;
	s24 =	sadd.s32 $0x2800, s23  }
0xf: {  	v4 =	vor.u32 $0x100, v0;
	v5 =	vor.u32 $0x101, v0;
	v6 =	vor.u32 $0x200, v0;
	s25 =	sadd.s32 $0x5000, s23;
	s26 =	sadd.s32 $0x7800, s23;
	[dreg:$0x4] =	wrdreg s4  }
0x10: {  	v7 =	vor.u32 $0x201, v0;
	v8 =	vor.u32 $0x300, v0;
	v9 =	vor.u32 $0x301, v0;
	s12 =	sadd.s32 $0xA000, s23;
	s15 =	smax.u32 s10, $0x1;
	[dreg:$0x5] =	wrdreg s24  }
0x11: {  	v10 =	vor.u32 $0x400, v0;
	v11 =	vor.u32 $0x401, v0;
	v12 =	vor.u32 $0x500, v0;
	s23 =	simm.s32 $0xC800;
	s0 =	sadd.s32 s8, s0;
	[dreg:$0x6] =	wrdreg s25  }
0x12: {  	v13 =	vor.u32 $0x501, v0;
	v14 =	vor.u32 $0x600, v0;
	v15 =	vor.u32 $0x601, v0;
	s8 =	sadd.s32 s7, s3;
	[dreg:$0x7] =	wrdreg s26;
	s24 =	simm.s32 $0xF000  }
0x13: {  	v16 =	vor.u32 $0x700, v0;
	v17 =	vor.u32 $0x701, v0;
	v1 =	vmov s2;
	s25 =	simm.s32 $0xF800;
	s26 =	simm.s32 $0x1;
	s14 =	sadd.s32 $0x3D200, s0  }
.LBB2_1:
0x14: {  	s0 =	simm.s32 $0x0;
	s2 =	rddreg [dreg:$0x4]  }
0x15: {  	[tilespmem:s0], [sflag:$0x3] =	stream.linear.gather [hbm4b:s2+s0], $0xA000, $0x38;
	[tilespmem:$0x1E700] =	vst v63  }
0x16: {  	_ =	swait.ge [sflag:s16], $0xA000  }
0x17: {  	[sflag:s16] =	ssyncset.done $0x0  }
0x18: {  	s0 =	simm.s32 $0xA020;
	[sflag:s16] =	ssyncadd.s32 $0xFFFF6000  }
0x19: {  	[tilespmem:s0+$0x10] =	vst v2  }
0x1a: {  	[tilespmem:s0+$0x0] =	vst v2  }
0x1b: {  	[tilespmem:s0+$0xFFFFFFF0] =	vst v2  }
0x1c: {  	[tilespmem:s0+$0xFFFFFFE0] =	vst v2  }
0x1d: {  	s4 =	simm.s32 $0x0;
	s2 =	simm.s32 $0x40;
	[tilespmem:s0+$0x20] =	vst v2  }
.LBB2_2:
0x1e: {  	p0 =	sne.s32 s2, $0x1FC0;
	[tilespmem:s4+$0xF800] =	vst v2  }
0x1f: {  	s0 =	sadd.s32 $0x50, s0;
	[tilespmem:s4+$0xF000] =	vst v2  }
.Ltmp0:
0x20: {  	[tilespmem:s0+$0x10] =	vst v2;
	(pc) =	sbr.rel @p0 .LBB2_2-.Ltmp0, $4  }
0x21: {  	[tilespmem:s0+$0x0] =	vst v2  }
0x22: {  	[tilespmem:s0+$0xFFFFFFF0] =	vst v2  }
0x23: {  	[tilespmem:s0+$0xFFFFFFE0] =	vst v2  }
0x24: {  	s4 =	sshra.s32 s2, $0x2;
	s2 =	sadd.s32 $0x40, s2;
	[tilespmem:s0+$0x20] =	vst v2  }
0x25: {  	[tilespmem:s4+$0xF800] =	vst v2  }
0x26: {  	[tilespmem:s4+$0xF000] =	vst v2  }
0x27: {  	[spmem:s8] =	stream.linear.scatter [tilespmem:s17], [sflag:$0x3], $0x2800, $0x38;
	[tilespmem:$0x1E700] =	vst v63  }
0x28: {  	_ =	swait.ge [sflag:s16], $0x2800  }
0x29: {  	[sflag:s16] =	ssyncset.done $0x0  }
0x2a: {  	s0 =	rddreg [dreg:$0x5];
	[sflag:s16] =	ssyncadd.s32 $0xFFFFD800  }
0x2b: {  	[spmem:s0] =	stream.linear.scatter [tilespmem:s17], [sflag:$0x3], $0x2800, $0x38;
	[tilespmem:$0x1E700] =	vst v63  }
0x2c: {  	_ =	swait.ge [sflag:s16], $0x2800  }
0x2d: {  	[sflag:s16] =	ssyncset.done $0x0  }
0x2e: {  	s10 =	rddreg [dreg:$0x6];
	[sflag:s16] =	ssyncadd.s32 $0xFFFFD800  }
0x2f: {  	[spmem:s10] =	stream.linear.scatter [tilespmem:s17], [sflag:$0x3], $0x2800, $0x38;
	[tilespmem:$0x1E700] =	vst v63  }
0x30: {  	_ =	swait.ge [sflag:s16], $0x2800  }
0x31: {  	[sflag:s16] =	ssyncset.done $0x0  }
0x32: {  	s11 =	rddreg [dreg:$0x7];
	[sflag:s16] =	ssyncadd.s32 $0xFFFFD800  }
0x33: {  	[spmem:s11] =	stream.linear.scatter [tilespmem:s17], [sflag:$0x3], $0x2800, $0x38;
	[tilespmem:$0x1E700] =	vst v63  }
0x34: {  	_ =	swait.ge [sflag:s16], $0x2800  }
0x35: {  	[sflag:s16] =	ssyncset.done $0x0  }
0x36: {  	[sflag:s16] =	ssyncadd.s32 $0xFFFFD800  }
0x37: {  	[spmem:s12] =	stream.linear.scatter [tilespmem:s17], [sflag:$0x3], $0x2800, $0x38;
	[tilespmem:$0x1E700] =	vst v63  }
0x38: {  	_ =	swait.ge [sflag:s16], $0x2800  }
0x39: {  	[sflag:s16] =	ssyncset.done $0x0  }
0x3a: {  	[sflag:s16] =	ssyncadd.s32 $0xFFFFD800  }
0x3b: {  	s4 =	simm.s32 $0x0;
	s0 =	simm.s32 $0x0;
	[bflag:$0x0] =	sbarrier.arrive $0xFFFF  }
.LBB2_4:
0x3c: {  	s2 =	smul.u32 $0xE00, s4;
	_ =	sdelay $0x1  }
0x3d: {  	s2 =	sadd.s32 s13, s2  }
0x3e: {  	s2 =	sshrl.u32 s2, $0x3  }
0x3f: {  	s7 =	sadd.s32 s1, s2  }
0x40: {  	[tilespmem:s18], [sflag:$0x3] =	stream.linear.gather [hbm4b:s7+s0], $0xE00, $0x38;
	[tilespmem:$0x1E700] =	vst v63  }
0x41: {  	_ =	swait.ge [sflag:s16], $0xE00  }
0x42: {  	[sflag:s16] =	ssyncset.done $0x0  }
0x43: {  	s2 =	sadd.s32 s6, s2;
	[sflag:s16] =	ssyncadd.s32 $0xFFFFF200  }
0x44: {  	[tilespmem:s19], [sflag:$0x3] =	stream.linear.gather [hbm4b:s2+s0], $0xE00, $0x38;
	[tilespmem:$0x1E700] =	vst v63  }
0x45: {  	_ =	swait.ge [sflag:s16], $0xE00  }
0x46: {  	[sflag:s16] =	ssyncset.done $0x0  }
0x47: {  	s2 =	simm.s32 $0x0;
	[sflag:s16] =	ssyncadd.s32 $0xFFFFF200  }
.LBB2_5:
0x48: {  	s7 =	sshll.u32 s2, $0x8  }
0x49: {  	v18 =	vld [tilespmem:s7+$0x10300];
	_ =	sdelay $0x4  }
0x4a: {  	[tilespmem:$0x10000] =	vst v18  }
0x4b: {  	v19 =	vld [tilespmem:s7+$0x11100];
	_ =	sdelay $0x2  }
0x4c: {  	v18 =	vadd.s32 v1, v18  }
0x4d: {  	[tilespmem:$0x10180] =	vst v18  }
0x4e: {  	[tilespmem:$0x10100] =	vst v19  }
0x4f: {  	v18 =	vld [tilespmem:s7+$0x10310];
	_ =	sdelay $0x4  }
0x50: {  	[tilespmem:$0x10010] =	vst v18  }
0x51: {  	v19 =	vld [tilespmem:s7+$0x11110];
	_ =	sdelay $0x2  }
0x52: {  	v18 =	vadd.s32 v1, v18  }
0x53: {  	[tilespmem:$0x10190] =	vst v18  }
0x54: {  	[tilespmem:$0x10110] =	vst v19  }
0x55: {  	v18 =	vld [tilespmem:s7+$0x10320];
	_ =	sdelay $0x4  }
0x56: {  	[tilespmem:$0x10020] =	vst v18  }
0x57: {  	v19 =	vld [tilespmem:s7+$0x11120];
	_ =	sdelay $0x2  }
0x58: {  	v18 =	vadd.s32 v1, v18  }
0x59: {  	[tilespmem:$0x101A0] =	vst v18  }
0x5a: {  	[tilespmem:$0x10120] =	vst v19  }
0x5b: {  	v18 =	vld [tilespmem:s7+$0x10330];
	_ =	sdelay $0x4  }
0x5c: {  	[tilespmem:$0x10030] =	vst v18  }
0x5d: {  	v19 =	vld [tilespmem:s7+$0x11130];
	_ =	sdelay $0x2  }
0x5e: {  	v18 =	vadd.s32 v1, v18  }
0x5f: {  	[tilespmem:$0x101B0] =	vst v18  }
0x60: {  	[tilespmem:$0x10130] =	vst v19  }
0x61: {  	v18 =	vld [tilespmem:s7+$0x10340];
	_ =	sdelay $0x4  }
0x62: {  	[tilespmem:$0x10040] =	vst v18  }
0x63: {  	v19 =	vld [tilespmem:s7+$0x11140];
	_ =	sdelay $0x2  }
0x64: {  	v18 =	vadd.s32 v1, v18  }
0x65: {  	[tilespmem:$0x101C0] =	vst v18  }
0x66: {  	[tilespmem:$0x10140] =	vst v19  }
0x67: {  	v18 =	vld [tilespmem:s7+$0x10350];
	_ =	sdelay $0x4  }
0x68: {  	[tilespmem:$0x10050] =	vst v18  }
0x69: {  	v19 =	vld [tilespmem:s7+$0x11150];
	_ =	sdelay $0x2  }
0x6a: {  	v18 =	vadd.s32 v1, v18  }
0x6b: {  	[tilespmem:$0x101D0] =	vst v18  }
0x6c: {  	[tilespmem:$0x10150] =	vst v19  }
0x6d: {  	v18 =	vld [tilespmem:s7+$0x10360];
	_ =	sdelay $0x4  }
0x6e: {  	[tilespmem:$0x10060] =	vst v18  }
0x6f: {  	v19 =	vld [tilespmem:s7+$0x11160];
	_ =	sdelay $0x2  }
0x70: {  	v18 =	vadd.s32 v1, v18  }
0x71: {  	[tilespmem:$0x101E0] =	vst v18  }
0x72: {  	[tilespmem:$0x10160] =	vst v19  }
0x73: {  	v18 =	vld [tilespmem:s7+$0x10370];
	_ =	sdelay $0x4  }
0x74: {  	[tilespmem:$0x10070] =	vst v18  }
0x75: {  	v19 =	vld [tilespmem:s7+$0x11170];
	_ =	sdelay $0x2  }
0x76: {  	v18 =	vadd.s32 v1, v18  }
0x77: {  	[tilespmem:$0x101F0] =	vst v18  }
0x78: {  	[tilespmem:$0x10170] =	vst v19  }
0x79: {  	v18 =	vld [tilespmem:s7+$0x10380];
	_ =	sdelay $0x4  }
0x7a: {  	[tilespmem:$0x10080] =	vst v18  }
0x7b: {  	v19 =	vld [tilespmem:s7+$0x11180];
	_ =	sdelay $0x2  }
0x7c: {  	v18 =	vadd.s32 v1, v18  }
0x7d: {  	[tilespmem:$0x10280] =	vst v18  }
0x7e: {  	[tilespmem:$0x10200] =	vst v19  }
0x7f: {  	v18 =	vld [tilespmem:s7+$0x10390];
	_ =	sdelay $0x4  }
0x80: {  	[tilespmem:$0x10090] =	vst v18  }
0x81: {  	v19 =	vld [tilespmem:s7+$0x11190];
	_ =	sdelay $0x2  }
0x82: {  	v18 =	vadd.s32 v1, v18  }
0x83: {  	[tilespmem:$0x10290] =	vst v18  }
0x84: {  	[tilespmem:$0x10210] =	vst v19  }
0x85: {  	v18 =	vld [tilespmem:s7+$0x103A0];
	_ =	sdelay $0x4  }
0x86: {  	[tilespmem:$0x100A0] =	vst v18  }
0x87: {  	v19 =	vld [tilespmem:s7+$0x111A0];
	_ =	sdelay $0x2  }
0x88: {  	v18 =	vadd.s32 v1, v18  }
0x89: {  	[tilespmem:$0x102A0] =	vst v18  }
0x8a: {  	[tilespmem:$0x10220] =	vst v19  }
0x8b: {  	v18 =	vld [tilespmem:s7+$0x103B0];
	_ =	sdelay $0x4  }
0x8c: {  	[tilespmem:$0x100B0] =	vst v18  }
0x8d: {  	v19 =	vld [tilespmem:s7+$0x111B0];
	_ =	sdelay $0x2  }
0x8e: {  	v18 =	vadd.s32 v1, v18  }
0x8f: {  	[tilespmem:$0x102B0] =	vst v18  }
0x90: {  	[tilespmem:$0x10230] =	vst v19  }
0x91: {  	v18 =	vld [tilespmem:s7+$0x103C0];
	_ =	sdelay $0x4  }
0x92: {  	[tilespmem:$0x100C0] =	vst v18  }
0x93: {  	v19 =	vld [tilespmem:s7+$0x111C0];
	_ =	sdelay $0x2  }
0x94: {  	v18 =	vadd.s32 v1, v18  }
0x95: {  	[tilespmem:$0x102C0] =	vst v18  }
0x96: {  	[tilespmem:$0x10240] =	vst v19  }
0x97: {  	v18 =	vld [tilespmem:s7+$0x103D0];
	_ =	sdelay $0x4  }
0x98: {  	[tilespmem:$0x100D0] =	vst v18  }
0x99: {  	v19 =	vld [tilespmem:s7+$0x111D0];
	_ =	sdelay $0x2  }
0x9a: {  	v18 =	vadd.s32 v1, v18  }
0x9b: {  	[tilespmem:$0x102D0] =	vst v18  }
0x9c: {  	[tilespmem:$0x10250] =	vst v19  }
0x9d: {  	v18 =	vld [tilespmem:s7+$0x103E0];
	_ =	sdelay $0x4  }
0x9e: {  	[tilespmem:$0x100E0] =	vst v18  }
0x9f: {  	v19 =	vld [tilespmem:s7+$0x111E0];
	_ =	sdelay $0x2  }
0xa0: {  	v18 =	vadd.s32 v1, v18  }
0xa1: {  	[tilespmem:$0x102E0] =	vst v18  }
0xa2: {  	[tilespmem:$0x10260] =	vst v19  }
0xa3: {  	v18 =	vld [tilespmem:s7+$0x103F0];
	_ =	sdelay $0x4  }
0xa4: {  	[tilespmem:$0x100F0] =	vst v18  }
0xa5: {  	v19 =	vld [tilespmem:s7+$0x111F0];
	_ =	sdelay $0x2  }
0xa6: {  	v18 =	vadd.s32 v1, v18  }
0xa7: {  	[tilespmem:$0x102F0] =	vst v18  }
0xa8: {  	[tilespmem:$0x10270] =	vst v19  }
0xa9: {  	[tilespmem:s17], [sflag:$0x1] =	stream.indirect.gather [hbm4b:s5+s20], $0x50, s21, s20, $0xb8;
	[tilespmem:$0x1E700] =	vst v63  }
0xaa: {  	_ = 	snop  }
0xab: {  	[tilespmem:s23], [sflag:$0x2] =	stream.indirect.gather [hbm4b:s5+s20], $0x50, s22, s20, $0xb8;
	[tilespmem:$0x1E700] =	vst v63  }
0xac: {  	v18 =	vld [tilespmem:$0x10000]  }
0xad: {  	v19 =	vld [tilespmem:$0x10100];
	_ =	sdelay $0x4  }
0xae: {  	v18 =	vshll.u32 v18, $0x2;
	v19 =	vshll.u32 v19, $0x2  }
0xaf: {  	v20 =	vor.u32 $0x2, v19;
	_ =	sdelay $0x2  }
0xb0: {  	s11 =	simm.s32 $0x0  }
0xb1: {  	v21 =	vld.idx.msk [tilespmem:v18+s11+$0x0], $0xffff  }
0xb2: {  	v20 =	vld.idx.msk [tilespmem:v20+s11+$0x0], $0xffff;
	_ =	sdelay $0x4  }
0xb3: {  	v20 =	vadd.f32 v20, v21;
	_ =	sdelay $0x1  }
0xb4: {  	v21 =	vmul.f32 $2.000000030e-01, v20;
	_ =	sdelay $0x1  }
0xb5: {  	v20 =	vmax.f32 v20, v21  }
0xb6: {  	v20 =	vmul.f32 $1.442695020e+00, v20;
	_ =	sdelay $0x1  }
0xb7: {  	(erf) = vpow2.f32 v20;
	_ =	sdelay $0x5  }
0xb8: {  	v18 =	vor.u32 $0x1, v18  }
0xb9: {  	v19 =	vor.u32 $0x3, v19;
	_ =	sdelay $0x1  }
0xba: {  	v20 =	vpop (erf)  }
0xbb: {  	[tilespmem:v0+s24+$0x0] =	vst.idx.msk $0xffff, v20  }
0xbc: {  	v18 =	vld.idx.msk [tilespmem:v18+s11+$0x0], $0xffff  }
0xbd: {  	v19 =	vld.idx.msk [tilespmem:v19+s11+$0x0], $0xffff;
	_ =	sdelay $0x4  }
0xbe: {  	v18 =	vadd.f32 v19, v18;
	_ =	sdelay $0x1  }
0xbf: {  	v19 =	vmul.f32 $2.000000030e-01, v18;
	_ =	sdelay $0x1  }
0xc0: {  	v18 =	vmax.f32 v18, v19  }
0xc1: {  	v18 =	vmul.f32 $1.442695020e+00, v18;
	_ =	sdelay $0x1  }
0xc2: {  	(erf) = vpow2.f32 v18;
	_ =	sdelay $0x8  }
0xc3: {  	v18 =	vpop (erf)  }
0xc4: {  	[tilespmem:v3+s24+$0x0] =	vst.idx.msk $0xffff, v18  }
0xc5: {  	v18 =	vld [tilespmem:$0x10010]  }
0xc6: {  	v19 =	vld [tilespmem:$0x10110];
	_ =	sdelay $0x4  }
0xc7: {  	v18 =	vshll.u32 v18, $0x2;
	v19 =	vshll.u32 v19, $0x2  }
0xc8: {  	v20 =	vor.u32 $0x2, v19;
	_ =	sdelay $0x3  }
0xc9: {  	v49 =	vld.idx.msk [tilespmem:v18+s11+$0x0], $0xffff  }
0xca: {  	v20 =	vld.idx.msk [tilespmem:v20+s11+$0x0], $0xffff;
	_ =	sdelay $0x4  }
0xcb: {  	v20 =	vadd.f32 v20, v49;
	_ =	sdelay $0x1  }
0xcc: {  	v21 =	vmul.f32 $2.000000030e-01, v20;
	_ =	sdelay $0x1  }
0xcd: {  	v20 =	vmax.f32 v20, v21  }
0xce: {  	v20 =	vmul.f32 $1.442695020e+00, v20;
	_ =	sdelay $0x1  }
0xcf: {  	(erf) = vpow2.f32 v20;
	_ =	sdelay $0x5  }
0xd0: {  	v18 =	vor.u32 $0x1, v18  }
0xd1: {  	v19 =	vor.u32 $0x3, v19;
	_ =	sdelay $0x1  }
0xd2: {  	v20 =	vpop (erf)  }
0xd3: {  	[tilespmem:v4+s24+$0x0] =	vst.idx.msk $0xffff, v20  }
0xd4: {  	v18 =	vld.idx.msk [tilespmem:v18+s11+$0x0], $0xffff  }
0xd5: {  	v19 =	vld.idx.msk [tilespmem:v19+s11+$0x0], $0xffff;
	_ =	sdelay $0x4  }
0xd6: {  	v18 =	vadd.f32 v19, v18;
	_ =	sdelay $0x1  }
0xd7: {  	v19 =	vmul.f32 $2.000000030e-01, v18;
	_ =	sdelay $0x1  }
0xd8: {  	v18 =	vmax.f32 v18, v19  }
0xd9: {  	v18 =	vmul.f32 $1.442695020e+00, v18;
	_ =	sdelay $0x1  }
0xda: {  	(erf) = vpow2.f32 v18;
	_ =	sdelay $0x8  }
0xdb: {  	v18 =	vpop (erf)  }
0xdc: {  	[tilespmem:v5+s24+$0x0] =	vst.idx.msk $0xffff, v18  }
0xdd: {  	v18 =	vld [tilespmem:$0x10020]  }
0xde: {  	v19 =	vld [tilespmem:$0x10120];
	_ =	sdelay $0x4  }
0xdf: {  	v18 =	vshll.u32 v18, $0x2;
	v19 =	vshll.u32 v19, $0x2  }
0xe0: {  	v20 =	vor.u32 $0x2, v19;
	_ =	sdelay $0x3  }
0xe1: {  	v50 =	vld.idx.msk [tilespmem:v18+s11+$0x0], $0xffff  }
0xe2: {  	v20 =	vld.idx.msk [tilespmem:v20+s11+$0x0], $0xffff;
	_ =	sdelay $0x4  }
0xe3: {  	v20 =	vadd.f32 v20, v50;
	_ =	sdelay $0x1  }
0xe4: {  	v21 =	vmul.f32 $2.000000030e-01, v20;
	_ =	sdelay $0x1  }
0xe5: {  	v20 =	vmax.f32 v20, v21  }
0xe6: {  	v20 =	vmul.f32 $1.442695020e+00, v20;
	_ =	sdelay $0x1  }
0xe7: {  	(erf) = vpow2.f32 v20;
	_ =	sdelay $0x5  }
0xe8: {  	v18 =	vor.u32 $0x1, v18  }
0xe9: {  	v19 =	vor.u32 $0x3, v19;
	_ =	sdelay $0x1  }
0xea: {  	v20 =	vpop (erf)  }
0xeb: {  	[tilespmem:v6+s24+$0x0] =	vst.idx.msk $0xffff, v20  }
0xec: {  	v18 =	vld.idx.msk [tilespmem:v18+s11+$0x0], $0xffff  }
0xed: {  	v19 =	vld.idx.msk [tilespmem:v19+s11+$0x0], $0xffff;
	_ =	sdelay $0x4  }
0xee: {  	v18 =	vadd.f32 v19, v18;
	_ =	sdelay $0x1  }
0xef: {  	v19 =	vmul.f32 $2.000000030e-01, v18;
	_ =	sdelay $0x1  }
0xf0: {  	v18 =	vmax.f32 v18, v19  }
0xf1: {  	v18 =	vmul.f32 $1.442695020e+00, v18;
	_ =	sdelay $0x1  }
0xf2: {  	(erf) = vpow2.f32 v18;
	_ =	sdelay $0x8  }
0xf3: {  	v18 =	vpop (erf)  }
0xf4: {  	[tilespmem:v7+s24+$0x0] =	vst.idx.msk $0xffff, v18  }
0xf5: {  	v18 =	vld [tilespmem:$0x10030]  }
0xf6: {  	v19 =	vld [tilespmem:$0x10130];
	_ =	sdelay $0x4  }
0xf7: {  	v18 =	vshll.u32 v18, $0x2;
	v19 =	vshll.u32 v19, $0x2  }
0xf8: {  	v20 =	vor.u32 $0x2, v19;
	_ =	sdelay $0x3  }
0xf9: {  	v51 =	vld.idx.msk [tilespmem:v18+s11+$0x0], $0xffff  }
0xfa: {  	v20 =	vld.idx.msk [tilespmem:v20+s11+$0x0], $0xffff;
	_ =	sdelay $0x4  }
0xfb: {  	v20 =	vadd.f32 v20, v51;
	_ =	sdelay $0x1  }
0xfc: {  	v21 =	vmul.f32 $2.000000030e-01, v20;
	_ =	sdelay $0x1  }
0xfd: {  	v20 =	vmax.f32 v20, v21  }
0xfe: {  	v20 =	vmul.f32 $1.442695020e+00, v20;
	_ =	sdelay $0x1  }
0xff: {  	(erf) = vpow2.f32 v20;
	_ =	sdelay $0x5  }
0x100: {  	v18 =	vor.u32 $0x1, v18  }
0x101: {  	v19 =	vor.u32 $0x3, v19;
	_ =	sdelay $0x1  }
0x102: {  	v20 =	vpop (erf)  }
0x103: {  	[tilespmem:v8+s24+$0x0] =	vst.idx.msk $0xffff, v20  }
0x104: {  	v18 =	vld.idx.msk [tilespmem:v18+s11+$0x0], $0xffff  }
0x105: {  	v19 =	vld.idx.msk [tilespmem:v19+s11+$0x0], $0xffff;
	_ =	sdelay $0x4  }
0x106: {  	v18 =	vadd.f32 v19, v18;
	_ =	sdelay $0x1  }
0x107: {  	v19 =	vmul.f32 $2.000000030e-01, v18;
	_ =	sdelay $0x1  }
0x108: {  	v18 =	vmax.f32 v18, v19  }
0x109: {  	v18 =	vmul.f32 $1.442695020e+00, v18;
	_ =	sdelay $0x1  }
0x10a: {  	(erf) = vpow2.f32 v18;
	_ =	sdelay $0x8  }
0x10b: {  	v18 =	vpop (erf)  }
0x10c: {  	[tilespmem:v9+s24+$0x0] =	vst.idx.msk $0xffff, v18  }
0x10d: {  	v18 =	vld [tilespmem:$0x10040]  }
0x10e: {  	v19 =	vld [tilespmem:$0x10140];
	_ =	sdelay $0x4  }
0x10f: {  	v18 =	vshll.u32 v18, $0x2;
	v19 =	vshll.u32 v19, $0x2  }
0x110: {  	v20 =	vor.u32 $0x2, v19;
	_ =	sdelay $0x3  }
0x111: {  	v52 =	vld.idx.msk [tilespmem:v18+s11+$0x0], $0xffff  }
0x112: {  	v20 =	vld.idx.msk [tilespmem:v20+s11+$0x0], $0xffff;
	_ =	sdelay $0x4  }
0x113: {  	v20 =	vadd.f32 v20, v52;
	_ =	sdelay $0x1  }
0x114: {  	v21 =	vmul.f32 $2.000000030e-01, v20;
	_ =	sdelay $0x1  }
0x115: {  	v20 =	vmax.f32 v20, v21  }
0x116: {  	v20 =	vmul.f32 $1.442695020e+00, v20;
	_ =	sdelay $0x1  }
0x117: {  	(erf) = vpow2.f32 v20;
	_ =	sdelay $0x5  }
0x118: {  	v18 =	vor.u32 $0x1, v18  }
0x119: {  	v19 =	vor.u32 $0x3, v19;
	_ =	sdelay $0x1  }
0x11a: {  	v20 =	vpop (erf)  }
0x11b: {  	[tilespmem:v10+s24+$0x0] =	vst.idx.msk $0xffff, v20  }
0x11c: {  	v18 =	vld.idx.msk [tilespmem:v18+s11+$0x0], $0xffff  }
0x11d: {  	v19 =	vld.idx.msk [tilespmem:v19+s11+$0x0], $0xffff;
	_ =	sdelay $0x4  }
0x11e: {  	v18 =	vadd.f32 v19, v18;
	_ =	sdelay $0x1  }
0x11f: {  	v19 =	vmul.f32 $2.000000030e-01, v18;
	_ =	sdelay $0x1  }
0x120: {  	v18 =	vmax.f32 v18, v19  }
0x121: {  	v18 =	vmul.f32 $1.442695020e+00, v18;
	_ =	sdelay $0x1  }
0x122: {  	(erf) = vpow2.f32 v18;
	_ =	sdelay $0x8  }
0x123: {  	v18 =	vpop (erf)  }
0x124: {  	[tilespmem:v11+s24+$0x0] =	vst.idx.msk $0xffff, v18  }
0x125: {  	v18 =	vld [tilespmem:$0x10050]  }
0x126: {  	v19 =	vld [tilespmem:$0x10150];
	_ =	sdelay $0x4  }
0x127: {  	v18 =	vshll.u32 v18, $0x2;
	v19 =	vshll.u32 v19, $0x2  }
0x128: {  	v20 =	vor.u32 $0x2, v19;
	_ =	sdelay $0x3  }
0x129: {  	v53 =	vld.idx.msk [tilespmem:v18+s11+$0x0], $0xffff  }
0x12a: {  	v20 =	vld.idx.msk [tilespmem:v20+s11+$0x0], $0xffff;
	_ =	sdelay $0x4  }
0x12b: {  	v20 =	vadd.f32 v20, v53;
	_ =	sdelay $0x1  }
0x12c: {  	v21 =	vmul.f32 $2.000000030e-01, v20;
	_ =	sdelay $0x1  }
0x12d: {  	v20 =	vmax.f32 v20, v21  }
0x12e: {  	v20 =	vmul.f32 $1.442695020e+00, v20;
	_ =	sdelay $0x1  }
0x12f: {  	(erf) = vpow2.f32 v20;
	_ =	sdelay $0x5  }
0x130: {  	v18 =	vor.u32 $0x1, v18  }
0x131: {  	v19 =	vor.u32 $0x3, v19;
	_ =	sdelay $0x1  }
0x132: {  	v20 =	vpop (erf)  }
0x133: {  	[tilespmem:v12+s24+$0x0] =	vst.idx.msk $0xffff, v20  }
0x134: {  	v18 =	vld.idx.msk [tilespmem:v18+s11+$0x0], $0xffff  }
0x135: {  	v19 =	vld.idx.msk [tilespmem:v19+s11+$0x0], $0xffff;
	_ =	sdelay $0x4  }
0x136: {  	v18 =	vadd.f32 v19, v18;
	_ =	sdelay $0x1  }
0x137: {  	v19 =	vmul.f32 $2.000000030e-01, v18;
	_ =	sdelay $0x1  }
0x138: {  	v18 =	vmax.f32 v18, v19  }
0x139: {  	v18 =	vmul.f32 $1.442695020e+00, v18;
	_ =	sdelay $0x1  }
0x13a: {  	(erf) = vpow2.f32 v18;
	_ =	sdelay $0x8  }
0x13b: {  	v18 =	vpop (erf)  }
0x13c: {  	[tilespmem:v13+s24+$0x0] =	vst.idx.msk $0xffff, v18  }
0x13d: {  	v18 =	vld [tilespmem:$0x10060]  }
0x13e: {  	v19 =	vld [tilespmem:$0x10160];
	_ =	sdelay $0x4  }
0x13f: {  	v18 =	vshll.u32 v18, $0x2;
	v19 =	vshll.u32 v19, $0x2  }
0x140: {  	v20 =	vor.u32 $0x2, v19;
	_ =	sdelay $0x3  }
0x141: {  	v54 =	vld.idx.msk [tilespmem:v18+s11+$0x0], $0xffff  }
0x142: {  	v20 =	vld.idx.msk [tilespmem:v20+s11+$0x0], $0xffff;
	_ =	sdelay $0x4  }
0x143: {  	v20 =	vadd.f32 v20, v54;
	_ =	sdelay $0x1  }
0x144: {  	v21 =	vmul.f32 $2.000000030e-01, v20;
	_ =	sdelay $0x1  }
0x145: {  	v20 =	vmax.f32 v20, v21  }
0x146: {  	v20 =	vmul.f32 $1.442695020e+00, v20;
	_ =	sdelay $0x1  }
0x147: {  	(erf) = vpow2.f32 v20;
	_ =	sdelay $0x5  }
0x148: {  	v18 =	vor.u32 $0x1, v18  }
0x149: {  	v19 =	vor.u32 $0x3, v19;
	_ =	sdelay $0x1  }
0x14a: {  	v20 =	vpop (erf)  }
0x14b: {  	[tilespmem:v14+s24+$0x0] =	vst.idx.msk $0xffff, v20  }
0x14c: {  	v18 =	vld.idx.msk [tilespmem:v18+s11+$0x0], $0xffff  }
0x14d: {  	v19 =	vld.idx.msk [tilespmem:v19+s11+$0x0], $0xffff;
	_ =	sdelay $0x4  }
0x14e: {  	v18 =	vadd.f32 v19, v18;
	_ =	sdelay $0x1  }
0x14f: {  	v19 =	vmul.f32 $2.000000030e-01, v18;
	_ =	sdelay $0x1  }
0x150: {  	v18 =	vmax.f32 v18, v19  }
0x151: {  	v18 =	vmul.f32 $1.442695020e+00, v18;
	_ =	sdelay $0x1  }
0x152: {  	(erf) = vpow2.f32 v18;
	_ =	sdelay $0x8  }
0x153: {  	v18 =	vpop (erf)  }
0x154: {  	[tilespmem:v15+s24+$0x0] =	vst.idx.msk $0xffff, v18  }
0x155: {  	v18 =	vld [tilespmem:$0x10070]  }
0x156: {  	v19 =	vld [tilespmem:$0x10170];
	_ =	sdelay $0x4  }
0x157: {  	v18 =	vshll.u32 v18, $0x2;
	v19 =	vshll.u32 v19, $0x2  }
0x158: {  	v20 =	vor.u32 $0x2, v19;
	_ =	sdelay $0x3  }
0x159: {  	v55 =	vld.idx.msk [tilespmem:v18+s11+$0x0], $0xffff  }
0x15a: {  	v20 =	vld.idx.msk [tilespmem:v20+s11+$0x0], $0xffff;
	_ =	sdelay $0x4  }
0x15b: {  	v20 =	vadd.f32 v20, v55;
	_ =	sdelay $0x1  }
0x15c: {  	v21 =	vmul.f32 $2.000000030e-01, v20;
	_ =	sdelay $0x1  }
0x15d: {  	v20 =	vmax.f32 v20, v21  }
0x15e: {  	v20 =	vmul.f32 $1.442695020e+00, v20;
	_ =	sdelay $0x1  }
0x15f: {  	(erf) = vpow2.f32 v20;
	_ =	sdelay $0x5  }
0x160: {  	v18 =	vor.u32 $0x1, v18  }
0x161: {  	v19 =	vor.u32 $0x3, v19;
	_ =	sdelay $0x1  }
0x162: {  	v20 =	vpop (erf)  }
0x163: {  	[tilespmem:v16+s24+$0x0] =	vst.idx.msk $0xffff, v20  }
0x164: {  	v18 =	vld.idx.msk [tilespmem:v18+s11+$0x0], $0xffff  }
0x165: {  	v19 =	vld.idx.msk [tilespmem:v19+s11+$0x0], $0xffff;
	_ =	sdelay $0x4  }
0x166: {  	v18 =	vadd.f32 v19, v18;
	_ =	sdelay $0x1  }
0x167: {  	v19 =	vmul.f32 $2.000000030e-01, v18;
	_ =	sdelay $0x1  }
0x168: {  	v18 =	vmax.f32 v18, v19  }
0x169: {  	v18 =	vmul.f32 $1.442695020e+00, v18;
	_ =	sdelay $0x1  }
0x16a: {  	(erf) = vpow2.f32 v18;
	_ =	sdelay $0x8  }
0x16b: {  	v18 =	vpop (erf)  }
0x16c: {  	[tilespmem:v17+s24+$0x0] =	vst.idx.msk $0xffff, v18  }
0x16d: {  	v18 =	vld [tilespmem:$0x10080]  }
0x16e: {  	v19 =	vld [tilespmem:$0x10200];
	_ =	sdelay $0x4  }
0x16f: {  	v18 =	vshll.u32 v18, $0x2;
	v19 =	vshll.u32 v19, $0x2  }
0x170: {  	v20 =	vor.u32 $0x2, v19;
	_ =	sdelay $0x3  }
0x171: {  	v56 =	vld.idx.msk [tilespmem:v18+s11+$0x0], $0xffff  }
0x172: {  	v20 =	vld.idx.msk [tilespmem:v20+s11+$0x0], $0xffff;
	_ =	sdelay $0x4  }
0x173: {  	v20 =	vadd.f32 v20, v56;
	_ =	sdelay $0x1  }
0x174: {  	v21 =	vmul.f32 $2.000000030e-01, v20;
	_ =	sdelay $0x1  }
0x175: {  	v20 =	vmax.f32 v20, v21  }
0x176: {  	v20 =	vmul.f32 $1.442695020e+00, v20;
	_ =	sdelay $0x1  }
0x177: {  	(erf) = vpow2.f32 v20;
	_ =	sdelay $0x5  }
0x178: {  	v18 =	vor.u32 $0x1, v18  }
0x179: {  	v19 =	vor.u32 $0x3, v19;
	_ =	sdelay $0x1  }
0x17a: {  	v20 =	vpop (erf)  }
0x17b: {  	[tilespmem:v0+s25+$0x0] =	vst.idx.msk $0xffff, v20  }
0x17c: {  	v18 =	vld.idx.msk [tilespmem:v18+s11+$0x0], $0xffff  }
0x17d: {  	v19 =	vld.idx.msk [tilespmem:v19+s11+$0x0], $0xffff;
	_ =	sdelay $0x4  }
0x17e: {  	v18 =	vadd.f32 v19, v18;
	_ =	sdelay $0x1  }
0x17f: {  	v19 =	vmul.f32 $2.000000030e-01, v18;
	_ =	sdelay $0x1  }
0x180: {  	v18 =	vmax.f32 v18, v19  }
0x181: {  	v18 =	vmul.f32 $1.442695020e+00, v18;
	_ =	sdelay $0x1  }
0x182: {  	(erf) = vpow2.f32 v18;
	_ =	sdelay $0x8  }
0x183: {  	v18 =	vpop (erf)  }
0x184: {  	[tilespmem:v3+s25+$0x0] =	vst.idx.msk $0xffff, v18  }
0x185: {  	v18 =	vld [tilespmem:$0x10090]  }
0x186: {  	v19 =	vld [tilespmem:$0x10210];
	_ =	sdelay $0x4  }
0x187: {  	v18 =	vshll.u32 v18, $0x2;
	v19 =	vshll.u32 v19, $0x2  }
0x188: {  	v20 =	vor.u32 $0x2, v19;
	_ =	sdelay $0x3  }
0x189: {  	v57 =	vld.idx.msk [tilespmem:v18+s11+$0x0], $0xffff  }
0x18a: {  	v20 =	vld.idx.msk [tilespmem:v20+s11+$0x0], $0xffff;
	_ =	sdelay $0x4  }
0x18b: {  	v20 =	vadd.f32 v20, v57;
	_ =	sdelay $0x1  }
0x18c: {  	v21 =	vmul.f32 $2.000000030e-01, v20;
	_ =	sdelay $0x1  }
0x18d: {  	v20 =	vmax.f32 v20, v21  }
0x18e: {  	v20 =	vmul.f32 $1.442695020e+00, v20;
	_ =	sdelay $0x1  }
0x18f: {  	(erf) = vpow2.f32 v20;
	_ =	sdelay $0x5  }
0x190: {  	v18 =	vor.u32 $0x1, v18  }
0x191: {  	v19 =	vor.u32 $0x3, v19;
	_ =	sdelay $0x1  }
0x192: {  	v20 =	vpop (erf)  }
0x193: {  	[tilespmem:v4+s25+$0x0] =	vst.idx.msk $0xffff, v20  }
0x194: {  	v18 =	vld.idx.msk [tilespmem:v18+s11+$0x0], $0xffff  }
0x195: {  	v19 =	vld.idx.msk [tilespmem:v19+s11+$0x0], $0xffff;
	_ =	sdelay $0x4  }
0x196: {  	v18 =	vadd.f32 v19, v18;
	_ =	sdelay $0x1  }
0x197: {  	v19 =	vmul.f32 $2.000000030e-01, v18;
	_ =	sdelay $0x1  }
0x198: {  	v18 =	vmax.f32 v18, v19  }
0x199: {  	v18 =	vmul.f32 $1.442695020e+00, v18;
	_ =	sdelay $0x1  }
0x19a: {  	(erf) = vpow2.f32 v18;
	_ =	sdelay $0x8  }
0x19b: {  	v18 =	vpop (erf)  }
0x19c: {  	[tilespmem:v5+s25+$0x0] =	vst.idx.msk $0xffff, v18  }
0x19d: {  	v18 =	vld [tilespmem:$0x100A0]  }
0x19e: {  	v19 =	vld [tilespmem:$0x10220];
	_ =	sdelay $0x4  }
0x19f: {  	v18 =	vshll.u32 v18, $0x2;
	v19 =	vshll.u32 v19, $0x2  }
0x1a0: {  	v20 =	vor.u32 $0x2, v19;
	_ =	sdelay $0x3  }
0x1a1: {  	v58 =	vld.idx.msk [tilespmem:v18+s11+$0x0], $0xffff  }
0x1a2: {  	v20 =	vld.idx.msk [tilespmem:v20+s11+$0x0], $0xffff;
	_ =	sdelay $0x4  }
0x1a3: {  	v20 =	vadd.f32 v20, v58;
	_ =	sdelay $0x1  }
0x1a4: {  	v21 =	vmul.f32 $2.000000030e-01, v20;
	_ =	sdelay $0x1  }
0x1a5: {  	v20 =	vmax.f32 v20, v21  }
0x1a6: {  	v20 =	vmul.f32 $1.442695020e+00, v20;
	_ =	sdelay $0x1  }
0x1a7: {  	(erf) = vpow2.f32 v20;
	_ =	sdelay $0x5  }
0x1a8: {  	v18 =	vor.u32 $0x1, v18  }
0x1a9: {  	v19 =	vor.u32 $0x3, v19;
	_ =	sdelay $0x1  }
0x1aa: {  	v20 =	vpop (erf)  }
0x1ab: {  	[tilespmem:v6+s25+$0x0] =	vst.idx.msk $0xffff, v20  }
0x1ac: {  	v18 =	vld.idx.msk [tilespmem:v18+s11+$0x0], $0xffff  }
0x1ad: {  	v19 =	vld.idx.msk [tilespmem:v19+s11+$0x0], $0xffff;
	_ =	sdelay $0x4  }
0x1ae: {  	v18 =	vadd.f32 v19, v18;
	_ =	sdelay $0x1  }
0x1af: {  	v19 =	vmul.f32 $2.000000030e-01, v18;
	_ =	sdelay $0x1  }
0x1b0: {  	v18 =	vmax.f32 v18, v19  }
0x1b1: {  	v18 =	vmul.f32 $1.442695020e+00, v18;
	_ =	sdelay $0x1  }
0x1b2: {  	(erf) = vpow2.f32 v18;
	_ =	sdelay $0x8  }
0x1b3: {  	v18 =	vpop (erf)  }
0x1b4: {  	[tilespmem:v7+s25+$0x0] =	vst.idx.msk $0xffff, v18  }
0x1b5: {  	v18 =	vld [tilespmem:$0x100B0]  }
0x1b6: {  	v19 =	vld [tilespmem:$0x10230];
	_ =	sdelay $0x4  }
0x1b7: {  	v18 =	vshll.u32 v18, $0x2;
	v19 =	vshll.u32 v19, $0x2  }
0x1b8: {  	v20 =	vor.u32 $0x2, v19;
	_ =	sdelay $0x3  }
0x1b9: {  	v59 =	vld.idx.msk [tilespmem:v18+s11+$0x0], $0xffff  }
0x1ba: {  	v20 =	vld.idx.msk [tilespmem:v20+s11+$0x0], $0xffff;
	_ =	sdelay $0x4  }
0x1bb: {  	v20 =	vadd.f32 v20, v59;
	_ =	sdelay $0x1  }
0x1bc: {  	v21 =	vmul.f32 $2.000000030e-01, v20;
	_ =	sdelay $0x1  }
0x1bd: {  	v20 =	vmax.f32 v20, v21  }
0x1be: {  	v20 =	vmul.f32 $1.442695020e+00, v20;
	_ =	sdelay $0x1  }
0x1bf: {  	(erf) = vpow2.f32 v20;
	_ =	sdelay $0x5  }
0x1c0: {  	v18 =	vor.u32 $0x1, v18  }
0x1c1: {  	v19 =	vor.u32 $0x3, v19;
	_ =	sdelay $0x1  }
0x1c2: {  	v20 =	vpop (erf)  }
0x1c3: {  	[tilespmem:v8+s25+$0x0] =	vst.idx.msk $0xffff, v20  }
0x1c4: {  	v18 =	vld.idx.msk [tilespmem:v18+s11+$0x0], $0xffff  }
0x1c5: {  	v19 =	vld.idx.msk [tilespmem:v19+s11+$0x0], $0xffff;
	_ =	sdelay $0x4  }
0x1c6: {  	v18 =	vadd.f32 v19, v18;
	_ =	sdelay $0x1  }
0x1c7: {  	v19 =	vmul.f32 $2.000000030e-01, v18;
	_ =	sdelay $0x1  }
0x1c8: {  	v18 =	vmax.f32 v18, v19  }
0x1c9: {  	v18 =	vmul.f32 $1.442695020e+00, v18;
	_ =	sdelay $0x1  }
0x1ca: {  	(erf) = vpow2.f32 v18;
	_ =	sdelay $0x8  }
0x1cb: {  	v18 =	vpop (erf)  }
0x1cc: {  	[tilespmem:v9+s25+$0x0] =	vst.idx.msk $0xffff, v18  }
0x1cd: {  	v18 =	vld [tilespmem:$0x100C0]  }
0x1ce: {  	v19 =	vld [tilespmem:$0x10240];
	_ =	sdelay $0x4  }
0x1cf: {  	v18 =	vshll.u32 v18, $0x2;
	v19 =	vshll.u32 v19, $0x2  }
0x1d0: {  	v20 =	vor.u32 $0x2, v19;
	_ =	sdelay $0x3  }
0x1d1: {  	v60 =	vld.idx.msk [tilespmem:v18+s11+$0x0], $0xffff  }
0x1d2: {  	v20 =	vld.idx.msk [tilespmem:v20+s11+$0x0], $0xffff;
	_ =	sdelay $0x4  }
0x1d3: {  	v20 =	vadd.f32 v20, v60;
	_ =	sdelay $0x1  }
0x1d4: {  	v21 =	vmul.f32 $2.000000030e-01, v20;
	_ =	sdelay $0x1  }
0x1d5: {  	v20 =	vmax.f32 v20, v21  }
0x1d6: {  	v20 =	vmul.f32 $1.442695020e+00, v20;
	_ =	sdelay $0x1  }
0x1d7: {  	(erf) = vpow2.f32 v20;
	_ =	sdelay $0x5  }
0x1d8: {  	v18 =	vor.u32 $0x1, v18  }
0x1d9: {  	v19 =	vor.u32 $0x3, v19;
	_ =	sdelay $0x1  }
0x1da: {  	v20 =	vpop (erf)  }
0x1db: {  	[tilespmem:v10+s25+$0x0] =	vst.idx.msk $0xffff, v20  }
0x1dc: {  	v18 =	vld.idx.msk [tilespmem:v18+s11+$0x0], $0xffff  }
0x1dd: {  	v19 =	vld.idx.msk [tilespmem:v19+s11+$0x0], $0xffff;
	_ =	sdelay $0x4  }
0x1de: {  	v18 =	vadd.f32 v19, v18;
	_ =	sdelay $0x1  }
0x1df: {  	v19 =	vmul.f32 $2.000000030e-01, v18;
	_ =	sdelay $0x1  }
0x1e0: {  	v18 =	vmax.f32 v18, v19  }
0x1e1: {  	v18 =	vmul.f32 $1.442695020e+00, v18;
	_ =	sdelay $0x1  }
0x1e2: {  	(erf) = vpow2.f32 v18;
	_ =	sdelay $0x8  }
0x1e3: {  	v18 =	vpop (erf)  }
0x1e4: {  	[tilespmem:v11+s25+$0x0] =	vst.idx.msk $0xffff, v18  }
0x1e5: {  	v18 =	vld [tilespmem:$0x100D0]  }
0x1e6: {  	v19 =	vld [tilespmem:$0x10250];
	_ =	sdelay $0x4  }
0x1e7: {  	v18 =	vshll.u32 v18, $0x2;
	v19 =	vshll.u32 v19, $0x2  }
0x1e8: {  	v20 =	vor.u32 $0x2, v19;
	_ =	sdelay $0x3  }
0x1e9: {  	v61 =	vld.idx.msk [tilespmem:v18+s11+$0x0], $0xffff  }
0x1ea: {  	v20 =	vld.idx.msk [tilespmem:v20+s11+$0x0], $0xffff;
	_ =	sdelay $0x4  }
0x1eb: {  	v20 =	vadd.f32 v20, v61;
	_ =	sdelay $0x1  }
0x1ec: {  	v21 =	vmul.f32 $2.000000030e-01, v20;
	_ =	sdelay $0x1  }
0x1ed: {  	v20 =	vmax.f32 v20, v21  }
0x1ee: {  	v20 =	vmul.f32 $1.442695020e+00, v20;
	_ =	sdelay $0x1  }
0x1ef: {  	(erf) = vpow2.f32 v20;
	_ =	sdelay $0x5  }
0x1f0: {  	v18 =	vor.u32 $0x1, v18  }
0x1f1: {  	v19 =	vor.u32 $0x3, v19;
	_ =	sdelay $0x1  }
0x1f2: {  	v20 =	vpop (erf)  }
0x1f3: {  	[tilespmem:v12+s25+$0x0] =	vst.idx.msk $0xffff, v20  }
0x1f4: {  	v18 =	vld.idx.msk [tilespmem:v18+s11+$0x0], $0xffff  }
0x1f5: {  	v19 =	vld.idx.msk [tilespmem:v19+s11+$0x0], $0xffff;
	_ =	sdelay $0x4  }
0x1f6: {  	v18 =	vadd.f32 v19, v18;
	_ =	sdelay $0x1  }
0x1f7: {  	v19 =	vmul.f32 $2.000000030e-01, v18;
	_ =	sdelay $0x1  }
0x1f8: {  	v18 =	vmax.f32 v18, v19  }
0x1f9: {  	v18 =	vmul.f32 $1.442695020e+00, v18;
	_ =	sdelay $0x1  }
0x1fa: {  	(erf) = vpow2.f32 v18;
	_ =	sdelay $0x8  }
0x1fb: {  	v18 =	vpop (erf)  }
0x1fc: {  	[tilespmem:v13+s25+$0x0] =	vst.idx.msk $0xffff, v18  }
0x1fd: {  	v18 =	vld [tilespmem:$0x100E0]  }
0x1fe: {  	v19 =	vld [tilespmem:$0x10260];
	_ =	sdelay $0x4  }
0x1ff: {  	v18 =	vshll.u32 v18, $0x2;
	v19 =	vshll.u32 v19, $0x2  }
0x200: {  	v20 =	vor.u32 $0x2, v19;
	_ =	sdelay $0x3  }
0x201: {  	v62 =	vld.idx.msk [tilespmem:v18+s11+$0x0], $0xffff  }
0x202: {  	v20 =	vld.idx.msk [tilespmem:v20+s11+$0x0], $0xffff;
	_ =	sdelay $0x4  }
0x203: {  	v20 =	vadd.f32 v20, v62;
	_ =	sdelay $0x1  }
0x204: {  	v21 =	vmul.f32 $2.000000030e-01, v20;
	_ =	sdelay $0x1  }
0x205: {  	v20 =	vmax.f32 v20, v21  }
0x206: {  	v20 =	vmul.f32 $1.442695020e+00, v20;
	_ =	sdelay $0x1  }
0x207: {  	(erf) = vpow2.f32 v20;
	_ =	sdelay $0x5  }
0x208: {  	v18 =	vor.u32 $0x1, v18  }
0x209: {  	v19 =	vor.u32 $0x3, v19;
	_ =	sdelay $0x1  }
0x20a: {  	v20 =	vpop (erf)  }
0x20b: {  	[tilespmem:v14+s25+$0x0] =	vst.idx.msk $0xffff, v20  }
0x20c: {  	v18 =	vld.idx.msk [tilespmem:v18+s11+$0x0], $0xffff  }
0x20d: {  	v19 =	vld.idx.msk [tilespmem:v19+s11+$0x0], $0xffff;
	_ =	sdelay $0x4  }
0x20e: {  	v18 =	vadd.f32 v19, v18;
	_ =	sdelay $0x1  }
0x20f: {  	v19 =	vmul.f32 $2.000000030e-01, v18;
	_ =	sdelay $0x1  }
0x210: {  	v18 =	vmax.f32 v18, v19  }
0x211: {  	v18 =	vmul.f32 $1.442695020e+00, v18;
	_ =	sdelay $0x1  }
0x212: {  	(erf) = vpow2.f32 v18;
	_ =	sdelay $0x8  }
0x213: {  	v18 =	vpop (erf)  }
0x214: {  	[tilespmem:v15+s25+$0x0] =	vst.idx.msk $0xffff, v18  }
0x215: {  	v18 =	vld [tilespmem:$0x100F0]  }
0x216: {  	v19 =	vld [tilespmem:$0x10270];
	_ =	sdelay $0x4  }
0x217: {  	v18 =	vshll.u32 v18, $0x2;
	v19 =	vshll.u32 v19, $0x2  }
0x218: {  	v20 =	vor.u32 $0x2, v19;
	_ =	sdelay $0x3  }
0x219: {  	v63 =	vld.idx.msk [tilespmem:v18+s11+$0x0], $0xffff  }
0x21a: {  	v20 =	vld.idx.msk [tilespmem:v20+s11+$0x0], $0xffff;
	_ =	sdelay $0x4  }
0x21b: {  	v20 =	vadd.f32 v20, v63;
	_ =	sdelay $0x1  }
0x21c: {  	v21 =	vmul.f32 $2.000000030e-01, v20;
	_ =	sdelay $0x1  }
0x21d: {  	v20 =	vmax.f32 v20, v21  }
0x21e: {  	v20 =	vmul.f32 $1.442695020e+00, v20;
	_ =	sdelay $0x1  }
0x21f: {  	(erf) = vpow2.f32 v20;
	_ =	sdelay $0x5  }
0x220: {  	v18 =	vor.u32 $0x1, v18  }
0x221: {  	v19 =	vor.u32 $0x3, v19;
	_ =	sdelay $0x1  }
0x222: {  	v20 =	vpop (erf)  }
0x223: {  	[tilespmem:v16+s25+$0x0] =	vst.idx.msk $0xffff, v20  }
0x224: {  	v18 =	vld.idx.msk [tilespmem:v18+s11+$0x0], $0xffff  }
0x225: {  	v19 =	vld.idx.msk [tilespmem:v19+s11+$0x0], $0xffff;
	_ =	sdelay $0x4  }
0x226: {  	v18 =	vadd.f32 v19, v18;
	_ =	sdelay $0x1  }
0x227: {  	v19 =	vmul.f32 $2.000000030e-01, v18;
	_ =	sdelay $0x1  }
0x228: {  	v18 =	vmax.f32 v18, v19  }
0x229: {  	v18 =	vmul.f32 $1.442695020e+00, v18;
	_ =	sdelay $0x1  }
0x22a: {  	(erf) = vpow2.f32 v18;
	_ =	sdelay $0x8  }
0x22b: {  	v18 =	vpop (erf)  }
0x22c: {  	[tilespmem:v17+s25+$0x0] =	vst.idx.msk $0xffff, v18  }
0x22d: {  	_ =	swait.ge [sflag:s26], $0x2800  }
0x22e: {  	[sflag:s26] =	ssyncset.done $0x0  }
0x22f: {  	s7 =	simm.s32 $0xA020;
	[sflag:s26] =	ssyncadd.s32 $0xFFFFD800  }
0x230: {  	v18 =	vld [tilespmem:s7+$0xFFFFFFF0]  }
0x231: {  	s10 =	simm.s32 $0x40;
	s9 =	simm.s32 $0xA020;
	s11 =	simm.s32 $0x0;
	v19 =	vld [tilespmem:s7+$0x20]  }
.LBB2_6:
0x232: {  	p0 =	sne.s32 s10, $0x1FC0;
	v20 =	vld [tilespmem:s11+$0xF000]  }
0x233: {  	v21 =	vld [tilespmem:s7+$0x10]  }
0x234: {  	v22 =	vld [tilespmem:s7+$0xFFFFFFE0]  }
0x235: {  	v23 =	vld [tilespmem:s7+$0x0];
	_ =	sdelay $0x1  }
0x236: {  	v24 =	vbroadcast v20, $0x0;
	v25 =	vbroadcast v20, $0x1  }
0x237: {  	v19 =	vmul.f32 v19, v20  }
0x238: {  	v20 =	vmul.f32 v24, v22;
	v18 =	vmul.f32 v18, v24  }
.Ltmp1:
0x239: {  	v21 =	vmul.f32 v21, v25;
	v22 =	vmul.f32 v23, v25;
	[tilespmem:s7+$0x20] =	vst v19;
	(pc) =	sbr.rel @p0 .LBB2_6-.Ltmp1, $4  }
0x23a: {  	[tilespmem:s7+$0xFFFFFFE0] =	vst v20  }
0x23b: {  	s7 =	sadd.s32 $0x50, s7;
	[tilespmem:s9+$0xFFFFFFF0] =	vst v18  }
0x23c: {  	v18 =	vld [tilespmem:s7+$0xFFFFFFF0];
	[tilespmem:s9+$0x0] =	vst v22  }
0x23d: {  	s11 =	sshra.s32 s10, $0x2;
	s10 =	sadd.s32 $0x40, s10;
	v19 =	vld [tilespmem:s7+$0x20];
	[tilespmem:s9+$0x10] =	vst v21;
	s9 =	smov.u32 s7  }
0x23e: {  	v20 =	vld [tilespmem:s11+$0xF000];
	_ =	sdelay $0x1  }
0x23f: {  	v21 =	vld [tilespmem:s7+$0xFFFFFFE0];
	_ =	sdelay $0x1  }
0x240: {  	v22 =	vld [tilespmem:s7+$0x0]  }
0x241: {  	v23 =	vld [tilespmem:s7+$0x10];
	v24 =	vbroadcast v20, $0x0  }
0x242: {  	v19 =	vmul.f32 v19, v20  }
0x243: {  	v20 =	vbroadcast v20, $0x1;
	v21 =	vmul.f32 v24, v21  }
0x244: {  	v18 =	vmul.f32 v18, v24;
	[tilespmem:s7+$0x20] =	vst v19  }
0x245: {  	v19 =	vmul.f32 v22, v20;
	[tilespmem:s7+$0xFFFFFFE0] =	vst v21  }
0x246: {  	v20 =	vmul.f32 v23, v20;
	[tilespmem:s9+$0xFFFFFFF0] =	vst v18  }
0x247: {  	[tilespmem:s9+$0x0] =	vst v19  }
0x248: {  	[tilespmem:s9+$0x10] =	vst v20  }
0x249: {  	[spmem:s3] =	stream.indirect.scatter.add.f32 [tilespmem:s17], [sflag:$0x3], $0x50, s28, s20, $0xb8;
	[tilespmem:$0x1E700] =	vst v63  }
0x24a: {  	_ =	swait.ge [sflag:s16], $0x2800  }
0x24b: {  	[sflag:s16] =	ssyncset.done $0x0  }
0x24c: {  	[sflag:s16] =	ssyncadd.s32 $0xFFFFD800  }
0x24d: {  	_ =	swait.ge [sflag:s29], $0x2800  }
0x24e: {  	[sflag:s29] =	ssyncset.done $0x0  }
0x24f: {  	s7 =	simm.s32 $0xC820;
	[sflag:s29] =	ssyncadd.s32 $0xFFFFD800  }
0x250: {  	v18 =	vld [tilespmem:s7+$0xFFFFFFF0]  }
0x251: {  	s11 =	simm.s32 $0x0;
	s10 =	simm.s32 $0x40;
	s9 =	simm.s32 $0xC820;
	v19 =	vld [tilespmem:s7+$0x20]  }
.LBB2_8:
0x252: {  	p0 =	sne.s32 s10, $0x1FC0;
	v20 =	vld [tilespmem:s11+$0xF800]  }
0x253: {  	v21 =	vld [tilespmem:s7+$0x10]  }
0x254: {  	v22 =	vld [tilespmem:s7+$0xFFFFFFE0]  }
0x255: {  	v23 =	vld [tilespmem:s7+$0x0];
	_ =	sdelay $0x1  }
0x256: {  	v24 =	vbroadcast v20, $0x0;
	v25 =	vbroadcast v20, $0x1  }
0x257: {  	v19 =	vmul.f32 v19, v20  }
0x258: {  	v20 =	vmul.f32 v24, v22;
	v18 =	vmul.f32 v18, v24  }
.Ltmp2:
0x259: {  	v21 =	vmul.f32 v21, v25;
	v22 =	vmul.f32 v23, v25;
	[tilespmem:s7+$0x20] =	vst v19;
	(pc) =	sbr.rel @p0 .LBB2_8-.Ltmp2, $4  }
0x25a: {  	[tilespmem:s7+$0xFFFFFFE0] =	vst v20  }
0x25b: {  	s7 =	sadd.s32 $0x50, s7;
	[tilespmem:s9+$0xFFFFFFF0] =	vst v18  }
0x25c: {  	v18 =	vld [tilespmem:s7+$0xFFFFFFF0];
	[tilespmem:s9+$0x0] =	vst v22  }
0x25d: {  	s11 =	sshra.s32 s10, $0x2;
	s10 =	sadd.s32 $0x40, s10;
	v19 =	vld [tilespmem:s7+$0x20];
	[tilespmem:s9+$0x10] =	vst v21;
	s9 =	smov.u32 s7  }
0x25e: {  	v20 =	vld [tilespmem:s11+$0xF800];
	_ =	sdelay $0x1  }
0x25f: {  	v21 =	vld [tilespmem:s7+$0xFFFFFFE0];
	_ =	sdelay $0x1  }
0x260: {  	v22 =	vld [tilespmem:s7+$0x0]  }
0x261: {  	v23 =	vld [tilespmem:s7+$0x10];
	v24 =	vbroadcast v20, $0x0  }
0x262: {  	v19 =	vmul.f32 v19, v20  }
0x263: {  	v20 =	vbroadcast v20, $0x1;
	v21 =	vmul.f32 v24, v21  }
0x264: {  	v18 =	vmul.f32 v18, v24;
	[tilespmem:s7+$0x20] =	vst v19  }
0x265: {  	v19 =	vmul.f32 v22, v20;
	[tilespmem:s7+$0xFFFFFFE0] =	vst v21  }
0x266: {  	s2 =	sadd.s32 $0x1, s2;
	v20 =	vmul.f32 v23, v20;
	[tilespmem:s9+$0xFFFFFFF0] =	vst v18  }
0x267: {  	p0 =	sne.s32 s2, $0xE;
	[tilespmem:s9+$0x0] =	vst v19  }
.Ltmp3:
0x268: {  	[tilespmem:s9+$0x10] =	vst v20;
	(pc) =	sbr.rel @p0 .LBB2_5-.Ltmp3, $4  }
0x269: {  	[spmem:s3] =	stream.indirect.scatter.add.f32 [tilespmem:s23], [sflag:$0x3], $0x50, s30, s20, $0xb8;
	[tilespmem:$0x1E700] =	vst v63  }
0x26a: {  	_ =	swait.ge [sflag:s16], $0x2800  }
0x26b: {  	[sflag:s16] =	ssyncset.done $0x0  }
0x26c: {  	[sflag:s16] =	ssyncadd.s32 $0xFFFFD800  }
0x26d: {  	s4 =	sadd.s32 $0x1, s4  }
0x26e: {  	p0 =	sne.s32 s4, $0x3  }
.Ltmp4:
0x26f: {  	_ = 	snop;
	(pc) =	sbr.rel @p0 .LBB2_4-.Ltmp4, $1  }
0x270: {  	_ =	sdelay $0x3  }
0x271: {  	s0 =	stileid.u32;
	s31 =	sadd.s32 $0x1, s31  }
0x272: {  	[bflag:$0x0] =	sbarrier.arrive $0xFFFF;
	s0 =	sshll.u32 s0, $0x6;
	p0 =	sne.s32 s31, s15  }
.Ltmp5:
0x273: {  	s2 =	sshrl.u32 s8, $0x3;
	s0 =	sor.u32 $0x1C03, s0;
	(pc) =	sbr.rel @p0 .LBB2_1-.Ltmp5, $4  }
0x274: {  	[hbm:s14], [sflag:s0] =	dma.local [spmem:s2], $0x1900  }
0x275: {  	_ =	swait.ge [sflag:s16], $0x1900  }
0x276: {  	[sflag:s16] =	ssyncset.done $0x0  }
0x277: {  	[sflag:s16] =	ssyncadd.s32 $0xFFFFE700  }
0x278: {  	_ =	sfence.sel $0x180000  }
0x279: {  	[bflag:$0x0] =	sbarrier.arrive $0xFFFF  }
0x27a: {  	_ =	strace $0x9000004A  }
0x27b: {  	s0 =	stileid.u32;
	[bflag:$0x2] =	sbarrier.arrive $0xFFFF  }
0x27c: {  	p0 =	sne.s32 s0, $0x0;
	s0 =	rddreg [dreg:$0x3]  }
0x27d: {  	s0 =	sadd.s32 @!p0 $0x100000, s0  }
0x27e: {  	[sflag:s0] =	ssyncadd.tile.s32 @!p0 $0x1;
	_ =	shalt  }
.Lfunc_end2:
_tile_overlayer_lowered:
.L_overlay_start_2:
0x27f: {  	(tag) =	ssettag $0x2  }
0x280: {  	s0 =	rddreg [dreg:$0x0];
	s2 =	stileid.u32  }
0x281: {  	s1 =	rddreg [dreg:$0x1];
	p0 =	sne.s32 s2, $0x0  }
0x282: {  	s3 =	rddreg [dreg:$0x2];
	[bflag:$0x3] =	sbarrier.arrive $0xFFFF;
	s2 =	simm.s32 @!p0 $0x1C03  }
0x283: {  	[timem:s3], [sflag:s2] =	dma.local @!p0 [hbm:s0], s1  }
0x284: {  	s0 =	simm.s32 @!p0 $0x3  }
0x285: {  	_ =	swait.ge @!p0 [sflag:s0], s1  }
0x286: {  	s1 =	ssub.s32 @!p0 $0x0, s1;
	[sflag:s0] =	ssyncset.done @!p0 $0x0  }
0x287: {  	[sflag:s0] =	ssyncadd.s32 @!p0 s1  }
0x288: {  	[bflag:$0x3] =	sbarrier.arrive $0xFFFF  }
0x289: {  	_ =	shalt  }

// kernel: kernel.7.cloned.1.call-start
scs
__scs_entry_jumppad:
0x0: {  	(pc) =	sbr.rel $0x88, $3  }
0x1: {  	(tag) =	ssettag $0x0;
	lr =	simm.s32 $0x1  }
0x2: {  	[smem:$0x3F96] =	sst lr;
	_ =	strace $0xD0000000  }
0x3: {  	_ = 	snop  }
0x4: {  	_ = 	snop  }
0x5: {  	_ = 	snop  }
0x6: {  	_ = 	snop  }
0x7: {  	_ = 	snop  }
__scs_overlays_trampoline_lowered:
0x8: {  	[smem:$0x3FA5] =	sst s0  }
0x9: {  	[smem:$0x3FA6] =	sst s1  }
0xa: {  	[smem:$0x3FA7] =	sst s2  }
0xb: {  	[smem:$0x3FA8] =	sst s3  }
0xc: {  	[smem:$0x3FA9] =	sst s4  }
0xd: {  	[smem:$0x3FAA] =	sst s5  }
0xe: {  	[smem:$0x3FAB] =	sst s6  }
0xf: {  	[smem:$0x3FAC] =	sst s7  }
0x10: {  	[smem:$0x3FAD] =	sst s8  }
0x11: {  	[smem:$0x3FAE] =	sst s9;
	s0 =	simm.s32 @!p0 $0x0  }
0x12: {  	s1 =	sld [smem:$0x3F94];
	s0 =	simm.s32 @p0 $0x1  }
0x13: {  	[smem:$0x3FAF] =	sst s0;
	s0 =	simm.s32 @!p1 $0x0  }
0x14: {  	s2 =	sld [smem:$0x3F93];
	s0 =	simm.s32 @p1 $0x1  }
0x15: {  	[smem:$0x3FB0] =	sst s0;
	s0 =	simm.s32 @!p2 $0x0  }
0x16: {  	s3 =	sld [smem:$0x3FDB];
	s0 =	simm.s32 @p2 $0x1  }
0x17: {  	s4 =	simm.s32 $0x1BF5;
	[smem:$0x3FB2] =	sst s0  }
0x18: {  	s0 =	sld [smem:$0x3F95];
	_ =	swait.ge [sflag:s4], $0x0  }
0x19: {  	s7 =	sld [smem:$0x3F96]  }
0x1a: {  	s8 =	sadd.s32 $0xFFFFE003, lr  }
0x1b: {  	s9 =	sadd.s32 $0xFFFFFEF7, lr;
	s5 =	simm.s32 $0xFFFFFFFF;
	p2 =	slt.u32 s8, $0xFFFFF086  }
0x1c: {  	p1 =	slt.u32 s9, $0xF7A;
	s5 =	simm.s32 @!p2 $0x0  }
0x1d: {  	s5 =	simm.s32 @p1 $0x1;
	p0 =	seq.s32 s7, s2  }
0x1e: {  	s7 =	smul.u32 @!p0 $0xF7A, s2;
	p2 =	seq.s32 @!p0 s5, $0x0  }
0x1f: {  	s9 =	smul.u32 $0xF7A, s1;
	s8 =	simm.s32 @!p0 $0x1BF5;
	p2 =	por !p2, p0  }
0x20: {  	[sflag:s8] =	ssyncset.s32 @!p0 $0xFFFFF086;
	s6 =	sadd.s32 @!p0 s3, s7;
	s7 =	simm.s32 @!p0 $0x108  }
0x21: {  	s3 =	sadd.s32 s3, s9;
	s6 =	sadd.s32 @!p0 $0x88, s6;
	s7 =	simm.s32 @p2 $0x1082  }
0x22: {  	[simem:s7], [sflag:s8] =	dma.local @!p0 [hbm:s6], $0xF7A  }
0x23: {  	s9 =	sor.u32 $0xD0000000, s2;
	s6 =	simm.s32 $0x108;
	_ =	swait.ge @!p0 [sflag:s8], $0x0  }
0x24: {  	s3 =	sadd.s32 $0x88, s3;
	s6 =	simm.s32 @!p1 $0x1082;
	[sflag:s4] =	ssyncset.s32 $0xFFFFF086  }
0x25: {  	[simem:s6], [sflag:s4] =	dma.local [hbm:s3], $0xF7A  }
0x26: {  	[smem:$0x3F96] =	sst s1;
	(tag) =	ssettag s2;
	_ =	strace s9  }
0x27: {  	s1 =	sld [smem:$0x3FA6]  }
0x28: {  	s2 =	sld [smem:$0x3FA7]  }
0x29: {  	s4 =	sld [smem:$0x3FA9]  }
0x2a: {  	p0 =	seq.s32 s5, $0x0;
	s5 =	sld [smem:$0x3FAA]  }
0x2b: {  	s6 =	sld [smem:$0x3FAB]  }
0x2c: {  	s7 =	sld [smem:$0x3FAC]  }
0x2d: {  	s3 =	simm.s32 $0x108;
	s8 =	sld [smem:$0x3FAD]  }
0x2e: {  	s3 =	simm.s32 @!p0 $0x1082;
	s9 =	sld [smem:$0x3FAE]  }
0x2f: {  	lr =	sadd.s32 s0, s3;
	s0 =	sld [smem:$0x3FA5]  }
0x30: {  	s3 =	sld [smem:$0x3FA8]  }
0x31: {  	[smem:$0x3FB1] =	sst s10  }
0x32: {  	s10 =	sld [smem:$0x3FAF];
	_ =	sdelay $0x3  }
0x33: {  	p0 =	seq.s32 s10, $0x1;
	s10 =	sld [smem:$0x3FB1];
	_ =	sdelay $0x3  }
0x34: {  	[smem:$0x3FB1] =	sst s10  }
0x35: {  	s10 =	sld [smem:$0x3FB0];
	_ =	sdelay $0x3  }
0x36: {  	p1 =	seq.s32 s10, $0x1;
	s10 =	sld [smem:$0x3FB1];
	_ =	sdelay $0x3  }
0x37: {  	[smem:$0x3FB1] =	sst s10  }
0x38: {  	s10 =	sld [smem:$0x3FB2]  }
0x39: {  	_ = 	snop;
	(pc) =	sbr.ind lr, $3  }
0x3a: {  	_ = 	snop  }
0x3b: {  	_ = 	snop  }
0x3c: {  	p2 =	seq.s32 s10, $0x1;
	s10 =	sld [smem:$0x3FB1]  }
0x3d: {  	_ =	shalt  }
0x3e: {  	_ =	shalt  }
0x3f: {  	_ =	shalt  }
0x40: {  	_ =	shalt  }
0x41: {  	_ =	shalt  }
0x42: {  	_ =	shalt  }
0x43: {  	_ =	shalt  }
0x44: {  	_ =	shalt  }
0x45: {  	_ =	shalt  }
0x46: {  	_ =	shalt  }
0x47: {  	_ =	shalt  }
0x48: {  	_ =	shalt  }
0x49: {  	_ =	shalt  }
0x4a: {  	_ =	shalt  }
0x4b: {  	_ =	shalt  }
0x4c: {  	_ =	shalt  }
0x4d: {  	_ =	shalt  }
0x4e: {  	_ =	shalt  }
0x4f: {  	_ =	shalt  }
0x50: {  	_ =	shalt  }
0x51: {  	_ =	shalt  }
0x52: {  	_ =	shalt  }
0x53: {  	_ =	shalt  }
0x54: {  	_ =	shalt  }
0x55: {  	_ =	shalt  }
0x56: {  	_ =	shalt  }
0x57: {  	_ =	shalt  }
0x58: {  	_ =	shalt  }
0x59: {  	_ =	shalt  }
0x5a: {  	_ =	shalt  }
0x5b: {  	_ =	shalt  }
0x5c: {  	_ =	shalt  }
0x5d: {  	_ =	shalt  }
0x5e: {  	_ =	shalt  }
0x5f: {  	_ =	shalt  }
0x60: {  	_ =	shalt  }
0x61: {  	_ =	shalt  }
0x62: {  	_ =	shalt  }
0x63: {  	_ =	shalt  }
0x64: {  	_ =	shalt  }
0x65: {  	_ =	shalt  }
0x66: {  	_ =	shalt  }
0x67: {  	_ =	shalt  }
0x68: {  	_ =	shalt  }
0x69: {  	_ =	shalt  }
0x6a: {  	_ =	shalt  }
0x6b: {  	_ =	shalt  }
0x6c: {  	_ =	shalt  }
0x6d: {  	_ =	shalt  }
0x6e: {  	_ =	shalt  }
0x6f: {  	_ =	shalt  }
0x70: {  	_ =	shalt  }
0x71: {  	_ =	shalt  }
0x72: {  	_ =	shalt  }
0x73: {  	_ =	shalt  }
0x74: {  	_ =	shalt  }
0x75: {  	_ =	shalt  }
0x76: {  	_ =	shalt  }
0x77: {  	_ =	shalt  }
0x78: {  	_ =	shalt  }
0x79: {  	_ =	shalt  }
0x7a: {  	_ =	shalt  }
0x7b: {  	_ =	shalt  }
0x7c: {  	_ =	shalt  }
0x7d: {  	_ =	shalt  }
0x7e: {  	_ =	shalt  }
0x7f: {  	_ =	shalt  }
0x80: {  	_ =	shalt  }
0x81: {  	_ =	shalt  }
0x82: {  	_ =	shalt  }
0x83: {  	_ =	shalt  }
0x84: {  	_ =	shalt  }
0x85: {  	_ =	shalt  }
0x86: {  	_ =	shalt  }
0x87: {  	_ =	shalt  }
.Lfunc_end0:
.L_simem_size_0:
called_computation_lowered:
.L_overlay_start_0:
0x88: {  	s2 =	sld [smem:$0x3FD9]  }
0x89: {  	s3 =	sld [smem:$0x3FFE];
	_ =	sdelay $0x1  }
0x8a: {  	s1 =	srdreg.scid  }
0x8b: {  	s0 =	sand.u32 $0x1, s1  }
0x8c: {  	s17 =	sshll.u32 s0, $0xA;
	s2 =	sadd.s32 s3, s2  }
0x8d: {  	s2 =	sadd.s32 s2, s17  }
0x8e: {  	[smem:$0x3FBD] =	sst s2  }
0x8f: {  	_ = 	snop  }
0x90: {  	s2 =	sld [smem:$0x3FD0];
	(tm) =	ssettm $0x1  }
0x91: {  	s18 =	sld [smem:$0x3FFB];
	_ =	sdelay $0x3  }
0x92: {  	_ =	strace s18  }
0x93: {  	s3 =	sld [smem:$0x3FFC];
	_ =	sdelay $0x3  }
0x94: {  	_ =	strace s3  }
0x95: {  	s3 =	sld [smem:$0x3FFD];
	_ =	sdelay $0x3  }
0x96: {  	_ =	strace s3  }
0x97: {  	_ =	strace $0x8FFFFFFF  }
0x98: {  	s19 =	sld [smem:$0x3FDB];
	_ =	sdelay $0x1  }
0x99: {  	s4 =	simm.s32 $_scs_section_size  }
0x9a: {  	s5 =	simm.s32 $_size__tile_overlayer_lowered;
	s6 =	simm.s32 $_tile_overlayer_lowered  }
0x9b: {  	s22 =	simm.s32 $0x1BFF;
	s21 =	sshll.u32 s6, $0x1;
	s3 =	sadd.s32 s4, s19  }
0x9c: {  	s7 =	simm.s32 $0x0;
	s20 =	sshll.u32 s5, $0x1;
	s5 =	sadd.s32 s21, s3  }
0x9d: {  	[timem:s7], [sflag:s22] =	dma.local [hbm:s5], s20  }
0x9e: {  	_ =	swait.ge [sflag:s22], s20  }
0x9f: {  	s4 =	ssub.s32 $0x0, s20;
	[sflag:s22] =	ssyncset.done $0x0  }
0xa0: {  	[sflag:s22] =	ssyncadd.s32 s4;
	_ =	sdelay $0x1  }
0xa1: {  	s23 =	simm.s32 $0x1B8B  }
0xa2: {  	_ =	swait.ge [sflag:s23], $0x1  }
0xa3: {  	[sflag:s23] =	ssyncset.done $0x0  }
0xa4: {  	s25 =	simm.s32 $0x1B8E;
	s24 =	sld [smem:$0x3FFE];
	[sflag:s23] =	ssyncadd.s32 $0xFFFFFFFF  }
0xa5: {  	s26 =	simm.s32 $execute0_lowered;
	[smem:$0x3FD2] =	sst s25  }
0xa6: {  	s5 =	sshll.u32 s26, $0x1;
	_ =	strace $0x80000046;
	[dreg:$0x1] =	wrdreg $0xFFFFFFFF  }
0xa7: {  	s28 =	simm.s32 $_size_execute0_lowered;
	s3 =	sadd.s32 s3, s5;
	[dreg:$0x0] =	wrdreg $0x0  }
0xa8: {  	s5 =	sshll.u32 s28, $0x1;
	[dreg:$0x2] =	wrdreg s3  }
0xa9: {  	[dreg:$0x3] =	wrdreg s5  }
0xaa: {  	[dreg:$0x4] =	wrdreg $0xC0  }
0xab: {  	_ =	task [dreg:s7], $0x5FFFF  }
0xac: {  	[dreg:$0x1] =	wrdreg $0xFFFFFFFF  }
0xad: {  	[dreg:$0x0] =	wrdreg $0x60  }
0xae: {  	[dreg:$0x2] =	wrdreg s24  }
0xaf: {  	[dreg:$0x3] =	wrdreg s2  }
0xb0: {  	[dreg:$0x4] =	wrdreg $0x11F000  }
0xb1: {  	[dreg:$0x5] =	wrdreg $0x9  }
0xb2: {  	_ =	task.clear_ibuf [dreg:s7], $0x6FFFF;
	_ =	strace $0x90000046  }
0xb3: {  	s29 =	simm.s32 $0x9;
	_ =	strace $0x80000048  }
0xb4: {  	_ =	swait.ge [sflag:s29], $0x1  }
0xb5: {  	[sflag:s29] =	ssyncadd.s32 $0xFFFFFFFF  }
0xb6: {  	_ =	strace $0x90000048  }
0xb7: {  	_ =	sfence  }
0xb8: {  	s30 =	sld [smem:$0x0];
	_ =	sdelay $0x2  }
0xb9: {  	s31 =	sshll.u32 s1, $0xD;
	s1 =	sshrl.u32 s1, $0x2  }
0xba: {  	s3 =	sand.u32 $0x4000, s31;
	s1 =	sadd.s32 s1, s30  }
0xbb: {  	s0 =	sor.u32 s3, s0;
	s1 =	sshll.u32 s1, $0x11  }
0xbc: {  	s0 =	sor.u32 s1, s0  }
0xbd: {  	s0 =	sadd.s32 $0x8F2B, s0  }
0xbe: {  	[sflag:s0] =	ssyncadd.remote.s32 $0x1  }
0xbf: {  	_ =	sfence.sel $0xFFFF  }
0xc0: {  	[dreg:$0x0] =	wrdreg $0xFFFFFFFF;
	(pc) =	sbr.abs _section_cstart, $3  }
0xc1: {  	[dreg:$0x1] =	wrdreg $0xFFFFFFFF  }
0xc2: {  	_ =	task.clear_ibuf [dreg:s7], $0x2FFFF;
	_ =	strace $0x9FFFFFFF  }
0xc3: {  	(tm) =	ssettm $0x7FFFFFFF  }
tec
execute0_lowered:
.L_overlay_start_1:
0x0: {  	(tag) =	ssettag $0x1  }
0x1: {  	s0 =	rddreg [dreg:$0x0]  }
0x2: {  	s1 =	rddreg [dreg:$0x1];
	s2 =	srdreg.scid  }
0x3: {  	s3 =	rddreg [dreg:$0x2];
	s11 =	stileid.u32  }
0x4: {  	s5 =	simm.s32 $0x0;
	s16 =	simm.s32 $0x3;
	s17 =	simm.s32 $0xA000  }
0x5: {  	s18 =	simm.s32 $0x10300;
	s19 =	simm.s32 $0x11100;
	s20 =	simm.s32 $0x80  }
0x6: {  	s21 =	simm.s32 $0x10180;
	s28 =	simm.s32 $0x10100;
	s7 =	smul.u32 $0xC800, s11  }
0x7: {  	s29 =	simm.s32 $0x2;
	s30 =	simm.s32 $0x10200;
	s9 =	smul.u32 $0x32000, s11  }
0x8: {  	s31 =	simm.s32 $0x0;
	s2 =	sand.u32 $0x1, s2;
	s13 =	smul.u32 $0x2A00, s11  }
0x9: {  	[smem:$0x7FF] =	sst s5;
	s5 =	sadd.s32 $0x8A00, s0;
	s4 =	smul.u32 $0x1400, s2  }
0xa: {  	s6 =	smul.u32 $0xC8000, s2;
	_ =	strace $0x80000047;
	s10 =	ssub.s32 $0x2, s2  }
0xb: {  	v0 =	vlaneseq.u32;
	s2 =	smul.u32 $0x2800, s2;
	s22 =	sshrl.u32 s10, $0x1;
	s9 =	sshrl.u32 s9, $0x2  }
0xc: {  	v0 =	vmul.u32 $0x10, v0;
	s4 =	sadd.s32 s4, s0;
	s8 =	sadd.s32 s7, s6;
	s6 =	sadd.s32 $0x3600, s0  }
0xd: {  	s10 =	ssub.s32 s10, s22;
	s23 =	sadd.s32 s9, s3;
	s22 =	simm.s32 $0x10280  }
0xe: {  	v2 =	vimm.f32 $0.0e+00;
	v3 =	vor.u32 $0x1, v0;
	s8 =	sshrl.u32 s8, $0x3;
	s4 =	sadd.s32 $0x3AA00, s4;
	s24 =	sadd.s32 $0x2800, s23  }
0xf: {  	v4 =	vor.u32 $0x100, v0;
	v5 =	vor.u32 $0x101, v0;
	v6 =	vor.u32 $0x200, v0;
	s25 =	sadd.s32 $0x5000, s23;
	s26 =	sadd.s32 $0x7800, s23;
	[dreg:$0x4] =	wrdreg s4  }
0x10: {  	v7 =	vor.u32 $0x201, v0;
	v8 =	vor.u32 $0x300, v0;
	v9 =	vor.u32 $0x301, v0;
	s12 =	sadd.s32 $0xA000, s23;
	s15 =	smax.u32 s10, $0x1;
	[dreg:$0x5] =	wrdreg s24  }
0x11: {  	v10 =	vor.u32 $0x400, v0;
	v11 =	vor.u32 $0x401, v0;
	v12 =	vor.u32 $0x500, v0;
	s23 =	simm.s32 $0xC800;
	s0 =	sadd.s32 s8, s0;
	[dreg:$0x6] =	wrdreg s25  }
0x12: {  	v13 =	vor.u32 $0x501, v0;
	v14 =	vor.u32 $0x600, v0;
	v15 =	vor.u32 $0x601, v0;
	s8 =	sadd.s32 s7, s3;
	[dreg:$0x7] =	wrdreg s26;
	s24 =	simm.s32 $0xF000  }
0x13: {  	v16 =	vor.u32 $0x700, v0;
	v17 =	vor.u32 $0x701, v0;
	v1 =	vmov s2;
	s25 =	simm.s32 $0xF800;
	s26 =	simm.s32 $0x1;
	s14 =	sadd.s32 $0x3D200, s0  }
.LBB2_1:
0x14: {  	s0 =	simm.s32 $0x0;
	s2 =	rddreg [dreg:$0x4]  }
0x15: {  	[tilespmem:s0], [sflag:$0x3] =	stream.linear.gather [hbm4b:s2+s0], $0xA000, $0x38;
	[tilespmem:$0x1E700] =	vst v63  }
0x16: {  	_ =	swait.ge [sflag:s16], $0xA000  }
0x17: {  	[sflag:s16] =	ssyncset.done $0x0  }
0x18: {  	s0 =	simm.s32 $0xA020;
	[sflag:s16] =	ssyncadd.s32 $0xFFFF6000  }
0x19: {  	[tilespmem:s0+$0x10] =	vst v2  }
0x1a: {  	[tilespmem:s0+$0x0] =	vst v2  }
0x1b: {  	[tilespmem:s0+$0xFFFFFFF0] =	vst v2  }
0x1c: {  	[tilespmem:s0+$0xFFFFFFE0] =	vst v2  }
0x1d: {  	s4 =	simm.s32 $0x0;
	s2 =	simm.s32 $0x40;
	[tilespmem:s0+$0x20] =	vst v2  }
.LBB2_2:
0x1e: {  	p0 =	sne.s32 s2, $0x1FC0;
	[tilespmem:s4+$0xF800] =	vst v2  }
0x1f: {  	s0 =	sadd.s32 $0x50, s0;
	[tilespmem:s4+$0xF000] =	vst v2  }
.Ltmp0:
0x20: {  	[tilespmem:s0+$0x10] =	vst v2;
	(pc) =	sbr.rel @p0 .LBB2_2-.Ltmp0, $4  }
0x21: {  	[tilespmem:s0+$0x0] =	vst v2  }
0x22: {  	[tilespmem:s0+$0xFFFFFFF0] =	vst v2  }
0x23: {  	[tilespmem:s0+$0xFFFFFFE0] =	vst v2  }
0x24: {  	s4 =	sshra.s32 s2, $0x2;
	s2 =	sadd.s32 $0x40, s2;
	[tilespmem:s0+$0x20] =	vst v2  }
0x25: {  	[tilespmem:s4+$0xF800] =	vst v2  }
0x26: {  	[tilespmem:s4+$0xF000] =	vst v2  }
0x27: {  	[spmem:s8] =	stream.linear.scatter [tilespmem:s17], [sflag:$0x3], $0x2800, $0x38;
	[tilespmem:$0x1E700] =	vst v63  }
0x28: {  	_ =	swait.ge [sflag:s16], $0x2800  }
0x29: {  	[sflag:s16] =	ssyncset.done $0x0  }
0x2a: {  	s0 =	rddreg [dreg:$0x5];
	[sflag:s16] =	ssyncadd.s32 $0xFFFFD800  }
0x2b: {  	[spmem:s0] =	stream.linear.scatter [tilespmem:s17], [sflag:$0x3], $0x2800, $0x38;
	[tilespmem:$0x1E700] =	vst v63  }
0x2c: {  	_ =	swait.ge [sflag:s16], $0x2800  }
0x2d: {  	[sflag:s16] =	ssyncset.done $0x0  }
0x2e: {  	s10 =	rddreg [dreg:$0x6];
	[sflag:s16] =	ssyncadd.s32 $0xFFFFD800  }
0x2f: {  	[spmem:s10] =	stream.linear.scatter [tilespmem:s17], [sflag:$0x3], $0x2800, $0x38;
	[tilespmem:$0x1E700] =	vst v63  }
0x30: {  	_ =	swait.ge [sflag:s16], $0x2800  }
0x31: {  	[sflag:s16] =	ssyncset.done $0x0  }
0x32: {  	s11 =	rddreg [dreg:$0x7];
	[sflag:s16] =	ssyncadd.s32 $0xFFFFD800  }
0x33: {  	[spmem:s11] =	stream.linear.scatter [tilespmem:s17], [sflag:$0x3], $0x2800, $0x38;
	[tilespmem:$0x1E700] =	vst v63  }
0x34: {  	_ =	swait.ge [sflag:s16], $0x2800  }
0x35: {  	[sflag:s16] =	ssyncset.done $0x0  }
0x36: {  	[sflag:s16] =	ssyncadd.s32 $0xFFFFD800  }
0x37: {  	[spmem:s12] =	stream.linear.scatter [tilespmem:s17], [sflag:$0x3], $0x2800, $0x38;
	[tilespmem:$0x1E700] =	vst v63  }
0x38: {  	_ =	swait.ge [sflag:s16], $0x2800  }
0x39: {  	[sflag:s16] =	ssyncset.done $0x0  }
0x3a: {  	[sflag:s16] =	ssyncadd.s32 $0xFFFFD800  }
0x3b: {  	s4 =	simm.s32 $0x0;
	s0 =	simm.s32 $0x0;
	[bflag:$0x0] =	sbarrier.arrive $0xFFFF  }
.LBB2_4:
0x3c: {  	s2 =	smul.u32 $0xE00, s4;
	_ =	sdelay $0x1  }
0x3d: {  	s2 =	sadd.s32 s13, s2  }
0x3e: {  	s2 =	sshrl.u32 s2, $0x3  }
0x3f: {  	s7 =	sadd.s32 s1, s2  }
0x40: {  	[tilespmem:s18], [sflag:$0x3] =	stream.linear.gather [hbm4b:s7+s0], $0xE00, $0x38;
	[tilespmem:$0x1E700] =	vst v63  }
0x41: {  	_ =	swait.ge [sflag:s16], $0xE00  }
0x42: {  	[sflag:s16] =	ssyncset.done $0x0  }
0x43: {  	s2 =	sadd.s32 s6, s2;
	[sflag:s16] =	ssyncadd.s32 $0xFFFFF200  }
0x44: {  	[tilespmem:s19], [sflag:$0x3] =	stream.linear.gather [hbm4b:s2+s0], $0xE00, $0x38;
	[tilespmem:$0x1E700] =	vst v63  }
0x45: {  	_ =	swait.ge [sflag:s16], $0xE00  }
0x46: {  	[sflag:s16] =	ssyncset.done $0x0  }
0x47: {  	s2 =	simm.s32 $0x0;
	[sflag:s16] =	ssyncadd.s32 $0xFFFFF200  }
.LBB2_5:
0x48: {  	s7 =	sshll.u32 s2, $0x8  }
0x49: {  	v18 =	vld [tilespmem:s7+$0x10300];
	_ =	sdelay $0x4  }
0x4a: {  	[tilespmem:$0x10000] =	vst v18  }
0x4b: {  	v19 =	vld [tilespmem:s7+$0x11100];
	_ =	sdelay $0x2  }
0x4c: {  	v18 =	vadd.s32 v1, v18  }
0x4d: {  	[tilespmem:$0x10180] =	vst v18  }
0x4e: {  	[tilespmem:$0x10100] =	vst v19  }
0x4f: {  	v18 =	vld [tilespmem:s7+$0x10310];
	_ =	sdelay $0x4  }
0x50: {  	[tilespmem:$0x10010] =	vst v18  }
0x51: {  	v19 =	vld [tilespmem:s7+$0x11110];
	_ =	sdelay $0x2  }
0x52: {  	v18 =	vadd.s32 v1, v18  }
0x53: {  	[tilespmem:$0x10190] =	vst v18  }
0x54: {  	[tilespmem:$0x10110] =	vst v19  }
0x55: {  	v18 =	vld [tilespmem:s7+$0x10320];
	_ =	sdelay $0x4  }
0x56: {  	[tilespmem:$0x10020] =	vst v18  }
0x57: {  	v19 =	vld [tilespmem:s7+$0x11120];
	_ =	sdelay $0x2  }
0x58: {  	v18 =	vadd.s32 v1, v18  }
0x59: {  	[tilespmem:$0x101A0] =	vst v18  }
0x5a: {  	[tilespmem:$0x10120] =	vst v19  }
0x5b: {  	v18 =	vld [tilespmem:s7+$0x10330];
	_ =	sdelay $0x4  }
0x5c: {  	[tilespmem:$0x10030] =	vst v18  }
0x5d: {  	v19 =	vld [tilespmem:s7+$0x11130];
	_ =	sdelay $0x2  }
0x5e: {  	v18 =	vadd.s32 v1, v18  }
0x5f: {  	[tilespmem:$0x101B0] =	vst v18  }
0x60: {  	[tilespmem:$0x10130] =	vst v19  }
0x61: {  	v18 =	vld [tilespmem:s7+$0x10340];
	_ =	sdelay $0x4  }
0x62: {  	[tilespmem:$0x10040] =	vst v18  }
0x63: {  	v19 =	vld [tilespmem:s7+$0x11140];
	_ =	sdelay $0x2  }
0x64: {  	v18 =	vadd.s32 v1, v18  }
0x65: {  	[tilespmem:$0x101C0] =	vst v18  }
0x66: {  	[tilespmem:$0x10140] =	vst v19  }
0x67: {  	v18 =	vld [tilespmem:s7+$0x10350];
	_ =	sdelay $0x4  }
0x68: {  	[tilespmem:$0x10050] =	vst v18  }
0x69: {  	v19 =	vld [tilespmem:s7+$0x11150];
	_ =	sdelay $0x2  }
0x6a: {  	v18 =	vadd.s32 v1, v18  }
0x6b: {  	[tilespmem:$0x101D0] =	vst v18  }
0x6c: {  	[tilespmem:$0x10150] =	vst v19  }
0x6d: {  	v18 =	vld [tilespmem:s7+$0x10360];
	_ =	sdelay $0x4  }
0x6e: {  	[tilespmem:$0x10060] =	vst v18  }
0x6f: {  	v19 =	vld [tilespmem:s7+$0x11160];
	_ =	sdelay $0x2  }
0x70: {  	v18 =	vadd.s32 v1, v18  }
0x71: {  	[tilespmem:$0x101E0] =	vst v18  }
0x72: {  	[tilespmem:$0x10160] =	vst v19  }
0x73: {  	v18 =	vld [tilespmem:s7+$0x10370];
	_ =	sdelay $0x4  }
0x74: {  	[tilespmem:$0x10070] =	vst v18  }
0x75: {  	v19 =	vld [tilespmem:s7+$0x11170];
	_ =	sdelay $0x2  }
0x76: {  	v18 =	vadd.s32 v1, v18  }
0x77: {  	[tilespmem:$0x101F0] =	vst v18  }
0x78: {  	[tilespmem:$0x10170] =	vst v19  }
0x79: {  	v18 =	vld [tilespmem:s7+$0x10380];
	_ =	sdelay $0x4  }
0x7a: {  	[tilespmem:$0x10080] =	vst v18  }
0x7b: {  	v19 =	vld [tilespmem:s7+$0x11180];
	_ =	sdelay $0x2  }
0x7c: {  	v18 =	vadd.s32 v1, v18  }
0x7d: {  	[tilespmem:$0x10280] =	vst v18  }
0x7e: {  	[tilespmem:$0x10200] =	vst v19  }
0x7f: {  	v18 =	vld [tilespmem:s7+$0x10390];
	_ =	sdelay $0x4  }
0x80: {  	[tilespmem:$0x10090] =	vst v18  }
0x81: {  	v19 =	vld [tilespmem:s7+$0x11190];
	_ =	sdelay $0x2  }
0x82: {  	v18 =	vadd.s32 v1, v18  }
0x83: {  	[tilespmem:$0x10290] =	vst v18  }
0x84: {  	[tilespmem:$0x10210] =	vst v19  }
0x85: {  	v18 =	vld [tilespmem:s7+$0x103A0];
	_ =	sdelay $0x4  }
0x86: {  	[tilespmem:$0x100A0] =	vst v18  }
0x87: {  	v19 =	vld [tilespmem:s7+$0x111A0];
	_ =	sdelay $0x2  }
0x88: {  	v18 =	vadd.s32 v1, v18  }
0x89: {  	[tilespmem:$0x102A0] =	vst v18  }
0x8a: {  	[tilespmem:$0x10220] =	vst v19  }
0x8b: {  	v18 =	vld [tilespmem:s7+$0x103B0];
	_ =	sdelay $0x4  }
0x8c: {  	[tilespmem:$0x100B0] =	vst v18  }
0x8d: {  	v19 =	vld [tilespmem:s7+$0x111B0];
	_ =	sdelay $0x2  }
0x8e: {  	v18 =	vadd.s32 v1, v18  }
0x8f: {  	[tilespmem:$0x102B0] =	vst v18  }
0x90: {  	[tilespmem:$0x10230] =	vst v19  }
0x91: {  	v18 =	vld [tilespmem:s7+$0x103C0];
	_ =	sdelay $0x4  }
0x92: {  	[tilespmem:$0x100C0] =	vst v18  }
0x93: {  	v19 =	vld [tilespmem:s7+$0x111C0];
	_ =	sdelay $0x2  }
0x94: {  	v18 =	vadd.s32 v1, v18  }
0x95: {  	[tilespmem:$0x102C0] =	vst v18  }
0x96: {  	[tilespmem:$0x10240] =	vst v19  }
0x97: {  	v18 =	vld [tilespmem:s7+$0x103D0];
	_ =	sdelay $0x4  }
0x98: {  	[tilespmem:$0x100D0] =	vst v18  }
0x99: {  	v19 =	vld [tilespmem:s7+$0x111D0];
	_ =	sdelay $0x2  }
0x9a: {  	v18 =	vadd.s32 v1, v18  }
0x9b: {  	[tilespmem:$0x102D0] =	vst v18  }
0x9c: {  	[tilespmem:$0x10250] =	vst v19  }
0x9d: {  	v18 =	vld [tilespmem:s7+$0x103E0];
	_ =	sdelay $0x4  }
0x9e: {  	[tilespmem:$0x100E0] =	vst v18  }
0x9f: {  	v19 =	vld [tilespmem:s7+$0x111E0];
	_ =	sdelay $0x2  }
0xa0: {  	v18 =	vadd.s32 v1, v18  }
0xa1: {  	[tilespmem:$0x102E0] =	vst v18  }
0xa2: {  	[tilespmem:$0x10260] =	vst v19  }
0xa3: {  	v18 =	vld [tilespmem:s7+$0x103F0];
	_ =	sdelay $0x4  }
0xa4: {  	[tilespmem:$0x100F0] =	vst v18  }
0xa5: {  	v19 =	vld [tilespmem:s7+$0x111F0];
	_ =	sdelay $0x2  }
0xa6: {  	v18 =	vadd.s32 v1, v18  }
0xa7: {  	[tilespmem:$0x102F0] =	vst v18  }
0xa8: {  	[tilespmem:$0x10270] =	vst v19  }
0xa9: {  	[tilespmem:s17], [sflag:$0x1] =	stream.indirect.gather [hbm4b:s5+s20], $0x50, s21, s20, $0xb8;
	[tilespmem:$0x1E700] =	vst v63  }
0xaa: {  	_ = 	snop  }
0xab: {  	[tilespmem:s23], [sflag:$0x2] =	stream.indirect.gather [hbm4b:s5+s20], $0x50, s22, s20, $0xb8;
	[tilespmem:$0x1E700] =	vst v63  }
0xac: {  	v18 =	vld [tilespmem:$0x10000]  }
0xad: {  	v19 =	vld [tilespmem:$0x10100];
	_ =	sdelay $0x4  }
0xae: {  	v18 =	vshll.u32 v18, $0x2;
	v19 =	vshll.u32 v19, $0x2  }
0xaf: {  	v20 =	vor.u32 $0x2, v19;
	_ =	sdelay $0x2  }
0xb0: {  	s11 =	simm.s32 $0x0  }
0xb1: {  	v21 =	vld.idx.msk [tilespmem:v18+s11+$0x0], $0xffff  }
0xb2: {  	v20 =	vld.idx.msk [tilespmem:v20+s11+$0x0], $0xffff;
	_ =	sdelay $0x4  }
0xb3: {  	v20 =	vadd.f32 v20, v21;
	_ =	sdelay $0x1  }
0xb4: {  	v21 =	vmul.f32 $2.000000030e-01, v20;
	_ =	sdelay $0x1  }
0xb5: {  	v20 =	vmax.f32 v20, v21  }
0xb6: {  	v20 =	vmul.f32 $1.442695020e+00, v20;
	_ =	sdelay $0x1  }
0xb7: {  	(erf) = vpow2.f32 v20;
	_ =	sdelay $0x5  }
0xb8: {  	v18 =	vor.u32 $0x1, v18  }
0xb9: {  	v19 =	vor.u32 $0x3, v19;
	_ =	sdelay $0x1  }
0xba: {  	v20 =	vpop (erf)  }
0xbb: {  	[tilespmem:v0+s24+$0x0] =	vst.idx.msk $0xffff, v20  }
0xbc: {  	v18 =	vld.idx.msk [tilespmem:v18+s11+$0x0], $0xffff  }
0xbd: {  	v19 =	vld.idx.msk [tilespmem:v19+s11+$0x0], $0xffff;
	_ =	sdelay $0x4  }
0xbe: {  	v18 =	vadd.f32 v19, v18;
	_ =	sdelay $0x1  }
0xbf: {  	v19 =	vmul.f32 $2.000000030e-01, v18;
	_ =	sdelay $0x1  }
0xc0: {  	v18 =	vmax.f32 v18, v19  }
0xc1: {  	v18 =	vmul.f32 $1.442695020e+00, v18;
	_ =	sdelay $0x1  }
0xc2: {  	(erf) = vpow2.f32 v18;
	_ =	sdelay $0x8  }
0xc3: {  	v18 =	vpop (erf)  }
0xc4: {  	[tilespmem:v3+s24+$0x0] =	vst.idx.msk $0xffff, v18  }
0xc5: {  	v18 =	vld [tilespmem:$0x10010]  }
0xc6: {  	v19 =	vld [tilespmem:$0x10110];
	_ =	sdelay $0x4  }
0xc7: {  	v18 =	vshll.u32 v18, $0x2;
	v19 =	vshll.u32 v19, $0x2  }
0xc8: {  	v20 =	vor.u32 $0x2, v19;
	_ =	sdelay $0x3  }
0xc9: {  	v49 =	vld.idx.msk [tilespmem:v18+s11+$0x0], $0xffff  }
0xca: {  	v20 =	vld.idx.msk [tilespmem:v20+s11+$0x0], $0xffff;
	_ =	sdelay $0x4  }
0xcb: {  	v20 =	vadd.f32 v20, v49;
	_ =	sdelay $0x1  }
0xcc: {  	v21 =	vmul.f32 $2.000000030e-01, v20;
	_ =	sdelay $0x1  }
0xcd: {  	v20 =	vmax.f32 v20, v21  }
0xce: {  	v20 =	vmul.f32 $1.442695020e+00, v20;
	_ =	sdelay $0x1  }
0xcf: {  	(erf) = vpow2.f32 v20;
	_ =	sdelay $0x5  }
0xd0: {  	v18 =	vor.u32 $0x1, v18  }
0xd1: {  	v19 =	vor.u32 $0x3, v19;
	_ =	sdelay $0x1  }
0xd2: {  	v20 =	vpop (erf)  }
0xd3: {  	[tilespmem:v4+s24+$0x0] =	vst.idx.msk $0xffff, v20  }
0xd4: {  	v18 =	vld.idx.msk [tilespmem:v18+s11+$0x0], $0xffff  }
0xd5: {  	v19 =	vld.idx.msk [tilespmem:v19+s11+$0x0], $0xffff;
	_ =	sdelay $0x4  }
0xd6: {  	v18 =	vadd.f32 v19, v18;
	_ =	sdelay $0x1  }
0xd7: {  	v19 =	vmul.f32 $2.000000030e-01, v18;
	_ =	sdelay $0x1  }
0xd8: {  	v18 =	vmax.f32 v18, v19  }
0xd9: {  	v18 =	vmul.f32 $1.442695020e+00, v18;
	_ =	sdelay $0x1  }
0xda: {  	(erf) = vpow2.f32 v18;
	_ =	sdelay $0x8  }
0xdb: {  	v18 =	vpop (erf)  }
0xdc: {  	[tilespmem:v5+s24+$0x0] =	vst.idx.msk $0xffff, v18  }
0xdd: {  	v18 =	vld [tilespmem:$0x10020]  }
0xde: {  	v19 =	vld [tilespmem:$0x10120];
	_ =	sdelay $0x4  }
0xdf: {  	v18 =	vshll.u32 v18, $0x2;
	v19 =	vshll.u32 v19, $0x2  }
0xe0: {  	v20 =	vor.u32 $0x2, v19;
	_ =	sdelay $0x3  }
0xe1: {  	v50 =	vld.idx.msk [tilespmem:v18+s11+$0x0], $0xffff  }
0xe2: {  	v20 =	vld.idx.msk [tilespmem:v20+s11+$0x0], $0xffff;
	_ =	sdelay $0x4  }
0xe3: {  	v20 =	vadd.f32 v20, v50;
	_ =	sdelay $0x1  }
0xe4: {  	v21 =	vmul.f32 $2.000000030e-01, v20;
	_ =	sdelay $0x1  }
0xe5: {  	v20 =	vmax.f32 v20, v21  }
0xe6: {  	v20 =	vmul.f32 $1.442695020e+00, v20;
	_ =	sdelay $0x1  }
0xe7: {  	(erf) = vpow2.f32 v20;
	_ =	sdelay $0x5  }
0xe8: {  	v18 =	vor.u32 $0x1, v18  }
0xe9: {  	v19 =	vor.u32 $0x3, v19;
	_ =	sdelay $0x1  }
0xea: {  	v20 =	vpop (erf)  }
0xeb: {  	[tilespmem:v6+s24+$0x0] =	vst.idx.msk $0xffff, v20  }
0xec: {  	v18 =	vld.idx.msk [tilespmem:v18+s11+$0x0], $0xffff  }
0xed: {  	v19 =	vld.idx.msk [tilespmem:v19+s11+$0x0], $0xffff;
	_ =	sdelay $0x4  }
0xee: {  	v18 =	vadd.f32 v19, v18;
	_ =	sdelay $0x1  }
0xef: {  	v19 =	vmul.f32 $2.000000030e-01, v18;
	_ =	sdelay $0x1  }
0xf0: {  	v18 =	vmax.f32 v18, v19  }
0xf1: {  	v18 =	vmul.f32 $1.442695020e+00, v18;
	_ =	sdelay $0x1  }
0xf2: {  	(erf) = vpow2.f32 v18;
	_ =	sdelay $0x8  }
0xf3: {  	v18 =	vpop (erf)  }
0xf4: {  	[tilespmem:v7+s24+$0x0] =	vst.idx.msk $0xffff, v18  }
0xf5: {  	v18 =	vld [tilespmem:$0x10030]  }
0xf6: {  	v19 =	vld [tilespmem:$0x10130];
	_ =	sdelay $0x4  }
0xf7: {  	v18 =	vshll.u32 v18, $0x2;
	v19 =	vshll.u32 v19, $0x2  }
0xf8: {  	v20 =	vor.u32 $0x2, v19;
	_ =	sdelay $0x3  }
0xf9: {  	v51 =	vld.idx.msk [tilespmem:v18+s11+$0x0], $0xffff  }
0xfa: {  	v20 =	vld.idx.msk [tilespmem:v20+s11+$0x0], $0xffff;
	_ =	sdelay $0x4  }
0xfb: {  	v20 =	vadd.f32 v20, v51;
	_ =	sdelay $0x1  }
0xfc: {  	v21 =	vmul.f32 $2.000000030e-01, v20;
	_ =	sdelay $0x1  }
0xfd: {  	v20 =	vmax.f32 v20, v21  }
0xfe: {  	v20 =	vmul.f32 $1.442695020e+00, v20;
	_ =	sdelay $0x1  }
0xff: {  	(erf) = vpow2.f32 v20;
	_ =	sdelay $0x5  }
0x100: {  	v18 =	vor.u32 $0x1, v18  }
0x101: {  	v19 =	vor.u32 $0x3, v19;
	_ =	sdelay $0x1  }
0x102: {  	v20 =	vpop (erf)  }
0x103: {  	[tilespmem:v8+s24+$0x0] =	vst.idx.msk $0xffff, v20  }
0x104: {  	v18 =	vld.idx.msk [tilespmem:v18+s11+$0x0], $0xffff  }
0x105: {  	v19 =	vld.idx.msk [tilespmem:v19+s11+$0x0], $0xffff;
	_ =	sdelay $0x4  }
0x106: {  	v18 =	vadd.f32 v19, v18;
	_ =	sdelay $0x1  }
0x107: {  	v19 =	vmul.f32 $2.000000030e-01, v18;
	_ =	sdelay $0x1  }
0x108: {  	v18 =	vmax.f32 v18, v19  }
0x109: {  	v18 =	vmul.f32 $1.442695020e+00, v18;
	_ =	sdelay $0x1  }
0x10a: {  	(erf) = vpow2.f32 v18;
	_ =	sdelay $0x8  }
0x10b: {  	v18 =	vpop (erf)  }
0x10c: {  	[tilespmem:v9+s24+$0x0] =	vst.idx.msk $0xffff, v18  }
0x10d: {  	v18 =	vld [tilespmem:$0x10040]  }
0x10e: {  	v19 =	vld [tilespmem:$0x10140];
	_ =	sdelay $0x4  }
0x10f: {  	v18 =	vshll.u32 v18, $0x2;
	v19 =	vshll.u32 v19, $0x2  }
0x110: {  	v20 =	vor.u32 $0x2, v19;
	_ =	sdelay $0x3  }
0x111: {  	v52 =	vld.idx.msk [tilespmem:v18+s11+$0x0], $0xffff  }
0x112: {  	v20 =	vld.idx.msk [tilespmem:v20+s11+$0x0], $0xffff;
	_ =	sdelay $0x4  }
0x113: {  	v20 =	vadd.f32 v20, v52;
	_ =	sdelay $0x1  }
0x114: {  	v21 =	vmul.f32 $2.000000030e-01, v20;
	_ =	sdelay $0x1  }
0x115: {  	v20 =	vmax.f32 v20, v21  }
0x116: {  	v20 =	vmul.f32 $1.442695020e+00, v20;
	_ =	sdelay $0x1  }
0x117: {  	(erf) = vpow2.f32 v20;
	_ =	sdelay $0x5  }
0x118: {  	v18 =	vor.u32 $0x1, v18  }
0x119: {  	v19 =	vor.u32 $0x3, v19;
	_ =	sdelay $0x1  }
0x11a: {  	v20 =	vpop (erf)  }
0x11b: {  	[tilespmem:v10+s24+$0x0] =	vst.idx.msk $0xffff, v20  }
0x11c: {  	v18 =	vld.idx.msk [tilespmem:v18+s11+$0x0], $0xffff  }
0x11d: {  	v19 =	vld.idx.msk [tilespmem:v19+s11+$0x0], $0xffff;
	_ =	sdelay $0x4  }
0x11e: {  	v18 =	vadd.f32 v19, v18;
	_ =	sdelay $0x1  }
0x11f: {  	v19 =	vmul.f32 $2.000000030e-01, v18;
	_ =	sdelay $0x1  }
0x120: {  	v18 =	vmax.f32 v18, v19  }
0x121: {  	v18 =	vmul.f32 $1.442695020e+00, v18;
	_ =	sdelay $0x1  }
0x122: {  	(erf) = vpow2.f32 v18;
	_ =	sdelay $0x8  }
0x123: {  	v18 =	vpop (erf)  }
0x124: {  	[tilespmem:v11+s24+$0x0] =	vst.idx.msk $0xffff, v18  }
0x125: {  	v18 =	vld [tilespmem:$0x10050]  }
0x126: {  	v19 =	vld [tilespmem:$0x10150];
	_ =	sdelay $0x4  }
0x127: {  	v18 =	vshll.u32 v18, $0x2;
	v19 =	vshll.u32 v19, $0x2  }
0x128: {  	v20 =	vor.u32 $0x2, v19;
	_ =	sdelay $0x3  }
0x129: {  	v53 =	vld.idx.msk [tilespmem:v18+s11+$0x0], $0xffff  }
0x12a: {  	v20 =	vld.idx.msk [tilespmem:v20+s11+$0x0], $0xffff;
	_ =	sdelay $0x4  }
0x12b: {  	v20 =	vadd.f32 v20, v53;
	_ =	sdelay $0x1  }
0x12c: {  	v21 =	vmul.f32 $2.000000030e-01, v20;
	_ =	sdelay $0x1  }
0x12d: {  	v20 =	vmax.f32 v20, v21  }
0x12e: {  	v20 =	vmul.f32 $1.442695020e+00, v20;
	_ =	sdelay $0x1  }
0x12f: {  	(erf) = vpow2.f32 v20;
	_ =	sdelay $0x5  }
0x130: {  	v18 =	vor.u32 $0x1, v18  }
0x131: {  	v19 =	vor.u32 $0x3, v19;
	_ =	sdelay $0x1  }
0x132: {  	v20 =	vpop (erf)  }
0x133: {  	[tilespmem:v12+s24+$0x0] =	vst.idx.msk $0xffff, v20  }
0x134: {  	v18 =	vld.idx.msk [tilespmem:v18+s11+$0x0], $0xffff  }
0x135: {  	v19 =	vld.idx.msk [tilespmem:v19+s11+$0x0], $0xffff;
	_ =	sdelay $0x4  }
0x136: {  	v18 =	vadd.f32 v19, v18;
	_ =	sdelay $0x1  }
0x137: {  	v19 =	vmul.f32 $2.000000030e-01, v18;
	_ =	sdelay $0x1  }
0x138: {  	v18 =	vmax.f32 v18, v19  }
0x139: {  	v18 =	vmul.f32 $1.442695020e+00, v18;
	_ =	sdelay $0x1  }
0x13a: {  	(erf) = vpow2.f32 v18;
	_ =	sdelay $0x8  }
0x13b: {  	v18 =	vpop (erf)  }
0x13c: {  	[tilespmem:v13+s24+$0x0] =	vst.idx.msk $0xffff, v18  }
0x13d: {  	v18 =	vld [tilespmem:$0x10060]  }
0x13e: {  	v19 =	vld [tilespmem:$0x10160];
	_ =	sdelay $0x4  }
0x13f: {  	v18 =	vshll.u32 v18, $0x2;
	v19 =	vshll.u32 v19, $0x2  }
0x140: {  	v20 =	vor.u32 $0x2, v19;
	_ =	sdelay $0x3  }
0x141: {  	v54 =	vld.idx.msk [tilespmem:v18+s11+$0x0], $0xffff  }
0x142: {  	v20 =	vld.idx.msk [tilespmem:v20+s11+$0x0], $0xffff;
	_ =	sdelay $0x4  }
0x143: {  	v20 =	vadd.f32 v20, v54;
	_ =	sdelay $0x1  }
0x144: {  	v21 =	vmul.f32 $2.000000030e-01, v20;
	_ =	sdelay $0x1  }
0x145: {  	v20 =	vmax.f32 v20, v21  }
0x146: {  	v20 =	vmul.f32 $1.442695020e+00, v20;
	_ =	sdelay $0x1  }
0x147: {  	(erf) = vpow2.f32 v20;
	_ =	sdelay $0x5  }
0x148: {  	v18 =	vor.u32 $0x1, v18  }
0x149: {  	v19 =	vor.u32 $0x3, v19;
	_ =	sdelay $0x1  }
0x14a: {  	v20 =	vpop (erf)  }
0x14b: {  	[tilespmem:v14+s24+$0x0] =	vst.idx.msk $0xffff, v20  }
0x14c: {  	v18 =	vld.idx.msk [tilespmem:v18+s11+$0x0], $0xffff  }
0x14d: {  	v19 =	vld.idx.msk [tilespmem:v19+s11+$0x0], $0xffff;
	_ =	sdelay $0x4  }
0x14e: {  	v18 =	vadd.f32 v19, v18;
	_ =	sdelay $0x1  }
0x14f: {  	v19 =	vmul.f32 $2.000000030e-01, v18;
	_ =	sdelay $0x1  }
0x150: {  	v18 =	vmax.f32 v18, v19  }
0x151: {  	v18 =	vmul.f32 $1.442695020e+00, v18;
	_ =	sdelay $0x1  }
0x152: {  	(erf) = vpow2.f32 v18;
	_ =	sdelay $0x8  }
0x153: {  	v18 =	vpop (erf)  }
0x154: {  	[tilespmem:v15+s24+$0x0] =	vst.idx.msk $0xffff, v18  }
0x155: {  	v18 =	vld [tilespmem:$0x10070]  }
0x156: {  	v19 =	vld [tilespmem:$0x10170];
	_ =	sdelay $0x4  }
0x157: {  	v18 =	vshll.u32 v18, $0x2;
	v19 =	vshll.u32 v19, $0x2  }
0x158: {  	v20 =	vor.u32 $0x2, v19;
	_ =	sdelay $0x3  }
0x159: {  	v55 =	vld.idx.msk [tilespmem:v18+s11+$0x0], $0xffff  }
0x15a: {  	v20 =	vld.idx.msk [tilespmem:v20+s11+$0x0], $0xffff;
	_ =	sdelay $0x4  }
0x15b: {  	v20 =	vadd.f32 v20, v55;
	_ =	sdelay $0x1  }
0x15c: {  	v21 =	vmul.f32 $2.000000030e-01, v20;
	_ =	sdelay $0x1  }
0x15d: {  	v20 =	vmax.f32 v20, v21  }
0x15e: {  	v20 =	vmul.f32 $1.442695020e+00, v20;
	_ =	sdelay $0x1  }
0x15f: {  	(erf) = vpow2.f32 v20;
	_ =	sdelay $0x5  }
0x160: {  	v18 =	vor.u32 $0x1, v18  }
0x161: {  	v19 =	vor.u32 $0x3, v19;
	_ =	sdelay $0x1  }
0x162: {  	v20 =	vpop (erf)  }
0x163: {  	[tilespmem:v16+s24+$0x0] =	vst.idx.msk $0xffff, v20  }
0x164: {  	v18 =	vld.idx.msk [tilespmem:v18+s11+$0x0], $0xffff  }
0x165: {  	v19 =	vld.idx.msk [tilespmem:v19+s11+$0x0], $0xffff;
	_ =	sdelay $0x4  }
0x166: {  	v18 =	vadd.f32 v19, v18;
	_ =	sdelay $0x1  }
0x167: {  	v19 =	vmul.f32 $2.000000030e-01, v18;
	_ =	sdelay $0x1  }
0x168: {  	v18 =	vmax.f32 v18, v19  }
0x169: {  	v18 =	vmul.f32 $1.442695020e+00, v18;
	_ =	sdelay $0x1  }
0x16a: {  	(erf) = vpow2.f32 v18;
	_ =	sdelay $0x8  }
0x16b: {  	v18 =	vpop (erf)  }
0x16c: {  	[tilespmem:v17+s24+$0x0] =	vst.idx.msk $0xffff, v18  }
0x16d: {  	v18 =	vld [tilespmem:$0x10080]  }
0x16e: {  	v19 =	vld [tilespmem:$0x10200];
	_ =	sdelay $0x4  }
0x16f: {  	v18 =	vshll.u32 v18, $0x2;
	v19 =	vshll.u32 v19, $0x2  }
0x170: {  	v20 =	vor.u32 $0x2, v19;
	_ =	sdelay $0x3  }
0x171: {  	v56 =	vld.idx.msk [tilespmem:v18+s11+$0x0], $0xffff  }
0x172: {  	v20 =	vld.idx.msk [tilespmem:v20+s11+$0x0], $0xffff;
	_ =	sdelay $0x4  }
0x173: {  	v20 =	vadd.f32 v20, v56;
	_ =	sdelay $0x1  }
0x174: {  	v21 =	vmul.f32 $2.000000030e-01, v20;
	_ =	sdelay $0x1  }
0x175: {  	v20 =	vmax.f32 v20, v21  }
0x176: {  	v20 =	vmul.f32 $1.442695020e+00, v20;
	_ =	sdelay $0x1  }
0x177: {  	(erf) = vpow2.f32 v20;
	_ =	sdelay $0x5  }
0x178: {  	v18 =	vor.u32 $0x1, v18  }
0x179: {  	v19 =	vor.u32 $0x3, v19;
	_ =	sdelay $0x1  }
0x17a: {  	v20 =	vpop (erf)  }
0x17b: {  	[tilespmem:v0+s25+$0x0] =	vst.idx.msk $0xffff, v20  }
0x17c: {  	v18 =	vld.idx.msk [tilespmem:v18+s11+$0x0], $0xffff  }
0x17d: {  	v19 =	vld.idx.msk [tilespmem:v19+s11+$0x0], $0xffff;
	_ =	sdelay $0x4  }
0x17e: {  	v18 =	vadd.f32 v19, v18;
	_ =	sdelay $0x1  }
0x17f: {  	v19 =	vmul.f32 $2.000000030e-01, v18;
	_ =	sdelay $0x1  }
0x180: {  	v18 =	vmax.f32 v18, v19  }
0x181: {  	v18 =	vmul.f32 $1.442695020e+00, v18;
	_ =	sdelay $0x1  }
0x182: {  	(erf) = vpow2.f32 v18;
	_ =	sdelay $0x8  }
0x183: {  	v18 =	vpop (erf)  }
0x184: {  	[tilespmem:v3+s25+$0x0] =	vst.idx.msk $0xffff, v18  }
0x185: {  	v18 =	vld [tilespmem:$0x10090]  }
0x186: {  	v19 =	vld [tilespmem:$0x10210];
	_ =	sdelay $0x4  }
0x187: {  	v18 =	vshll.u32 v18, $0x2;
	v19 =	vshll.u32 v19, $0x2  }
0x188: {  	v20 =	vor.u32 $0x2, v19;
	_ =	sdelay $0x3  }
0x189: {  	v57 =	vld.idx.msk [tilespmem:v18+s11+$0x0], $0xffff  }
0x18a: {  	v20 =	vld.idx.msk [tilespmem:v20+s11+$0x0], $0xffff;
	_ =	sdelay $0x4  }
0x18b: {  	v20 =	vadd.f32 v20, v57;
	_ =	sdelay $0x1  }
0x18c: {  	v21 =	vmul.f32 $2.000000030e-01, v20;
	_ =	sdelay $0x1  }
0x18d: {  	v20 =	vmax.f32 v20, v21  }
0x18e: {  	v20 =	vmul.f32 $1.442695020e+00, v20;
	_ =	sdelay $0x1  }
0x18f: {  	(erf) = vpow2.f32 v20;
	_ =	sdelay $0x5  }
0x190: {  	v18 =	vor.u32 $0x1, v18  }
0x191: {  	v19 =	vor.u32 $0x3, v19;
	_ =	sdelay $0x1  }
0x192: {  	v20 =	vpop (erf)  }
0x193: {  	[tilespmem:v4+s25+$0x0] =	vst.idx.msk $0xffff, v20  }
0x194: {  	v18 =	vld.idx.msk [tilespmem:v18+s11+$0x0], $0xffff  }
0x195: {  	v19 =	vld.idx.msk [tilespmem:v19+s11+$0x0], $0xffff;
	_ =	sdelay $0x4  }
0x196: {  	v18 =	vadd.f32 v19, v18;
	_ =	sdelay $0x1  }
0x197: {  	v19 =	vmul.f32 $2.000000030e-01, v18;
	_ =	sdelay $0x1  }
0x198: {  	v18 =	vmax.f32 v18, v19  }
0x199: {  	v18 =	vmul.f32 $1.442695020e+00, v18;
	_ =	sdelay $0x1  }
0x19a: {  	(erf) = vpow2.f32 v18;
	_ =	sdelay $0x8  }
0x19b: {  	v18 =	vpop (erf)  }
0x19c: {  	[tilespmem:v5+s25+$0x0] =	vst.idx.msk $0xffff, v18  }
0x19d: {  	v18 =	vld [tilespmem:$0x100A0]  }
0x19e: {  	v19 =	vld [tilespmem:$0x10220];
	_ =	sdelay $0x4  }
0x19f: {  	v18 =	vshll.u32 v18, $0x2;
	v19 =	vshll.u32 v19, $0x2  }
0x1a0: {  	v20 =	vor.u32 $0x2, v19;
	_ =	sdelay $0x3  }
0x1a1: {  	v58 =	vld.idx.msk [tilespmem:v18+s11+$0x0], $0xffff  }
0x1a2: {  	v20 =	vld.idx.msk [tilespmem:v20+s11+$0x0], $0xffff;
	_ =	sdelay $0x4  }
0x1a3: {  	v20 =	vadd.f32 v20, v58;
	_ =	sdelay $0x1  }
0x1a4: {  	v21 =	vmul.f32 $2.000000030e-01, v20;
	_ =	sdelay $0x1  }
0x1a5: {  	v20 =	vmax.f32 v20, v21  }
0x1a6: {  	v20 =	vmul.f32 $1.442695020e+00, v20;
	_ =	sdelay $0x1  }
0x1a7: {  	(erf) = vpow2.f32 v20;
	_ =	sdelay $0x5  }
0x1a8: {  	v18 =	vor.u32 $0x1, v18  }
0x1a9: {  	v19 =	vor.u32 $0x3, v19;
	_ =	sdelay $0x1  }
0x1aa: {  	v20 =	vpop (erf)  }
0x1ab: {  	[tilespmem:v6+s25+$0x0] =	vst.idx.msk $0xffff, v20  }
0x1ac: {  	v18 =	vld.idx.msk [tilespmem:v18+s11+$0x0], $0xffff  }
0x1ad: {  	v19 =	vld.idx.msk [tilespmem:v19+s11+$0x0], $0xffff;
	_ =	sdelay $0x4  }
0x1ae: {  	v18 =	vadd.f32 v19, v18;
	_ =	sdelay $0x1  }
0x1af: {  	v19 =	vmul.f32 $2.000000030e-01, v18;
	_ =	sdelay $0x1  }
0x1b0: {  	v18 =	vmax.f32 v18, v19  }
0x1b1: {  	v18 =	vmul.f32 $1.442695020e+00, v18;
	_ =	sdelay $0x1  }
0x1b2: {  	(erf) = vpow2.f32 v18;
	_ =	sdelay $0x8  }
0x1b3: {  	v18 =	vpop (erf)  }
0x1b4: {  	[tilespmem:v7+s25+$0x0] =	vst.idx.msk $0xffff, v18  }
0x1b5: {  	v18 =	vld [tilespmem:$0x100B0]  }
0x1b6: {  	v19 =	vld [tilespmem:$0x10230];
	_ =	sdelay $0x4  }
0x1b7: {  	v18 =	vshll.u32 v18, $0x2;
	v19 =	vshll.u32 v19, $0x2  }
0x1b8: {  	v20 =	vor.u32 $0x2, v19;
	_ =	sdelay $0x3  }
0x1b9: {  	v59 =	vld.idx.msk [tilespmem:v18+s11+$0x0], $0xffff  }
0x1ba: {  	v20 =	vld.idx.msk [tilespmem:v20+s11+$0x0], $0xffff;
	_ =	sdelay $0x4  }
0x1bb: {  	v20 =	vadd.f32 v20, v59;
	_ =	sdelay $0x1  }
0x1bc: {  	v21 =	vmul.f32 $2.000000030e-01, v20;
	_ =	sdelay $0x1  }
0x1bd: {  	v20 =	vmax.f32 v20, v21  }
0x1be: {  	v20 =	vmul.f32 $1.442695020e+00, v20;
	_ =	sdelay $0x1  }
0x1bf: {  	(erf) = vpow2.f32 v20;
	_ =	sdelay $0x5  }
0x1c0: {  	v18 =	vor.u32 $0x1, v18  }
0x1c1: {  	v19 =	vor.u32 $0x3, v19;
	_ =	sdelay $0x1  }
0x1c2: {  	v20 =	vpop (erf)  }
0x1c3: {  	[tilespmem:v8+s25+$0x0] =	vst.idx.msk $0xffff, v20  }
0x1c4: {  	v18 =	vld.idx.msk [tilespmem:v18+s11+$0x0], $0xffff  }
0x1c5: {  	v19 =	vld.idx.msk [tilespmem:v19+s11+$0x0], $0xffff;
	_ =	sdelay $0x4  }
0x1c6: {  	v18 =	vadd.f32 v19, v18;
	_ =	sdelay $0x1  }
0x1c7: {  	v19 =	vmul.f32 $2.000000030e-01, v18;
	_ =	sdelay $0x1  }
0x1c8: {  	v18 =	vmax.f32 v18, v19  }
0x1c9: {  	v18 =	vmul.f32 $1.442695020e+00, v18;
	_ =	sdelay $0x1  }
0x1ca: {  	(erf) = vpow2.f32 v18;
	_ =	sdelay $0x8  }
0x1cb: {  	v18 =	vpop (erf)  }
0x1cc: {  	[tilespmem:v9+s25+$0x0] =	vst.idx.msk $0xffff, v18  }
0x1cd: {  	v18 =	vld [tilespmem:$0x100C0]  }
0x1ce: {  	v19 =	vld [tilespmem:$0x10240];
	_ =	sdelay $0x4  }
0x1cf: {  	v18 =	vshll.u32 v18, $0x2;
	v19 =	vshll.u32 v19, $0x2  }
0x1d0: {  	v20 =	vor.u32 $0x2, v19;
	_ =	sdelay $0x3  }
0x1d1: {  	v60 =	vld.idx.msk [tilespmem:v18+s11+$0x0], $0xffff  }
0x1d2: {  	v20 =	vld.idx.msk [tilespmem:v20+s11+$0x0], $0xffff;
	_ =	sdelay $0x4  }
0x1d3: {  	v20 =	vadd.f32 v20, v60;
	_ =	sdelay $0x1  }
0x1d4: {  	v21 =	vmul.f32 $2.000000030e-01, v20;
	_ =	sdelay $0x1  }
0x1d5: {  	v20 =	vmax.f32 v20, v21  }
0x1d6: {  	v20 =	vmul.f32 $1.442695020e+00, v20;
	_ =	sdelay $0x1  }
0x1d7: {  	(erf) = vpow2.f32 v20;
	_ =	sdelay $0x5  }
0x1d8: {  	v18 =	vor.u32 $0x1, v18  }
0x1d9: {  	v19 =	vor.u32 $0x3, v19;
	_ =	sdelay $0x1  }
0x1da: {  	v20 =	vpop (erf)  }
0x1db: {  	[tilespmem:v10+s25+$0x0] =	vst.idx.msk $0xffff, v20  }
0x1dc: {  	v18 =	vld.idx.msk [tilespmem:v18+s11+$0x0], $0xffff  }
0x1dd: {  	v19 =	vld.idx.msk [tilespmem:v19+s11+$0x0], $0xffff;
	_ =	sdelay $0x4  }
0x1de: {  	v18 =	vadd.f32 v19, v18;
	_ =	sdelay $0x1  }
0x1df: {  	v19 =	vmul.f32 $2.000000030e-01, v18;
	_ =	sdelay $0x1  }
0x1e0: {  	v18 =	vmax.f32 v18, v19  }
0x1e1: {  	v18 =	vmul.f32 $1.442695020e+00, v18;
	_ =	sdelay $0x1  }
0x1e2: {  	(erf) = vpow2.f32 v18;
	_ =	sdelay $0x8  }
0x1e3: {  	v18 =	vpop (erf)  }
0x1e4: {  	[tilespmem:v11+s25+$0x0] =	vst.idx.msk $0xffff, v18  }
0x1e5: {  	v18 =	vld [tilespmem:$0x100D0]  }
0x1e6: {  	v19 =	vld [tilespmem:$0x10250];
	_ =	sdelay $0x4  }
0x1e7: {  	v18 =	vshll.u32 v18, $0x2;
	v19 =	vshll.u32 v19, $0x2  }
0x1e8: {  	v20 =	vor.u32 $0x2, v19;
	_ =	sdelay $0x3  }
0x1e9: {  	v61 =	vld.idx.msk [tilespmem:v18+s11+$0x0], $0xffff  }
0x1ea: {  	v20 =	vld.idx.msk [tilespmem:v20+s11+$0x0], $0xffff;
	_ =	sdelay $0x4  }
0x1eb: {  	v20 =	vadd.f32 v20, v61;
	_ =	sdelay $0x1  }
0x1ec: {  	v21 =	vmul.f32 $2.000000030e-01, v20;
	_ =	sdelay $0x1  }
0x1ed: {  	v20 =	vmax.f32 v20, v21  }
0x1ee: {  	v20 =	vmul.f32 $1.442695020e+00, v20;
	_ =	sdelay $0x1  }
0x1ef: {  	(erf) = vpow2.f32 v20;
	_ =	sdelay $0x5  }
0x1f0: {  	v18 =	vor.u32 $0x1, v18  }
0x1f1: {  	v19 =	vor.u32 $0x3, v19;
	_ =	sdelay $0x1  }
0x1f2: {  	v20 =	vpop (erf)  }
0x1f3: {  	[tilespmem:v12+s25+$0x0] =	vst.idx.msk $0xffff, v20  }
0x1f4: {  	v18 =	vld.idx.msk [tilespmem:v18+s11+$0x0], $0xffff  }
0x1f5: {  	v19 =	vld.idx.msk [tilespmem:v19+s11+$0x0], $0xffff;
	_ =	sdelay $0x4  }
0x1f6: {  	v18 =	vadd.f32 v19, v18;
	_ =	sdelay $0x1  }
0x1f7: {  	v19 =	vmul.f32 $2.000000030e-01, v18;
	_ =	sdelay $0x1  }
0x1f8: {  	v18 =	vmax.f32 v18, v19  }
0x1f9: {  	v18 =	vmul.f32 $1.442695020e+00, v18;
	_ =	sdelay $0x1  }
0x1fa: {  	(erf) = vpow2.f32 v18;
	_ =	sdelay $0x8  }
0x1fb: {  	v18 =	vpop (erf)  }
0x1fc: {  	[tilespmem:v13+s25+$0x0] =	vst.idx.msk $0xffff, v18  }
0x1fd: {  	v18 =	vld [tilespmem:$0x100E0]  }
0x1fe: {  	v19 =	vld [tilespmem:$0x10260];
	_ =	sdelay $0x4  }
0x1ff: {  	v18 =	vshll.u32 v18, $0x2;
	v19 =	vshll.u32 v19, $0x2  }
0x200: {  	v20 =	vor.u32 $0x2, v19;
	_ =	sdelay $0x3  }
0x201: {  	v62 =	vld.idx.msk [tilespmem:v18+s11+$0x0], $0xffff  }
0x202: {  	v20 =	vld.idx.msk [tilespmem:v20+s11+$0x0], $0xffff;
	_ =	sdelay $0x4  }
0x203: {  	v20 =	vadd.f32 v20, v62;
	_ =	sdelay $0x1  }
0x204: {  	v21 =	vmul.f32 $2.000000030e-01, v20;
	_ =	sdelay $0x1  }
0x205: {  	v20 =	vmax.f32 v20, v21  }
0x206: {  	v20 =	vmul.f32 $1.442695020e+00, v20;
	_ =	sdelay $0x1  }
0x207: {  	(erf) = vpow2.f32 v20;
	_ =	sdelay $0x5  }
0x208: {  	v18 =	vor.u32 $0x1, v18  }
0x209: {  	v19 =	vor.u32 $0x3, v19;
	_ =	sdelay $0x1  }
0x20a: {  	v20 =	vpop (erf)  }
0x20b: {  	[tilespmem:v14+s25+$0x0] =	vst.idx.msk $0xffff, v20  }
0x20c: {  	v18 =	vld.idx.msk [tilespmem:v18+s11+$0x0], $0xffff  }
0x20d: {  	v19 =	vld.idx.msk [tilespmem:v19+s11+$0x0], $0xffff;
	_ =	sdelay $0x4  }
0x20e: {  	v18 =	vadd.f32 v19, v18;
	_ =	sdelay $0x1  }
0x20f: {  	v19 =	vmul.f32 $2.000000030e-01, v18;
	_ =	sdelay $0x1  }
0x210: {  	v18 =	vmax.f32 v18, v19  }
0x211: {  	v18 =	vmul.f32 $1.442695020e+00, v18;
	_ =	sdelay $0x1  }
0x212: {  	(erf) = vpow2.f32 v18;
	_ =	sdelay $0x8  }
0x213: {  	v18 =	vpop (erf)  }
0x214: {  	[tilespmem:v15+s25+$0x0] =	vst.idx.msk $0xffff, v18  }
0x215: {  	v18 =	vld [tilespmem:$0x100F0]  }
0x216: {  	v19 =	vld [tilespmem:$0x10270];
	_ =	sdelay $0x4  }
0x217: {  	v18 =	vshll.u32 v18, $0x2;
	v19 =	vshll.u32 v19, $0x2  }
0x218: {  	v20 =	vor.u32 $0x2, v19;
	_ =	sdelay $0x3  }
0x219: {  	v63 =	vld.idx.msk [tilespmem:v18+s11+$0x0], $0xffff  }
0x21a: {  	v20 =	vld.idx.msk [tilespmem:v20+s11+$0x0], $0xffff;
	_ =	sdelay $0x4  }
0x21b: {  	v20 =	vadd.f32 v20, v63;
	_ =	sdelay $0x1  }
0x21c: {  	v21 =	vmul.f32 $2.000000030e-01, v20;
	_ =	sdelay $0x1  }
0x21d: {  	v20 =	vmax.f32 v20, v21  }
0x21e: {  	v20 =	vmul.f32 $1.442695020e+00, v20;
	_ =	sdelay $0x1  }
0x21f: {  	(erf) = vpow2.f32 v20;
	_ =	sdelay $0x5  }
0x220: {  	v18 =	vor.u32 $0x1, v18  }
0x221: {  	v19 =	vor.u32 $0x3, v19;
	_ =	sdelay $0x1  }
0x222: {  	v20 =	vpop (erf)  }
0x223: {  	[tilespmem:v16+s25+$0x0] =	vst.idx.msk $0xffff, v20  }
0x224: {  	v18 =	vld.idx.msk [tilespmem:v18+s11+$0x0], $0xffff  }
0x225: {  	v19 =	vld.idx.msk [tilespmem:v19+s11+$0x0], $0xffff;
	_ =	sdelay $0x4  }
0x226: {  	v18 =	vadd.f32 v19, v18;
	_ =	sdelay $0x1  }
0x227: {  	v19 =	vmul.f32 $2.000000030e-01, v18;
	_ =	sdelay $0x1  }
0x228: {  	v18 =	vmax.f32 v18, v19  }
0x229: {  	v18 =	vmul.f32 $1.442695020e+00, v18;
	_ =	sdelay $0x1  }
0x22a: {  	(erf) = vpow2.f32 v18;
	_ =	sdelay $0x8  }
0x22b: {  	v18 =	vpop (erf)  }
0x22c: {  	[tilespmem:v17+s25+$0x0] =	vst.idx.msk $0xffff, v18  }
0x22d: {  	_ =	swait.ge [sflag:s26], $0x2800  }
0x22e: {  	[sflag:s26] =	ssyncset.done $0x0  }
0x22f: {  	s7 =	simm.s32 $0xA020;
	[sflag:s26] =	ssyncadd.s32 $0xFFFFD800  }
0x230: {  	v18 =	vld [tilespmem:s7+$0xFFFFFFF0]  }
0x231: {  	s10 =	simm.s32 $0x40;
	s9 =	simm.s32 $0xA020;
	s11 =	simm.s32 $0x0;
	v19 =	vld [tilespmem:s7+$0x20]  }
.LBB2_6:
0x232: {  	p0 =	sne.s32 s10, $0x1FC0;
	v20 =	vld [tilespmem:s11+$0xF000]  }
0x233: {  	v21 =	vld [tilespmem:s7+$0x10]  }
0x234: {  	v22 =	vld [tilespmem:s7+$0xFFFFFFE0]  }
0x235: {  	v23 =	vld [tilespmem:s7+$0x0];
	_ =	sdelay $0x1  }
0x236: {  	v24 =	vbroadcast v20, $0x0;
	v25 =	vbroadcast v20, $0x1  }
0x237: {  	v19 =	vmul.f32 v19, v20  }
0x238: {  	v20 =	vmul.f32 v24, v22;
	v18 =	vmul.f32 v18, v24  }
.Ltmp1:
0x239: {  	v21 =	vmul.f32 v21, v25;
	v22 =	vmul.f32 v23, v25;
	[tilespmem:s7+$0x20] =	vst v19;
	(pc) =	sbr.rel @p0 .LBB2_6-.Ltmp1, $4  }
0x23a: {  	[tilespmem:s7+$0xFFFFFFE0] =	vst v20  }
0x23b: {  	s7 =	sadd.s32 $0x50, s7;
	[tilespmem:s9+$0xFFFFFFF0] =	vst v18  }
0x23c: {  	v18 =	vld [tilespmem:s7+$0xFFFFFFF0];
	[tilespmem:s9+$0x0] =	vst v22  }
0x23d: {  	s11 =	sshra.s32 s10, $0x2;
	s10 =	sadd.s32 $0x40, s10;
	v19 =	vld [tilespmem:s7+$0x20];
	[tilespmem:s9+$0x10] =	vst v21;
	s9 =	smov.u32 s7  }
0x23e: {  	v20 =	vld [tilespmem:s11+$0xF000];
	_ =	sdelay $0x1  }
0x23f: {  	v21 =	vld [tilespmem:s7+$0xFFFFFFE0];
	_ =	sdelay $0x1  }
0x240: {  	v22 =	vld [tilespmem:s7+$0x0]  }
0x241: {  	v23 =	vld [tilespmem:s7+$0x10];
	v24 =	vbroadcast v20, $0x0  }
0x242: {  	v19 =	vmul.f32 v19, v20  }
0x243: {  	v20 =	vbroadcast v20, $0x1;
	v21 =	vmul.f32 v24, v21  }
0x244: {  	v18 =	vmul.f32 v18, v24;
	[tilespmem:s7+$0x20] =	vst v19  }
0x245: {  	v19 =	vmul.f32 v22, v20;
	[tilespmem:s7+$0xFFFFFFE0] =	vst v21  }
0x246: {  	v20 =	vmul.f32 v23, v20;
	[tilespmem:s9+$0xFFFFFFF0] =	vst v18  }
0x247: {  	[tilespmem:s9+$0x0] =	vst v19  }
0x248: {  	[tilespmem:s9+$0x10] =	vst v20  }
0x249: {  	[spmem:s3] =	stream.indirect.scatter.add.f32 [tilespmem:s17], [sflag:$0x3], $0x50, s28, s20, $0xb8;
	[tilespmem:$0x1E700] =	vst v63  }
0x24a: {  	_ =	swait.ge [sflag:s16], $0x2800  }
0x24b: {  	[sflag:s16] =	ssyncset.done $0x0  }
0x24c: {  	[sflag:s16] =	ssyncadd.s32 $0xFFFFD800  }
0x24d: {  	_ =	swait.ge [sflag:s29], $0x2800  }
0x24e: {  	[sflag:s29] =	ssyncset.done $0x0  }
0x24f: {  	s7 =	simm.s32 $0xC820;
	[sflag:s29] =	ssyncadd.s32 $0xFFFFD800  }
0x250: {  	v18 =	vld [tilespmem:s7+$0xFFFFFFF0]  }
0x251: {  	s11 =	simm.s32 $0x0;
	s10 =	simm.s32 $0x40;
	s9 =	simm.s32 $0xC820;
	v19 =	vld [tilespmem:s7+$0x20]  }
.LBB2_8:
0x252: {  	p0 =	sne.s32 s10, $0x1FC0;
	v20 =	vld [tilespmem:s11+$0xF800]  }
0x253: {  	v21 =	vld [tilespmem:s7+$0x10]  }
0x254: {  	v22 =	vld [tilespmem:s7+$0xFFFFFFE0]  }
0x255: {  	v23 =	vld [tilespmem:s7+$0x0];
	_ =	sdelay $0x1  }
0x256: {  	v24 =	vbroadcast v20, $0x0;
	v25 =	vbroadcast v20, $0x1  }
0x257: {  	v19 =	vmul.f32 v19, v20  }
0x258: {  	v20 =	vmul.f32 v24, v22;
	v18 =	vmul.f32 v18, v24  }
.Ltmp2:
0x259: {  	v21 =	vmul.f32 v21, v25;
	v22 =	vmul.f32 v23, v25;
	[tilespmem:s7+$0x20] =	vst v19;
	(pc) =	sbr.rel @p0 .LBB2_8-.Ltmp2, $4  }
0x25a: {  	[tilespmem:s7+$0xFFFFFFE0] =	vst v20  }
0x25b: {  	s7 =	sadd.s32 $0x50, s7;
	[tilespmem:s9+$0xFFFFFFF0] =	vst v18  }
0x25c: {  	v18 =	vld [tilespmem:s7+$0xFFFFFFF0];
	[tilespmem:s9+$0x0] =	vst v22  }
0x25d: {  	s11 =	sshra.s32 s10, $0x2;
	s10 =	sadd.s32 $0x40, s10;
	v19 =	vld [tilespmem:s7+$0x20];
	[tilespmem:s9+$0x10] =	vst v21;
	s9 =	smov.u32 s7  }
0x25e: {  	v20 =	vld [tilespmem:s11+$0xF800];
	_ =	sdelay $0x1  }
0x25f: {  	v21 =	vld [tilespmem:s7+$0xFFFFFFE0];
	_ =	sdelay $0x1  }
0x260: {  	v22 =	vld [tilespmem:s7+$0x0]  }
0x261: {  	v23 =	vld [tilespmem:s7+$0x10];
	v24 =	vbroadcast v20, $0x0  }
0x262: {  	v19 =	vmul.f32 v19, v20  }
0x263: {  	v20 =	vbroadcast v20, $0x1;
	v21 =	vmul.f32 v24, v21  }
0x264: {  	v18 =	vmul.f32 v18, v24;
	[tilespmem:s7+$0x20] =	vst v19  }
0x265: {  	v19 =	vmul.f32 v22, v20;
	[tilespmem:s7+$0xFFFFFFE0] =	vst v21  }
0x266: {  	s2 =	sadd.s32 $0x1, s2;
	v20 =	vmul.f32 v23, v20;
	[tilespmem:s9+$0xFFFFFFF0] =	vst v18  }
0x267: {  	p0 =	sne.s32 s2, $0xE;
	[tilespmem:s9+$0x0] =	vst v19  }
.Ltmp3:
0x268: {  	[tilespmem:s9+$0x10] =	vst v20;
	(pc) =	sbr.rel @p0 .LBB2_5-.Ltmp3, $4  }
0x269: {  	[spmem:s3] =	stream.indirect.scatter.add.f32 [tilespmem:s23], [sflag:$0x3], $0x50, s30, s20, $0xb8;
	[tilespmem:$0x1E700] =	vst v63  }
0x26a: {  	_ =	swait.ge [sflag:s16], $0x2800  }
0x26b: {  	[sflag:s16] =	ssyncset.done $0x0  }
0x26c: {  	[sflag:s16] =	ssyncadd.s32 $0xFFFFD800  }
0x26d: {  	s4 =	sadd.s32 $0x1, s4  }
0x26e: {  	p0 =	sne.s32 s4, $0x3  }
.Ltmp4:
0x26f: {  	_ = 	snop;
	(pc) =	sbr.rel @p0 .LBB2_4-.Ltmp4, $1  }
0x270: {  	_ =	sdelay $0x3  }
0x271: {  	s0 =	stileid.u32;
	s31 =	sadd.s32 $0x1, s31  }
0x272: {  	[bflag:$0x0] =	sbarrier.arrive $0xFFFF;
	s0 =	sshll.u32 s0, $0x6;
	p0 =	sne.s32 s31, s15  }
.Ltmp5:
0x273: {  	s2 =	sshrl.u32 s8, $0x3;
	s0 =	sor.u32 $0x1C03, s0;
	(pc) =	sbr.rel @p0 .LBB2_1-.Ltmp5, $4  }
0x274: {  	[hbm:s14], [sflag:s0] =	dma.local [spmem:s2], $0x1900  }
0x275: {  	_ =	swait.ge [sflag:s16], $0x1900  }
0x276: {  	[sflag:s16] =	ssyncset.done $0x0  }
0x277: {  	[sflag:s16] =	ssyncadd.s32 $0xFFFFE700  }
0x278: {  	_ =	sfence.sel $0x180000  }
0x279: {  	[bflag:$0x0] =	sbarrier.arrive $0xFFFF  }
0x27a: {  	_ =	strace $0x90000047  }
0x27b: {  	s0 =	stileid.u32;
	[bflag:$0x2] =	sbarrier.arrive $0xFFFF  }
0x27c: {  	p0 =	sne.s32 s0, $0x0;
	s0 =	rddreg [dreg:$0x3]  }
0x27d: {  	s0 =	sadd.s32 @!p0 $0x100000, s0  }
0x27e: {  	[sflag:s0] =	ssyncadd.tile.s32 @!p0 $0x1;
	_ =	shalt  }
.Lfunc_end2:
_tile_overlayer_lowered:
.L_overlay_start_2:
0x27f: {  	(tag) =	ssettag $0x2  }
0x280: {  	s0 =	rddreg [dreg:$0x0];
	s2 =	stileid.u32  }
0x281: {  	s1 =	rddreg [dreg:$0x1];
	p0 =	sne.s32 s2, $0x0  }
0x282: {  	s3 =	rddreg [dreg:$0x2];
	[bflag:$0x3] =	sbarrier.arrive $0xFFFF;
	s2 =	simm.s32 @!p0 $0x1C03  }
0x283: {  	[timem:s3], [sflag:s2] =	dma.local @!p0 [hbm:s0], s1  }
0x284: {  	s0 =	simm.s32 @!p0 $0x3  }
0x285: {  	_ =	swait.ge @!p0 [sflag:s0], s1  }
0x286: {  	s1 =	ssub.s32 @!p0 $0x0, s1;
	[sflag:s0] =	ssyncset.done @!p0 $0x0  }
0x287: {  	[sflag:s0] =	ssyncadd.s32 @!p0 s1  }
0x288: {  	[bflag:$0x3] =	sbarrier.arrive $0xFFFF  }
0x289: {  	_ =	shalt  }

</sc_bundles>
